<compile_context>
chip_gen: v7x
topology: tpu7x:2x2x1
jax: 0.10.2.dev20260603
libtpu: 0.0.44.dev20260713+nightly
codegen_flags: <defaults>
</compile_context>

<pallas_src>
import functools

import jax
import jax.numpy as jnp
from jax import lax
from jax.experimental import pallas as pl
from jax.experimental.pallas import tpu as pltpu
from jax.experimental.pallas import tpu_sc as plsc

_DIM = 16
_B = 16384
_H = 50
_MEAN = 3.0
_STD = 1.25

_NC = 2
_NS = 16
_NW = _NC * _NS
_BPW = _B // _NW
_CB = 64
_NCH = _BPW // _CB
_IG = 128
_UG = _BPW // _IG


def _sc_body(rating_hbm, uidx_hbm, hidx_hbm, hrow_hbm, utab_hbm, htab_hbm,
             r_out, u_out, h_out,
             hidx0, hidx1, hcnt0, hcnt1, hrows0, hrows1,
             rating_v, pooled_v, t0_v, sem0, sem1):
  wid = lax.axis_index("s") * _NC + lax.axis_index("c")
  base = wid * _BPW
  hidx = (hidx0, hidx1)
  hcnt = (hcnt0, hcnt1)
  hrows = (hrows0, hrows1)
  sems = (sem0, sem1)

  pltpu.sync_copy(htab_hbm.at[0], t0_v)
  t0 = t0_v[...]

  uidx_view = hidx1.at[pl.ds(0, _BPW)]
  pltpu.sync_copy(uidx_hbm.at[pl.ds(base, _BPW)], uidx_view)
  ucopies = [
      pltpu.make_async_copy(utab_hbm.at[uidx_view.at[pl.ds(k * _IG, _IG)]],
                            hrows1.at[pl.ds(k * _IG, _IG)], sem1)
      for k in range(_UG)
  ]
  for cp in ucopies:
    cp.start()

  def stage_and_fire(c, par):
    rb = base + c * _CB
    pltpu.sync_copy(hidx_hbm.at[pl.ds(rb * _H, _CB * _H)], hidx[par])
    cnt_cp = pltpu.make_async_copy(hrow_hbm.at[pl.ds(rb, _CB)], hcnt[par],
                                   sems[par])
    cnt_cp.start()

    pltpu.make_async_copy(htab_hbm.at[hidx[par]], hrows[par],
                          sems[par]).start()
    return cnt_cp

  cnt_cp = stage_and_fire(0, 0)

  pltpu.sync_copy(rating_hbm.at[pl.ds(base, _BPW)], rating_v)
  for k in range(_BPW // 16):
    rating_v[pl.ds(k * 16, 16)] = (
        rating_v[pl.ds(k * 16, 16)] - _MEAN) / _STD
  pltpu.sync_copy(rating_v, r_out.at[pl.ds(base, _BPW)])

  for cp in ucopies:
    cp.wait()
  pltpu.sync_copy(hrows1.at[pl.ds(0, _BPW)], u_out.at[pl.ds(base, _BPW)])

  iot = lax.broadcasted_iota(jnp.int32, (16,), 0)

  for c in range(_NCH):
    par = c % 2
    if c + 1 < _NCH:
      next_cnt_cp = stage_and_fire(c + 1, (c + 1) % 2)
    cnt_cp.wait()

    pltpu.make_async_copy(htab_hbm.at[hidx[par]], hrows[par],
                          sems[par]).wait()

    def comp(b, carry):
      fb = b * _H
      accs = [hrows[par][fb + h, :] for h in range(4)]
      for h in range(4, _H):
        accs[h % 4] = accs[h % 4] + hrows[par][fb + h, :]
      acc = (accs[0] + accs[1]) + (accs[2] + accs[3])
      r0 = hcnt[par][b, pl.ds(0, 16)]
      r1 = hcnt[par][b, pl.ds(16, 16)]
      r2 = hcnt[par][b, pl.ds(32, 16)]
      r3 = hcnt[par][b, pl.ds(34, 16)]
      z = (jnp.where(r0 == 0, 1.0, 0.0) + jnp.where(r1 == 0, 1.0, 0.0) +
           jnp.where(r2 == 0, 1.0, 0.0) +
           jnp.where((r3 == 0) & (iot >= 14), 1.0, 0.0))
      for k in (8, 4, 2, 1):
        z = z + z.at[(iot + k) & 15].get(mode="promise_in_bounds")
      n0 = z
      denom = jnp.maximum(_H - n0, 1e-9)
      pooled_v[c * _CB + b, :] = (acc - n0 * t0) / denom
      return carry

    lax.fori_loop(0, _CB, comp, 0)
    if c + 1 < _NCH:
      cnt_cp = next_cnt_cp

  pltpu.sync_copy(pooled_v, h_out.at[pl.ds(base, _BPW)])


def kernel(user_rating, user_id_idx, history_idx, user_id_table, history_table):
  b = user_rating.shape[0]
  f32 = jnp.float32
  mesh = plsc.VectorSubcoreMesh(core_axis_name="c", subcore_axis_name="s")
  run = functools.partial(
      pl.kernel,
      out_type=[
          jax.ShapeDtypeStruct((b,), f32),
          jax.ShapeDtypeStruct((b, _DIM), f32),
          jax.ShapeDtypeStruct((b, _DIM), f32),
      ],
      mesh=mesh,
      compiler_params=pltpu.CompilerParams(use_tc_tiling_on_sc=False),
      scratch_types=[
          pltpu.VMEM((_CB * _H,), jnp.int32),
          pltpu.VMEM((_CB * _H,), jnp.int32),
          pltpu.VMEM((_CB, _H), jnp.int32),
          pltpu.VMEM((_CB, _H), jnp.int32),
          pltpu.VMEM((_CB * _H, _DIM), f32),
          pltpu.VMEM((_CB * _H, _DIM), f32),
          pltpu.VMEM((_BPW,), f32),
          pltpu.VMEM((_BPW, _DIM), f32),
          pltpu.VMEM((_DIM,), f32),
          pltpu.SemaphoreType.DMA,
          pltpu.SemaphoreType.DMA,
      ],
  )(_sc_body)
  hflat = history_idx.reshape(b * _H)
  r, u, h = run(user_rating, user_id_idx, hflat, history_idx,
                user_id_table, history_table)
  return jnp.concatenate([r[:, None], u, h], axis=-1)

# --- scband reference (transcript-rebuilt; emitter-appended) ---
"""Pipeline reference for scband-embedding-model-35416300323017 (READ-ONLY COPY).

The authoritative reference and input builder live on the scoring server;
editing this copy changes nothing except your own understanding.
"""

import jax, jax.numpy as jnp
import numpy as np

VOCAB = 1000000
DIM = 16
B = 16384
H = 50
# Normalization layer adapted stats (fixed constants standing in for adapt())
RATING_MEAN = 3.0
RATING_STD = 1.25


def setup_inputs(seed: int = 0) -> dict:
    key = jax.random.key(seed)
    k1, k2, k3, k4, k5 = jax.random.split(key, 5)
    user_rating = jax.random.uniform(k1, (B,), jnp.float32, 1.0, 5.0)
    user_id_idx = jax.random.randint(k2, (B,), 0, VOCAB, dtype=jnp.int32)
    history_idx = jax.random.randint(k3, (B, H), 0, VOCAB, dtype=jnp.int32)
    # Learned parameters: embedding tables (vocab+1 rows; row 0 is the mask/OOV row)
    user_id_table = jax.random.normal(k4, (VOCAB + 1, DIM), jnp.float32) * 0.05
    history_table = jax.random.normal(k5, (VOCAB + 1, DIM), jnp.float32) * 0.05
    return {
        "user_rating": user_rating,
        "user_id_idx": user_id_idx,
        "history_idx": history_idx,
        "user_id_table": user_id_table,
        "history_table": history_table,
    }


def reference(user_rating, user_id_idx, history_idx, user_id_table, history_table):
    # 1) Normalizer feature: tf.keras.layers.Normalization then reshape (-1, 1)
    rating_emb = ((user_rating - RATING_MEAN) / RATING_STD).reshape(-1, 1)
    # 2) StringLookup + Embedding for user_id: gather rows from big table
    user_emb = jnp.take(user_id_table, user_id_idx, axis=0)  # [B, DIM]
    # 3) IntegerLookup + Embedding(mask_zero=True) + GlobalAveragePooling1D for list feature
    hist_emb = jnp.take(history_table, history_idx, axis=0)  # [B, H, DIM]
    mask = (history_idx != 0).astype(jnp.float32)[..., None]  # [B, H, 1]
    denom = jnp.clip(jnp.sum(mask, axis=1), 1e-9, None)
    hist_pooled = jnp.sum(hist_emb * mask, axis=1) / denom  # [B, DIM]
    # Concatenate all feature embeddings (as the tower model consumes them)
    out = jnp.concatenate([rating_emb, user_emb, hist_pooled], axis=-1)  # [B, 1+16+16]
    return out

if __name__ == "__main__":
    import jax
    _d = setup_inputs()
    print(jax.jit(kernel)(*tuple(_d.values())))

</pallas_src>

<mosaic_0001>
#map = affine_map<(d0, d1) -> (0)>
#map1 = affine_map<(d0, d1) -> (0, 0)>
module attributes {stable_mosaic.version = 14 : i64} {
  func.func @_sc_body(%arg0: i32, %arg1: i32, %arg2: memref<16384xf32, #tpu.memory_space<hbm>>, %arg3: memref<16384xi32, #tpu.memory_space<hbm>>, %arg4: memref<819200xi32, #tpu.memory_space<hbm>>, %arg5: memref<16384x50xi32, #tpu.memory_space<hbm>>, %arg6: memref<1000001x16xf32, #tpu.memory_space<hbm>>, %arg7: memref<1000001x16xf32, #tpu.memory_space<hbm>>, %arg8: memref<16384xf32, #tpu.memory_space<hbm>>, %arg9: memref<16384x16xf32, #tpu.memory_space<hbm>>, %arg10: memref<16384x16xf32, #tpu.memory_space<hbm>>, %arg11: memref<3200xi32, #tpu.memory_space<vmem>>, %arg12: memref<3200xi32, #tpu.memory_space<vmem>>, %arg13: memref<64x50xi32, #tpu.memory_space<vmem>>, %arg14: memref<64x50xi32, #tpu.memory_space<vmem>>, %arg15: memref<3200x16xf32, #tpu.memory_space<vmem>>, %arg16: memref<3200x16xf32, #tpu.memory_space<vmem>>, %arg17: memref<512xf32, #tpu.memory_space<vmem>>, %arg18: memref<512x16xf32, #tpu.memory_space<vmem>>, %arg19: memref<16xf32, #tpu.memory_space<vmem>>, %arg20: memref<!tpu.dma_semaphore, #tpu.memory_space<semaphore_mem>>, %arg21: memref<!tpu.dma_semaphore, #tpu.memory_space<semaphore_mem>>) attributes {dimension_semantics = [#tpu.dimension_semantics<core_parallel>, #tpu.dimension_semantics<subcore_parallel>], iteration_bounds = array<i64: 2, 16>, scalar_prefetch = 0 : i64, scratch_operands = 11 : i64, tpu.core_type = #tpu.core_type<sc_vector_subcore>, window_params = [{transform_indices = #map}, {transform_indices = #map}, {transform_indices = #map}, {transform_indices = #map1}, {transform_indices = #map1}, {transform_indices = #map1}, {transform_indices = #map}, {transform_indices = #map1}, {transform_indices = #map1}]} {
    %mul3A = arith.constant 2 : i32
    %mul3A_0 = arith.muli %arg1, %mul3A : i32
    %add3A = arith.addi %mul3A_0, %arg0 : i32
    %mul3A_1 = arith.constant 512 : i32
    %mul3A_2 = arith.muli %add3A, %mul3A_1 : i32
    %run_scoped3A = arith.constant 0 : i32
    "tpu.region"() ({
      %run_scoped3A_687 = tpu.sem_alloc : memref<!tpu.dma_semaphore, #tpu.memory_space<semaphore_mem>>
      %dma_start3A_688 = arith.constant 0 : i32
      %dma_start3A_689 = tpu.memref_slice %arg7[%run_scoped3A, %dma_start3A_688] : memref<1000001x16xf32, #tpu.memory_space<hbm>> -> memref<1x16xf32, #tpu.memory_space<hbm>>
      %dma_start3A_690 = tpu.memref_squeeze %dma_start3A_689 : memref<1x16xf32, #tpu.memory_space<hbm>> -> memref<16xf32, #tpu.memory_space<hbm>>
      %dma_start3A_691 = arith.constant 0 : i32
      %dma_start3A_692 = tpu.memref_slice %arg7[%run_scoped3A, %dma_start3A_691] : memref<1000001x16xf32, #tpu.memory_space<hbm>> -> memref<1x16xf32, #tpu.memory_space<hbm>>
      %dma_start3A_693 = tpu.memref_squeeze %dma_start3A_692 : memref<1x16xf32, #tpu.memory_space<hbm>> -> memref<16xf32, #tpu.memory_space<hbm>>
      tpu.enqueue_dma source(%dma_start3A_693 : memref<16xf32, #tpu.memory_space<hbm>>) target(%arg19 : memref<16xf32, #tpu.memory_space<vmem>>) target_semaphore(%run_scoped3A_687 : memref<!tpu.dma_semaphore, #tpu.memory_space<semaphore_mem>>)
      %dma_wait3A_694 = arith.constant 0 : i32
      %dma_wait3A_695 = tpu.memref_slice %arg7[%run_scoped3A, %dma_wait3A_694] : memref<1000001x16xf32, #tpu.memory_space<hbm>> -> memref<1x16xf32, #tpu.memory_space<hbm>>
      %dma_wait3A_696 = tpu.memref_squeeze %dma_wait3A_695 : memref<1x16xf32, #tpu.memory_space<hbm>> -> memref<16xf32, #tpu.memory_space<hbm>>
      %dma_wait3A_697 = arith.constant 0 : i32
      %dma_wait3A_698 = tpu.memref_slice %arg7[%run_scoped3A, %dma_wait3A_697] : memref<1000001x16xf32, #tpu.memory_space<hbm>> -> memref<1x16xf32, #tpu.memory_space<hbm>>
      %dma_wait3A_699 = tpu.memref_squeeze %dma_wait3A_698 : memref<1x16xf32, #tpu.memory_space<hbm>> -> memref<16xf32, #tpu.memory_space<hbm>>
      tpu.wait_dma2 semaphore(%run_scoped3A_687 : memref<!tpu.dma_semaphore, #tpu.memory_space<semaphore_mem>>) src(%dma_wait3A_699 : memref<16xf32, #tpu.memory_space<hbm>>) dst(%arg19 : memref<16xf32, #tpu.memory_space<vmem>>)
      tpu.yield
    }) : () -> ()
    %get3A = arith.constant 0 : index
    %get3A_3 = tpu.vector_load %arg19[%get3A] {strides = array<i32>} : memref<16xf32, #tpu.memory_space<vmem>>, vector<16xf32>,
    %get3A_4 = vector.shape_cast %get3A_3 : vector<16xf32> to vector<16xf32>
    "tpu.region"() ({
      %run_scoped3A_687 = tpu.sem_alloc : memref<!tpu.dma_semaphore, #tpu.memory_space<semaphore_mem>>
      %dma_start3A_688 = arith.constant 0 : i32
      %dma_start3A_689 = tpu.memref_slice %arg12[%dma_start3A_688] : memref<3200xi32, #tpu.memory_space<vmem>> -> memref<512xi32, #tpu.memory_space<vmem>>
      %dma_start3A_690 = tpu.memref_slice %arg3[%mul3A_2] : memref<16384xi32, #tpu.memory_space<hbm>> -> memref<512xi32, #tpu.memory_space<hbm>>
      %dma_start3A_691 = arith.constant 0 : i32
      %dma_start3A_692 = tpu.memref_slice %arg12[%dma_start3A_691] : memref<3200xi32, #tpu.memory_space<vmem>> -> memref<512xi32, #tpu.memory_space<vmem>>
      %dma_start3A_693 = tpu.memref_slice %arg3[%mul3A_2] : memref<16384xi32, #tpu.memory_space<hbm>> -> memref<512xi32, #tpu.memory_space<hbm>>
      tpu.enqueue_dma source(%dma_start3A_693 : memref<512xi32, #tpu.memory_space<hbm>>) target(%dma_start3A_692 : memref<512xi32, #tpu.memory_space<vmem>>) target_semaphore(%run_scoped3A_687 : memref<!tpu.dma_semaphore, #tpu.memory_space<semaphore_mem>>)
      %dma_wait3A_694 = arith.constant 0 : i32
      %dma_wait3A_695 = tpu.memref_slice %arg12[%dma_wait3A_694] : memref<3200xi32, #tpu.memory_space<vmem>> -> memref<512xi32, #tpu.memory_space<vmem>>
      %dma_wait3A_696 = tpu.memref_slice %arg3[%mul3A_2] : memref<16384xi32, #tpu.memory_space<hbm>> -> memref<512xi32, #tpu.memory_space<hbm>>
      %dma_wait3A_697 = arith.constant 0 : i32
      %dma_wait3A_698 = tpu.memref_slice %arg12[%dma_wait3A_697] : memref<3200xi32, #tpu.memory_space<vmem>> -> memref<512xi32, #tpu.memory_space<vmem>>
      %dma_wait3A_699 = tpu.memref_slice %arg3[%mul3A_2] : memref<16384xi32, #tpu.memory_space<hbm>> -> memref<512xi32, #tpu.memory_space<hbm>>
      tpu.wait_dma2 semaphore(%run_scoped3A_687 : memref<!tpu.dma_semaphore, #tpu.memory_space<semaphore_mem>>) src(%dma_wait3A_699 : memref<512xi32, #tpu.memory_space<hbm>>) dst(%dma_wait3A_698 : memref<512xi32, #tpu.memory_space<vmem>>)
      tpu.yield
    }) : () -> ()
    %dma_start3A = arith.constant 0 : i32
    %dma_start3A_5 = arith.constant 0 : i32
    %dma_start3A_6 = tpu.memref_slice %arg16[%dma_start3A, %dma_start3A_5] : memref<3200x16xf32, #tpu.memory_space<vmem>> -> memref<128x16xf32, #tpu.memory_space<vmem>>
    %dma_start3A_7 = arith.constant 0 : i32
    %dma_start3A_8 = tpu.memref_slice %arg12[%dma_start3A_7] : memref<3200xi32, #tpu.memory_space<vmem>> -> memref<512xi32, #tpu.memory_space<vmem>>
    %dma_start3A_9 = arith.constant 0 : i32
    %dma_start3A_10 = tpu.memref_slice %dma_start3A_8[%dma_start3A_9] : memref<512xi32, #tpu.memory_space<vmem>> -> memref<128xi32, #tpu.memory_space<vmem>>
    %dma_start3A_11 = arith.constant 0 : i32
    %dma_start3A_12 = arith.constant 0 : i32
    %dma_start3A_13 = tpu.memref_slice %arg6[%dma_start3A_11, %dma_start3A_12] : memref<1000001x16xf32, #tpu.memory_space<hbm>> -> memref<1000001x16xf32, #tpu.memory_space<hbm>>
    tpu.enqueue_indirect_dma source(%dma_start3A_13 : memref<1000001x16xf32, #tpu.memory_space<hbm>>) target(%dma_start3A_6 : memref<128x16xf32, #tpu.memory_space<vmem>>) offsets(%dma_start3A_10 : memref<128xi32, #tpu.memory_space<vmem>>) semaphore(%arg21 : memref<!tpu.dma_semaphore, #tpu.memory_space<semaphore_mem>>)
    %dma_start3A_14 = arith.constant 128 : i32
    %dma_start3A_15 = arith.constant 0 : i32
    %dma_start3A_16 = tpu.memref_slice %arg16[%dma_start3A_14, %dma_start3A_15] : memref<3200x16xf32, #tpu.memory_space<vmem>> -> memref<128x16xf32, #tpu.memory_space<vmem>>
    %dma_start3A_17 = arith.constant 0 : i32
    %dma_start3A_18 = tpu.memref_slice %arg12[%dma_start3A_17] : memref<3200xi32, #tpu.memory_space<vmem>> -> memref<512xi32, #tpu.memory_space<vmem>>
    %dma_start3A_19 = arith.constant 128 : i32
    %dma_start3A_20 = tpu.memref_slice %dma_start3A_18[%dma_start3A_19] : memref<512xi32, #tpu.memory_space<vmem>> -> memref<128xi32, #tpu.memory_space<vmem>>
    %dma_start3A_21 = arith.constant 0 : i32
    %dma_start3A_22 = arith.constant 0 : i32
    %dma_start3A_23 = tpu.memref_slice %arg6[%dma_start3A_21, %dma_start3A_22] : memref<1000001x16xf32, #tpu.memory_space<hbm>> -> memref<1000001x16xf32, #tpu.memory_space<hbm>>
    tpu.enqueue_indirect_dma source(%dma_start3A_23 : memref<1000001x16xf32, #tpu.memory_space<hbm>>) target(%dma_start3A_16 : memref<128x16xf32, #tpu.memory_space<vmem>>) offsets(%dma_start3A_20 : memref<128xi32, #tpu.memory_space<vmem>>) semaphore(%arg21 : memref<!tpu.dma_semaphore, #tpu.memory_space<semaphore_mem>>)
    %dma_start3A_24 = arith.constant 256 : i32
    %dma_start3A_25 = arith.constant 0 : i32
    %dma_start3A_26 = tpu.memref_slice %arg16[%dma_start3A_24, %dma_start3A_25] : memref<3200x16xf32, #tpu.memory_space<vmem>> -> memref<128x16xf32, #tpu.memory_space<vmem>>
    %dma_start3A_27 = arith.constant 0 : i32
    %dma_start3A_28 = tpu.memref_slice %arg12[%dma_start3A_27] : memref<3200xi32, #tpu.memory_space<vmem>> -> memref<512xi32, #tpu.memory_space<vmem>>
    %dma_start3A_29 = arith.constant 256 : i32
    %dma_start3A_30 = tpu.memref_slice %dma_start3A_28[%dma_start3A_29] : memref<512xi32, #tpu.memory_space<vmem>> -> memref<128xi32, #tpu.memory_space<vmem>>
    %dma_start3A_31 = arith.constant 0 : i32
    %dma_start3A_32 = arith.constant 0 : i32
    %dma_start3A_33 = tpu.memref_slice %arg6[%dma_start3A_31, %dma_start3A_32] : memref<1000001x16xf32, #tpu.memory_space<hbm>> -> memref<1000001x16xf32, #tpu.memory_space<hbm>>
    tpu.enqueue_indirect_dma source(%dma_start3A_33 : memref<1000001x16xf32, #tpu.memory_space<hbm>>) target(%dma_start3A_26 : memref<128x16xf32, #tpu.memory_space<vmem>>) offsets(%dma_start3A_30 : memref<128xi32, #tpu.memory_space<vmem>>) semaphore(%arg21 : memref<!tpu.dma_semaphore, #tpu.memory_space<semaphore_mem>>)
    %dma_start3A_34 = arith.constant 384 : i32
    %dma_start3A_35 = arith.constant 0 : i32
    %dma_start3A_36 = tpu.memref_slice %arg16[%dma_start3A_34, %dma_start3A_35] : memref<3200x16xf32, #tpu.memory_space<vmem>> -> memref<128x16xf32, #tpu.memory_space<vmem>>
    %dma_start3A_37 = arith.constant 0 : i32
    %dma_start3A_38 = tpu.memref_slice %arg12[%dma_start3A_37] : memref<3200xi32, #tpu.memory_space<vmem>> -> memref<512xi32, #tpu.memory_space<vmem>>
    %dma_start3A_39 = arith.constant 384 : i32
    %dma_start3A_40 = tpu.memref_slice %dma_start3A_38[%dma_start3A_39] : memref<512xi32, #tpu.memory_space<vmem>> -> memref<128xi32, #tpu.memory_space<vmem>>
    %dma_start3A_41 = arith.constant 0 : i32
    %dma_start3A_42 = arith.constant 0 : i32
    %dma_start3A_43 = tpu.memref_slice %arg6[%dma_start3A_41, %dma_start3A_42] : memref<1000001x16xf32, #tpu.memory_space<hbm>> -> memref<1000001x16xf32, #tpu.memory_space<hbm>>
    tpu.enqueue_indirect_dma source(%dma_start3A_43 : memref<1000001x16xf32, #tpu.memory_space<hbm>>) target(%dma_start3A_36 : memref<128x16xf32, #tpu.memory_space<vmem>>) offsets(%dma_start3A_40 : memref<128xi32, #tpu.memory_space<vmem>>) semaphore(%arg21 : memref<!tpu.dma_semaphore, #tpu.memory_space<semaphore_mem>>)
    %add3A_44 = arith.constant 0 : i32
    %add3A_45 = arith.addi %mul3A_2, %add3A_44 : i32
    %mul3A_46 = arith.constant 50 : i32
    %mul3A_47 = arith.muli %add3A_45, %mul3A_46 : i32
    "tpu.region"() ({
      %run_scoped3A_687 = tpu.sem_alloc : memref<!tpu.dma_semaphore, #tpu.memory_space<semaphore_mem>>
      %dma_start3A_688 = tpu.memref_slice %arg4[%mul3A_47] : memref<819200xi32, #tpu.memory_space<hbm>> -> memref<3200xi32, #tpu.memory_space<hbm>>
      %dma_start3A_689 = tpu.memref_slice %arg4[%mul3A_47] : memref<819200xi32, #tpu.memory_space<hbm>> -> memref<3200xi32, #tpu.memory_space<hbm>>
      tpu.enqueue_dma source(%dma_start3A_689 : memref<3200xi32, #tpu.memory_space<hbm>>) target(%arg11 : memref<3200xi32, #tpu.memory_space<vmem>>) target_semaphore(%run_scoped3A_687 : memref<!tpu.dma_semaphore, #tpu.memory_space<semaphore_mem>>)
      %dma_wait3A_690 = tpu.memref_slice %arg4[%mul3A_47] : memref<819200xi32, #tpu.memory_space<hbm>> -> memref<3200xi32, #tpu.memory_space<hbm>>
      %dma_wait3A_691 = tpu.memref_slice %arg4[%mul3A_47] : memref<819200xi32, #tpu.memory_space<hbm>> -> memref<3200xi32, #tpu.memory_space<hbm>>
      tpu.wait_dma2 semaphore(%run_scoped3A_687 : memref<!tpu.dma_semaphore, #tpu.memory_space<semaphore_mem>>) src(%dma_wait3A_691 : memref<3200xi32, #tpu.memory_space<hbm>>) dst(%arg11 : memref<3200xi32, #tpu.memory_space<vmem>>)
      tpu.yield
    }) : () -> ()
    %dma_start3A_48 = arith.constant 0 : i32
    %dma_start3A_49 = tpu.memref_slice %arg5[%add3A_45, %dma_start3A_48] : memref<16384x50xi32, #tpu.memory_space<hbm>> -> memref<64x50xi32, #tpu.memory_space<hbm>>
    %dma_start3A_50 = arith.constant 0 : i32
    %dma_start3A_51 = tpu.memref_slice %arg5[%add3A_45, %dma_start3A_50] : memref<16384x50xi32, #tpu.memory_space<hbm>> -> memref<64x50xi32, #tpu.memory_space<hbm>>
    tpu.enqueue_dma source(%dma_start3A_51 : memref<64x50xi32, #tpu.memory_space<hbm>>) target(%arg13 : memref<64x50xi32, #tpu.memory_space<vmem>>) target_semaphore(%arg20 : memref<!tpu.dma_semaphore, #tpu.memory_space<semaphore_mem>>)
    %dma_start3A_52 = arith.constant 0 : i32
    %dma_start3A_53 = arith.constant 0 : i32
    %dma_start3A_54 = tpu.memref_slice %arg7[%dma_start3A_52, %dma_start3A_53] : memref<1000001x16xf32, #tpu.memory_space<hbm>> -> memref<1000001x16xf32, #tpu.memory_space<hbm>>
    tpu.enqueue_indirect_dma source(%dma_start3A_54 : memref<1000001x16xf32, #tpu.memory_space<hbm>>) target(%arg15 : memref<3200x16xf32, #tpu.memory_space<vmem>>) offsets(%arg11 : memref<3200xi32, #tpu.memory_space<vmem>>) semaphore(%arg20 : memref<!tpu.dma_semaphore, #tpu.memory_space<semaphore_mem>>)
    "tpu.region"() ({
      %run_scoped3A_687 = tpu.sem_alloc : memref<!tpu.dma_semaphore, #tpu.memory_space<semaphore_mem>>
      %dma_start3A_688 = tpu.memref_slice %arg2[%mul3A_2] : memref<16384xf32, #tpu.memory_space<hbm>> -> memref<512xf32, #tpu.memory_space<hbm>>
      %dma_start3A_689 = tpu.memref_slice %arg2[%mul3A_2] : memref<16384xf32, #tpu.memory_space<hbm>> -> memref<512xf32, #tpu.memory_space<hbm>>
      tpu.enqueue_dma source(%dma_start3A_689 : memref<512xf32, #tpu.memory_space<hbm>>) target(%arg17 : memref<512xf32, #tpu.memory_space<vmem>>) target_semaphore(%run_scoped3A_687 : memref<!tpu.dma_semaphore, #tpu.memory_space<semaphore_mem>>)
      %dma_wait3A_690 = tpu.memref_slice %arg2[%mul3A_2] : memref<16384xf32, #tpu.memory_space<hbm>> -> memref<512xf32, #tpu.memory_space<hbm>>
      %dma_wait3A_691 = tpu.memref_slice %arg2[%mul3A_2] : memref<16384xf32, #tpu.memory_space<hbm>> -> memref<512xf32, #tpu.memory_space<hbm>>
      tpu.wait_dma2 semaphore(%run_scoped3A_687 : memref<!tpu.dma_semaphore, #tpu.memory_space<semaphore_mem>>) src(%dma_wait3A_691 : memref<512xf32, #tpu.memory_space<hbm>>) dst(%arg17 : memref<512xf32, #tpu.memory_space<vmem>>)
      tpu.yield
    }) : () -> ()
    %get3A_55 = arith.constant 0 : index
    %get3A_56 = tpu.vector_load %arg17[%get3A_55] {strides = array<i32>} : memref<512xf32, #tpu.memory_space<vmem>>, vector<16xf32>,
    %get3A_57 = vector.shape_cast %get3A_56 : vector<16xf32> to vector<16xf32>
    %sub3A = arith.constant 3.000000e+00 : f32
    %sub3A_58 = vector.broadcast %sub3A : f32 to vector<16xf32>
    %sub3A_59 = arith.subf %get3A_57, %sub3A_58 : vector<16xf32>
    %div3A = arith.constant 1.250000e+00 : f32
    %div3A_60 = vector.broadcast %div3A : f32 to vector<16xf32>
    %div3A_61 = arith.divf %sub3A_59, %div3A_60 : vector<16xf32>
    %swap3A = arith.constant 0 : index
    %swap3A_62 = tpu.vector_load %arg17[%swap3A] {strides = array<i32>} : memref<512xf32, #tpu.memory_space<vmem>>, vector<16xf32>,
    %swap3A_63 = vector.shape_cast %swap3A_62 : vector<16xf32> to vector<16xf32>
    %swap3A_64 = vector.shape_cast %div3A_61 : vector<16xf32> to vector<16xf32>
    tpu.vector_store %arg17[%swap3A], %swap3A_64 {strides = array<i32>} : memref<512xf32, #tpu.memory_space<vmem>>, vector<16xf32>,
    %get3A_65 = arith.constant 16 : index
    %get3A_66 = tpu.vector_load %arg17[%get3A_65] {strides = array<i32>} : memref<512xf32, #tpu.memory_space<vmem>>, vector<16xf32>,
    %get3A_67 = vector.shape_cast %get3A_66 : vector<16xf32> to vector<16xf32>
    %sub3A_68 = arith.constant 3.000000e+00 : f32
    %sub3A_69 = vector.broadcast %sub3A_68 : f32 to vector<16xf32>
    %sub3A_70 = arith.subf %get3A_67, %sub3A_69 : vector<16xf32>
    %div3A_71 = arith.constant 1.250000e+00 : f32
    %div3A_72 = vector.broadcast %div3A_71 : f32 to vector<16xf32>
    %div3A_73 = arith.divf %sub3A_70, %div3A_72 : vector<16xf32>
    %swap3A_74 = arith.constant 16 : index
    %swap3A_75 = tpu.vector_load %arg17[%swap3A_74] {strides = array<i32>} : memref<512xf32, #tpu.memory_space<vmem>>, vector<16xf32>,
    %swap3A_76 = vector.shape_cast %swap3A_75 : vector<16xf32> to vector<16xf32>
    %swap3A_77 = vector.shape_cast %div3A_73 : vector<16xf32> to vector<16xf32>
    tpu.vector_store %arg17[%swap3A_74], %swap3A_77 {strides = array<i32>} : memref<512xf32, #tpu.memory_space<vmem>>, vector<16xf32>,
    %get3A_78 = arith.constant 32 : index
    %get3A_79 = tpu.vector_load %arg17[%get3A_78] {strides = array<i32>} : memref<512xf32, #tpu.memory_space<vmem>>, vector<16xf32>,
    %get3A_80 = vector.shape_cast %get3A_79 : vector<16xf32> to vector<16xf32>
    %sub3A_81 = arith.constant 3.000000e+00 : f32
    %sub3A_82 = vector.broadcast %sub3A_81 : f32 to vector<16xf32>
    %sub3A_83 = arith.subf %get3A_80, %sub3A_82 : vector<16xf32>
    %div3A_84 = arith.constant 1.250000e+00 : f32
    %div3A_85 = vector.broadcast %div3A_84 : f32 to vector<16xf32>
    %div3A_86 = arith.divf %sub3A_83, %div3A_85 : vector<16xf32>
    %swap3A_87 = arith.constant 32 : index
    %swap3A_88 = tpu.vector_load %arg17[%swap3A_87] {strides = array<i32>} : memref<512xf32, #tpu.memory_space<vmem>>, vector<16xf32>,
    %swap3A_89 = vector.shape_cast %swap3A_88 : vector<16xf32> to vector<16xf32>
    %swap3A_90 = vector.shape_cast %div3A_86 : vector<16xf32> to vector<16xf32>
    tpu.vector_store %arg17[%swap3A_87], %swap3A_90 {strides = array<i32>} : memref<512xf32, #tpu.memory_space<vmem>>, vector<16xf32>,
    %get3A_91 = arith.constant 48 : index
    %get3A_92 = tpu.vector_load %arg17[%get3A_91] {strides = array<i32>} : memref<512xf32, #tpu.memory_space<vmem>>, vector<16xf32>,
    %get3A_93 = vector.shape_cast %get3A_92 : vector<16xf32> to vector<16xf32>
    %sub3A_94 = arith.constant 3.000000e+00 : f32
    %sub3A_95 = vector.broadcast %sub3A_94 : f32 to vector<16xf32>
    %sub3A_96 = arith.subf %get3A_93, %sub3A_95 : vector<16xf32>
    %div3A_97 = arith.constant 1.250000e+00 : f32
    %div3A_98 = vector.broadcast %div3A_97 : f32 to vector<16xf32>
    %div3A_99 = arith.divf %sub3A_96, %div3A_98 : vector<16xf32>
    %swap3A_100 = arith.constant 48 : index
    %swap3A_101 = tpu.vector_load %arg17[%swap3A_100] {strides = array<i32>} : memref<512xf32, #tpu.memory_space<vmem>>, vector<16xf32>,
    %swap3A_102 = vector.shape_cast %swap3A_101 : vector<16xf32> to vector<16xf32>
    %swap3A_103 = vector.shape_cast %div3A_99 : vector<16xf32> to vector<16xf32>
    tpu.vector_store %arg17[%swap3A_100], %swap3A_103 {strides = array<i32>} : memref<512xf32, #tpu.memory_space<vmem>>, vector<16xf32>,
    %get3A_104 = arith.constant 64 : index
    %get3A_105 = tpu.vector_load %arg17[%get3A_104] {strides = array<i32>} : memref<512xf32, #tpu.memory_space<vmem>>, vector<16xf32>,
    %get3A_106 = vector.shape_cast %get3A_105 : vector<16xf32> to vector<16xf32>
    %sub3A_107 = arith.constant 3.000000e+00 : f32
    %sub3A_108 = vector.broadcast %sub3A_107 : f32 to vector<16xf32>
    %sub3A_109 = arith.subf %get3A_106, %sub3A_108 : vector<16xf32>
    %div3A_110 = arith.constant 1.250000e+00 : f32
    %div3A_111 = vector.broadcast %div3A_110 : f32 to vector<16xf32>
    %div3A_112 = arith.divf %sub3A_109, %div3A_111 : vector<16xf32>
    %swap3A_113 = arith.constant 64 : index
    %swap3A_114 = tpu.vector_load %arg17[%swap3A_113] {strides = array<i32>} : memref<512xf32, #tpu.memory_space<vmem>>, vector<16xf32>,
    %swap3A_115 = vector.shape_cast %swap3A_114 : vector<16xf32> to vector<16xf32>
    %swap3A_116 = vector.shape_cast %div3A_112 : vector<16xf32> to vector<16xf32>
    tpu.vector_store %arg17[%swap3A_113], %swap3A_116 {strides = array<i32>} : memref<512xf32, #tpu.memory_space<vmem>>, vector<16xf32>,
    %get3A_117 = arith.constant 80 : index
    %get3A_118 = tpu.vector_load %arg17[%get3A_117] {strides = array<i32>} : memref<512xf32, #tpu.memory_space<vmem>>, vector<16xf32>,
    %get3A_119 = vector.shape_cast %get3A_118 : vector<16xf32> to vector<16xf32>
    %sub3A_120 = arith.constant 3.000000e+00 : f32
    %sub3A_121 = vector.broadcast %sub3A_120 : f32 to vector<16xf32>
    %sub3A_122 = arith.subf %get3A_119, %sub3A_121 : vector<16xf32>
    %div3A_123 = arith.constant 1.250000e+00 : f32
    %div3A_124 = vector.broadcast %div3A_123 : f32 to vector<16xf32>
    %div3A_125 = arith.divf %sub3A_122, %div3A_124 : vector<16xf32>
    %swap3A_126 = arith.constant 80 : index
    %swap3A_127 = tpu.vector_load %arg17[%swap3A_126] {strides = array<i32>} : memref<512xf32, #tpu.memory_space<vmem>>, vector<16xf32>,
    %swap3A_128 = vector.shape_cast %swap3A_127 : vector<16xf32> to vector<16xf32>
    %swap3A_129 = vector.shape_cast %div3A_125 : vector<16xf32> to vector<16xf32>
    tpu.vector_store %arg17[%swap3A_126], %swap3A_129 {strides = array<i32>} : memref<512xf32, #tpu.memory_space<vmem>>, vector<16xf32>,
    %get3A_130 = arith.constant 96 : index
    %get3A_131 = tpu.vector_load %arg17[%get3A_130] {strides = array<i32>} : memref<512xf32, #tpu.memory_space<vmem>>, vector<16xf32>,
    %get3A_132 = vector.shape_cast %get3A_131 : vector<16xf32> to vector<16xf32>
    %sub3A_133 = arith.constant 3.000000e+00 : f32
    %sub3A_134 = vector.broadcast %sub3A_133 : f32 to vector<16xf32>
    %sub3A_135 = arith.subf %get3A_132, %sub3A_134 : vector<16xf32>
    %div3A_136 = arith.constant 1.250000e+00 : f32
    %div3A_137 = vector.broadcast %div3A_136 : f32 to vector<16xf32>
    %div3A_138 = arith.divf %sub3A_135, %div3A_137 : vector<16xf32>
    %swap3A_139 = arith.constant 96 : index
    %swap3A_140 = tpu.vector_load %arg17[%swap3A_139] {strides = array<i32>} : memref<512xf32, #tpu.memory_space<vmem>>, vector<16xf32>,
    %swap3A_141 = vector.shape_cast %swap3A_140 : vector<16xf32> to vector<16xf32>
    %swap3A_142 = vector.shape_cast %div3A_138 : vector<16xf32> to vector<16xf32>
    tpu.vector_store %arg17[%swap3A_139], %swap3A_142 {strides = array<i32>} : memref<512xf32, #tpu.memory_space<vmem>>, vector<16xf32>,
    %get3A_143 = arith.constant 112 : index
    %get3A_144 = tpu.vector_load %arg17[%get3A_143] {strides = array<i32>} : memref<512xf32, #tpu.memory_space<vmem>>, vector<16xf32>,
    %get3A_145 = vector.shape_cast %get3A_144 : vector<16xf32> to vector<16xf32>
    %sub3A_146 = arith.constant 3.000000e+00 : f32
    %sub3A_147 = vector.broadcast %sub3A_146 : f32 to vector<16xf32>
    %sub3A_148 = arith.subf %get3A_145, %sub3A_147 : vector<16xf32>
    %div3A_149 = arith.constant 1.250000e+00 : f32
    %div3A_150 = vector.broadcast %div3A_149 : f32 to vector<16xf32>
    %div3A_151 = arith.divf %sub3A_148, %div3A_150 : vector<16xf32>
    %swap3A_152 = arith.constant 112 : index
    %swap3A_153 = tpu.vector_load %arg17[%swap3A_152] {strides = array<i32>} : memref<512xf32, #tpu.memory_space<vmem>>, vector<16xf32>,
    %swap3A_154 = vector.shape_cast %swap3A_153 : vector<16xf32> to vector<16xf32>
    %swap3A_155 = vector.shape_cast %div3A_151 : vector<16xf32> to vector<16xf32>
    tpu.vector_store %arg17[%swap3A_152], %swap3A_155 {strides = array<i32>} : memref<512xf32, #tpu.memory_space<vmem>>, vector<16xf32>,
    %get3A_156 = arith.constant 128 : index
    %get3A_157 = tpu.vector_load %arg17[%get3A_156] {strides = array<i32>} : memref<512xf32, #tpu.memory_space<vmem>>, vector<16xf32>,
    %get3A_158 = vector.shape_cast %get3A_157 : vector<16xf32> to vector<16xf32>
    %sub3A_159 = arith.constant 3.000000e+00 : f32
    %sub3A_160 = vector.broadcast %sub3A_159 : f32 to vector<16xf32>
    %sub3A_161 = arith.subf %get3A_158, %sub3A_160 : vector<16xf32>
    %div3A_162 = arith.constant 1.250000e+00 : f32
    %div3A_163 = vector.broadcast %div3A_162 : f32 to vector<16xf32>
    %div3A_164 = arith.divf %sub3A_161, %div3A_163 : vector<16xf32>
    %swap3A_165 = arith.constant 128 : index
    %swap3A_166 = tpu.vector_load %arg17[%swap3A_165] {strides = array<i32>} : memref<512xf32, #tpu.memory_space<vmem>>, vector<16xf32>,
    %swap3A_167 = vector.shape_cast %swap3A_166 : vector<16xf32> to vector<16xf32>
    %swap3A_168 = vector.shape_cast %div3A_164 : vector<16xf32> to vector<16xf32>
    tpu.vector_store %arg17[%swap3A_165], %swap3A_168 {strides = array<i32>} : memref<512xf32, #tpu.memory_space<vmem>>, vector<16xf32>,
    %get3A_169 = arith.constant 144 : index
    %get3A_170 = tpu.vector_load %arg17[%get3A_169] {strides = array<i32>} : memref<512xf32, #tpu.memory_space<vmem>>, vector<16xf32>,
    %get3A_171 = vector.shape_cast %get3A_170 : vector<16xf32> to vector<16xf32>
    %sub3A_172 = arith.constant 3.000000e+00 : f32
    %sub3A_173 = vector.broadcast %sub3A_172 : f32 to vector<16xf32>
    %sub3A_174 = arith.subf %get3A_171, %sub3A_173 : vector<16xf32>
    %div3A_175 = arith.constant 1.250000e+00 : f32
    %div3A_176 = vector.broadcast %div3A_175 : f32 to vector<16xf32>
    %div3A_177 = arith.divf %sub3A_174, %div3A_176 : vector<16xf32>
    %swap3A_178 = arith.constant 144 : index
    %swap3A_179 = tpu.vector_load %arg17[%swap3A_178] {strides = array<i32>} : memref<512xf32, #tpu.memory_space<vmem>>, vector<16xf32>,
    %swap3A_180 = vector.shape_cast %swap3A_179 : vector<16xf32> to vector<16xf32>
    %swap3A_181 = vector.shape_cast %div3A_177 : vector<16xf32> to vector<16xf32>
    tpu.vector_store %arg17[%swap3A_178], %swap3A_181 {strides = array<i32>} : memref<512xf32, #tpu.memory_space<vmem>>, vector<16xf32>,
    %get3A_182 = arith.constant 160 : index
    %get3A_183 = tpu.vector_load %arg17[%get3A_182] {strides = array<i32>} : memref<512xf32, #tpu.memory_space<vmem>>, vector<16xf32>,
    %get3A_184 = vector.shape_cast %get3A_183 : vector<16xf32> to vector<16xf32>
    %sub3A_185 = arith.constant 3.000000e+00 : f32
    %sub3A_186 = vector.broadcast %sub3A_185 : f32 to vector<16xf32>
    %sub3A_187 = arith.subf %get3A_184, %sub3A_186 : vector<16xf32>
    %div3A_188 = arith.constant 1.250000e+00 : f32
    %div3A_189 = vector.broadcast %div3A_188 : f32 to vector<16xf32>
    %div3A_190 = arith.divf %sub3A_187, %div3A_189 : vector<16xf32>
    %swap3A_191 = arith.constant 160 : index
    %swap3A_192 = tpu.vector_load %arg17[%swap3A_191] {strides = array<i32>} : memref<512xf32, #tpu.memory_space<vmem>>, vector<16xf32>,
    %swap3A_193 = vector.shape_cast %swap3A_192 : vector<16xf32> to vector<16xf32>
    %swap3A_194 = vector.shape_cast %div3A_190 : vector<16xf32> to vector<16xf32>
    tpu.vector_store %arg17[%swap3A_191], %swap3A_194 {strides = array<i32>} : memref<512xf32, #tpu.memory_space<vmem>>, vector<16xf32>,
    %get3A_195 = arith.constant 176 : index
    %get3A_196 = tpu.vector_load %arg17[%get3A_195] {strides = array<i32>} : memref<512xf32, #tpu.memory_space<vmem>>, vector<16xf32>,
    %get3A_197 = vector.shape_cast %get3A_196 : vector<16xf32> to vector<16xf32>
    %sub3A_198 = arith.constant 3.000000e+00 : f32
    %sub3A_199 = vector.broadcast %sub3A_198 : f32 to vector<16xf32>
    %sub3A_200 = arith.subf %get3A_197, %sub3A_199 : vector<16xf32>
    %div3A_201 = arith.constant 1.250000e+00 : f32
    %div3A_202 = vector.broadcast %div3A_201 : f32 to vector<16xf32>
    %div3A_203 = arith.divf %sub3A_200, %div3A_202 : vector<16xf32>
    %swap3A_204 = arith.constant 176 : index
    %swap3A_205 = tpu.vector_load %arg17[%swap3A_204] {strides = array<i32>} : memref<512xf32, #tpu.memory_space<vmem>>, vector<16xf32>,
    %swap3A_206 = vector.shape_cast %swap3A_205 : vector<16xf32> to vector<16xf32>
    %swap3A_207 = vector.shape_cast %div3A_203 : vector<16xf32> to vector<16xf32>
    tpu.vector_store %arg17[%swap3A_204], %swap3A_207 {strides = array<i32>} : memref<512xf32, #tpu.memory_space<vmem>>, vector<16xf32>,
    %get3A_208 = arith.constant 192 : index
    %get3A_209 = tpu.vector_load %arg17[%get3A_208] {strides = array<i32>} : memref<512xf32, #tpu.memory_space<vmem>>, vector<16xf32>,
    %get3A_210 = vector.shape_cast %get3A_209 : vector<16xf32> to vector<16xf32>
    %sub3A_211 = arith.constant 3.000000e+00 : f32
    %sub3A_212 = vector.broadcast %sub3A_211 : f32 to vector<16xf32>
    %sub3A_213 = arith.subf %get3A_210, %sub3A_212 : vector<16xf32>
    %div3A_214 = arith.constant 1.250000e+00 : f32
    %div3A_215 = vector.broadcast %div3A_214 : f32 to vector<16xf32>
    %div3A_216 = arith.divf %sub3A_213, %div3A_215 : vector<16xf32>
    %swap3A_217 = arith.constant 192 : index
    %swap3A_218 = tpu.vector_load %arg17[%swap3A_217] {strides = array<i32>} : memref<512xf32, #tpu.memory_space<vmem>>, vector<16xf32>,
    %swap3A_219 = vector.shape_cast %swap3A_218 : vector<16xf32> to vector<16xf32>
    %swap3A_220 = vector.shape_cast %div3A_216 : vector<16xf32> to vector<16xf32>
    tpu.vector_store %arg17[%swap3A_217], %swap3A_220 {strides = array<i32>} : memref<512xf32, #tpu.memory_space<vmem>>, vector<16xf32>,
    %get3A_221 = arith.constant 208 : index
    %get3A_222 = tpu.vector_load %arg17[%get3A_221] {strides = array<i32>} : memref<512xf32, #tpu.memory_space<vmem>>, vector<16xf32>,
    %get3A_223 = vector.shape_cast %get3A_222 : vector<16xf32> to vector<16xf32>
    %sub3A_224 = arith.constant 3.000000e+00 : f32
    %sub3A_225 = vector.broadcast %sub3A_224 : f32 to vector<16xf32>
    %sub3A_226 = arith.subf %get3A_223, %sub3A_225 : vector<16xf32>
    %div3A_227 = arith.constant 1.250000e+00 : f32
    %div3A_228 = vector.broadcast %div3A_227 : f32 to vector<16xf32>
    %div3A_229 = arith.divf %sub3A_226, %div3A_228 : vector<16xf32>
    %swap3A_230 = arith.constant 208 : index
    %swap3A_231 = tpu.vector_load %arg17[%swap3A_230] {strides = array<i32>} : memref<512xf32, #tpu.memory_space<vmem>>, vector<16xf32>,
    %swap3A_232 = vector.shape_cast %swap3A_231 : vector<16xf32> to vector<16xf32>
    %swap3A_233 = vector.shape_cast %div3A_229 : vector<16xf32> to vector<16xf32>
    tpu.vector_store %arg17[%swap3A_230], %swap3A_233 {strides = array<i32>} : memref<512xf32, #tpu.memory_space<vmem>>, vector<16xf32>,
    %get3A_234 = arith.constant 224 : index
    %get3A_235 = tpu.vector_load %arg17[%get3A_234] {strides = array<i32>} : memref<512xf32, #tpu.memory_space<vmem>>, vector<16xf32>,
    %get3A_236 = vector.shape_cast %get3A_235 : vector<16xf32> to vector<16xf32>
    %sub3A_237 = arith.constant 3.000000e+00 : f32
    %sub3A_238 = vector.broadcast %sub3A_237 : f32 to vector<16xf32>
    %sub3A_239 = arith.subf %get3A_236, %sub3A_238 : vector<16xf32>
    %div3A_240 = arith.constant 1.250000e+00 : f32
    %div3A_241 = vector.broadcast %div3A_240 : f32 to vector<16xf32>
    %div3A_242 = arith.divf %sub3A_239, %div3A_241 : vector<16xf32>
    %swap3A_243 = arith.constant 224 : index
    %swap3A_244 = tpu.vector_load %arg17[%swap3A_243] {strides = array<i32>} : memref<512xf32, #tpu.memory_space<vmem>>, vector<16xf32>,
    %swap3A_245 = vector.shape_cast %swap3A_244 : vector<16xf32> to vector<16xf32>
    %swap3A_246 = vector.shape_cast %div3A_242 : vector<16xf32> to vector<16xf32>
    tpu.vector_store %arg17[%swap3A_243], %swap3A_246 {strides = array<i32>} : memref<512xf32, #tpu.memory_space<vmem>>, vector<16xf32>,
    %get3A_247 = arith.constant 240 : index
    %get3A_248 = tpu.vector_load %arg17[%get3A_247] {strides = array<i32>} : memref<512xf32, #tpu.memory_space<vmem>>, vector<16xf32>,
    %get3A_249 = vector.shape_cast %get3A_248 : vector<16xf32> to vector<16xf32>
    %sub3A_250 = arith.constant 3.000000e+00 : f32
    %sub3A_251 = vector.broadcast %sub3A_250 : f32 to vector<16xf32>
    %sub3A_252 = arith.subf %get3A_249, %sub3A_251 : vector<16xf32>
    %div3A_253 = arith.constant 1.250000e+00 : f32
    %div3A_254 = vector.broadcast %div3A_253 : f32 to vector<16xf32>
    %div3A_255 = arith.divf %sub3A_252, %div3A_254 : vector<16xf32>
    %swap3A_256 = arith.constant 240 : index
    %swap3A_257 = tpu.vector_load %arg17[%swap3A_256] {strides = array<i32>} : memref<512xf32, #tpu.memory_space<vmem>>, vector<16xf32>,
    %swap3A_258 = vector.shape_cast %swap3A_257 : vector<16xf32> to vector<16xf32>
    %swap3A_259 = vector.shape_cast %div3A_255 : vector<16xf32> to vector<16xf32>
    tpu.vector_store %arg17[%swap3A_256], %swap3A_259 {strides = array<i32>} : memref<512xf32, #tpu.memory_space<vmem>>, vector<16xf32>,
    %get3A_260 = arith.constant 256 : index
    %get3A_261 = tpu.vector_load %arg17[%get3A_260] {strides = array<i32>} : memref<512xf32, #tpu.memory_space<vmem>>, vector<16xf32>,
    %get3A_262 = vector.shape_cast %get3A_261 : vector<16xf32> to vector<16xf32>
    %sub3A_263 = arith.constant 3.000000e+00 : f32
    %sub3A_264 = vector.broadcast %sub3A_263 : f32 to vector<16xf32>
    %sub3A_265 = arith.subf %get3A_262, %sub3A_264 : vector<16xf32>
    %div3A_266 = arith.constant 1.250000e+00 : f32
    %div3A_267 = vector.broadcast %div3A_266 : f32 to vector<16xf32>
    %div3A_268 = arith.divf %sub3A_265, %div3A_267 : vector<16xf32>
    %swap3A_269 = arith.constant 256 : index
    %swap3A_270 = tpu.vector_load %arg17[%swap3A_269] {strides = array<i32>} : memref<512xf32, #tpu.memory_space<vmem>>, vector<16xf32>,
    %swap3A_271 = vector.shape_cast %swap3A_270 : vector<16xf32> to vector<16xf32>
    %swap3A_272 = vector.shape_cast %div3A_268 : vector<16xf32> to vector<16xf32>
    tpu.vector_store %arg17[%swap3A_269], %swap3A_272 {strides = array<i32>} : memref<512xf32, #tpu.memory_space<vmem>>, vector<16xf32>,
    %get3A_273 = arith.constant 272 : index
    %get3A_274 = tpu.vector_load %arg17[%get3A_273] {strides = array<i32>} : memref<512xf32, #tpu.memory_space<vmem>>, vector<16xf32>,
    %get3A_275 = vector.shape_cast %get3A_274 : vector<16xf32> to vector<16xf32>
    %sub3A_276 = arith.constant 3.000000e+00 : f32
    %sub3A_277 = vector.broadcast %sub3A_276 : f32 to vector<16xf32>
    %sub3A_278 = arith.subf %get3A_275, %sub3A_277 : vector<16xf32>
    %div3A_279 = arith.constant 1.250000e+00 : f32
    %div3A_280 = vector.broadcast %div3A_279 : f32 to vector<16xf32>
    %div3A_281 = arith.divf %sub3A_278, %div3A_280 : vector<16xf32>
    %swap3A_282 = arith.constant 272 : index
    %swap3A_283 = tpu.vector_load %arg17[%swap3A_282] {strides = array<i32>} : memref<512xf32, #tpu.memory_space<vmem>>, vector<16xf32>,
    %swap3A_284 = vector.shape_cast %swap3A_283 : vector<16xf32> to vector<16xf32>
    %swap3A_285 = vector.shape_cast %div3A_281 : vector<16xf32> to vector<16xf32>
    tpu.vector_store %arg17[%swap3A_282], %swap3A_285 {strides = array<i32>} : memref<512xf32, #tpu.memory_space<vmem>>, vector<16xf32>,
    %get3A_286 = arith.constant 288 : index
    %get3A_287 = tpu.vector_load %arg17[%get3A_286] {strides = array<i32>} : memref<512xf32, #tpu.memory_space<vmem>>, vector<16xf32>,
    %get3A_288 = vector.shape_cast %get3A_287 : vector<16xf32> to vector<16xf32>
    %sub3A_289 = arith.constant 3.000000e+00 : f32
    %sub3A_290 = vector.broadcast %sub3A_289 : f32 to vector<16xf32>
    %sub3A_291 = arith.subf %get3A_288, %sub3A_290 : vector<16xf32>
    %div3A_292 = arith.constant 1.250000e+00 : f32
    %div3A_293 = vector.broadcast %div3A_292 : f32 to vector<16xf32>
    %div3A_294 = arith.divf %sub3A_291, %div3A_293 : vector<16xf32>
    %swap3A_295 = arith.constant 288 : index
    %swap3A_296 = tpu.vector_load %arg17[%swap3A_295] {strides = array<i32>} : memref<512xf32, #tpu.memory_space<vmem>>, vector<16xf32>,
    %swap3A_297 = vector.shape_cast %swap3A_296 : vector<16xf32> to vector<16xf32>
    %swap3A_298 = vector.shape_cast %div3A_294 : vector<16xf32> to vector<16xf32>
    tpu.vector_store %arg17[%swap3A_295], %swap3A_298 {strides = array<i32>} : memref<512xf32, #tpu.memory_space<vmem>>, vector<16xf32>,
    %get3A_299 = arith.constant 304 : index
    %get3A_300 = tpu.vector_load %arg17[%get3A_299] {strides = array<i32>} : memref<512xf32, #tpu.memory_space<vmem>>, vector<16xf32>,
    %get3A_301 = vector.shape_cast %get3A_300 : vector<16xf32> to vector<16xf32>
    %sub3A_302 = arith.constant 3.000000e+00 : f32
    %sub3A_303 = vector.broadcast %sub3A_302 : f32 to vector<16xf32>
    %sub3A_304 = arith.subf %get3A_301, %sub3A_303 : vector<16xf32>
    %div3A_305 = arith.constant 1.250000e+00 : f32
    %div3A_306 = vector.broadcast %div3A_305 : f32 to vector<16xf32>
    %div3A_307 = arith.divf %sub3A_304, %div3A_306 : vector<16xf32>
    %swap3A_308 = arith.constant 304 : index
    %swap3A_309 = tpu.vector_load %arg17[%swap3A_308] {strides = array<i32>} : memref<512xf32, #tpu.memory_space<vmem>>, vector<16xf32>,
    %swap3A_310 = vector.shape_cast %swap3A_309 : vector<16xf32> to vector<16xf32>
    %swap3A_311 = vector.shape_cast %div3A_307 : vector<16xf32> to vector<16xf32>
    tpu.vector_store %arg17[%swap3A_308], %swap3A_311 {strides = array<i32>} : memref<512xf32, #tpu.memory_space<vmem>>, vector<16xf32>,
    %get3A_312 = arith.constant 320 : index
    %get3A_313 = tpu.vector_load %arg17[%get3A_312] {strides = array<i32>} : memref<512xf32, #tpu.memory_space<vmem>>, vector<16xf32>,
    %get3A_314 = vector.shape_cast %get3A_313 : vector<16xf32> to vector<16xf32>
    %sub3A_315 = arith.constant 3.000000e+00 : f32
    %sub3A_316 = vector.broadcast %sub3A_315 : f32 to vector<16xf32>
    %sub3A_317 = arith.subf %get3A_314, %sub3A_316 : vector<16xf32>
    %div3A_318 = arith.constant 1.250000e+00 : f32
    %div3A_319 = vector.broadcast %div3A_318 : f32 to vector<16xf32>
    %div3A_320 = arith.divf %sub3A_317, %div3A_319 : vector<16xf32>
    %swap3A_321 = arith.constant 320 : index
    %swap3A_322 = tpu.vector_load %arg17[%swap3A_321] {strides = array<i32>} : memref<512xf32, #tpu.memory_space<vmem>>, vector<16xf32>,
    %swap3A_323 = vector.shape_cast %swap3A_322 : vector<16xf32> to vector<16xf32>
    %swap3A_324 = vector.shape_cast %div3A_320 : vector<16xf32> to vector<16xf32>
    tpu.vector_store %arg17[%swap3A_321], %swap3A_324 {strides = array<i32>} : memref<512xf32, #tpu.memory_space<vmem>>, vector<16xf32>,
    %get3A_325 = arith.constant 336 : index
    %get3A_326 = tpu.vector_load %arg17[%get3A_325] {strides = array<i32>} : memref<512xf32, #tpu.memory_space<vmem>>, vector<16xf32>,
    %get3A_327 = vector.shape_cast %get3A_326 : vector<16xf32> to vector<16xf32>
    %sub3A_328 = arith.constant 3.000000e+00 : f32
    %sub3A_329 = vector.broadcast %sub3A_328 : f32 to vector<16xf32>
    %sub3A_330 = arith.subf %get3A_327, %sub3A_329 : vector<16xf32>
    %div3A_331 = arith.constant 1.250000e+00 : f32
    %div3A_332 = vector.broadcast %div3A_331 : f32 to vector<16xf32>
    %div3A_333 = arith.divf %sub3A_330, %div3A_332 : vector<16xf32>
    %swap3A_334 = arith.constant 336 : index
    %swap3A_335 = tpu.vector_load %arg17[%swap3A_334] {strides = array<i32>} : memref<512xf32, #tpu.memory_space<vmem>>, vector<16xf32>,
    %swap3A_336 = vector.shape_cast %swap3A_335 : vector<16xf32> to vector<16xf32>
    %swap3A_337 = vector.shape_cast %div3A_333 : vector<16xf32> to vector<16xf32>
    tpu.vector_store %arg17[%swap3A_334], %swap3A_337 {strides = array<i32>} : memref<512xf32, #tpu.memory_space<vmem>>, vector<16xf32>,
    %get3A_338 = arith.constant 352 : index
    %get3A_339 = tpu.vector_load %arg17[%get3A_338] {strides = array<i32>} : memref<512xf32, #tpu.memory_space<vmem>>, vector<16xf32>,
    %get3A_340 = vector.shape_cast %get3A_339 : vector<16xf32> to vector<16xf32>
    %sub3A_341 = arith.constant 3.000000e+00 : f32
    %sub3A_342 = vector.broadcast %sub3A_341 : f32 to vector<16xf32>
    %sub3A_343 = arith.subf %get3A_340, %sub3A_342 : vector<16xf32>
    %div3A_344 = arith.constant 1.250000e+00 : f32
    %div3A_345 = vector.broadcast %div3A_344 : f32 to vector<16xf32>
    %div3A_346 = arith.divf %sub3A_343, %div3A_345 : vector<16xf32>
    %swap3A_347 = arith.constant 352 : index
    %swap3A_348 = tpu.vector_load %arg17[%swap3A_347] {strides = array<i32>} : memref<512xf32, #tpu.memory_space<vmem>>, vector<16xf32>,
    %swap3A_349 = vector.shape_cast %swap3A_348 : vector<16xf32> to vector<16xf32>
    %swap3A_350 = vector.shape_cast %div3A_346 : vector<16xf32> to vector<16xf32>
    tpu.vector_store %arg17[%swap3A_347], %swap3A_350 {strides = array<i32>} : memref<512xf32, #tpu.memory_space<vmem>>, vector<16xf32>,
    %get3A_351 = arith.constant 368 : index
    %get3A_352 = tpu.vector_load %arg17[%get3A_351] {strides = array<i32>} : memref<512xf32, #tpu.memory_space<vmem>>, vector<16xf32>,
    %get3A_353 = vector.shape_cast %get3A_352 : vector<16xf32> to vector<16xf32>
    %sub3A_354 = arith.constant 3.000000e+00 : f32
    %sub3A_355 = vector.broadcast %sub3A_354 : f32 to vector<16xf32>
    %sub3A_356 = arith.subf %get3A_353, %sub3A_355 : vector<16xf32>
    %div3A_357 = arith.constant 1.250000e+00 : f32
    %div3A_358 = vector.broadcast %div3A_357 : f32 to vector<16xf32>
    %div3A_359 = arith.divf %sub3A_356, %div3A_358 : vector<16xf32>
    %swap3A_360 = arith.constant 368 : index
    %swap3A_361 = tpu.vector_load %arg17[%swap3A_360] {strides = array<i32>} : memref<512xf32, #tpu.memory_space<vmem>>, vector<16xf32>,
    %swap3A_362 = vector.shape_cast %swap3A_361 : vector<16xf32> to vector<16xf32>
    %swap3A_363 = vector.shape_cast %div3A_359 : vector<16xf32> to vector<16xf32>
    tpu.vector_store %arg17[%swap3A_360], %swap3A_363 {strides = array<i32>} : memref<512xf32, #tpu.memory_space<vmem>>, vector<16xf32>,
    %get3A_364 = arith.constant 384 : index
    %get3A_365 = tpu.vector_load %arg17[%get3A_364] {strides = array<i32>} : memref<512xf32, #tpu.memory_space<vmem>>, vector<16xf32>,
    %get3A_366 = vector.shape_cast %get3A_365 : vector<16xf32> to vector<16xf32>
    %sub3A_367 = arith.constant 3.000000e+00 : f32
    %sub3A_368 = vector.broadcast %sub3A_367 : f32 to vector<16xf32>
    %sub3A_369 = arith.subf %get3A_366, %sub3A_368 : vector<16xf32>
    %div3A_370 = arith.constant 1.250000e+00 : f32
    %div3A_371 = vector.broadcast %div3A_370 : f32 to vector<16xf32>
    %div3A_372 = arith.divf %sub3A_369, %div3A_371 : vector<16xf32>
    %swap3A_373 = arith.constant 384 : index
    %swap3A_374 = tpu.vector_load %arg17[%swap3A_373] {strides = array<i32>} : memref<512xf32, #tpu.memory_space<vmem>>, vector<16xf32>,
    %swap3A_375 = vector.shape_cast %swap3A_374 : vector<16xf32> to vector<16xf32>
    %swap3A_376 = vector.shape_cast %div3A_372 : vector<16xf32> to vector<16xf32>
    tpu.vector_store %arg17[%swap3A_373], %swap3A_376 {strides = array<i32>} : memref<512xf32, #tpu.memory_space<vmem>>, vector<16xf32>,
    %get3A_377 = arith.constant 400 : index
    %get3A_378 = tpu.vector_load %arg17[%get3A_377] {strides = array<i32>} : memref<512xf32, #tpu.memory_space<vmem>>, vector<16xf32>,
    %get3A_379 = vector.shape_cast %get3A_378 : vector<16xf32> to vector<16xf32>
    %sub3A_380 = arith.constant 3.000000e+00 : f32
    %sub3A_381 = vector.broadcast %sub3A_380 : f32 to vector<16xf32>
    %sub3A_382 = arith.subf %get3A_379, %sub3A_381 : vector<16xf32>
    %div3A_383 = arith.constant 1.250000e+00 : f32
    %div3A_384 = vector.broadcast %div3A_383 : f32 to vector<16xf32>
    %div3A_385 = arith.divf %sub3A_382, %div3A_384 : vector<16xf32>
    %swap3A_386 = arith.constant 400 : index
    %swap3A_387 = tpu.vector_load %arg17[%swap3A_386] {strides = array<i32>} : memref<512xf32, #tpu.memory_space<vmem>>, vector<16xf32>,
    %swap3A_388 = vector.shape_cast %swap3A_387 : vector<16xf32> to vector<16xf32>
    %swap3A_389 = vector.shape_cast %div3A_385 : vector<16xf32> to vector<16xf32>
    tpu.vector_store %arg17[%swap3A_386], %swap3A_389 {strides = array<i32>} : memref<512xf32, #tpu.memory_space<vmem>>, vector<16xf32>,
    %get3A_390 = arith.constant 416 : index
    %get3A_391 = tpu.vector_load %arg17[%get3A_390] {strides = array<i32>} : memref<512xf32, #tpu.memory_space<vmem>>, vector<16xf32>,
    %get3A_392 = vector.shape_cast %get3A_391 : vector<16xf32> to vector<16xf32>
    %sub3A_393 = arith.constant 3.000000e+00 : f32
    %sub3A_394 = vector.broadcast %sub3A_393 : f32 to vector<16xf32>
    %sub3A_395 = arith.subf %get3A_392, %sub3A_394 : vector<16xf32>
    %div3A_396 = arith.constant 1.250000e+00 : f32
    %div3A_397 = vector.broadcast %div3A_396 : f32 to vector<16xf32>
    %div3A_398 = arith.divf %sub3A_395, %div3A_397 : vector<16xf32>
    %swap3A_399 = arith.constant 416 : index
    %swap3A_400 = tpu.vector_load %arg17[%swap3A_399] {strides = array<i32>} : memref<512xf32, #tpu.memory_space<vmem>>, vector<16xf32>,
    %swap3A_401 = vector.shape_cast %swap3A_400 : vector<16xf32> to vector<16xf32>
    %swap3A_402 = vector.shape_cast %div3A_398 : vector<16xf32> to vector<16xf32>
    tpu.vector_store %arg17[%swap3A_399], %swap3A_402 {strides = array<i32>} : memref<512xf32, #tpu.memory_space<vmem>>, vector<16xf32>,
    %get3A_403 = arith.constant 432 : index
    %get3A_404 = tpu.vector_load %arg17[%get3A_403] {strides = array<i32>} : memref<512xf32, #tpu.memory_space<vmem>>, vector<16xf32>,
    %get3A_405 = vector.shape_cast %get3A_404 : vector<16xf32> to vector<16xf32>
    %sub3A_406 = arith.constant 3.000000e+00 : f32
    %sub3A_407 = vector.broadcast %sub3A_406 : f32 to vector<16xf32>
    %sub3A_408 = arith.subf %get3A_405, %sub3A_407 : vector<16xf32>
    %div3A_409 = arith.constant 1.250000e+00 : f32
    %div3A_410 = vector.broadcast %div3A_409 : f32 to vector<16xf32>
    %div3A_411 = arith.divf %sub3A_408, %div3A_410 : vector<16xf32>
    %swap3A_412 = arith.constant 432 : index
    %swap3A_413 = tpu.vector_load %arg17[%swap3A_412] {strides = array<i32>} : memref<512xf32, #tpu.memory_space<vmem>>, vector<16xf32>,
    %swap3A_414 = vector.shape_cast %swap3A_413 : vector<16xf32> to vector<16xf32>
    %swap3A_415 = vector.shape_cast %div3A_411 : vector<16xf32> to vector<16xf32>
    tpu.vector_store %arg17[%swap3A_412], %swap3A_415 {strides = array<i32>} : memref<512xf32, #tpu.memory_space<vmem>>, vector<16xf32>,
    %get3A_416 = arith.constant 448 : index
    %get3A_417 = tpu.vector_load %arg17[%get3A_416] {strides = array<i32>} : memref<512xf32, #tpu.memory_space<vmem>>, vector<16xf32>,
    %get3A_418 = vector.shape_cast %get3A_417 : vector<16xf32> to vector<16xf32>
    %sub3A_419 = arith.constant 3.000000e+00 : f32
    %sub3A_420 = vector.broadcast %sub3A_419 : f32 to vector<16xf32>
    %sub3A_421 = arith.subf %get3A_418, %sub3A_420 : vector<16xf32>
    %div3A_422 = arith.constant 1.250000e+00 : f32
    %div3A_423 = vector.broadcast %div3A_422 : f32 to vector<16xf32>
    %div3A_424 = arith.divf %sub3A_421, %div3A_423 : vector<16xf32>
    %swap3A_425 = arith.constant 448 : index
    %swap3A_426 = tpu.vector_load %arg17[%swap3A_425] {strides = array<i32>} : memref<512xf32, #tpu.memory_space<vmem>>, vector<16xf32>,
    %swap3A_427 = vector.shape_cast %swap3A_426 : vector<16xf32> to vector<16xf32>
    %swap3A_428 = vector.shape_cast %div3A_424 : vector<16xf32> to vector<16xf32>
    tpu.vector_store %arg17[%swap3A_425], %swap3A_428 {strides = array<i32>} : memref<512xf32, #tpu.memory_space<vmem>>, vector<16xf32>,
    %get3A_429 = arith.constant 464 : index
    %get3A_430 = tpu.vector_load %arg17[%get3A_429] {strides = array<i32>} : memref<512xf32, #tpu.memory_space<vmem>>, vector<16xf32>,
    %get3A_431 = vector.shape_cast %get3A_430 : vector<16xf32> to vector<16xf32>
    %sub3A_432 = arith.constant 3.000000e+00 : f32
    %sub3A_433 = vector.broadcast %sub3A_432 : f32 to vector<16xf32>
    %sub3A_434 = arith.subf %get3A_431, %sub3A_433 : vector<16xf32>
    %div3A_435 = arith.constant 1.250000e+00 : f32
    %div3A_436 = vector.broadcast %div3A_435 : f32 to vector<16xf32>
    %div3A_437 = arith.divf %sub3A_434, %div3A_436 : vector<16xf32>
    %swap3A_438 = arith.constant 464 : index
    %swap3A_439 = tpu.vector_load %arg17[%swap3A_438] {strides = array<i32>} : memref<512xf32, #tpu.memory_space<vmem>>, vector<16xf32>,
    %swap3A_440 = vector.shape_cast %swap3A_439 : vector<16xf32> to vector<16xf32>
    %swap3A_441 = vector.shape_cast %div3A_437 : vector<16xf32> to vector<16xf32>
    tpu.vector_store %arg17[%swap3A_438], %swap3A_441 {strides = array<i32>} : memref<512xf32, #tpu.memory_space<vmem>>, vector<16xf32>,
    %get3A_442 = arith.constant 480 : index
    %get3A_443 = tpu.vector_load %arg17[%get3A_442] {strides = array<i32>} : memref<512xf32, #tpu.memory_space<vmem>>, vector<16xf32>,
    %get3A_444 = vector.shape_cast %get3A_443 : vector<16xf32> to vector<16xf32>
    %sub3A_445 = arith.constant 3.000000e+00 : f32
    %sub3A_446 = vector.broadcast %sub3A_445 : f32 to vector<16xf32>
    %sub3A_447 = arith.subf %get3A_444, %sub3A_446 : vector<16xf32>
    %div3A_448 = arith.constant 1.250000e+00 : f32
    %div3A_449 = vector.broadcast %div3A_448 : f32 to vector<16xf32>
    %div3A_450 = arith.divf %sub3A_447, %div3A_449 : vector<16xf32>
    %swap3A_451 = arith.constant 480 : index
    %swap3A_452 = tpu.vector_load %arg17[%swap3A_451] {strides = array<i32>} : memref<512xf32, #tpu.memory_space<vmem>>, vector<16xf32>,
    %swap3A_453 = vector.shape_cast %swap3A_452 : vector<16xf32> to vector<16xf32>
    %swap3A_454 = vector.shape_cast %div3A_450 : vector<16xf32> to vector<16xf32>
    tpu.vector_store %arg17[%swap3A_451], %swap3A_454 {strides = array<i32>} : memref<512xf32, #tpu.memory_space<vmem>>, vector<16xf32>,
    %get3A_455 = arith.constant 496 : index
    %get3A_456 = tpu.vector_load %arg17[%get3A_455] {strides = array<i32>} : memref<512xf32, #tpu.memory_space<vmem>>, vector<16xf32>,
    %get3A_457 = vector.shape_cast %get3A_456 : vector<16xf32> to vector<16xf32>
    %sub3A_458 = arith.constant 3.000000e+00 : f32
    %sub3A_459 = vector.broadcast %sub3A_458 : f32 to vector<16xf32>
    %sub3A_460 = arith.subf %get3A_457, %sub3A_459 : vector<16xf32>
    %div3A_461 = arith.constant 1.250000e+00 : f32
    %div3A_462 = vector.broadcast %div3A_461 : f32 to vector<16xf32>
    %div3A_463 = arith.divf %sub3A_460, %div3A_462 : vector<16xf32>
    %swap3A_464 = arith.constant 496 : index
    %swap3A_465 = tpu.vector_load %arg17[%swap3A_464] {strides = array<i32>} : memref<512xf32, #tpu.memory_space<vmem>>, vector<16xf32>,
    %swap3A_466 = vector.shape_cast %swap3A_465 : vector<16xf32> to vector<16xf32>
    %swap3A_467 = vector.shape_cast %div3A_463 : vector<16xf32> to vector<16xf32>
    tpu.vector_store %arg17[%swap3A_464], %swap3A_467 {strides = array<i32>} : memref<512xf32, #tpu.memory_space<vmem>>, vector<16xf32>,
    "tpu.region"() ({
      %run_scoped3A_687 = tpu.sem_alloc : memref<!tpu.dma_semaphore, #tpu.memory_space<semaphore_mem>>
      %dma_start3A_688 = tpu.memref_slice %arg8[%mul3A_2] : memref<16384xf32, #tpu.memory_space<hbm>> -> memref<512xf32, #tpu.memory_space<hbm>>
      %dma_start3A_689 = tpu.memref_slice %arg8[%mul3A_2] : memref<16384xf32, #tpu.memory_space<hbm>> -> memref<512xf32, #tpu.memory_space<hbm>>
      tpu.enqueue_dma source(%arg17 : memref<512xf32, #tpu.memory_space<vmem>>) target(%dma_start3A_689 : memref<512xf32, #tpu.memory_space<hbm>>) target_semaphore(%run_scoped3A_687 : memref<!tpu.dma_semaphore, #tpu.memory_space<semaphore_mem>>)
      %dma_wait3A_690 = tpu.memref_slice %arg8[%mul3A_2] : memref<16384xf32, #tpu.memory_space<hbm>> -> memref<512xf32, #tpu.memory_space<hbm>>
      %dma_wait3A_691 = tpu.memref_slice %arg8[%mul3A_2] : memref<16384xf32, #tpu.memory_space<hbm>> -> memref<512xf32, #tpu.memory_space<hbm>>
      tpu.wait_dma2 semaphore(%run_scoped3A_687 : memref<!tpu.dma_semaphore, #tpu.memory_space<semaphore_mem>>) src(%arg17 : memref<512xf32, #tpu.memory_space<vmem>>) dst(%dma_wait3A_691 : memref<512xf32, #tpu.memory_space<hbm>>)
      tpu.yield
    }) : () -> ()
    %dma_wait3A = arith.constant 0 : i32
    %dma_wait3A_468 = arith.constant 0 : i32
    %dma_wait3A_469 = tpu.memref_slice %arg16[%dma_wait3A, %dma_wait3A_468] : memref<3200x16xf32, #tpu.memory_space<vmem>> -> memref<128x16xf32, #tpu.memory_space<vmem>>
    %dma_wait3A_470 = arith.constant 0 : i32
    %dma_wait3A_471 = tpu.memref_slice %arg12[%dma_wait3A_470] : memref<3200xi32, #tpu.memory_space<vmem>> -> memref<512xi32, #tpu.memory_space<vmem>>
    %dma_wait3A_472 = arith.constant 0 : i32
    %dma_wait3A_473 = tpu.memref_slice %dma_wait3A_471[%dma_wait3A_472] : memref<512xi32, #tpu.memory_space<vmem>> -> memref<128xi32, #tpu.memory_space<vmem>>
    %dma_wait3A_474 = arith.constant 0 : i32
    %dma_wait3A_475 = arith.constant 0 : i32
    %dma_wait3A_476 = tpu.memref_slice %arg6[%dma_wait3A_474, %dma_wait3A_475] : memref<1000001x16xf32, #tpu.memory_space<hbm>> -> memref<1000001x16xf32, #tpu.memory_space<hbm>>
    tpu.wait_indirect_dma semaphore(%arg21 : memref<!tpu.dma_semaphore, #tpu.memory_space<semaphore_mem>>) src(%dma_wait3A_476 : memref<1000001x16xf32, #tpu.memory_space<hbm>>) dst(%dma_wait3A_469 : memref<128x16xf32, #tpu.memory_space<vmem>>)
    %dma_wait3A_477 = arith.constant 128 : i32
    %dma_wait3A_478 = arith.constant 0 : i32
    %dma_wait3A_479 = tpu.memref_slice %arg16[%dma_wait3A_477, %dma_wait3A_478] : memref<3200x16xf32, #tpu.memory_space<vmem>> -> memref<128x16xf32, #tpu.memory_space<vmem>>
    %dma_wait3A_480 = arith.constant 0 : i32
    %dma_wait3A_481 = tpu.memref_slice %arg12[%dma_wait3A_480] : memref<3200xi32, #tpu.memory_space<vmem>> -> memref<512xi32, #tpu.memory_space<vmem>>
    %dma_wait3A_482 = arith.constant 128 : i32
    %dma_wait3A_483 = tpu.memref_slice %dma_wait3A_481[%dma_wait3A_482] : memref<512xi32, #tpu.memory_space<vmem>> -> memref<128xi32, #tpu.memory_space<vmem>>
    %dma_wait3A_484 = arith.constant 0 : i32
    %dma_wait3A_485 = arith.constant 0 : i32
    %dma_wait3A_486 = tpu.memref_slice %arg6[%dma_wait3A_484, %dma_wait3A_485] : memref<1000001x16xf32, #tpu.memory_space<hbm>> -> memref<1000001x16xf32, #tpu.memory_space<hbm>>
    tpu.wait_indirect_dma semaphore(%arg21 : memref<!tpu.dma_semaphore, #tpu.memory_space<semaphore_mem>>) src(%dma_wait3A_486 : memref<1000001x16xf32, #tpu.memory_space<hbm>>) dst(%dma_wait3A_479 : memref<128x16xf32, #tpu.memory_space<vmem>>)
    %dma_wait3A_487 = arith.constant 256 : i32
    %dma_wait3A_488 = arith.constant 0 : i32
    %dma_wait3A_489 = tpu.memref_slice %arg16[%dma_wait3A_487, %dma_wait3A_488] : memref<3200x16xf32, #tpu.memory_space<vmem>> -> memref<128x16xf32, #tpu.memory_space<vmem>>
    %dma_wait3A_490 = arith.constant 0 : i32
    %dma_wait3A_491 = tpu.memref_slice %arg12[%dma_wait3A_490] : memref<3200xi32, #tpu.memory_space<vmem>> -> memref<512xi32, #tpu.memory_space<vmem>>
    %dma_wait3A_492 = arith.constant 256 : i32
    %dma_wait3A_493 = tpu.memref_slice %dma_wait3A_491[%dma_wait3A_492] : memref<512xi32, #tpu.memory_space<vmem>> -> memref<128xi32, #tpu.memory_space<vmem>>
    %dma_wait3A_494 = arith.constant 0 : i32
    %dma_wait3A_495 = arith.constant 0 : i32
    %dma_wait3A_496 = tpu.memref_slice %arg6[%dma_wait3A_494, %dma_wait3A_495] : memref<1000001x16xf32, #tpu.memory_space<hbm>> -> memref<1000001x16xf32, #tpu.memory_space<hbm>>
    tpu.wait_indirect_dma semaphore(%arg21 : memref<!tpu.dma_semaphore, #tpu.memory_space<semaphore_mem>>) src(%dma_wait3A_496 : memref<1000001x16xf32, #tpu.memory_space<hbm>>) dst(%dma_wait3A_489 : memref<128x16xf32, #tpu.memory_space<vmem>>)
    %dma_wait3A_497 = arith.constant 384 : i32
    %dma_wait3A_498 = arith.constant 0 : i32
    %dma_wait3A_499 = tpu.memref_slice %arg16[%dma_wait3A_497, %dma_wait3A_498] : memref<3200x16xf32, #tpu.memory_space<vmem>> -> memref<128x16xf32, #tpu.memory_space<vmem>>
    %dma_wait3A_500 = arith.constant 0 : i32
    %dma_wait3A_501 = tpu.memref_slice %arg12[%dma_wait3A_500] : memref<3200xi32, #tpu.memory_space<vmem>> -> memref<512xi32, #tpu.memory_space<vmem>>
    %dma_wait3A_502 = arith.constant 384 : i32
    %dma_wait3A_503 = tpu.memref_slice %dma_wait3A_501[%dma_wait3A_502] : memref<512xi32, #tpu.memory_space<vmem>> -> memref<128xi32, #tpu.memory_space<vmem>>
    %dma_wait3A_504 = arith.constant 0 : i32
    %dma_wait3A_505 = arith.constant 0 : i32
    %dma_wait3A_506 = tpu.memref_slice %arg6[%dma_wait3A_504, %dma_wait3A_505] : memref<1000001x16xf32, #tpu.memory_space<hbm>> -> memref<1000001x16xf32, #tpu.memory_space<hbm>>
    tpu.wait_indirect_dma semaphore(%arg21 : memref<!tpu.dma_semaphore, #tpu.memory_space<semaphore_mem>>) src(%dma_wait3A_506 : memref<1000001x16xf32, #tpu.memory_space<hbm>>) dst(%dma_wait3A_499 : memref<128x16xf32, #tpu.memory_space<vmem>>)
    "tpu.region"() ({
      %run_scoped3A_687 = tpu.sem_alloc : memref<!tpu.dma_semaphore, #tpu.memory_space<semaphore_mem>>
      %dma_start3A_688 = arith.constant 0 : i32
      %dma_start3A_689 = arith.constant 0 : i32
      %dma_start3A_690 = tpu.memref_slice %arg16[%dma_start3A_688, %dma_start3A_689] : memref<3200x16xf32, #tpu.memory_space<vmem>> -> memref<512x16xf32, #tpu.memory_space<vmem>>
      %dma_start3A_691 = arith.constant 0 : i32
      %dma_start3A_692 = tpu.memref_slice %arg9[%mul3A_2, %dma_start3A_691] : memref<16384x16xf32, #tpu.memory_space<hbm>> -> memref<512x16xf32, #tpu.memory_space<hbm>>
      %dma_start3A_693 = arith.constant 0 : i32
      %dma_start3A_694 = tpu.memref_slice %arg9[%mul3A_2, %dma_start3A_693] : memref<16384x16xf32, #tpu.memory_space<hbm>> -> memref<512x16xf32, #tpu.memory_space<hbm>>
      %dma_start3A_695 = arith.constant 0 : i32
      %dma_start3A_696 = arith.constant 0 : i32
      %dma_start3A_697 = tpu.memref_slice %arg16[%dma_start3A_695, %dma_start3A_696] : memref<3200x16xf32, #tpu.memory_space<vmem>> -> memref<512x16xf32, #tpu.memory_space<vmem>>
      tpu.enqueue_dma source(%dma_start3A_697 : memref<512x16xf32, #tpu.memory_space<vmem>>) target(%dma_start3A_694 : memref<512x16xf32, #tpu.memory_space<hbm>>) target_semaphore(%run_scoped3A_687 : memref<!tpu.dma_semaphore, #tpu.memory_space<semaphore_mem>>)
      %dma_wait3A_698 = arith.constant 0 : i32
      %dma_wait3A_699 = arith.constant 0 : i32
      %dma_wait3A_700 = tpu.memref_slice %arg16[%dma_wait3A_698, %dma_wait3A_699] : memref<3200x16xf32, #tpu.memory_space<vmem>> -> memref<512x16xf32, #tpu.memory_space<vmem>>
      %dma_wait3A_701 = arith.constant 0 : i32
      %dma_wait3A_702 = tpu.memref_slice %arg9[%mul3A_2, %dma_wait3A_701] : memref<16384x16xf32, #tpu.memory_space<hbm>> -> memref<512x16xf32, #tpu.memory_space<hbm>>
      %dma_wait3A_703 = arith.constant 0 : i32
      %dma_wait3A_704 = tpu.memref_slice %arg9[%mul3A_2, %dma_wait3A_703] : memref<16384x16xf32, #tpu.memory_space<hbm>> -> memref<512x16xf32, #tpu.memory_space<hbm>>
      %dma_wait3A_705 = arith.constant 0 : i32
      %dma_wait3A_706 = arith.constant 0 : i32
      %dma_wait3A_707 = tpu.memref_slice %arg16[%dma_wait3A_705, %dma_wait3A_706] : memref<3200x16xf32, #tpu.memory_space<vmem>> -> memref<512x16xf32, #tpu.memory_space<vmem>>
      tpu.wait_dma2 semaphore(%run_scoped3A_687 : memref<!tpu.dma_semaphore, #tpu.memory_space<semaphore_mem>>) src(%dma_wait3A_707 : memref<512x16xf32, #tpu.memory_space<vmem>>) dst(%dma_wait3A_704 : memref<512x16xf32, #tpu.memory_space<hbm>>)
      tpu.yield
    }) : () -> ()
    %iota3A = tpu.iota {dimensions = array<i32: 0>} : vector<16xi32>
    %add3A_507 = arith.constant 64 : i32
    %add3A_508 = arith.addi %mul3A_2, %add3A_507 : i32
    %mul3A_509 = arith.constant 50 : i32
    %mul3A_510 = arith.muli %add3A_508, %mul3A_509 : i32
    "tpu.region"() ({
      %run_scoped3A_687 = tpu.sem_alloc : memref<!tpu.dma_semaphore, #tpu.memory_space<semaphore_mem>>
      %dma_start3A_688 = tpu.memref_slice %arg4[%mul3A_510] : memref<819200xi32, #tpu.memory_space<hbm>> -> memref<3200xi32, #tpu.memory_space<hbm>>
      %dma_start3A_689 = tpu.memref_slice %arg4[%mul3A_510] : memref<819200xi32, #tpu.memory_space<hbm>> -> memref<3200xi32, #tpu.memory_space<hbm>>
      tpu.enqueue_dma source(%dma_start3A_689 : memref<3200xi32, #tpu.memory_space<hbm>>) target(%arg12 : memref<3200xi32, #tpu.memory_space<vmem>>) target_semaphore(%run_scoped3A_687 : memref<!tpu.dma_semaphore, #tpu.memory_space<semaphore_mem>>)
      %dma_wait3A_690 = tpu.memref_slice %arg4[%mul3A_510] : memref<819200xi32, #tpu.memory_space<hbm>> -> memref<3200xi32, #tpu.memory_space<hbm>>
      %dma_wait3A_691 = tpu.memref_slice %arg4[%mul3A_510] : memref<819200xi32, #tpu.memory_space<hbm>> -> memref<3200xi32, #tpu.memory_space<hbm>>
      tpu.wait_dma2 semaphore(%run_scoped3A_687 : memref<!tpu.dma_semaphore, #tpu.memory_space<semaphore_mem>>) src(%dma_wait3A_691 : memref<3200xi32, #tpu.memory_space<hbm>>) dst(%arg12 : memref<3200xi32, #tpu.memory_space<vmem>>)
      tpu.yield
    }) : () -> ()
    %dma_start3A_511 = arith.constant 0 : i32
    %dma_start3A_512 = tpu.memref_slice %arg5[%add3A_508, %dma_start3A_511] : memref<16384x50xi32, #tpu.memory_space<hbm>> -> memref<64x50xi32, #tpu.memory_space<hbm>>
    %dma_start3A_513 = arith.constant 0 : i32
    %dma_start3A_514 = tpu.memref_slice %arg5[%add3A_508, %dma_start3A_513] : memref<16384x50xi32, #tpu.memory_space<hbm>> -> memref<64x50xi32, #tpu.memory_space<hbm>>
    tpu.enqueue_dma source(%dma_start3A_514 : memref<64x50xi32, #tpu.memory_space<hbm>>) target(%arg14 : memref<64x50xi32, #tpu.memory_space<vmem>>) target_semaphore(%arg21 : memref<!tpu.dma_semaphore, #tpu.memory_space<semaphore_mem>>)
    %dma_start3A_515 = arith.constant 0 : i32
    %dma_start3A_516 = arith.constant 0 : i32
    %dma_start3A_517 = tpu.memref_slice %arg7[%dma_start3A_515, %dma_start3A_516] : memref<1000001x16xf32, #tpu.memory_space<hbm>> -> memref<1000001x16xf32, #tpu.memory_space<hbm>>
    tpu.enqueue_indirect_dma source(%dma_start3A_517 : memref<1000001x16xf32, #tpu.memory_space<hbm>>) target(%arg16 : memref<3200x16xf32, #tpu.memory_space<vmem>>) offsets(%arg12 : memref<3200xi32, #tpu.memory_space<vmem>>) semaphore(%arg21 : memref<!tpu.dma_semaphore, #tpu.memory_space<semaphore_mem>>)
    %dma_wait3A_518 = arith.constant 0 : i32
    %dma_wait3A_519 = tpu.memref_slice %arg5[%add3A_45, %dma_wait3A_518] : memref<16384x50xi32, #tpu.memory_space<hbm>> -> memref<64x50xi32, #tpu.memory_space<hbm>>
    %dma_wait3A_520 = arith.constant 0 : i32
    %dma_wait3A_521 = tpu.memref_slice %arg5[%add3A_45, %dma_wait3A_520] : memref<16384x50xi32, #tpu.memory_space<hbm>> -> memref<64x50xi32, #tpu.memory_space<hbm>>
    tpu.wait_dma2 semaphore(%arg20 : memref<!tpu.dma_semaphore, #tpu.memory_space<semaphore_mem>>) src(%dma_wait3A_521 : memref<64x50xi32, #tpu.memory_space<hbm>>) dst(%arg13 : memref<64x50xi32, #tpu.memory_space<vmem>>)
    %dma_wait3A_522 = arith.constant 0 : i32
    %dma_wait3A_523 = arith.constant 0 : i32
    %dma_wait3A_524 = tpu.memref_slice %arg7[%dma_wait3A_522, %dma_wait3A_523] : memref<1000001x16xf32, #tpu.memory_space<hbm>> -> memref<1000001x16xf32, #tpu.memory_space<hbm>>
    tpu.wait_indirect_dma semaphore(%arg20 : memref<!tpu.dma_semaphore, #tpu.memory_space<semaphore_mem>>) src(%dma_wait3A_524 : memref<1000001x16xf32, #tpu.memory_space<hbm>>) dst(%arg15 : memref<3200x16xf32, #tpu.memory_space<vmem>>)
    %scan3A = arith.constant 0 : i32
    %scan3A_525 = arith.constant 0 : i32
    %scan3A_526 = arith.constant 64 : i32
    %scan3A_527 = arith.addi %scan3A_525, %scan3A_526 : i32
    %scan3A_528 = arith.constant 1 : i32
    scf.for %scan3A_687 = %scan3A_525 to %scan3A_527 step %scan3A_528  : i32 {
      %mul3A_688 = arith.constant 50 : i32
      %mul3A_689 = arith.muli %scan3A_687, %mul3A_688 : i32
      %add3A_690 = arith.constant 0 : i32
      %add3A_691 = arith.addi %mul3A_689, %add3A_690 : i32
      %get3A_692 = arith.index_cast %add3A_691 : i32 to index
      %get3A_693 = arith.constant 0 : index
      %get3A_694 = tpu.vector_load %arg15[%get3A_692, %get3A_693] {strides = array<i32>} : memref<3200x16xf32, #tpu.memory_space<vmem>>, vector<1x16xf32>,
      %get3A_695 = vector.shape_cast %get3A_694 : vector<1x16xf32> to vector<16xf32>
      %add3A_696 = arith.constant 1 : i32
      %add3A_697 = arith.addi %mul3A_689, %add3A_696 : i32
      %get3A_698 = arith.index_cast %add3A_697 : i32 to index
      %get3A_699 = arith.constant 0 : index
      %get3A_700 = tpu.vector_load %arg15[%get3A_698, %get3A_699] {strides = array<i32>} : memref<3200x16xf32, #tpu.memory_space<vmem>>, vector<1x16xf32>,
      %get3A_701 = vector.shape_cast %get3A_700 : vector<1x16xf32> to vector<16xf32>
      %add3A_702 = arith.constant 2 : i32
      %add3A_703 = arith.addi %mul3A_689, %add3A_702 : i32
      %get3A_704 = arith.index_cast %add3A_703 : i32 to index
      %get3A_705 = arith.constant 0 : index
      %get3A_706 = tpu.vector_load %arg15[%get3A_704, %get3A_705] {strides = array<i32>} : memref<3200x16xf32, #tpu.memory_space<vmem>>, vector<1x16xf32>,
      %get3A_707 = vector.shape_cast %get3A_706 : vector<1x16xf32> to vector<16xf32>
      %add3A_708 = arith.constant 3 : i32
      %add3A_709 = arith.addi %mul3A_689, %add3A_708 : i32
      %get3A_710 = arith.index_cast %add3A_709 : i32 to index
      %get3A_711 = arith.constant 0 : index
      %get3A_712 = tpu.vector_load %arg15[%get3A_710, %get3A_711] {strides = array<i32>} : memref<3200x16xf32, #tpu.memory_space<vmem>>, vector<1x16xf32>,
      %get3A_713 = vector.shape_cast %get3A_712 : vector<1x16xf32> to vector<16xf32>
      %add3A_714 = arith.constant 4 : i32
      %add3A_715 = arith.addi %mul3A_689, %add3A_714 : i32
      %get3A_716 = arith.index_cast %add3A_715 : i32 to index
      %get3A_717 = arith.constant 0 : index
      %get3A_718 = tpu.vector_load %arg15[%get3A_716, %get3A_717] {strides = array<i32>} : memref<3200x16xf32, #tpu.memory_space<vmem>>, vector<1x16xf32>,
      %get3A_719 = vector.shape_cast %get3A_718 : vector<1x16xf32> to vector<16xf32>
      %add3A_720 = arith.addf %get3A_695, %get3A_719 : vector<16xf32>
      %add3A_721 = arith.constant 5 : i32
      %add3A_722 = arith.addi %mul3A_689, %add3A_721 : i32
      %get3A_723 = arith.index_cast %add3A_722 : i32 to index
      %get3A_724 = arith.constant 0 : index
      %get3A_725 = tpu.vector_load %arg15[%get3A_723, %get3A_724] {strides = array<i32>} : memref<3200x16xf32, #tpu.memory_space<vmem>>, vector<1x16xf32>,
      %get3A_726 = vector.shape_cast %get3A_725 : vector<1x16xf32> to vector<16xf32>
      %add3A_727 = arith.addf %get3A_701, %get3A_726 : vector<16xf32>
      %add3A_728 = arith.constant 6 : i32
      %add3A_729 = arith.addi %mul3A_689, %add3A_728 : i32
      %get3A_730 = arith.index_cast %add3A_729 : i32 to index
      %get3A_731 = arith.constant 0 : index
      %get3A_732 = tpu.vector_load %arg15[%get3A_730, %get3A_731] {strides = array<i32>} : memref<3200x16xf32, #tpu.memory_space<vmem>>, vector<1x16xf32>,
      %get3A_733 = vector.shape_cast %get3A_732 : vector<1x16xf32> to vector<16xf32>
      %add3A_734 = arith.addf %get3A_707, %get3A_733 : vector<16xf32>
      %add3A_735 = arith.constant 7 : i32
      %add3A_736 = arith.addi %mul3A_689, %add3A_735 : i32
      %get3A_737 = arith.index_cast %add3A_736 : i32 to index
      %get3A_738 = arith.constant 0 : index
      %get3A_739 = tpu.vector_load %arg15[%get3A_737, %get3A_738] {strides = array<i32>} : memref<3200x16xf32, #tpu.memory_space<vmem>>, vector<1x16xf32>,
      %get3A_740 = vector.shape_cast %get3A_739 : vector<1x16xf32> to vector<16xf32>
      %add3A_741 = arith.addf %get3A_713, %get3A_740 : vector<16xf32>
      %add3A_742 = arith.constant 8 : i32
      %add3A_743 = arith.addi %mul3A_689, %add3A_742 : i32
      %get3A_744 = arith.index_cast %add3A_743 : i32 to index
      %get3A_745 = arith.constant 0 : index
      %get3A_746 = tpu.vector_load %arg15[%get3A_744, %get3A_745] {strides = array<i32>} : memref<3200x16xf32, #tpu.memory_space<vmem>>, vector<1x16xf32>,
      %get3A_747 = vector.shape_cast %get3A_746 : vector<1x16xf32> to vector<16xf32>
      %add3A_748 = arith.addf %add3A_720, %get3A_747 : vector<16xf32>
      %add3A_749 = arith.constant 9 : i32
      %add3A_750 = arith.addi %mul3A_689, %add3A_749 : i32
      %get3A_751 = arith.index_cast %add3A_750 : i32 to index
      %get3A_752 = arith.constant 0 : index
      %get3A_753 = tpu.vector_load %arg15[%get3A_751, %get3A_752] {strides = array<i32>} : memref<3200x16xf32, #tpu.memory_space<vmem>>, vector<1x16xf32>,
      %get3A_754 = vector.shape_cast %get3A_753 : vector<1x16xf32> to vector<16xf32>
      %add3A_755 = arith.addf %add3A_727, %get3A_754 : vector<16xf32>
      %add3A_756 = arith.constant 10 : i32
      %add3A_757 = arith.addi %mul3A_689, %add3A_756 : i32
      %get3A_758 = arith.index_cast %add3A_757 : i32 to index
      %get3A_759 = arith.constant 0 : index
      %get3A_760 = tpu.vector_load %arg15[%get3A_758, %get3A_759] {strides = array<i32>} : memref<3200x16xf32, #tpu.memory_space<vmem>>, vector<1x16xf32>,
      %get3A_761 = vector.shape_cast %get3A_760 : vector<1x16xf32> to vector<16xf32>
      %add3A_762 = arith.addf %add3A_734, %get3A_761 : vector<16xf32>
      %add3A_763 = arith.constant 11 : i32
      %add3A_764 = arith.addi %mul3A_689, %add3A_763 : i32
      %get3A_765 = arith.index_cast %add3A_764 : i32 to index
      %get3A_766 = arith.constant 0 : index
      %get3A_767 = tpu.vector_load %arg15[%get3A_765, %get3A_766] {strides = array<i32>} : memref<3200x16xf32, #tpu.memory_space<vmem>>, vector<1x16xf32>,
      %get3A_768 = vector.shape_cast %get3A_767 : vector<1x16xf32> to vector<16xf32>
      %add3A_769 = arith.addf %add3A_741, %get3A_768 : vector<16xf32>
      %add3A_770 = arith.constant 12 : i32
      %add3A_771 = arith.addi %mul3A_689, %add3A_770 : i32
      %get3A_772 = arith.index_cast %add3A_771 : i32 to index
      %get3A_773 = arith.constant 0 : index
      %get3A_774 = tpu.vector_load %arg15[%get3A_772, %get3A_773] {strides = array<i32>} : memref<3200x16xf32, #tpu.memory_space<vmem>>, vector<1x16xf32>,
      %get3A_775 = vector.shape_cast %get3A_774 : vector<1x16xf32> to vector<16xf32>
      %add3A_776 = arith.addf %add3A_748, %get3A_775 : vector<16xf32>
      %add3A_777 = arith.constant 13 : i32
      %add3A_778 = arith.addi %mul3A_689, %add3A_777 : i32
      %get3A_779 = arith.index_cast %add3A_778 : i32 to index
      %get3A_780 = arith.constant 0 : index
      %get3A_781 = tpu.vector_load %arg15[%get3A_779, %get3A_780] {strides = array<i32>} : memref<3200x16xf32, #tpu.memory_space<vmem>>, vector<1x16xf32>,
      %get3A_782 = vector.shape_cast %get3A_781 : vector<1x16xf32> to vector<16xf32>
      %add3A_783 = arith.addf %add3A_755, %get3A_782 : vector<16xf32>
      %add3A_784 = arith.constant 14 : i32
      %add3A_785 = arith.addi %mul3A_689, %add3A_784 : i32
      %get3A_786 = arith.index_cast %add3A_785 : i32 to index
      %get3A_787 = arith.constant 0 : index
      %get3A_788 = tpu.vector_load %arg15[%get3A_786, %get3A_787] {strides = array<i32>} : memref<3200x16xf32, #tpu.memory_space<vmem>>, vector<1x16xf32>,
      %get3A_789 = vector.shape_cast %get3A_788 : vector<1x16xf32> to vector<16xf32>
      %add3A_790 = arith.addf %add3A_762, %get3A_789 : vector<16xf32>
      %add3A_791 = arith.constant 15 : i32
      %add3A_792 = arith.addi %mul3A_689, %add3A_791 : i32
      %get3A_793 = arith.index_cast %add3A_792 : i32 to index
      %get3A_794 = arith.constant 0 : index
      %get3A_795 = tpu.vector_load %arg15[%get3A_793, %get3A_794] {strides = array<i32>} : memref<3200x16xf32, #tpu.memory_space<vmem>>, vector<1x16xf32>,
      %get3A_796 = vector.shape_cast %get3A_795 : vector<1x16xf32> to vector<16xf32>
      %add3A_797 = arith.addf %add3A_769, %get3A_796 : vector<16xf32>
      %add3A_798 = arith.constant 16 : i32
      %add3A_799 = arith.addi %mul3A_689, %add3A_798 : i32
      %get3A_800 = arith.index_cast %add3A_799 : i32 to index
      %get3A_801 = arith.constant 0 : index
      %get3A_802 = tpu.vector_load %arg15[%get3A_800, %get3A_801] {strides = array<i32>} : memref<3200x16xf32, #tpu.memory_space<vmem>>, vector<1x16xf32>,
      %get3A_803 = vector.shape_cast %get3A_802 : vector<1x16xf32> to vector<16xf32>
      %add3A_804 = arith.addf %add3A_776, %get3A_803 : vector<16xf32>
      %add3A_805 = arith.constant 17 : i32
      %add3A_806 = arith.addi %mul3A_689, %add3A_805 : i32
      %get3A_807 = arith.index_cast %add3A_806 : i32 to index
      %get3A_808 = arith.constant 0 : index
      %get3A_809 = tpu.vector_load %arg15[%get3A_807, %get3A_808] {strides = array<i32>} : memref<3200x16xf32, #tpu.memory_space<vmem>>, vector<1x16xf32>,
      %get3A_810 = vector.shape_cast %get3A_809 : vector<1x16xf32> to vector<16xf32>
      %add3A_811 = arith.addf %add3A_783, %get3A_810 : vector<16xf32>
      %add3A_812 = arith.constant 18 : i32
      %add3A_813 = arith.addi %mul3A_689, %add3A_812 : i32
      %get3A_814 = arith.index_cast %add3A_813 : i32 to index
      %get3A_815 = arith.constant 0 : index
      %get3A_816 = tpu.vector_load %arg15[%get3A_814, %get3A_815] {strides = array<i32>} : memref<3200x16xf32, #tpu.memory_space<vmem>>, vector<1x16xf32>,
      %get3A_817 = vector.shape_cast %get3A_816 : vector<1x16xf32> to vector<16xf32>
      %add3A_818 = arith.addf %add3A_790, %get3A_817 : vector<16xf32>
      %add3A_819 = arith.constant 19 : i32
      %add3A_820 = arith.addi %mul3A_689, %add3A_819 : i32
      %get3A_821 = arith.index_cast %add3A_820 : i32 to index
      %get3A_822 = arith.constant 0 : index
      %get3A_823 = tpu.vector_load %arg15[%get3A_821, %get3A_822] {strides = array<i32>} : memref<3200x16xf32, #tpu.memory_space<vmem>>, vector<1x16xf32>,
      %get3A_824 = vector.shape_cast %get3A_823 : vector<1x16xf32> to vector<16xf32>
      %add3A_825 = arith.addf %add3A_797, %get3A_824 : vector<16xf32>
      %add3A_826 = arith.constant 20 : i32
      %add3A_827 = arith.addi %mul3A_689, %add3A_826 : i32
      %get3A_828 = arith.index_cast %add3A_827 : i32 to index
      %get3A_829 = arith.constant 0 : index
      %get3A_830 = tpu.vector_load %arg15[%get3A_828, %get3A_829] {strides = array<i32>} : memref<3200x16xf32, #tpu.memory_space<vmem>>, vector<1x16xf32>,
      %get3A_831 = vector.shape_cast %get3A_830 : vector<1x16xf32> to vector<16xf32>
      %add3A_832 = arith.addf %add3A_804, %get3A_831 : vector<16xf32>
      %add3A_833 = arith.constant 21 : i32
      %add3A_834 = arith.addi %mul3A_689, %add3A_833 : i32
      %get3A_835 = arith.index_cast %add3A_834 : i32 to index
      %get3A_836 = arith.constant 0 : index
      %get3A_837 = tpu.vector_load %arg15[%get3A_835, %get3A_836] {strides = array<i32>} : memref<3200x16xf32, #tpu.memory_space<vmem>>, vector<1x16xf32>,
      %get3A_838 = vector.shape_cast %get3A_837 : vector<1x16xf32> to vector<16xf32>
      %add3A_839 = arith.addf %add3A_811, %get3A_838 : vector<16xf32>
      %add3A_840 = arith.constant 22 : i32
      %add3A_841 = arith.addi %mul3A_689, %add3A_840 : i32
      %get3A_842 = arith.index_cast %add3A_841 : i32 to index
      %get3A_843 = arith.constant 0 : index
      %get3A_844 = tpu.vector_load %arg15[%get3A_842, %get3A_843] {strides = array<i32>} : memref<3200x16xf32, #tpu.memory_space<vmem>>, vector<1x16xf32>,
      %get3A_845 = vector.shape_cast %get3A_844 : vector<1x16xf32> to vector<16xf32>
      %add3A_846 = arith.addf %add3A_818, %get3A_845 : vector<16xf32>
      %add3A_847 = arith.constant 23 : i32
      %add3A_848 = arith.addi %mul3A_689, %add3A_847 : i32
      %get3A_849 = arith.index_cast %add3A_848 : i32 to index
      %get3A_850 = arith.constant 0 : index
      %get3A_851 = tpu.vector_load %arg15[%get3A_849, %get3A_850] {strides = array<i32>} : memref<3200x16xf32, #tpu.memory_space<vmem>>, vector<1x16xf32>,
      %get3A_852 = vector.shape_cast %get3A_851 : vector<1x16xf32> to vector<16xf32>
      %add3A_853 = arith.addf %add3A_825, %get3A_852 : vector<16xf32>
      %add3A_854 = arith.constant 24 : i32
      %add3A_855 = arith.addi %mul3A_689, %add3A_854 : i32
      %get3A_856 = arith.index_cast %add3A_855 : i32 to index
      %get3A_857 = arith.constant 0 : index
      %get3A_858 = tpu.vector_load %arg15[%get3A_856, %get3A_857] {strides = array<i32>} : memref<3200x16xf32, #tpu.memory_space<vmem>>, vector<1x16xf32>,
      %get3A_859 = vector.shape_cast %get3A_858 : vector<1x16xf32> to vector<16xf32>
      %add3A_860 = arith.addf %add3A_832, %get3A_859 : vector<16xf32>
      %add3A_861 = arith.constant 25 : i32
      %add3A_862 = arith.addi %mul3A_689, %add3A_861 : i32
      %get3A_863 = arith.index_cast %add3A_862 : i32 to index
      %get3A_864 = arith.constant 0 : index
      %get3A_865 = tpu.vector_load %arg15[%get3A_863, %get3A_864] {strides = array<i32>} : memref<3200x16xf32, #tpu.memory_space<vmem>>, vector<1x16xf32>,
      %get3A_866 = vector.shape_cast %get3A_865 : vector<1x16xf32> to vector<16xf32>
      %add3A_867 = arith.addf %add3A_839, %get3A_866 : vector<16xf32>
      %add3A_868 = arith.constant 26 : i32
      %add3A_869 = arith.addi %mul3A_689, %add3A_868 : i32
      %get3A_870 = arith.index_cast %add3A_869 : i32 to index
      %get3A_871 = arith.constant 0 : index
      %get3A_872 = tpu.vector_load %arg15[%get3A_870, %get3A_871] {strides = array<i32>} : memref<3200x16xf32, #tpu.memory_space<vmem>>, vector<1x16xf32>,
      %get3A_873 = vector.shape_cast %get3A_872 : vector<1x16xf32> to vector<16xf32>
      %add3A_874 = arith.addf %add3A_846, %get3A_873 : vector<16xf32>
      %add3A_875 = arith.constant 27 : i32
      %add3A_876 = arith.addi %mul3A_689, %add3A_875 : i32
      %get3A_877 = arith.index_cast %add3A_876 : i32 to index
      %get3A_878 = arith.constant 0 : index
      %get3A_879 = tpu.vector_load %arg15[%get3A_877, %get3A_878] {strides = array<i32>} : memref<3200x16xf32, #tpu.memory_space<vmem>>, vector<1x16xf32>,
      %get3A_880 = vector.shape_cast %get3A_879 : vector<1x16xf32> to vector<16xf32>
      %add3A_881 = arith.addf %add3A_853, %get3A_880 : vector<16xf32>
      %add3A_882 = arith.constant 28 : i32
      %add3A_883 = arith.addi %mul3A_689, %add3A_882 : i32
      %get3A_884 = arith.index_cast %add3A_883 : i32 to index
      %get3A_885 = arith.constant 0 : index
      %get3A_886 = tpu.vector_load %arg15[%get3A_884, %get3A_885] {strides = array<i32>} : memref<3200x16xf32, #tpu.memory_space<vmem>>, vector<1x16xf32>,
      %get3A_887 = vector.shape_cast %get3A_886 : vector<1x16xf32> to vector<16xf32>
      %add3A_888 = arith.addf %add3A_860, %get3A_887 : vector<16xf32>
      %add3A_889 = arith.constant 29 : i32
      %add3A_890 = arith.addi %mul3A_689, %add3A_889 : i32
      %get3A_891 = arith.index_cast %add3A_890 : i32 to index
      %get3A_892 = arith.constant 0 : index
      %get3A_893 = tpu.vector_load %arg15[%get3A_891, %get3A_892] {strides = array<i32>} : memref<3200x16xf32, #tpu.memory_space<vmem>>, vector<1x16xf32>,
      %get3A_894 = vector.shape_cast %get3A_893 : vector<1x16xf32> to vector<16xf32>
      %add3A_895 = arith.addf %add3A_867, %get3A_894 : vector<16xf32>
      %add3A_896 = arith.constant 30 : i32
      %add3A_897 = arith.addi %mul3A_689, %add3A_896 : i32
      %get3A_898 = arith.index_cast %add3A_897 : i32 to index
      %get3A_899 = arith.constant 0 : index
      %get3A_900 = tpu.vector_load %arg15[%get3A_898, %get3A_899] {strides = array<i32>} : memref<3200x16xf32, #tpu.memory_space<vmem>>, vector<1x16xf32>,
      %get3A_901 = vector.shape_cast %get3A_900 : vector<1x16xf32> to vector<16xf32>
      %add3A_902 = arith.addf %add3A_874, %get3A_901 : vector<16xf32>
      %add3A_903 = arith.constant 31 : i32
      %add3A_904 = arith.addi %mul3A_689, %add3A_903 : i32
      %get3A_905 = arith.index_cast %add3A_904 : i32 to index
      %get3A_906 = arith.constant 0 : index
      %get3A_907 = tpu.vector_load %arg15[%get3A_905, %get3A_906] {strides = array<i32>} : memref<3200x16xf32, #tpu.memory_space<vmem>>, vector<1x16xf32>,
      %get3A_908 = vector.shape_cast %get3A_907 : vector<1x16xf32> to vector<16xf32>
      %add3A_909 = arith.addf %add3A_881, %get3A_908 : vector<16xf32>
      %add3A_910 = arith.constant 32 : i32
      %add3A_911 = arith.addi %mul3A_689, %add3A_910 : i32
      %get3A_912 = arith.index_cast %add3A_911 : i32 to index
      %get3A_913 = arith.constant 0 : index
      %get3A_914 = tpu.vector_load %arg15[%get3A_912, %get3A_913] {strides = array<i32>} : memref<3200x16xf32, #tpu.memory_space<vmem>>, vector<1x16xf32>,
      %get3A_915 = vector.shape_cast %get3A_914 : vector<1x16xf32> to vector<16xf32>
      %add3A_916 = arith.addf %add3A_888, %get3A_915 : vector<16xf32>
      %add3A_917 = arith.constant 33 : i32
      %add3A_918 = arith.addi %mul3A_689, %add3A_917 : i32
      %get3A_919 = arith.index_cast %add3A_918 : i32 to index
      %get3A_920 = arith.constant 0 : index
      %get3A_921 = tpu.vector_load %arg15[%get3A_919, %get3A_920] {strides = array<i32>} : memref<3200x16xf32, #tpu.memory_space<vmem>>, vector<1x16xf32>,
      %get3A_922 = vector.shape_cast %get3A_921 : vector<1x16xf32> to vector<16xf32>
      %add3A_923 = arith.addf %add3A_895, %get3A_922 : vector<16xf32>
      %add3A_924 = arith.constant 34 : i32
      %add3A_925 = arith.addi %mul3A_689, %add3A_924 : i32
      %get3A_926 = arith.index_cast %add3A_925 : i32 to index
      %get3A_927 = arith.constant 0 : index
      %get3A_928 = tpu.vector_load %arg15[%get3A_926, %get3A_927] {strides = array<i32>} : memref<3200x16xf32, #tpu.memory_space<vmem>>, vector<1x16xf32>,
      %get3A_929 = vector.shape_cast %get3A_928 : vector<1x16xf32> to vector<16xf32>
      %add3A_930 = arith.addf %add3A_902, %get3A_929 : vector<16xf32>
      %add3A_931 = arith.constant 35 : i32
      %add3A_932 = arith.addi %mul3A_689, %add3A_931 : i32
      %get3A_933 = arith.index_cast %add3A_932 : i32 to index
      %get3A_934 = arith.constant 0 : index
      %get3A_935 = tpu.vector_load %arg15[%get3A_933, %get3A_934] {strides = array<i32>} : memref<3200x16xf32, #tpu.memory_space<vmem>>, vector<1x16xf32>,
      %get3A_936 = vector.shape_cast %get3A_935 : vector<1x16xf32> to vector<16xf32>
      %add3A_937 = arith.addf %add3A_909, %get3A_936 : vector<16xf32>
      %add3A_938 = arith.constant 36 : i32
      %add3A_939 = arith.addi %mul3A_689, %add3A_938 : i32
      %get3A_940 = arith.index_cast %add3A_939 : i32 to index
      %get3A_941 = arith.constant 0 : index
      %get3A_942 = tpu.vector_load %arg15[%get3A_940, %get3A_941] {strides = array<i32>} : memref<3200x16xf32, #tpu.memory_space<vmem>>, vector<1x16xf32>,
      %get3A_943 = vector.shape_cast %get3A_942 : vector<1x16xf32> to vector<16xf32>
      %add3A_944 = arith.addf %add3A_916, %get3A_943 : vector<16xf32>
      %add3A_945 = arith.constant 37 : i32
      %add3A_946 = arith.addi %mul3A_689, %add3A_945 : i32
      %get3A_947 = arith.index_cast %add3A_946 : i32 to index
      %get3A_948 = arith.constant 0 : index
      %get3A_949 = tpu.vector_load %arg15[%get3A_947, %get3A_948] {strides = array<i32>} : memref<3200x16xf32, #tpu.memory_space<vmem>>, vector<1x16xf32>,
      %get3A_950 = vector.shape_cast %get3A_949 : vector<1x16xf32> to vector<16xf32>
      %add3A_951 = arith.addf %add3A_923, %get3A_950 : vector<16xf32>
      %add3A_952 = arith.constant 38 : i32
      %add3A_953 = arith.addi %mul3A_689, %add3A_952 : i32
      %get3A_954 = arith.index_cast %add3A_953 : i32 to index
      %get3A_955 = arith.constant 0 : index
      %get3A_956 = tpu.vector_load %arg15[%get3A_954, %get3A_955] {strides = array<i32>} : memref<3200x16xf32, #tpu.memory_space<vmem>>, vector<1x16xf32>,
      %get3A_957 = vector.shape_cast %get3A_956 : vector<1x16xf32> to vector<16xf32>
      %add3A_958 = arith.addf %add3A_930, %get3A_957 : vector<16xf32>
      %add3A_959 = arith.constant 39 : i32
      %add3A_960 = arith.addi %mul3A_689, %add3A_959 : i32
      %get3A_961 = arith.index_cast %add3A_960 : i32 to index
      %get3A_962 = arith.constant 0 : index
      %get3A_963 = tpu.vector_load %arg15[%get3A_961, %get3A_962] {strides = array<i32>} : memref<3200x16xf32, #tpu.memory_space<vmem>>, vector<1x16xf32>,
      %get3A_964 = vector.shape_cast %get3A_963 : vector<1x16xf32> to vector<16xf32>
      %add3A_965 = arith.addf %add3A_937, %get3A_964 : vector<16xf32>
      %add3A_966 = arith.constant 40 : i32
      %add3A_967 = arith.addi %mul3A_689, %add3A_966 : i32
      %get3A_968 = arith.index_cast %add3A_967 : i32 to index
      %get3A_969 = arith.constant 0 : index
      %get3A_970 = tpu.vector_load %arg15[%get3A_968, %get3A_969] {strides = array<i32>} : memref<3200x16xf32, #tpu.memory_space<vmem>>, vector<1x16xf32>,
      %get3A_971 = vector.shape_cast %get3A_970 : vector<1x16xf32> to vector<16xf32>
      %add3A_972 = arith.addf %add3A_944, %get3A_971 : vector<16xf32>
      %add3A_973 = arith.constant 41 : i32
      %add3A_974 = arith.addi %mul3A_689, %add3A_973 : i32
      %get3A_975 = arith.index_cast %add3A_974 : i32 to index
      %get3A_976 = arith.constant 0 : index
      %get3A_977 = tpu.vector_load %arg15[%get3A_975, %get3A_976] {strides = array<i32>} : memref<3200x16xf32, #tpu.memory_space<vmem>>, vector<1x16xf32>,
      %get3A_978 = vector.shape_cast %get3A_977 : vector<1x16xf32> to vector<16xf32>
      %add3A_979 = arith.addf %add3A_951, %get3A_978 : vector<16xf32>
      %add3A_980 = arith.constant 42 : i32
      %add3A_981 = arith.addi %mul3A_689, %add3A_980 : i32
      %get3A_982 = arith.index_cast %add3A_981 : i32 to index
      %get3A_983 = arith.constant 0 : index
      %get3A_984 = tpu.vector_load %arg15[%get3A_982, %get3A_983] {strides = array<i32>} : memref<3200x16xf32, #tpu.memory_space<vmem>>, vector<1x16xf32>,
      %get3A_985 = vector.shape_cast %get3A_984 : vector<1x16xf32> to vector<16xf32>
      %add3A_986 = arith.addf %add3A_958, %get3A_985 : vector<16xf32>
      %add3A_987 = arith.constant 43 : i32
      %add3A_988 = arith.addi %mul3A_689, %add3A_987 : i32
      %get3A_989 = arith.index_cast %add3A_988 : i32 to index
      %get3A_990 = arith.constant 0 : index
      %get3A_991 = tpu.vector_load %arg15[%get3A_989, %get3A_990] {strides = array<i32>} : memref<3200x16xf32, #tpu.memory_space<vmem>>, vector<1x16xf32>,
      %get3A_992 = vector.shape_cast %get3A_991 : vector<1x16xf32> to vector<16xf32>
      %add3A_993 = arith.addf %add3A_965, %get3A_992 : vector<16xf32>
      %add3A_994 = arith.constant 44 : i32
      %add3A_995 = arith.addi %mul3A_689, %add3A_994 : i32
      %get3A_996 = arith.index_cast %add3A_995 : i32 to index
      %get3A_997 = arith.constant 0 : index
      %get3A_998 = tpu.vector_load %arg15[%get3A_996, %get3A_997] {strides = array<i32>} : memref<3200x16xf32, #tpu.memory_space<vmem>>, vector<1x16xf32>,
      %get3A_999 = vector.shape_cast %get3A_998 : vector<1x16xf32> to vector<16xf32>
      %add3A_1000 = arith.addf %add3A_972, %get3A_999 : vector<16xf32>
      %add3A_1001 = arith.constant 45 : i32
      %add3A_1002 = arith.addi %mul3A_689, %add3A_1001 : i32
      %get3A_1003 = arith.index_cast %add3A_1002 : i32 to index
      %get3A_1004 = arith.constant 0 : index
      %get3A_1005 = tpu.vector_load %arg15[%get3A_1003, %get3A_1004] {strides = array<i32>} : memref<3200x16xf32, #tpu.memory_space<vmem>>, vector<1x16xf32>,
      %get3A_1006 = vector.shape_cast %get3A_1005 : vector<1x16xf32> to vector<16xf32>
      %add3A_1007 = arith.addf %add3A_979, %get3A_1006 : vector<16xf32>
      %add3A_1008 = arith.constant 46 : i32
      %add3A_1009 = arith.addi %mul3A_689, %add3A_1008 : i32
      %get3A_1010 = arith.index_cast %add3A_1009 : i32 to index
      %get3A_1011 = arith.constant 0 : index
      %get3A_1012 = tpu.vector_load %arg15[%get3A_1010, %get3A_1011] {strides = array<i32>} : memref<3200x16xf32, #tpu.memory_space<vmem>>, vector<1x16xf32>,
      %get3A_1013 = vector.shape_cast %get3A_1012 : vector<1x16xf32> to vector<16xf32>
      %add3A_1014 = arith.addf %add3A_986, %get3A_1013 : vector<16xf32>
      %add3A_1015 = arith.constant 47 : i32
      %add3A_1016 = arith.addi %mul3A_689, %add3A_1015 : i32
      %get3A_1017 = arith.index_cast %add3A_1016 : i32 to index
      %get3A_1018 = arith.constant 0 : index
      %get3A_1019 = tpu.vector_load %arg15[%get3A_1017, %get3A_1018] {strides = array<i32>} : memref<3200x16xf32, #tpu.memory_space<vmem>>, vector<1x16xf32>,
      %get3A_1020 = vector.shape_cast %get3A_1019 : vector<1x16xf32> to vector<16xf32>
      %add3A_1021 = arith.addf %add3A_993, %get3A_1020 : vector<16xf32>
      %add3A_1022 = arith.constant 48 : i32
      %add3A_1023 = arith.addi %mul3A_689, %add3A_1022 : i32
      %get3A_1024 = arith.index_cast %add3A_1023 : i32 to index
      %get3A_1025 = arith.constant 0 : index
      %get3A_1026 = tpu.vector_load %arg15[%get3A_1024, %get3A_1025] {strides = array<i32>} : memref<3200x16xf32, #tpu.memory_space<vmem>>, vector<1x16xf32>,
      %get3A_1027 = vector.shape_cast %get3A_1026 : vector<1x16xf32> to vector<16xf32>
      %add3A_1028 = arith.addf %add3A_1000, %get3A_1027 : vector<16xf32>
      %add3A_1029 = arith.constant 49 : i32
      %add3A_1030 = arith.addi %mul3A_689, %add3A_1029 : i32
      %get3A_1031 = arith.index_cast %add3A_1030 : i32 to index
      %get3A_1032 = arith.constant 0 : index
      %get3A_1033 = tpu.vector_load %arg15[%get3A_1031, %get3A_1032] {strides = array<i32>} : memref<3200x16xf32, #tpu.memory_space<vmem>>, vector<1x16xf32>,
      %get3A_1034 = vector.shape_cast %get3A_1033 : vector<1x16xf32> to vector<16xf32>
      %add3A_1035 = arith.addf %add3A_1007, %get3A_1034 : vector<16xf32>
      %add3A_1036 = arith.addf %add3A_1028, %add3A_1035 : vector<16xf32>
      %add3A_1037 = arith.addf %add3A_1014, %add3A_1021 : vector<16xf32>
      %add3A_1038 = arith.addf %add3A_1036, %add3A_1037 : vector<16xf32>
      %get3A_1039 = arith.index_cast %scan3A_687 : i32 to index
      %get3A_1040 = arith.constant 0 : index
      %get3A_1041 = tpu.vector_load %arg13[%get3A_1039, %get3A_1040] {strides = array<i32>} : memref<64x50xi32, #tpu.memory_space<vmem>>, vector<1x16xi32>,
      %get3A_1042 = vector.shape_cast %get3A_1041 : vector<1x16xi32> to vector<16xi32>
      %get3A_1043 = arith.index_cast %scan3A_687 : i32 to index
      %get3A_1044 = arith.constant 16 : index
      %get3A_1045 = tpu.vector_load %arg13[%get3A_1043, %get3A_1044] {strides = array<i32>} : memref<64x50xi32, #tpu.memory_space<vmem>>, vector<1x16xi32>,
      %get3A_1046 = vector.shape_cast %get3A_1045 : vector<1x16xi32> to vector<16xi32>
      %get3A_1047 = arith.index_cast %scan3A_687 : i32 to index
      %get3A_1048 = arith.constant 32 : index
      %get3A_1049 = tpu.vector_load %arg13[%get3A_1047, %get3A_1048] {strides = array<i32>} : memref<64x50xi32, #tpu.memory_space<vmem>>, vector<1x16xi32>,
      %get3A_1050 = vector.shape_cast %get3A_1049 : vector<1x16xi32> to vector<16xi32>
      %get3A_1051 = arith.index_cast %scan3A_687 : i32 to index
      %get3A_1052 = arith.constant 34 : index
      %get3A_1053 = tpu.vector_load %arg13[%get3A_1051, %get3A_1052] {strides = array<i32>} : memref<64x50xi32, #tpu.memory_space<vmem>>, vector<1x16xi32>,
      %get3A_1054 = vector.shape_cast %get3A_1053 : vector<1x16xi32> to vector<16xi32>
      %eq3A = arith.constant 0 : i32
      %eq3A_1055 = vector.broadcast %eq3A : i32 to vector<16xi32>
      %eq3A_1056 = arith.cmpi eq, %get3A_1042, %eq3A_1055 : vector<16xi32>
      %jit3A = arith.constant 1.000000e+00 : f32
      %jit3A_1057 = arith.constant 0.000000e+00 : f32
      %broadcast_in_dim3A = vector.broadcast %jit3A : f32 to vector<16xf32>
      %broadcast_in_dim3A_1058 = vector.broadcast %jit3A_1057 : f32 to vector<16xf32>
      %select_n3A = arith.select %eq3A_1056, %broadcast_in_dim3A, %broadcast_in_dim3A_1058 : vector<16xi1>, vector<16xf32>
      %eq3A_1059 = arith.constant 0 : i32
      %eq3A_1060 = vector.broadcast %eq3A_1059 : i32 to vector<16xi32>
      %eq3A_1061 = arith.cmpi eq, %get3A_1046, %eq3A_1060 : vector<16xi32>
      %jit3A_1062 = arith.constant 1.000000e+00 : f32
      %jit3A_1063 = arith.constant 0.000000e+00 : f32
      %broadcast_in_dim3A_1064 = vector.broadcast %jit3A_1062 : f32 to vector<16xf32>
      %broadcast_in_dim3A_1065 = vector.broadcast %jit3A_1063 : f32 to vector<16xf32>
      %select_n3A_1066 = arith.select %eq3A_1061, %broadcast_in_dim3A_1064, %broadcast_in_dim3A_1065 : vector<16xi1>, vector<16xf32>
      %add3A_1067 = arith.addf %select_n3A, %select_n3A_1066 : vector<16xf32>
      %eq3A_1068 = arith.constant 0 : i32
      %eq3A_1069 = vector.broadcast %eq3A_1068 : i32 to vector<16xi32>
      %eq3A_1070 = arith.cmpi eq, %get3A_1050, %eq3A_1069 : vector<16xi32>
      %jit3A_1071 = arith.constant 1.000000e+00 : f32
      %jit3A_1072 = arith.constant 0.000000e+00 : f32
      %broadcast_in_dim3A_1073 = vector.broadcast %jit3A_1071 : f32 to vector<16xf32>
      %broadcast_in_dim3A_1074 = vector.broadcast %jit3A_1072 : f32 to vector<16xf32>
      %select_n3A_1075 = arith.select %eq3A_1070, %broadcast_in_dim3A_1073, %broadcast_in_dim3A_1074 : vector<16xi1>, vector<16xf32>
      %add3A_1076 = arith.addf %add3A_1067, %select_n3A_1075 : vector<16xf32>
      %eq3A_1077 = arith.constant 0 : i32
      %eq3A_1078 = vector.broadcast %eq3A_1077 : i32 to vector<16xi32>
      %eq3A_1079 = arith.cmpi eq, %get3A_1054, %eq3A_1078 : vector<16xi32>
      %ge3A = arith.constant 14 : i32
      %ge3A_1080 = vector.broadcast %ge3A : i32 to vector<16xi32>
      %ge3A_1081 = arith.cmpi sge, %iota3A, %ge3A_1080 : vector<16xi32>
      %and3A = arith.andi %eq3A_1079, %ge3A_1081 : vector<16xi1>
      %jit3A_1082 = arith.constant 1.000000e+00 : f32
      %jit3A_1083 = arith.constant 0.000000e+00 : f32
      %broadcast_in_dim3A_1084 = vector.broadcast %jit3A_1082 : f32 to vector<16xf32>
      %broadcast_in_dim3A_1085 = vector.broadcast %jit3A_1083 : f32 to vector<16xf32>
      %select_n3A_1086 = arith.select %and3A, %broadcast_in_dim3A_1084, %broadcast_in_dim3A_1085 : vector<16xi1>, vector<16xf32>
      %add3A_1087 = arith.addf %add3A_1076, %select_n3A_1086 : vector<16xf32>
      %add3A_1088 = arith.constant 8 : i32
      %add3A_1089 = vector.broadcast %add3A_1088 : i32 to vector<16xi32>
      %add3A_1090 = arith.addi %iota3A, %add3A_1089 : vector<16xi32>
      %and3A_1091 = arith.constant 15 : i32
      %and3A_1092 = vector.broadcast %and3A_1091 : i32 to vector<16xi32>
      %and3A_1093 = arith.andi %add3A_1090, %and3A_1092 : vector<16xi32>
      %lt3A = arith.constant 0 : i32
      %lt3A_1094 = vector.broadcast %lt3A : i32 to vector<16xi32>
      %lt3A_1095 = arith.cmpi slt, %and3A_1093, %lt3A_1094 : vector<16xi32>
      %add3A_1096 = arith.constant 16 : i32
      %add3A_1097 = vector.broadcast %add3A_1096 : i32 to vector<16xi32>
      %add3A_1098 = arith.addi %and3A_1093, %add3A_1097 : vector<16xi32>
      %select_n3A_1099 = arith.select %lt3A_1095, %add3A_1098, %and3A_1093 : vector<16xi1>, vector<16xi32>
      %broadcast_in_dim3A_1100 = vector.shape_cast %select_n3A_1099 : vector<16xi32> to vector<16x1xi32>
      %gather3A = vector.shape_cast %broadcast_in_dim3A_1100 : vector<16x1xi32> to vector<16xi32>
      %gather3A_1101 = tpu.dynamic_gather %add3A_1087[%gather3A] in [0] : vector<16xf32>, vector<16xi32> -> vector<16xf32>
      %add3A_1102 = arith.addf %add3A_1087, %gather3A_1101 : vector<16xf32>
      %add3A_1103 = arith.constant 4 : i32
      %add3A_1104 = vector.broadcast %add3A_1103 : i32 to vector<16xi32>
      %add3A_1105 = arith.addi %iota3A, %add3A_1104 : vector<16xi32>
      %and3A_1106 = arith.constant 15 : i32
      %and3A_1107 = vector.broadcast %and3A_1106 : i32 to vector<16xi32>
      %and3A_1108 = arith.andi %add3A_1105, %and3A_1107 : vector<16xi32>
      %lt3A_1109 = arith.constant 0 : i32
      %lt3A_1110 = vector.broadcast %lt3A_1109 : i32 to vector<16xi32>
      %lt3A_1111 = arith.cmpi slt, %and3A_1108, %lt3A_1110 : vector<16xi32>
      %add3A_1112 = arith.constant 16 : i32
      %add3A_1113 = vector.broadcast %add3A_1112 : i32 to vector<16xi32>
      %add3A_1114 = arith.addi %and3A_1108, %add3A_1113 : vector<16xi32>
      %select_n3A_1115 = arith.select %lt3A_1111, %add3A_1114, %and3A_1108 : vector<16xi1>, vector<16xi32>
      %broadcast_in_dim3A_1116 = vector.shape_cast %select_n3A_1115 : vector<16xi32> to vector<16x1xi32>
      %gather3A_1117 = vector.shape_cast %broadcast_in_dim3A_1116 : vector<16x1xi32> to vector<16xi32>
      %gather3A_1118 = tpu.dynamic_gather %add3A_1102[%gather3A_1117] in [0] : vector<16xf32>, vector<16xi32> -> vector<16xf32>
      %add3A_1119 = arith.addf %add3A_1102, %gather3A_1118 : vector<16xf32>
      %add3A_1120 = arith.constant 2 : i32
      %add3A_1121 = vector.broadcast %add3A_1120 : i32 to vector<16xi32>
      %add3A_1122 = arith.addi %iota3A, %add3A_1121 : vector<16xi32>
      %and3A_1123 = arith.constant 15 : i32
      %and3A_1124 = vector.broadcast %and3A_1123 : i32 to vector<16xi32>
      %and3A_1125 = arith.andi %add3A_1122, %and3A_1124 : vector<16xi32>
      %lt3A_1126 = arith.constant 0 : i32
      %lt3A_1127 = vector.broadcast %lt3A_1126 : i32 to vector<16xi32>
      %lt3A_1128 = arith.cmpi slt, %and3A_1125, %lt3A_1127 : vector<16xi32>
      %add3A_1129 = arith.constant 16 : i32
      %add3A_1130 = vector.broadcast %add3A_1129 : i32 to vector<16xi32>
      %add3A_1131 = arith.addi %and3A_1125, %add3A_1130 : vector<16xi32>
      %select_n3A_1132 = arith.select %lt3A_1128, %add3A_1131, %and3A_1125 : vector<16xi1>, vector<16xi32>
      %broadcast_in_dim3A_1133 = vector.shape_cast %select_n3A_1132 : vector<16xi32> to vector<16x1xi32>
      %gather3A_1134 = vector.shape_cast %broadcast_in_dim3A_1133 : vector<16x1xi32> to vector<16xi32>
      %gather3A_1135 = tpu.dynamic_gather %add3A_1119[%gather3A_1134] in [0] : vector<16xf32>, vector<16xi32> -> vector<16xf32>
      %add3A_1136 = arith.addf %add3A_1119, %gather3A_1135 : vector<16xf32>
      %add3A_1137 = arith.constant 1 : i32
      %add3A_1138 = vector.broadcast %add3A_1137 : i32 to vector<16xi32>
      %add3A_1139 = arith.addi %iota3A, %add3A_1138 : vector<16xi32>
      %and3A_1140 = arith.constant 15 : i32
      %and3A_1141 = vector.broadcast %and3A_1140 : i32 to vector<16xi32>
      %and3A_1142 = arith.andi %add3A_1139, %and3A_1141 : vector<16xi32>
      %lt3A_1143 = arith.constant 0 : i32
      %lt3A_1144 = vector.broadcast %lt3A_1143 : i32 to vector<16xi32>
      %lt3A_1145 = arith.cmpi slt, %and3A_1142, %lt3A_1144 : vector<16xi32>
      %add3A_1146 = arith.constant 16 : i32
      %add3A_1147 = vector.broadcast %add3A_1146 : i32 to vector<16xi32>
      %add3A_1148 = arith.addi %and3A_1142, %add3A_1147 : vector<16xi32>
      %select_n3A_1149 = arith.select %lt3A_1145, %add3A_1148, %and3A_1142 : vector<16xi1>, vector<16xi32>
      %broadcast_in_dim3A_1150 = vector.shape_cast %select_n3A_1149 : vector<16xi32> to vector<16x1xi32>
      %gather3A_1151 = vector.shape_cast %broadcast_in_dim3A_1150 : vector<16x1xi32> to vector<16xi32>
      %gather3A_1152 = tpu.dynamic_gather %add3A_1136[%gather3A_1151] in [0] : vector<16xf32>, vector<16xi32> -> vector<16xf32>
      %add3A_1153 = arith.addf %add3A_1136, %gather3A_1152 : vector<16xf32>
      %sub3A_1154 = arith.constant 5.000000e+01 : f32
      %sub3A_1155 = vector.broadcast %sub3A_1154 : f32 to vector<16xf32>
      %sub3A_1156 = arith.subf %sub3A_1155, %add3A_1153 : vector<16xf32>
      %max3A = arith.constant 9.99999971E-10 : f32
      %max3A_1157 = vector.broadcast %max3A : f32 to vector<16xf32>
      %max3A_1158 = arith.maximumf %sub3A_1156, %max3A_1157 : vector<16xf32>
      %mul3A_1159 = arith.mulf %add3A_1153, %get3A_4 : vector<16xf32>
      %sub3A_1160 = arith.subf %add3A_1038, %mul3A_1159 : vector<16xf32>
      %div3A_1161 = arith.divf %sub3A_1160, %max3A_1158 : vector<16xf32>
      %add3A_1162 = arith.constant 0 : i32
      %add3A_1163 = arith.addi %add3A_1162, %scan3A_687 : i32
      %swap3A_1164 = arith.index_cast %add3A_1163 : i32 to index
      %swap3A_1165 = arith.constant 0 : index
      %swap3A_1166 = tpu.vector_load %arg18[%swap3A_1164, %swap3A_1165] {strides = array<i32>} : memref<512x16xf32, #tpu.memory_space<vmem>>, vector<1x16xf32>,
      %swap3A_1167 = vector.shape_cast %swap3A_1166 : vector<1x16xf32> to vector<16xf32>
      %swap3A_1168 = vector.shape_cast %div3A_1161 : vector<16xf32> to vector<1x16xf32>
      tpu.vector_store %arg18[%swap3A_1164, %swap3A_1165], %swap3A_1168 {strides = array<i32>} : memref<512x16xf32, #tpu.memory_space<vmem>>, vector<1x16xf32>,
    }
    %scan3A_529 = arith.constant 64 : i32
    %add3A_530 = arith.constant 128 : i32
    %add3A_531 = arith.addi %mul3A_2, %add3A_530 : i32
    %mul3A_532 = arith.constant 50 : i32
    %mul3A_533 = arith.muli %add3A_531, %mul3A_532 : i32
    "tpu.region"() ({
      %run_scoped3A_687 = tpu.sem_alloc : memref<!tpu.dma_semaphore, #tpu.memory_space<semaphore_mem>>
      %dma_start3A_688 = tpu.memref_slice %arg4[%mul3A_533] : memref<819200xi32, #tpu.memory_space<hbm>> -> memref<3200xi32, #tpu.memory_space<hbm>>
      %dma_start3A_689 = tpu.memref_slice %arg4[%mul3A_533] : memref<819200xi32, #tpu.memory_space<hbm>> -> memref<3200xi32, #tpu.memory_space<hbm>>
      tpu.enqueue_dma source(%dma_start3A_689 : memref<3200xi32, #tpu.memory_space<hbm>>) target(%arg11 : memref<3200xi32, #tpu.memory_space<vmem>>) target_semaphore(%run_scoped3A_687 : memref<!tpu.dma_semaphore, #tpu.memory_space<semaphore_mem>>)
      %dma_wait3A_690 = tpu.memref_slice %arg4[%mul3A_533] : memref<819200xi32, #tpu.memory_space<hbm>> -> memref<3200xi32, #tpu.memory_space<hbm>>
      %dma_wait3A_691 = tpu.memref_slice %arg4[%mul3A_533] : memref<819200xi32, #tpu.memory_space<hbm>> -> memref<3200xi32, #tpu.memory_space<hbm>>
      tpu.wait_dma2 semaphore(%run_scoped3A_687 : memref<!tpu.dma_semaphore, #tpu.memory_space<semaphore_mem>>) src(%dma_wait3A_691 : memref<3200xi32, #tpu.memory_space<hbm>>) dst(%arg11 : memref<3200xi32, #tpu.memory_space<vmem>>)
      tpu.yield
    }) : () -> ()
    %dma_start3A_534 = arith.constant 0 : i32
    %dma_start3A_535 = tpu.memref_slice %arg5[%add3A_531, %dma_start3A_534] : memref<16384x50xi32, #tpu.memory_space<hbm>> -> memref<64x50xi32, #tpu.memory_space<hbm>>
    %dma_start3A_536 = arith.constant 0 : i32
    %dma_start3A_537 = tpu.memref_slice %arg5[%add3A_531, %dma_start3A_536] : memref<16384x50xi32, #tpu.memory_space<hbm>> -> memref<64x50xi32, #tpu.memory_space<hbm>>
    tpu.enqueue_dma source(%dma_start3A_537 : memref<64x50xi32, #tpu.memory_space<hbm>>) target(%arg13 : memref<64x50xi32, #tpu.memory_space<vmem>>) target_semaphore(%arg20 : memref<!tpu.dma_semaphore, #tpu.memory_space<semaphore_mem>>)
    %dma_start3A_538 = arith.constant 0 : i32
    %dma_start3A_539 = arith.constant 0 : i32
    %dma_start3A_540 = tpu.memref_slice %arg7[%dma_start3A_538, %dma_start3A_539] : memref<1000001x16xf32, #tpu.memory_space<hbm>> -> memref<1000001x16xf32, #tpu.memory_space<hbm>>
    tpu.enqueue_indirect_dma source(%dma_start3A_540 : memref<1000001x16xf32, #tpu.memory_space<hbm>>) target(%arg15 : memref<3200x16xf32, #tpu.memory_space<vmem>>) offsets(%arg11 : memref<3200xi32, #tpu.memory_space<vmem>>) semaphore(%arg20 : memref<!tpu.dma_semaphore, #tpu.memory_space<semaphore_mem>>)
    %dma_wait3A_541 = arith.constant 0 : i32
    %dma_wait3A_542 = tpu.memref_slice %arg5[%add3A_508, %dma_wait3A_541] : memref<16384x50xi32, #tpu.memory_space<hbm>> -> memref<64x50xi32, #tpu.memory_space<hbm>>
    %dma_wait3A_543 = arith.constant 0 : i32
    %dma_wait3A_544 = tpu.memref_slice %arg5[%add3A_508, %dma_wait3A_543] : memref<16384x50xi32, #tpu.memory_space<hbm>> -> memref<64x50xi32, #tpu.memory_space<hbm>>
    tpu.wait_dma2 semaphore(%arg21 : memref<!tpu.dma_semaphore, #tpu.memory_space<semaphore_mem>>) src(%dma_wait3A_544 : memref<64x50xi32, #tpu.memory_space<hbm>>) dst(%arg14 : memref<64x50xi32, #tpu.memory_space<vmem>>)
    %dma_wait3A_545 = arith.constant 0 : i32
    %dma_wait3A_546 = arith.constant 0 : i32
    %dma_wait3A_547 = tpu.memref_slice %arg7[%dma_wait3A_545, %dma_wait3A_546] : memref<1000001x16xf32, #tpu.memory_space<hbm>> -> memref<1000001x16xf32, #tpu.memory_space<hbm>>
    tpu.wait_indirect_dma semaphore(%arg21 : memref<!tpu.dma_semaphore, #tpu.memory_space<semaphore_mem>>) src(%dma_wait3A_547 : memref<1000001x16xf32, #tpu.memory_space<hbm>>) dst(%arg16 : memref<3200x16xf32, #tpu.memory_space<vmem>>)
    %scan3A_548 = arith.constant 0 : i32
    %scan3A_549 = arith.constant 0 : i32
    %scan3A_550 = arith.constant 64 : i32
    %scan3A_551 = arith.addi %scan3A_549, %scan3A_550 : i32
    %scan3A_552 = arith.constant 1 : i32
    scf.for %scan3A_687 = %scan3A_549 to %scan3A_551 step %scan3A_552  : i32 {
      %mul3A_688 = arith.constant 50 : i32
      %mul3A_689 = arith.muli %scan3A_687, %mul3A_688 : i32
      %add3A_690 = arith.constant 0 : i32
      %add3A_691 = arith.addi %mul3A_689, %add3A_690 : i32
      %get3A_692 = arith.index_cast %add3A_691 : i32 to index
      %get3A_693 = arith.constant 0 : index
      %get3A_694 = tpu.vector_load %arg16[%get3A_692, %get3A_693] {strides = array<i32>} : memref<3200x16xf32, #tpu.memory_space<vmem>>, vector<1x16xf32>,
      %get3A_695 = vector.shape_cast %get3A_694 : vector<1x16xf32> to vector<16xf32>
      %add3A_696 = arith.constant 1 : i32
      %add3A_697 = arith.addi %mul3A_689, %add3A_696 : i32
      %get3A_698 = arith.index_cast %add3A_697 : i32 to index
      %get3A_699 = arith.constant 0 : index
      %get3A_700 = tpu.vector_load %arg16[%get3A_698, %get3A_699] {strides = array<i32>} : memref<3200x16xf32, #tpu.memory_space<vmem>>, vector<1x16xf32>,
      %get3A_701 = vector.shape_cast %get3A_700 : vector<1x16xf32> to vector<16xf32>
      %add3A_702 = arith.constant 2 : i32
      %add3A_703 = arith.addi %mul3A_689, %add3A_702 : i32
      %get3A_704 = arith.index_cast %add3A_703 : i32 to index
      %get3A_705 = arith.constant 0 : index
      %get3A_706 = tpu.vector_load %arg16[%get3A_704, %get3A_705] {strides = array<i32>} : memref<3200x16xf32, #tpu.memory_space<vmem>>, vector<1x16xf32>,
      %get3A_707 = vector.shape_cast %get3A_706 : vector<1x16xf32> to vector<16xf32>
      %add3A_708 = arith.constant 3 : i32
      %add3A_709 = arith.addi %mul3A_689, %add3A_708 : i32
      %get3A_710 = arith.index_cast %add3A_709 : i32 to index
      %get3A_711 = arith.constant 0 : index
      %get3A_712 = tpu.vector_load %arg16[%get3A_710, %get3A_711] {strides = array<i32>} : memref<3200x16xf32, #tpu.memory_space<vmem>>, vector<1x16xf32>,
      %get3A_713 = vector.shape_cast %get3A_712 : vector<1x16xf32> to vector<16xf32>
      %add3A_714 = arith.constant 4 : i32
      %add3A_715 = arith.addi %mul3A_689, %add3A_714 : i32
      %get3A_716 = arith.index_cast %add3A_715 : i32 to index
      %get3A_717 = arith.constant 0 : index
      %get3A_718 = tpu.vector_load %arg16[%get3A_716, %get3A_717] {strides = array<i32>} : memref<3200x16xf32, #tpu.memory_space<vmem>>, vector<1x16xf32>,
      %get3A_719 = vector.shape_cast %get3A_718 : vector<1x16xf32> to vector<16xf32>
      %add3A_720 = arith.addf %get3A_695, %get3A_719 : vector<16xf32>
      %add3A_721 = arith.constant 5 : i32
      %add3A_722 = arith.addi %mul3A_689, %add3A_721 : i32
      %get3A_723 = arith.index_cast %add3A_722 : i32 to index
      %get3A_724 = arith.constant 0 : index
      %get3A_725 = tpu.vector_load %arg16[%get3A_723, %get3A_724] {strides = array<i32>} : memref<3200x16xf32, #tpu.memory_space<vmem>>, vector<1x16xf32>,
      %get3A_726 = vector.shape_cast %get3A_725 : vector<1x16xf32> to vector<16xf32>
      %add3A_727 = arith.addf %get3A_701, %get3A_726 : vector<16xf32>
      %add3A_728 = arith.constant 6 : i32
      %add3A_729 = arith.addi %mul3A_689, %add3A_728 : i32
      %get3A_730 = arith.index_cast %add3A_729 : i32 to index
      %get3A_731 = arith.constant 0 : index
      %get3A_732 = tpu.vector_load %arg16[%get3A_730, %get3A_731] {strides = array<i32>} : memref<3200x16xf32, #tpu.memory_space<vmem>>, vector<1x16xf32>,
      %get3A_733 = vector.shape_cast %get3A_732 : vector<1x16xf32> to vector<16xf32>
      %add3A_734 = arith.addf %get3A_707, %get3A_733 : vector<16xf32>
      %add3A_735 = arith.constant 7 : i32
      %add3A_736 = arith.addi %mul3A_689, %add3A_735 : i32
      %get3A_737 = arith.index_cast %add3A_736 : i32 to index
      %get3A_738 = arith.constant 0 : index
      %get3A_739 = tpu.vector_load %arg16[%get3A_737, %get3A_738] {strides = array<i32>} : memref<3200x16xf32, #tpu.memory_space<vmem>>, vector<1x16xf32>,
      %get3A_740 = vector.shape_cast %get3A_739 : vector<1x16xf32> to vector<16xf32>
      %add3A_741 = arith.addf %get3A_713, %get3A_740 : vector<16xf32>
      %add3A_742 = arith.constant 8 : i32
      %add3A_743 = arith.addi %mul3A_689, %add3A_742 : i32
      %get3A_744 = arith.index_cast %add3A_743 : i32 to index
      %get3A_745 = arith.constant 0 : index
      %get3A_746 = tpu.vector_load %arg16[%get3A_744, %get3A_745] {strides = array<i32>} : memref<3200x16xf32, #tpu.memory_space<vmem>>, vector<1x16xf32>,
      %get3A_747 = vector.shape_cast %get3A_746 : vector<1x16xf32> to vector<16xf32>
      %add3A_748 = arith.addf %add3A_720, %get3A_747 : vector<16xf32>
      %add3A_749 = arith.constant 9 : i32
      %add3A_750 = arith.addi %mul3A_689, %add3A_749 : i32
      %get3A_751 = arith.index_cast %add3A_750 : i32 to index
      %get3A_752 = arith.constant 0 : index
      %get3A_753 = tpu.vector_load %arg16[%get3A_751, %get3A_752] {strides = array<i32>} : memref<3200x16xf32, #tpu.memory_space<vmem>>, vector<1x16xf32>,
      %get3A_754 = vector.shape_cast %get3A_753 : vector<1x16xf32> to vector<16xf32>
      %add3A_755 = arith.addf %add3A_727, %get3A_754 : vector<16xf32>
      %add3A_756 = arith.constant 10 : i32
      %add3A_757 = arith.addi %mul3A_689, %add3A_756 : i32
      %get3A_758 = arith.index_cast %add3A_757 : i32 to index
      %get3A_759 = arith.constant 0 : index
      %get3A_760 = tpu.vector_load %arg16[%get3A_758, %get3A_759] {strides = array<i32>} : memref<3200x16xf32, #tpu.memory_space<vmem>>, vector<1x16xf32>,
      %get3A_761 = vector.shape_cast %get3A_760 : vector<1x16xf32> to vector<16xf32>
      %add3A_762 = arith.addf %add3A_734, %get3A_761 : vector<16xf32>
      %add3A_763 = arith.constant 11 : i32
      %add3A_764 = arith.addi %mul3A_689, %add3A_763 : i32
      %get3A_765 = arith.index_cast %add3A_764 : i32 to index
      %get3A_766 = arith.constant 0 : index
      %get3A_767 = tpu.vector_load %arg16[%get3A_765, %get3A_766] {strides = array<i32>} : memref<3200x16xf32, #tpu.memory_space<vmem>>, vector<1x16xf32>,
      %get3A_768 = vector.shape_cast %get3A_767 : vector<1x16xf32> to vector<16xf32>
      %add3A_769 = arith.addf %add3A_741, %get3A_768 : vector<16xf32>
      %add3A_770 = arith.constant 12 : i32
      %add3A_771 = arith.addi %mul3A_689, %add3A_770 : i32
      %get3A_772 = arith.index_cast %add3A_771 : i32 to index
      %get3A_773 = arith.constant 0 : index
      %get3A_774 = tpu.vector_load %arg16[%get3A_772, %get3A_773] {strides = array<i32>} : memref<3200x16xf32, #tpu.memory_space<vmem>>, vector<1x16xf32>,
      %get3A_775 = vector.shape_cast %get3A_774 : vector<1x16xf32> to vector<16xf32>
      %add3A_776 = arith.addf %add3A_748, %get3A_775 : vector<16xf32>
      %add3A_777 = arith.constant 13 : i32
      %add3A_778 = arith.addi %mul3A_689, %add3A_777 : i32
      %get3A_779 = arith.index_cast %add3A_778 : i32 to index
      %get3A_780 = arith.constant 0 : index
      %get3A_781 = tpu.vector_load %arg16[%get3A_779, %get3A_780] {strides = array<i32>} : memref<3200x16xf32, #tpu.memory_space<vmem>>, vector<1x16xf32>,
      %get3A_782 = vector.shape_cast %get3A_781 : vector<1x16xf32> to vector<16xf32>
      %add3A_783 = arith.addf %add3A_755, %get3A_782 : vector<16xf32>
      %add3A_784 = arith.constant 14 : i32
      %add3A_785 = arith.addi %mul3A_689, %add3A_784 : i32
      %get3A_786 = arith.index_cast %add3A_785 : i32 to index
      %get3A_787 = arith.constant 0 : index
      %get3A_788 = tpu.vector_load %arg16[%get3A_786, %get3A_787] {strides = array<i32>} : memref<3200x16xf32, #tpu.memory_space<vmem>>, vector<1x16xf32>,
      %get3A_789 = vector.shape_cast %get3A_788 : vector<1x16xf32> to vector<16xf32>
      %add3A_790 = arith.addf %add3A_762, %get3A_789 : vector<16xf32>
      %add3A_791 = arith.constant 15 : i32
      %add3A_792 = arith.addi %mul3A_689, %add3A_791 : i32
      %get3A_793 = arith.index_cast %add3A_792 : i32 to index
      %get3A_794 = arith.constant 0 : index
      %get3A_795 = tpu.vector_load %arg16[%get3A_793, %get3A_794] {strides = array<i32>} : memref<3200x16xf32, #tpu.memory_space<vmem>>, vector<1x16xf32>,
      %get3A_796 = vector.shape_cast %get3A_795 : vector<1x16xf32> to vector<16xf32>
      %add3A_797 = arith.addf %add3A_769, %get3A_796 : vector<16xf32>
      %add3A_798 = arith.constant 16 : i32
      %add3A_799 = arith.addi %mul3A_689, %add3A_798 : i32
      %get3A_800 = arith.index_cast %add3A_799 : i32 to index
      %get3A_801 = arith.constant 0 : index
      %get3A_802 = tpu.vector_load %arg16[%get3A_800, %get3A_801] {strides = array<i32>} : memref<3200x16xf32, #tpu.memory_space<vmem>>, vector<1x16xf32>,
      %get3A_803 = vector.shape_cast %get3A_802 : vector<1x16xf32> to vector<16xf32>
      %add3A_804 = arith.addf %add3A_776, %get3A_803 : vector<16xf32>
      %add3A_805 = arith.constant 17 : i32
      %add3A_806 = arith.addi %mul3A_689, %add3A_805 : i32
      %get3A_807 = arith.index_cast %add3A_806 : i32 to index
      %get3A_808 = arith.constant 0 : index
      %get3A_809 = tpu.vector_load %arg16[%get3A_807, %get3A_808] {strides = array<i32>} : memref<3200x16xf32, #tpu.memory_space<vmem>>, vector<1x16xf32>,
      %get3A_810 = vector.shape_cast %get3A_809 : vector<1x16xf32> to vector<16xf32>
      %add3A_811 = arith.addf %add3A_783, %get3A_810 : vector<16xf32>
      %add3A_812 = arith.constant 18 : i32
      %add3A_813 = arith.addi %mul3A_689, %add3A_812 : i32
      %get3A_814 = arith.index_cast %add3A_813 : i32 to index
      %get3A_815 = arith.constant 0 : index
      %get3A_816 = tpu.vector_load %arg16[%get3A_814, %get3A_815] {strides = array<i32>} : memref<3200x16xf32, #tpu.memory_space<vmem>>, vector<1x16xf32>,
      %get3A_817 = vector.shape_cast %get3A_816 : vector<1x16xf32> to vector<16xf32>
      %add3A_818 = arith.addf %add3A_790, %get3A_817 : vector<16xf32>
      %add3A_819 = arith.constant 19 : i32
      %add3A_820 = arith.addi %mul3A_689, %add3A_819 : i32
      %get3A_821 = arith.index_cast %add3A_820 : i32 to index
      %get3A_822 = arith.constant 0 : index
      %get3A_823 = tpu.vector_load %arg16[%get3A_821, %get3A_822] {strides = array<i32>} : memref<3200x16xf32, #tpu.memory_space<vmem>>, vector<1x16xf32>,
      %get3A_824 = vector.shape_cast %get3A_823 : vector<1x16xf32> to vector<16xf32>
      %add3A_825 = arith.addf %add3A_797, %get3A_824 : vector<16xf32>
      %add3A_826 = arith.constant 20 : i32
      %add3A_827 = arith.addi %mul3A_689, %add3A_826 : i32
      %get3A_828 = arith.index_cast %add3A_827 : i32 to index
      %get3A_829 = arith.constant 0 : index
      %get3A_830 = tpu.vector_load %arg16[%get3A_828, %get3A_829] {strides = array<i32>} : memref<3200x16xf32, #tpu.memory_space<vmem>>, vector<1x16xf32>,
      %get3A_831 = vector.shape_cast %get3A_830 : vector<1x16xf32> to vector<16xf32>
      %add3A_832 = arith.addf %add3A_804, %get3A_831 : vector<16xf32>
      %add3A_833 = arith.constant 21 : i32
      %add3A_834 = arith.addi %mul3A_689, %add3A_833 : i32
      %get3A_835 = arith.index_cast %add3A_834 : i32 to index
      %get3A_836 = arith.constant 0 : index
      %get3A_837 = tpu.vector_load %arg16[%get3A_835, %get3A_836] {strides = array<i32>} : memref<3200x16xf32, #tpu.memory_space<vmem>>, vector<1x16xf32>,
      %get3A_838 = vector.shape_cast %get3A_837 : vector<1x16xf32> to vector<16xf32>
      %add3A_839 = arith.addf %add3A_811, %get3A_838 : vector<16xf32>
      %add3A_840 = arith.constant 22 : i32
      %add3A_841 = arith.addi %mul3A_689, %add3A_840 : i32
      %get3A_842 = arith.index_cast %add3A_841 : i32 to index
      %get3A_843 = arith.constant 0 : index
      %get3A_844 = tpu.vector_load %arg16[%get3A_842, %get3A_843] {strides = array<i32>} : memref<3200x16xf32, #tpu.memory_space<vmem>>, vector<1x16xf32>,
      %get3A_845 = vector.shape_cast %get3A_844 : vector<1x16xf32> to vector<16xf32>
      %add3A_846 = arith.addf %add3A_818, %get3A_845 : vector<16xf32>
      %add3A_847 = arith.constant 23 : i32
      %add3A_848 = arith.addi %mul3A_689, %add3A_847 : i32
      %get3A_849 = arith.index_cast %add3A_848 : i32 to index
      %get3A_850 = arith.constant 0 : index
      %get3A_851 = tpu.vector_load %arg16[%get3A_849, %get3A_850] {strides = array<i32>} : memref<3200x16xf32, #tpu.memory_space<vmem>>, vector<1x16xf32>,
      %get3A_852 = vector.shape_cast %get3A_851 : vector<1x16xf32> to vector<16xf32>
      %add3A_853 = arith.addf %add3A_825, %get3A_852 : vector<16xf32>
      %add3A_854 = arith.constant 24 : i32
      %add3A_855 = arith.addi %mul3A_689, %add3A_854 : i32
      %get3A_856 = arith.index_cast %add3A_855 : i32 to index
      %get3A_857 = arith.constant 0 : index
      %get3A_858 = tpu.vector_load %arg16[%get3A_856, %get3A_857] {strides = array<i32>} : memref<3200x16xf32, #tpu.memory_space<vmem>>, vector<1x16xf32>,
      %get3A_859 = vector.shape_cast %get3A_858 : vector<1x16xf32> to vector<16xf32>
      %add3A_860 = arith.addf %add3A_832, %get3A_859 : vector<16xf32>
      %add3A_861 = arith.constant 25 : i32
      %add3A_862 = arith.addi %mul3A_689, %add3A_861 : i32
      %get3A_863 = arith.index_cast %add3A_862 : i32 to index
      %get3A_864 = arith.constant 0 : index
      %get3A_865 = tpu.vector_load %arg16[%get3A_863, %get3A_864] {strides = array<i32>} : memref<3200x16xf32, #tpu.memory_space<vmem>>, vector<1x16xf32>,
      %get3A_866 = vector.shape_cast %get3A_865 : vector<1x16xf32> to vector<16xf32>
      %add3A_867 = arith.addf %add3A_839, %get3A_866 : vector<16xf32>
      %add3A_868 = arith.constant 26 : i32
      %add3A_869 = arith.addi %mul3A_689, %add3A_868 : i32
      %get3A_870 = arith.index_cast %add3A_869 : i32 to index
      %get3A_871 = arith.constant 0 : index
      %get3A_872 = tpu.vector_load %arg16[%get3A_870, %get3A_871] {strides = array<i32>} : memref<3200x16xf32, #tpu.memory_space<vmem>>, vector<1x16xf32>,
      %get3A_873 = vector.shape_cast %get3A_872 : vector<1x16xf32> to vector<16xf32>
      %add3A_874 = arith.addf %add3A_846, %get3A_873 : vector<16xf32>
      %add3A_875 = arith.constant 27 : i32
      %add3A_876 = arith.addi %mul3A_689, %add3A_875 : i32
      %get3A_877 = arith.index_cast %add3A_876 : i32 to index
      %get3A_878 = arith.constant 0 : index
      %get3A_879 = tpu.vector_load %arg16[%get3A_877, %get3A_878] {strides = array<i32>} : memref<3200x16xf32, #tpu.memory_space<vmem>>, vector<1x16xf32>,
      %get3A_880 = vector.shape_cast %get3A_879 : vector<1x16xf32> to vector<16xf32>
      %add3A_881 = arith.addf %add3A_853, %get3A_880 : vector<16xf32>
      %add3A_882 = arith.constant 28 : i32
      %add3A_883 = arith.addi %mul3A_689, %add3A_882 : i32
      %get3A_884 = arith.index_cast %add3A_883 : i32 to index
      %get3A_885 = arith.constant 0 : index
      %get3A_886 = tpu.vector_load %arg16[%get3A_884, %get3A_885] {strides = array<i32>} : memref<3200x16xf32, #tpu.memory_space<vmem>>, vector<1x16xf32>,
      %get3A_887 = vector.shape_cast %get3A_886 : vector<1x16xf32> to vector<16xf32>
      %add3A_888 = arith.addf %add3A_860, %get3A_887 : vector<16xf32>
      %add3A_889 = arith.constant 29 : i32
      %add3A_890 = arith.addi %mul3A_689, %add3A_889 : i32
      %get3A_891 = arith.index_cast %add3A_890 : i32 to index
      %get3A_892 = arith.constant 0 : index
      %get3A_893 = tpu.vector_load %arg16[%get3A_891, %get3A_892] {strides = array<i32>} : memref<3200x16xf32, #tpu.memory_space<vmem>>, vector<1x16xf32>,
      %get3A_894 = vector.shape_cast %get3A_893 : vector<1x16xf32> to vector<16xf32>
      %add3A_895 = arith.addf %add3A_867, %get3A_894 : vector<16xf32>
      %add3A_896 = arith.constant 30 : i32
      %add3A_897 = arith.addi %mul3A_689, %add3A_896 : i32
      %get3A_898 = arith.index_cast %add3A_897 : i32 to index
      %get3A_899 = arith.constant 0 : index
      %get3A_900 = tpu.vector_load %arg16[%get3A_898, %get3A_899] {strides = array<i32>} : memref<3200x16xf32, #tpu.memory_space<vmem>>, vector<1x16xf32>,
      %get3A_901 = vector.shape_cast %get3A_900 : vector<1x16xf32> to vector<16xf32>
      %add3A_902 = arith.addf %add3A_874, %get3A_901 : vector<16xf32>
      %add3A_903 = arith.constant 31 : i32
      %add3A_904 = arith.addi %mul3A_689, %add3A_903 : i32
      %get3A_905 = arith.index_cast %add3A_904 : i32 to index
      %get3A_906 = arith.constant 0 : index
      %get3A_907 = tpu.vector_load %arg16[%get3A_905, %get3A_906] {strides = array<i32>} : memref<3200x16xf32, #tpu.memory_space<vmem>>, vector<1x16xf32>,
      %get3A_908 = vector.shape_cast %get3A_907 : vector<1x16xf32> to vector<16xf32>
      %add3A_909 = arith.addf %add3A_881, %get3A_908 : vector<16xf32>
      %add3A_910 = arith.constant 32 : i32
      %add3A_911 = arith.addi %mul3A_689, %add3A_910 : i32
      %get3A_912 = arith.index_cast %add3A_911 : i32 to index
      %get3A_913 = arith.constant 0 : index
      %get3A_914 = tpu.vector_load %arg16[%get3A_912, %get3A_913] {strides = array<i32>} : memref<3200x16xf32, #tpu.memory_space<vmem>>, vector<1x16xf32>,
      %get3A_915 = vector.shape_cast %get3A_914 : vector<1x16xf32> to vector<16xf32>
      %add3A_916 = arith.addf %add3A_888, %get3A_915 : vector<16xf32>
      %add3A_917 = arith.constant 33 : i32
      %add3A_918 = arith.addi %mul3A_689, %add3A_917 : i32
      %get3A_919 = arith.index_cast %add3A_918 : i32 to index
      %get3A_920 = arith.constant 0 : index
      %get3A_921 = tpu.vector_load %arg16[%get3A_919, %get3A_920] {strides = array<i32>} : memref<3200x16xf32, #tpu.memory_space<vmem>>, vector<1x16xf32>,
      %get3A_922 = vector.shape_cast %get3A_921 : vector<1x16xf32> to vector<16xf32>
      %add3A_923 = arith.addf %add3A_895, %get3A_922 : vector<16xf32>
      %add3A_924 = arith.constant 34 : i32
      %add3A_925 = arith.addi %mul3A_689, %add3A_924 : i32
      %get3A_926 = arith.index_cast %add3A_925 : i32 to index
      %get3A_927 = arith.constant 0 : index
      %get3A_928 = tpu.vector_load %arg16[%get3A_926, %get3A_927] {strides = array<i32>} : memref<3200x16xf32, #tpu.memory_space<vmem>>, vector<1x16xf32>,
      %get3A_929 = vector.shape_cast %get3A_928 : vector<1x16xf32> to vector<16xf32>
      %add3A_930 = arith.addf %add3A_902, %get3A_929 : vector<16xf32>
      %add3A_931 = arith.constant 35 : i32
      %add3A_932 = arith.addi %mul3A_689, %add3A_931 : i32
      %get3A_933 = arith.index_cast %add3A_932 : i32 to index
      %get3A_934 = arith.constant 0 : index
      %get3A_935 = tpu.vector_load %arg16[%get3A_933, %get3A_934] {strides = array<i32>} : memref<3200x16xf32, #tpu.memory_space<vmem>>, vector<1x16xf32>,
      %get3A_936 = vector.shape_cast %get3A_935 : vector<1x16xf32> to vector<16xf32>
      %add3A_937 = arith.addf %add3A_909, %get3A_936 : vector<16xf32>
      %add3A_938 = arith.constant 36 : i32
      %add3A_939 = arith.addi %mul3A_689, %add3A_938 : i32
      %get3A_940 = arith.index_cast %add3A_939 : i32 to index
      %get3A_941 = arith.constant 0 : index
      %get3A_942 = tpu.vector_load %arg16[%get3A_940, %get3A_941] {strides = array<i32>} : memref<3200x16xf32, #tpu.memory_space<vmem>>, vector<1x16xf32>,
      %get3A_943 = vector.shape_cast %get3A_942 : vector<1x16xf32> to vector<16xf32>
      %add3A_944 = arith.addf %add3A_916, %get3A_943 : vector<16xf32>
      %add3A_945 = arith.constant 37 : i32
      %add3A_946 = arith.addi %mul3A_689, %add3A_945 : i32
      %get3A_947 = arith.index_cast %add3A_946 : i32 to index
      %get3A_948 = arith.constant 0 : index
      %get3A_949 = tpu.vector_load %arg16[%get3A_947, %get3A_948] {strides = array<i32>} : memref<3200x16xf32, #tpu.memory_space<vmem>>, vector<1x16xf32>,
      %get3A_950 = vector.shape_cast %get3A_949 : vector<1x16xf32> to vector<16xf32>
      %add3A_951 = arith.addf %add3A_923, %get3A_950 : vector<16xf32>
      %add3A_952 = arith.constant 38 : i32
      %add3A_953 = arith.addi %mul3A_689, %add3A_952 : i32
      %get3A_954 = arith.index_cast %add3A_953 : i32 to index
      %get3A_955 = arith.constant 0 : index
      %get3A_956 = tpu.vector_load %arg16[%get3A_954, %get3A_955] {strides = array<i32>} : memref<3200x16xf32, #tpu.memory_space<vmem>>, vector<1x16xf32>,
      %get3A_957 = vector.shape_cast %get3A_956 : vector<1x16xf32> to vector<16xf32>
      %add3A_958 = arith.addf %add3A_930, %get3A_957 : vector<16xf32>
      %add3A_959 = arith.constant 39 : i32
      %add3A_960 = arith.addi %mul3A_689, %add3A_959 : i32
      %get3A_961 = arith.index_cast %add3A_960 : i32 to index
      %get3A_962 = arith.constant 0 : index
      %get3A_963 = tpu.vector_load %arg16[%get3A_961, %get3A_962] {strides = array<i32>} : memref<3200x16xf32, #tpu.memory_space<vmem>>, vector<1x16xf32>,
      %get3A_964 = vector.shape_cast %get3A_963 : vector<1x16xf32> to vector<16xf32>
      %add3A_965 = arith.addf %add3A_937, %get3A_964 : vector<16xf32>
      %add3A_966 = arith.constant 40 : i32
      %add3A_967 = arith.addi %mul3A_689, %add3A_966 : i32
      %get3A_968 = arith.index_cast %add3A_967 : i32 to index
      %get3A_969 = arith.constant 0 : index
      %get3A_970 = tpu.vector_load %arg16[%get3A_968, %get3A_969] {strides = array<i32>} : memref<3200x16xf32, #tpu.memory_space<vmem>>, vector<1x16xf32>,
      %get3A_971 = vector.shape_cast %get3A_970 : vector<1x16xf32> to vector<16xf32>
      %add3A_972 = arith.addf %add3A_944, %get3A_971 : vector<16xf32>
      %add3A_973 = arith.constant 41 : i32
      %add3A_974 = arith.addi %mul3A_689, %add3A_973 : i32
      %get3A_975 = arith.index_cast %add3A_974 : i32 to index
      %get3A_976 = arith.constant 0 : index
      %get3A_977 = tpu.vector_load %arg16[%get3A_975, %get3A_976] {strides = array<i32>} : memref<3200x16xf32, #tpu.memory_space<vmem>>, vector<1x16xf32>,
      %get3A_978 = vector.shape_cast %get3A_977 : vector<1x16xf32> to vector<16xf32>
      %add3A_979 = arith.addf %add3A_951, %get3A_978 : vector<16xf32>
      %add3A_980 = arith.constant 42 : i32
      %add3A_981 = arith.addi %mul3A_689, %add3A_980 : i32
      %get3A_982 = arith.index_cast %add3A_981 : i32 to index
      %get3A_983 = arith.constant 0 : index
      %get3A_984 = tpu.vector_load %arg16[%get3A_982, %get3A_983] {strides = array<i32>} : memref<3200x16xf32, #tpu.memory_space<vmem>>, vector<1x16xf32>,
      %get3A_985 = vector.shape_cast %get3A_984 : vector<1x16xf32> to vector<16xf32>
      %add3A_986 = arith.addf %add3A_958, %get3A_985 : vector<16xf32>
      %add3A_987 = arith.constant 43 : i32
      %add3A_988 = arith.addi %mul3A_689, %add3A_987 : i32
      %get3A_989 = arith.index_cast %add3A_988 : i32 to index
      %get3A_990 = arith.constant 0 : index
      %get3A_991 = tpu.vector_load %arg16[%get3A_989, %get3A_990] {strides = array<i32>} : memref<3200x16xf32, #tpu.memory_space<vmem>>, vector<1x16xf32>,
      %get3A_992 = vector.shape_cast %get3A_991 : vector<1x16xf32> to vector<16xf32>
      %add3A_993 = arith.addf %add3A_965, %get3A_992 : vector<16xf32>
      %add3A_994 = arith.constant 44 : i32
      %add3A_995 = arith.addi %mul3A_689, %add3A_994 : i32
      %get3A_996 = arith.index_cast %add3A_995 : i32 to index
      %get3A_997 = arith.constant 0 : index
      %get3A_998 = tpu.vector_load %arg16[%get3A_996, %get3A_997] {strides = array<i32>} : memref<3200x16xf32, #tpu.memory_space<vmem>>, vector<1x16xf32>,
      %get3A_999 = vector.shape_cast %get3A_998 : vector<1x16xf32> to vector<16xf32>
      %add3A_1000 = arith.addf %add3A_972, %get3A_999 : vector<16xf32>
      %add3A_1001 = arith.constant 45 : i32
      %add3A_1002 = arith.addi %mul3A_689, %add3A_1001 : i32
      %get3A_1003 = arith.index_cast %add3A_1002 : i32 to index
      %get3A_1004 = arith.constant 0 : index
      %get3A_1005 = tpu.vector_load %arg16[%get3A_1003, %get3A_1004] {strides = array<i32>} : memref<3200x16xf32, #tpu.memory_space<vmem>>, vector<1x16xf32>,
      %get3A_1006 = vector.shape_cast %get3A_1005 : vector<1x16xf32> to vector<16xf32>
      %add3A_1007 = arith.addf %add3A_979, %get3A_1006 : vector<16xf32>
      %add3A_1008 = arith.constant 46 : i32
      %add3A_1009 = arith.addi %mul3A_689, %add3A_1008 : i32
      %get3A_1010 = arith.index_cast %add3A_1009 : i32 to index
      %get3A_1011 = arith.constant 0 : index
      %get3A_1012 = tpu.vector_load %arg16[%get3A_1010, %get3A_1011] {strides = array<i32>} : memref<3200x16xf32, #tpu.memory_space<vmem>>, vector<1x16xf32>,
      %get3A_1013 = vector.shape_cast %get3A_1012 : vector<1x16xf32> to vector<16xf32>
      %add3A_1014 = arith.addf %add3A_986, %get3A_1013 : vector<16xf32>
      %add3A_1015 = arith.constant 47 : i32
      %add3A_1016 = arith.addi %mul3A_689, %add3A_1015 : i32
      %get3A_1017 = arith.index_cast %add3A_1016 : i32 to index
      %get3A_1018 = arith.constant 0 : index
      %get3A_1019 = tpu.vector_load %arg16[%get3A_1017, %get3A_1018] {strides = array<i32>} : memref<3200x16xf32, #tpu.memory_space<vmem>>, vector<1x16xf32>,
      %get3A_1020 = vector.shape_cast %get3A_1019 : vector<1x16xf32> to vector<16xf32>
      %add3A_1021 = arith.addf %add3A_993, %get3A_1020 : vector<16xf32>
      %add3A_1022 = arith.constant 48 : i32
      %add3A_1023 = arith.addi %mul3A_689, %add3A_1022 : i32
      %get3A_1024 = arith.index_cast %add3A_1023 : i32 to index
      %get3A_1025 = arith.constant 0 : index
      %get3A_1026 = tpu.vector_load %arg16[%get3A_1024, %get3A_1025] {strides = array<i32>} : memref<3200x16xf32, #tpu.memory_space<vmem>>, vector<1x16xf32>,
      %get3A_1027 = vector.shape_cast %get3A_1026 : vector<1x16xf32> to vector<16xf32>
      %add3A_1028 = arith.addf %add3A_1000, %get3A_1027 : vector<16xf32>
      %add3A_1029 = arith.constant 49 : i32
      %add3A_1030 = arith.addi %mul3A_689, %add3A_1029 : i32
      %get3A_1031 = arith.index_cast %add3A_1030 : i32 to index
      %get3A_1032 = arith.constant 0 : index
      %get3A_1033 = tpu.vector_load %arg16[%get3A_1031, %get3A_1032] {strides = array<i32>} : memref<3200x16xf32, #tpu.memory_space<vmem>>, vector<1x16xf32>,
      %get3A_1034 = vector.shape_cast %get3A_1033 : vector<1x16xf32> to vector<16xf32>
      %add3A_1035 = arith.addf %add3A_1007, %get3A_1034 : vector<16xf32>
      %add3A_1036 = arith.addf %add3A_1028, %add3A_1035 : vector<16xf32>
      %add3A_1037 = arith.addf %add3A_1014, %add3A_1021 : vector<16xf32>
      %add3A_1038 = arith.addf %add3A_1036, %add3A_1037 : vector<16xf32>
      %get3A_1039 = arith.index_cast %scan3A_687 : i32 to index
      %get3A_1040 = arith.constant 0 : index
      %get3A_1041 = tpu.vector_load %arg14[%get3A_1039, %get3A_1040] {strides = array<i32>} : memref<64x50xi32, #tpu.memory_space<vmem>>, vector<1x16xi32>,
      %get3A_1042 = vector.shape_cast %get3A_1041 : vector<1x16xi32> to vector<16xi32>
      %get3A_1043 = arith.index_cast %scan3A_687 : i32 to index
      %get3A_1044 = arith.constant 16 : index
      %get3A_1045 = tpu.vector_load %arg14[%get3A_1043, %get3A_1044] {strides = array<i32>} : memref<64x50xi32, #tpu.memory_space<vmem>>, vector<1x16xi32>,
      %get3A_1046 = vector.shape_cast %get3A_1045 : vector<1x16xi32> to vector<16xi32>
      %get3A_1047 = arith.index_cast %scan3A_687 : i32 to index
      %get3A_1048 = arith.constant 32 : index
      %get3A_1049 = tpu.vector_load %arg14[%get3A_1047, %get3A_1048] {strides = array<i32>} : memref<64x50xi32, #tpu.memory_space<vmem>>, vector<1x16xi32>,
      %get3A_1050 = vector.shape_cast %get3A_1049 : vector<1x16xi32> to vector<16xi32>
      %get3A_1051 = arith.index_cast %scan3A_687 : i32 to index
      %get3A_1052 = arith.constant 34 : index
      %get3A_1053 = tpu.vector_load %arg14[%get3A_1051, %get3A_1052] {strides = array<i32>} : memref<64x50xi32, #tpu.memory_space<vmem>>, vector<1x16xi32>,
      %get3A_1054 = vector.shape_cast %get3A_1053 : vector<1x16xi32> to vector<16xi32>
      %eq3A = arith.constant 0 : i32
      %eq3A_1055 = vector.broadcast %eq3A : i32 to vector<16xi32>
      %eq3A_1056 = arith.cmpi eq, %get3A_1042, %eq3A_1055 : vector<16xi32>
      %jit3A = arith.constant 1.000000e+00 : f32
      %jit3A_1057 = arith.constant 0.000000e+00 : f32
      %broadcast_in_dim3A = vector.broadcast %jit3A : f32 to vector<16xf32>
      %broadcast_in_dim3A_1058 = vector.broadcast %jit3A_1057 : f32 to vector<16xf32>
      %select_n3A = arith.select %eq3A_1056, %broadcast_in_dim3A, %broadcast_in_dim3A_1058 : vector<16xi1>, vector<16xf32>
      %eq3A_1059 = arith.constant 0 : i32
      %eq3A_1060 = vector.broadcast %eq3A_1059 : i32 to vector<16xi32>
      %eq3A_1061 = arith.cmpi eq, %get3A_1046, %eq3A_1060 : vector<16xi32>
      %jit3A_1062 = arith.constant 1.000000e+00 : f32
      %jit3A_1063 = arith.constant 0.000000e+00 : f32
      %broadcast_in_dim3A_1064 = vector.broadcast %jit3A_1062 : f32 to vector<16xf32>
      %broadcast_in_dim3A_1065 = vector.broadcast %jit3A_1063 : f32 to vector<16xf32>
      %select_n3A_1066 = arith.select %eq3A_1061, %broadcast_in_dim3A_1064, %broadcast_in_dim3A_1065 : vector<16xi1>, vector<16xf32>
      %add3A_1067 = arith.addf %select_n3A, %select_n3A_1066 : vector<16xf32>
      %eq3A_1068 = arith.constant 0 : i32
      %eq3A_1069 = vector.broadcast %eq3A_1068 : i32 to vector<16xi32>
      %eq3A_1070 = arith.cmpi eq, %get3A_1050, %eq3A_1069 : vector<16xi32>
      %jit3A_1071 = arith.constant 1.000000e+00 : f32
      %jit3A_1072 = arith.constant 0.000000e+00 : f32
      %broadcast_in_dim3A_1073 = vector.broadcast %jit3A_1071 : f32 to vector<16xf32>
      %broadcast_in_dim3A_1074 = vector.broadcast %jit3A_1072 : f32 to vector<16xf32>
      %select_n3A_1075 = arith.select %eq3A_1070, %broadcast_in_dim3A_1073, %broadcast_in_dim3A_1074 : vector<16xi1>, vector<16xf32>
      %add3A_1076 = arith.addf %add3A_1067, %select_n3A_1075 : vector<16xf32>
      %eq3A_1077 = arith.constant 0 : i32
      %eq3A_1078 = vector.broadcast %eq3A_1077 : i32 to vector<16xi32>
      %eq3A_1079 = arith.cmpi eq, %get3A_1054, %eq3A_1078 : vector<16xi32>
      %ge3A = arith.constant 14 : i32
      %ge3A_1080 = vector.broadcast %ge3A : i32 to vector<16xi32>
      %ge3A_1081 = arith.cmpi sge, %iota3A, %ge3A_1080 : vector<16xi32>
      %and3A = arith.andi %eq3A_1079, %ge3A_1081 : vector<16xi1>
      %jit3A_1082 = arith.constant 1.000000e+00 : f32
      %jit3A_1083 = arith.constant 0.000000e+00 : f32
      %broadcast_in_dim3A_1084 = vector.broadcast %jit3A_1082 : f32 to vector<16xf32>
      %broadcast_in_dim3A_1085 = vector.broadcast %jit3A_1083 : f32 to vector<16xf32>
      %select_n3A_1086 = arith.select %and3A, %broadcast_in_dim3A_1084, %broadcast_in_dim3A_1085 : vector<16xi1>, vector<16xf32>
      %add3A_1087 = arith.addf %add3A_1076, %select_n3A_1086 : vector<16xf32>
      %add3A_1088 = arith.constant 8 : i32
      %add3A_1089 = vector.broadcast %add3A_1088 : i32 to vector<16xi32>
      %add3A_1090 = arith.addi %iota3A, %add3A_1089 : vector<16xi32>
      %and3A_1091 = arith.constant 15 : i32
      %and3A_1092 = vector.broadcast %and3A_1091 : i32 to vector<16xi32>
      %and3A_1093 = arith.andi %add3A_1090, %and3A_1092 : vector<16xi32>
      %lt3A = arith.constant 0 : i32
      %lt3A_1094 = vector.broadcast %lt3A : i32 to vector<16xi32>
      %lt3A_1095 = arith.cmpi slt, %and3A_1093, %lt3A_1094 : vector<16xi32>
      %add3A_1096 = arith.constant 16 : i32
      %add3A_1097 = vector.broadcast %add3A_1096 : i32 to vector<16xi32>
      %add3A_1098 = arith.addi %and3A_1093, %add3A_1097 : vector<16xi32>
      %select_n3A_1099 = arith.select %lt3A_1095, %add3A_1098, %and3A_1093 : vector<16xi1>, vector<16xi32>
      %broadcast_in_dim3A_1100 = vector.shape_cast %select_n3A_1099 : vector<16xi32> to vector<16x1xi32>
      %gather3A = vector.shape_cast %broadcast_in_dim3A_1100 : vector<16x1xi32> to vector<16xi32>
      %gather3A_1101 = tpu.dynamic_gather %add3A_1087[%gather3A] in [0] : vector<16xf32>, vector<16xi32> -> vector<16xf32>
      %add3A_1102 = arith.addf %add3A_1087, %gather3A_1101 : vector<16xf32>
      %add3A_1103 = arith.constant 4 : i32
      %add3A_1104 = vector.broadcast %add3A_1103 : i32 to vector<16xi32>
      %add3A_1105 = arith.addi %iota3A, %add3A_1104 : vector<16xi32>
      %and3A_1106 = arith.constant 15 : i32
      %and3A_1107 = vector.broadcast %and3A_1106 : i32 to vector<16xi32>
      %and3A_1108 = arith.andi %add3A_1105, %and3A_1107 : vector<16xi32>
      %lt3A_1109 = arith.constant 0 : i32
      %lt3A_1110 = vector.broadcast %lt3A_1109 : i32 to vector<16xi32>
      %lt3A_1111 = arith.cmpi slt, %and3A_1108, %lt3A_1110 : vector<16xi32>
      %add3A_1112 = arith.constant 16 : i32
      %add3A_1113 = vector.broadcast %add3A_1112 : i32 to vector<16xi32>
      %add3A_1114 = arith.addi %and3A_1108, %add3A_1113 : vector<16xi32>
      %select_n3A_1115 = arith.select %lt3A_1111, %add3A_1114, %and3A_1108 : vector<16xi1>, vector<16xi32>
      %broadcast_in_dim3A_1116 = vector.shape_cast %select_n3A_1115 : vector<16xi32> to vector<16x1xi32>
      %gather3A_1117 = vector.shape_cast %broadcast_in_dim3A_1116 : vector<16x1xi32> to vector<16xi32>
      %gather3A_1118 = tpu.dynamic_gather %add3A_1102[%gather3A_1117] in [0] : vector<16xf32>, vector<16xi32> -> vector<16xf32>
      %add3A_1119 = arith.addf %add3A_1102, %gather3A_1118 : vector<16xf32>
      %add3A_1120 = arith.constant 2 : i32
      %add3A_1121 = vector.broadcast %add3A_1120 : i32 to vector<16xi32>
      %add3A_1122 = arith.addi %iota3A, %add3A_1121 : vector<16xi32>
      %and3A_1123 = arith.constant 15 : i32
      %and3A_1124 = vector.broadcast %and3A_1123 : i32 to vector<16xi32>
      %and3A_1125 = arith.andi %add3A_1122, %and3A_1124 : vector<16xi32>
      %lt3A_1126 = arith.constant 0 : i32
      %lt3A_1127 = vector.broadcast %lt3A_1126 : i32 to vector<16xi32>
      %lt3A_1128 = arith.cmpi slt, %and3A_1125, %lt3A_1127 : vector<16xi32>
      %add3A_1129 = arith.constant 16 : i32
      %add3A_1130 = vector.broadcast %add3A_1129 : i32 to vector<16xi32>
      %add3A_1131 = arith.addi %and3A_1125, %add3A_1130 : vector<16xi32>
      %select_n3A_1132 = arith.select %lt3A_1128, %add3A_1131, %and3A_1125 : vector<16xi1>, vector<16xi32>
      %broadcast_in_dim3A_1133 = vector.shape_cast %select_n3A_1132 : vector<16xi32> to vector<16x1xi32>
      %gather3A_1134 = vector.shape_cast %broadcast_in_dim3A_1133 : vector<16x1xi32> to vector<16xi32>
      %gather3A_1135 = tpu.dynamic_gather %add3A_1119[%gather3A_1134] in [0] : vector<16xf32>, vector<16xi32> -> vector<16xf32>
      %add3A_1136 = arith.addf %add3A_1119, %gather3A_1135 : vector<16xf32>
      %add3A_1137 = arith.constant 1 : i32
      %add3A_1138 = vector.broadcast %add3A_1137 : i32 to vector<16xi32>
      %add3A_1139 = arith.addi %iota3A, %add3A_1138 : vector<16xi32>
      %and3A_1140 = arith.constant 15 : i32
      %and3A_1141 = vector.broadcast %and3A_1140 : i32 to vector<16xi32>
      %and3A_1142 = arith.andi %add3A_1139, %and3A_1141 : vector<16xi32>
      %lt3A_1143 = arith.constant 0 : i32
      %lt3A_1144 = vector.broadcast %lt3A_1143 : i32 to vector<16xi32>
      %lt3A_1145 = arith.cmpi slt, %and3A_1142, %lt3A_1144 : vector<16xi32>
      %add3A_1146 = arith.constant 16 : i32
      %add3A_1147 = vector.broadcast %add3A_1146 : i32 to vector<16xi32>
      %add3A_1148 = arith.addi %and3A_1142, %add3A_1147 : vector<16xi32>
      %select_n3A_1149 = arith.select %lt3A_1145, %add3A_1148, %and3A_1142 : vector<16xi1>, vector<16xi32>
      %broadcast_in_dim3A_1150 = vector.shape_cast %select_n3A_1149 : vector<16xi32> to vector<16x1xi32>
      %gather3A_1151 = vector.shape_cast %broadcast_in_dim3A_1150 : vector<16x1xi32> to vector<16xi32>
      %gather3A_1152 = tpu.dynamic_gather %add3A_1136[%gather3A_1151] in [0] : vector<16xf32>, vector<16xi32> -> vector<16xf32>
      %add3A_1153 = arith.addf %add3A_1136, %gather3A_1152 : vector<16xf32>
      %sub3A_1154 = arith.constant 5.000000e+01 : f32
      %sub3A_1155 = vector.broadcast %sub3A_1154 : f32 to vector<16xf32>
      %sub3A_1156 = arith.subf %sub3A_1155, %add3A_1153 : vector<16xf32>
      %max3A = arith.constant 9.99999971E-10 : f32
      %max3A_1157 = vector.broadcast %max3A : f32 to vector<16xf32>
      %max3A_1158 = arith.maximumf %sub3A_1156, %max3A_1157 : vector<16xf32>
      %mul3A_1159 = arith.mulf %add3A_1153, %get3A_4 : vector<16xf32>
      %sub3A_1160 = arith.subf %add3A_1038, %mul3A_1159 : vector<16xf32>
      %div3A_1161 = arith.divf %sub3A_1160, %max3A_1158 : vector<16xf32>
      %add3A_1162 = arith.constant 64 : i32
      %add3A_1163 = arith.addi %add3A_1162, %scan3A_687 : i32
      %swap3A_1164 = arith.index_cast %add3A_1163 : i32 to index
      %swap3A_1165 = arith.constant 0 : index
      %swap3A_1166 = tpu.vector_load %arg18[%swap3A_1164, %swap3A_1165] {strides = array<i32>} : memref<512x16xf32, #tpu.memory_space<vmem>>, vector<1x16xf32>,
      %swap3A_1167 = vector.shape_cast %swap3A_1166 : vector<1x16xf32> to vector<16xf32>
      %swap3A_1168 = vector.shape_cast %div3A_1161 : vector<16xf32> to vector<1x16xf32>
      tpu.vector_store %arg18[%swap3A_1164, %swap3A_1165], %swap3A_1168 {strides = array<i32>} : memref<512x16xf32, #tpu.memory_space<vmem>>, vector<1x16xf32>,
    }
    %scan3A_553 = arith.constant 64 : i32
    %add3A_554 = arith.constant 192 : i32
    %add3A_555 = arith.addi %mul3A_2, %add3A_554 : i32
    %mul3A_556 = arith.constant 50 : i32
    %mul3A_557 = arith.muli %add3A_555, %mul3A_556 : i32
    "tpu.region"() ({
      %run_scoped3A_687 = tpu.sem_alloc : memref<!tpu.dma_semaphore, #tpu.memory_space<semaphore_mem>>
      %dma_start3A_688 = tpu.memref_slice %arg4[%mul3A_557] : memref<819200xi32, #tpu.memory_space<hbm>> -> memref<3200xi32, #tpu.memory_space<hbm>>
      %dma_start3A_689 = tpu.memref_slice %arg4[%mul3A_557] : memref<819200xi32, #tpu.memory_space<hbm>> -> memref<3200xi32, #tpu.memory_space<hbm>>
      tpu.enqueue_dma source(%dma_start3A_689 : memref<3200xi32, #tpu.memory_space<hbm>>) target(%arg12 : memref<3200xi32, #tpu.memory_space<vmem>>) target_semaphore(%run_scoped3A_687 : memref<!tpu.dma_semaphore, #tpu.memory_space<semaphore_mem>>)
      %dma_wait3A_690 = tpu.memref_slice %arg4[%mul3A_557] : memref<819200xi32, #tpu.memory_space<hbm>> -> memref<3200xi32, #tpu.memory_space<hbm>>
      %dma_wait3A_691 = tpu.memref_slice %arg4[%mul3A_557] : memref<819200xi32, #tpu.memory_space<hbm>> -> memref<3200xi32, #tpu.memory_space<hbm>>
      tpu.wait_dma2 semaphore(%run_scoped3A_687 : memref<!tpu.dma_semaphore, #tpu.memory_space<semaphore_mem>>) src(%dma_wait3A_691 : memref<3200xi32, #tpu.memory_space<hbm>>) dst(%arg12 : memref<3200xi32, #tpu.memory_space<vmem>>)
      tpu.yield
    }) : () -> ()
    %dma_start3A_558 = arith.constant 0 : i32
    %dma_start3A_559 = tpu.memref_slice %arg5[%add3A_555, %dma_start3A_558] : memref<16384x50xi32, #tpu.memory_space<hbm>> -> memref<64x50xi32, #tpu.memory_space<hbm>>
    %dma_start3A_560 = arith.constant 0 : i32
    %dma_start3A_561 = tpu.memref_slice %arg5[%add3A_555, %dma_start3A_560] : memref<16384x50xi32, #tpu.memory_space<hbm>> -> memref<64x50xi32, #tpu.memory_space<hbm>>
    tpu.enqueue_dma source(%dma_start3A_561 : memref<64x50xi32, #tpu.memory_space<hbm>>) target(%arg14 : memref<64x50xi32, #tpu.memory_space<vmem>>) target_semaphore(%arg21 : memref<!tpu.dma_semaphore, #tpu.memory_space<semaphore_mem>>)
    %dma_start3A_562 = arith.constant 0 : i32
    %dma_start3A_563 = arith.constant 0 : i32
    %dma_start3A_564 = tpu.memref_slice %arg7[%dma_start3A_562, %dma_start3A_563] : memref<1000001x16xf32, #tpu.memory_space<hbm>> -> memref<1000001x16xf32, #tpu.memory_space<hbm>>
    tpu.enqueue_indirect_dma source(%dma_start3A_564 : memref<1000001x16xf32, #tpu.memory_space<hbm>>) target(%arg16 : memref<3200x16xf32, #tpu.memory_space<vmem>>) offsets(%arg12 : memref<3200xi32, #tpu.memory_space<vmem>>) semaphore(%arg21 : memref<!tpu.dma_semaphore, #tpu.memory_space<semaphore_mem>>)
    %dma_wait3A_565 = arith.constant 0 : i32
    %dma_wait3A_566 = tpu.memref_slice %arg5[%add3A_531, %dma_wait3A_565] : memref<16384x50xi32, #tpu.memory_space<hbm>> -> memref<64x50xi32, #tpu.memory_space<hbm>>
    %dma_wait3A_567 = arith.constant 0 : i32
    %dma_wait3A_568 = tpu.memref_slice %arg5[%add3A_531, %dma_wait3A_567] : memref<16384x50xi32, #tpu.memory_space<hbm>> -> memref<64x50xi32, #tpu.memory_space<hbm>>
    tpu.wait_dma2 semaphore(%arg20 : memref<!tpu.dma_semaphore, #tpu.memory_space<semaphore_mem>>) src(%dma_wait3A_568 : memref<64x50xi32, #tpu.memory_space<hbm>>) dst(%arg13 : memref<64x50xi32, #tpu.memory_space<vmem>>)
    %dma_wait3A_569 = arith.constant 0 : i32
    %dma_wait3A_570 = arith.constant 0 : i32
    %dma_wait3A_571 = tpu.memref_slice %arg7[%dma_wait3A_569, %dma_wait3A_570] : memref<1000001x16xf32, #tpu.memory_space<hbm>> -> memref<1000001x16xf32, #tpu.memory_space<hbm>>
    tpu.wait_indirect_dma semaphore(%arg20 : memref<!tpu.dma_semaphore, #tpu.memory_space<semaphore_mem>>) src(%dma_wait3A_571 : memref<1000001x16xf32, #tpu.memory_space<hbm>>) dst(%arg15 : memref<3200x16xf32, #tpu.memory_space<vmem>>)
    %scan3A_572 = arith.constant 0 : i32
    %scan3A_573 = arith.constant 0 : i32
    %scan3A_574 = arith.constant 64 : i32
    %scan3A_575 = arith.addi %scan3A_573, %scan3A_574 : i32
    %scan3A_576 = arith.constant 1 : i32
    scf.for %scan3A_687 = %scan3A_573 to %scan3A_575 step %scan3A_576  : i32 {
      %mul3A_688 = arith.constant 50 : i32
      %mul3A_689 = arith.muli %scan3A_687, %mul3A_688 : i32
      %add3A_690 = arith.constant 0 : i32
      %add3A_691 = arith.addi %mul3A_689, %add3A_690 : i32
      %get3A_692 = arith.index_cast %add3A_691 : i32 to index
      %get3A_693 = arith.constant 0 : index
      %get3A_694 = tpu.vector_load %arg15[%get3A_692, %get3A_693] {strides = array<i32>} : memref<3200x16xf32, #tpu.memory_space<vmem>>, vector<1x16xf32>,
      %get3A_695 = vector.shape_cast %get3A_694 : vector<1x16xf32> to vector<16xf32>
      %add3A_696 = arith.constant 1 : i32
      %add3A_697 = arith.addi %mul3A_689, %add3A_696 : i32
      %get3A_698 = arith.index_cast %add3A_697 : i32 to index
      %get3A_699 = arith.constant 0 : index
      %get3A_700 = tpu.vector_load %arg15[%get3A_698, %get3A_699] {strides = array<i32>} : memref<3200x16xf32, #tpu.memory_space<vmem>>, vector<1x16xf32>,
      %get3A_701 = vector.shape_cast %get3A_700 : vector<1x16xf32> to vector<16xf32>
      %add3A_702 = arith.constant 2 : i32
      %add3A_703 = arith.addi %mul3A_689, %add3A_702 : i32
      %get3A_704 = arith.index_cast %add3A_703 : i32 to index
      %get3A_705 = arith.constant 0 : index
      %get3A_706 = tpu.vector_load %arg15[%get3A_704, %get3A_705] {strides = array<i32>} : memref<3200x16xf32, #tpu.memory_space<vmem>>, vector<1x16xf32>,
      %get3A_707 = vector.shape_cast %get3A_706 : vector<1x16xf32> to vector<16xf32>
      %add3A_708 = arith.constant 3 : i32
      %add3A_709 = arith.addi %mul3A_689, %add3A_708 : i32
      %get3A_710 = arith.index_cast %add3A_709 : i32 to index
      %get3A_711 = arith.constant 0 : index
      %get3A_712 = tpu.vector_load %arg15[%get3A_710, %get3A_711] {strides = array<i32>} : memref<3200x16xf32, #tpu.memory_space<vmem>>, vector<1x16xf32>,
      %get3A_713 = vector.shape_cast %get3A_712 : vector<1x16xf32> to vector<16xf32>
      %add3A_714 = arith.constant 4 : i32
      %add3A_715 = arith.addi %mul3A_689, %add3A_714 : i32
      %get3A_716 = arith.index_cast %add3A_715 : i32 to index
      %get3A_717 = arith.constant 0 : index
      %get3A_718 = tpu.vector_load %arg15[%get3A_716, %get3A_717] {strides = array<i32>} : memref<3200x16xf32, #tpu.memory_space<vmem>>, vector<1x16xf32>,
      %get3A_719 = vector.shape_cast %get3A_718 : vector<1x16xf32> to vector<16xf32>
      %add3A_720 = arith.addf %get3A_695, %get3A_719 : vector<16xf32>
      %add3A_721 = arith.constant 5 : i32
      %add3A_722 = arith.addi %mul3A_689, %add3A_721 : i32
      %get3A_723 = arith.index_cast %add3A_722 : i32 to index
      %get3A_724 = arith.constant 0 : index
      %get3A_725 = tpu.vector_load %arg15[%get3A_723, %get3A_724] {strides = array<i32>} : memref<3200x16xf32, #tpu.memory_space<vmem>>, vector<1x16xf32>,
      %get3A_726 = vector.shape_cast %get3A_725 : vector<1x16xf32> to vector<16xf32>
      %add3A_727 = arith.addf %get3A_701, %get3A_726 : vector<16xf32>
      %add3A_728 = arith.constant 6 : i32
      %add3A_729 = arith.addi %mul3A_689, %add3A_728 : i32
      %get3A_730 = arith.index_cast %add3A_729 : i32 to index
      %get3A_731 = arith.constant 0 : index
      %get3A_732 = tpu.vector_load %arg15[%get3A_730, %get3A_731] {strides = array<i32>} : memref<3200x16xf32, #tpu.memory_space<vmem>>, vector<1x16xf32>,
      %get3A_733 = vector.shape_cast %get3A_732 : vector<1x16xf32> to vector<16xf32>
      %add3A_734 = arith.addf %get3A_707, %get3A_733 : vector<16xf32>
      %add3A_735 = arith.constant 7 : i32
      %add3A_736 = arith.addi %mul3A_689, %add3A_735 : i32
      %get3A_737 = arith.index_cast %add3A_736 : i32 to index
      %get3A_738 = arith.constant 0 : index
      %get3A_739 = tpu.vector_load %arg15[%get3A_737, %get3A_738] {strides = array<i32>} : memref<3200x16xf32, #tpu.memory_space<vmem>>, vector<1x16xf32>,
      %get3A_740 = vector.shape_cast %get3A_739 : vector<1x16xf32> to vector<16xf32>
      %add3A_741 = arith.addf %get3A_713, %get3A_740 : vector<16xf32>
      %add3A_742 = arith.constant 8 : i32
      %add3A_743 = arith.addi %mul3A_689, %add3A_742 : i32
      %get3A_744 = arith.index_cast %add3A_743 : i32 to index
      %get3A_745 = arith.constant 0 : index
      %get3A_746 = tpu.vector_load %arg15[%get3A_744, %get3A_745] {strides = array<i32>} : memref<3200x16xf32, #tpu.memory_space<vmem>>, vector<1x16xf32>,
      %get3A_747 = vector.shape_cast %get3A_746 : vector<1x16xf32> to vector<16xf32>
      %add3A_748 = arith.addf %add3A_720, %get3A_747 : vector<16xf32>
      %add3A_749 = arith.constant 9 : i32
      %add3A_750 = arith.addi %mul3A_689, %add3A_749 : i32
      %get3A_751 = arith.index_cast %add3A_750 : i32 to index
      %get3A_752 = arith.constant 0 : index
      %get3A_753 = tpu.vector_load %arg15[%get3A_751, %get3A_752] {strides = array<i32>} : memref<3200x16xf32, #tpu.memory_space<vmem>>, vector<1x16xf32>,
      %get3A_754 = vector.shape_cast %get3A_753 : vector<1x16xf32> to vector<16xf32>
      %add3A_755 = arith.addf %add3A_727, %get3A_754 : vector<16xf32>
      %add3A_756 = arith.constant 10 : i32
      %add3A_757 = arith.addi %mul3A_689, %add3A_756 : i32
      %get3A_758 = arith.index_cast %add3A_757 : i32 to index
      %get3A_759 = arith.constant 0 : index
      %get3A_760 = tpu.vector_load %arg15[%get3A_758, %get3A_759] {strides = array<i32>} : memref<3200x16xf32, #tpu.memory_space<vmem>>, vector<1x16xf32>,
      %get3A_761 = vector.shape_cast %get3A_760 : vector<1x16xf32> to vector<16xf32>
      %add3A_762 = arith.addf %add3A_734, %get3A_761 : vector<16xf32>
      %add3A_763 = arith.constant 11 : i32
      %add3A_764 = arith.addi %mul3A_689, %add3A_763 : i32
      %get3A_765 = arith.index_cast %add3A_764 : i32 to index
      %get3A_766 = arith.constant 0 : index
      %get3A_767 = tpu.vector_load %arg15[%get3A_765, %get3A_766] {strides = array<i32>} : memref<3200x16xf32, #tpu.memory_space<vmem>>, vector<1x16xf32>,
      %get3A_768 = vector.shape_cast %get3A_767 : vector<1x16xf32> to vector<16xf32>
      %add3A_769 = arith.addf %add3A_741, %get3A_768 : vector<16xf32>
      %add3A_770 = arith.constant 12 : i32
      %add3A_771 = arith.addi %mul3A_689, %add3A_770 : i32
      %get3A_772 = arith.index_cast %add3A_771 : i32 to index
      %get3A_773 = arith.constant 0 : index
      %get3A_774 = tpu.vector_load %arg15[%get3A_772, %get3A_773] {strides = array<i32>} : memref<3200x16xf32, #tpu.memory_space<vmem>>, vector<1x16xf32>,
      %get3A_775 = vector.shape_cast %get3A_774 : vector<1x16xf32> to vector<16xf32>
      %add3A_776 = arith.addf %add3A_748, %get3A_775 : vector<16xf32>
      %add3A_777 = arith.constant 13 : i32
      %add3A_778 = arith.addi %mul3A_689, %add3A_777 : i32
      %get3A_779 = arith.index_cast %add3A_778 : i32 to index
      %get3A_780 = arith.constant 0 : index
      %get3A_781 = tpu.vector_load %arg15[%get3A_779, %get3A_780] {strides = array<i32>} : memref<3200x16xf32, #tpu.memory_space<vmem>>, vector<1x16xf32>,
      %get3A_782 = vector.shape_cast %get3A_781 : vector<1x16xf32> to vector<16xf32>
      %add3A_783 = arith.addf %add3A_755, %get3A_782 : vector<16xf32>
      %add3A_784 = arith.constant 14 : i32
      %add3A_785 = arith.addi %mul3A_689, %add3A_784 : i32
      %get3A_786 = arith.index_cast %add3A_785 : i32 to index
      %get3A_787 = arith.constant 0 : index
      %get3A_788 = tpu.vector_load %arg15[%get3A_786, %get3A_787] {strides = array<i32>} : memref<3200x16xf32, #tpu.memory_space<vmem>>, vector<1x16xf32>,
      %get3A_789 = vector.shape_cast %get3A_788 : vector<1x16xf32> to vector<16xf32>
      %add3A_790 = arith.addf %add3A_762, %get3A_789 : vector<16xf32>
      %add3A_791 = arith.constant 15 : i32
      %add3A_792 = arith.addi %mul3A_689, %add3A_791 : i32
      %get3A_793 = arith.index_cast %add3A_792 : i32 to index
      %get3A_794 = arith.constant 0 : index
      %get3A_795 = tpu.vector_load %arg15[%get3A_793, %get3A_794] {strides = array<i32>} : memref<3200x16xf32, #tpu.memory_space<vmem>>, vector<1x16xf32>,
      %get3A_796 = vector.shape_cast %get3A_795 : vector<1x16xf32> to vector<16xf32>
      %add3A_797 = arith.addf %add3A_769, %get3A_796 : vector<16xf32>
      %add3A_798 = arith.constant 16 : i32
      %add3A_799 = arith.addi %mul3A_689, %add3A_798 : i32
      %get3A_800 = arith.index_cast %add3A_799 : i32 to index
      %get3A_801 = arith.constant 0 : index
      %get3A_802 = tpu.vector_load %arg15[%get3A_800, %get3A_801] {strides = array<i32>} : memref<3200x16xf32, #tpu.memory_space<vmem>>, vector<1x16xf32>,
      %get3A_803 = vector.shape_cast %get3A_802 : vector<1x16xf32> to vector<16xf32>
      %add3A_804 = arith.addf %add3A_776, %get3A_803 : vector<16xf32>
      %add3A_805 = arith.constant 17 : i32
      %add3A_806 = arith.addi %mul3A_689, %add3A_805 : i32
      %get3A_807 = arith.index_cast %add3A_806 : i32 to index
      %get3A_808 = arith.constant 0 : index
      %get3A_809 = tpu.vector_load %arg15[%get3A_807, %get3A_808] {strides = array<i32>} : memref<3200x16xf32, #tpu.memory_space<vmem>>, vector<1x16xf32>,
      %get3A_810 = vector.shape_cast %get3A_809 : vector<1x16xf32> to vector<16xf32>
      %add3A_811 = arith.addf %add3A_783, %get3A_810 : vector<16xf32>
      %add3A_812 = arith.constant 18 : i32
      %add3A_813 = arith.addi %mul3A_689, %add3A_812 : i32
      %get3A_814 = arith.index_cast %add3A_813 : i32 to index
      %get3A_815 = arith.constant 0 : index
      %get3A_816 = tpu.vector_load %arg15[%get3A_814, %get3A_815] {strides = array<i32>} : memref<3200x16xf32, #tpu.memory_space<vmem>>, vector<1x16xf32>,
      %get3A_817 = vector.shape_cast %get3A_816 : vector<1x16xf32> to vector<16xf32>
      %add3A_818 = arith.addf %add3A_790, %get3A_817 : vector<16xf32>
      %add3A_819 = arith.constant 19 : i32
      %add3A_820 = arith.addi %mul3A_689, %add3A_819 : i32
      %get3A_821 = arith.index_cast %add3A_820 : i32 to index
      %get3A_822 = arith.constant 0 : index
      %get3A_823 = tpu.vector_load %arg15[%get3A_821, %get3A_822] {strides = array<i32>} : memref<3200x16xf32, #tpu.memory_space<vmem>>, vector<1x16xf32>,
      %get3A_824 = vector.shape_cast %get3A_823 : vector<1x16xf32> to vector<16xf32>
      %add3A_825 = arith.addf %add3A_797, %get3A_824 : vector<16xf32>
      %add3A_826 = arith.constant 20 : i32
      %add3A_827 = arith.addi %mul3A_689, %add3A_826 : i32
      %get3A_828 = arith.index_cast %add3A_827 : i32 to index
      %get3A_829 = arith.constant 0 : index
      %get3A_830 = tpu.vector_load %arg15[%get3A_828, %get3A_829] {strides = array<i32>} : memref<3200x16xf32, #tpu.memory_space<vmem>>, vector<1x16xf32>,
      %get3A_831 = vector.shape_cast %get3A_830 : vector<1x16xf32> to vector<16xf32>
      %add3A_832 = arith.addf %add3A_804, %get3A_831 : vector<16xf32>
      %add3A_833 = arith.constant 21 : i32
      %add3A_834 = arith.addi %mul3A_689, %add3A_833 : i32
      %get3A_835 = arith.index_cast %add3A_834 : i32 to index
      %get3A_836 = arith.constant 0 : index
      %get3A_837 = tpu.vector_load %arg15[%get3A_835, %get3A_836] {strides = array<i32>} : memref<3200x16xf32, #tpu.memory_space<vmem>>, vector<1x16xf32>,
      %get3A_838 = vector.shape_cast %get3A_837 : vector<1x16xf32> to vector<16xf32>
      %add3A_839 = arith.addf %add3A_811, %get3A_838 : vector<16xf32>
      %add3A_840 = arith.constant 22 : i32
      %add3A_841 = arith.addi %mul3A_689, %add3A_840 : i32
      %get3A_842 = arith.index_cast %add3A_841 : i32 to index
      %get3A_843 = arith.constant 0 : index
      %get3A_844 = tpu.vector_load %arg15[%get3A_842, %get3A_843] {strides = array<i32>} : memref<3200x16xf32, #tpu.memory_space<vmem>>, vector<1x16xf32>,
      %get3A_845 = vector.shape_cast %get3A_844 : vector<1x16xf32> to vector<16xf32>
      %add3A_846 = arith.addf %add3A_818, %get3A_845 : vector<16xf32>
      %add3A_847 = arith.constant 23 : i32
      %add3A_848 = arith.addi %mul3A_689, %add3A_847 : i32
      %get3A_849 = arith.index_cast %add3A_848 : i32 to index
      %get3A_850 = arith.constant 0 : index
      %get3A_851 = tpu.vector_load %arg15[%get3A_849, %get3A_850] {strides = array<i32>} : memref<3200x16xf32, #tpu.memory_space<vmem>>, vector<1x16xf32>,
      %get3A_852 = vector.shape_cast %get3A_851 : vector<1x16xf32> to vector<16xf32>
      %add3A_853 = arith.addf %add3A_825, %get3A_852 : vector<16xf32>
      %add3A_854 = arith.constant 24 : i32
      %add3A_855 = arith.addi %mul3A_689, %add3A_854 : i32
      %get3A_856 = arith.index_cast %add3A_855 : i32 to index
      %get3A_857 = arith.constant 0 : index
      %get3A_858 = tpu.vector_load %arg15[%get3A_856, %get3A_857] {strides = array<i32>} : memref<3200x16xf32, #tpu.memory_space<vmem>>, vector<1x16xf32>,
      %get3A_859 = vector.shape_cast %get3A_858 : vector<1x16xf32> to vector<16xf32>
      %add3A_860 = arith.addf %add3A_832, %get3A_859 : vector<16xf32>
      %add3A_861 = arith.constant 25 : i32
      %add3A_862 = arith.addi %mul3A_689, %add3A_861 : i32
      %get3A_863 = arith.index_cast %add3A_862 : i32 to index
      %get3A_864 = arith.constant 0 : index
      %get3A_865 = tpu.vector_load %arg15[%get3A_863, %get3A_864] {strides = array<i32>} : memref<3200x16xf32, #tpu.memory_space<vmem>>, vector<1x16xf32>,
      %get3A_866 = vector.shape_cast %get3A_865 : vector<1x16xf32> to vector<16xf32>
      %add3A_867 = arith.addf %add3A_839, %get3A_866 : vector<16xf32>
      %add3A_868 = arith.constant 26 : i32
      %add3A_869 = arith.addi %mul3A_689, %add3A_868 : i32
      %get3A_870 = arith.index_cast %add3A_869 : i32 to index
      %get3A_871 = arith.constant 0 : index
      %get3A_872 = tpu.vector_load %arg15[%get3A_870, %get3A_871] {strides = array<i32>} : memref<3200x16xf32, #tpu.memory_space<vmem>>, vector<1x16xf32>,
      %get3A_873 = vector.shape_cast %get3A_872 : vector<1x16xf32> to vector<16xf32>
      %add3A_874 = arith.addf %add3A_846, %get3A_873 : vector<16xf32>
      %add3A_875 = arith.constant 27 : i32
      %add3A_876 = arith.addi %mul3A_689, %add3A_875 : i32
      %get3A_877 = arith.index_cast %add3A_876 : i32 to index
      %get3A_878 = arith.constant 0 : index
      %get3A_879 = tpu.vector_load %arg15[%get3A_877, %get3A_878] {strides = array<i32>} : memref<3200x16xf32, #tpu.memory_space<vmem>>, vector<1x16xf32>,
      %get3A_880 = vector.shape_cast %get3A_879 : vector<1x16xf32> to vector<16xf32>
      %add3A_881 = arith.addf %add3A_853, %get3A_880 : vector<16xf32>
      %add3A_882 = arith.constant 28 : i32
      %add3A_883 = arith.addi %mul3A_689, %add3A_882 : i32
      %get3A_884 = arith.index_cast %add3A_883 : i32 to index
      %get3A_885 = arith.constant 0 : index
      %get3A_886 = tpu.vector_load %arg15[%get3A_884, %get3A_885] {strides = array<i32>} : memref<3200x16xf32, #tpu.memory_space<vmem>>, vector<1x16xf32>,
      %get3A_887 = vector.shape_cast %get3A_886 : vector<1x16xf32> to vector<16xf32>
      %add3A_888 = arith.addf %add3A_860, %get3A_887 : vector<16xf32>
      %add3A_889 = arith.constant 29 : i32
      %add3A_890 = arith.addi %mul3A_689, %add3A_889 : i32
      %get3A_891 = arith.index_cast %add3A_890 : i32 to index
      %get3A_892 = arith.constant 0 : index
      %get3A_893 = tpu.vector_load %arg15[%get3A_891, %get3A_892] {strides = array<i32>} : memref<3200x16xf32, #tpu.memory_space<vmem>>, vector<1x16xf32>,
      %get3A_894 = vector.shape_cast %get3A_893 : vector<1x16xf32> to vector<16xf32>
      %add3A_895 = arith.addf %add3A_867, %get3A_894 : vector<16xf32>
      %add3A_896 = arith.constant 30 : i32
      %add3A_897 = arith.addi %mul3A_689, %add3A_896 : i32
      %get3A_898 = arith.index_cast %add3A_897 : i32 to index
      %get3A_899 = arith.constant 0 : index
      %get3A_900 = tpu.vector_load %arg15[%get3A_898, %get3A_899] {strides = array<i32>} : memref<3200x16xf32, #tpu.memory_space<vmem>>, vector<1x16xf32>,
      %get3A_901 = vector.shape_cast %get3A_900 : vector<1x16xf32> to vector<16xf32>
      %add3A_902 = arith.addf %add3A_874, %get3A_901 : vector<16xf32>
      %add3A_903 = arith.constant 31 : i32
      %add3A_904 = arith.addi %mul3A_689, %add3A_903 : i32
      %get3A_905 = arith.index_cast %add3A_904 : i32 to index
      %get3A_906 = arith.constant 0 : index
      %get3A_907 = tpu.vector_load %arg15[%get3A_905, %get3A_906] {strides = array<i32>} : memref<3200x16xf32, #tpu.memory_space<vmem>>, vector<1x16xf32>,
      %get3A_908 = vector.shape_cast %get3A_907 : vector<1x16xf32> to vector<16xf32>
      %add3A_909 = arith.addf %add3A_881, %get3A_908 : vector<16xf32>
      %add3A_910 = arith.constant 32 : i32
      %add3A_911 = arith.addi %mul3A_689, %add3A_910 : i32
      %get3A_912 = arith.index_cast %add3A_911 : i32 to index
      %get3A_913 = arith.constant 0 : index
      %get3A_914 = tpu.vector_load %arg15[%get3A_912, %get3A_913] {strides = array<i32>} : memref<3200x16xf32, #tpu.memory_space<vmem>>, vector<1x16xf32>,
      %get3A_915 = vector.shape_cast %get3A_914 : vector<1x16xf32> to vector<16xf32>
      %add3A_916 = arith.addf %add3A_888, %get3A_915 : vector<16xf32>
      %add3A_917 = arith.constant 33 : i32
      %add3A_918 = arith.addi %mul3A_689, %add3A_917 : i32
      %get3A_919 = arith.index_cast %add3A_918 : i32 to index
      %get3A_920 = arith.constant 0 : index
      %get3A_921 = tpu.vector_load %arg15[%get3A_919, %get3A_920] {strides = array<i32>} : memref<3200x16xf32, #tpu.memory_space<vmem>>, vector<1x16xf32>,
      %get3A_922 = vector.shape_cast %get3A_921 : vector<1x16xf32> to vector<16xf32>
      %add3A_923 = arith.addf %add3A_895, %get3A_922 : vector<16xf32>
      %add3A_924 = arith.constant 34 : i32
      %add3A_925 = arith.addi %mul3A_689, %add3A_924 : i32
      %get3A_926 = arith.index_cast %add3A_925 : i32 to index
      %get3A_927 = arith.constant 0 : index
      %get3A_928 = tpu.vector_load %arg15[%get3A_926, %get3A_927] {strides = array<i32>} : memref<3200x16xf32, #tpu.memory_space<vmem>>, vector<1x16xf32>,
      %get3A_929 = vector.shape_cast %get3A_928 : vector<1x16xf32> to vector<16xf32>
      %add3A_930 = arith.addf %add3A_902, %get3A_929 : vector<16xf32>
      %add3A_931 = arith.constant 35 : i32
      %add3A_932 = arith.addi %mul3A_689, %add3A_931 : i32
      %get3A_933 = arith.index_cast %add3A_932 : i32 to index
      %get3A_934 = arith.constant 0 : index
      %get3A_935 = tpu.vector_load %arg15[%get3A_933, %get3A_934] {strides = array<i32>} : memref<3200x16xf32, #tpu.memory_space<vmem>>, vector<1x16xf32>,
      %get3A_936 = vector.shape_cast %get3A_935 : vector<1x16xf32> to vector<16xf32>
      %add3A_937 = arith.addf %add3A_909, %get3A_936 : vector<16xf32>
      %add3A_938 = arith.constant 36 : i32
      %add3A_939 = arith.addi %mul3A_689, %add3A_938 : i32
      %get3A_940 = arith.index_cast %add3A_939 : i32 to index
      %get3A_941 = arith.constant 0 : index
      %get3A_942 = tpu.vector_load %arg15[%get3A_940, %get3A_941] {strides = array<i32>} : memref<3200x16xf32, #tpu.memory_space<vmem>>, vector<1x16xf32>,
      %get3A_943 = vector.shape_cast %get3A_942 : vector<1x16xf32> to vector<16xf32>
      %add3A_944 = arith.addf %add3A_916, %get3A_943 : vector<16xf32>
      %add3A_945 = arith.constant 37 : i32
      %add3A_946 = arith.addi %mul3A_689, %add3A_945 : i32
      %get3A_947 = arith.index_cast %add3A_946 : i32 to index
      %get3A_948 = arith.constant 0 : index
      %get3A_949 = tpu.vector_load %arg15[%get3A_947, %get3A_948] {strides = array<i32>} : memref<3200x16xf32, #tpu.memory_space<vmem>>, vector<1x16xf32>,
      %get3A_950 = vector.shape_cast %get3A_949 : vector<1x16xf32> to vector<16xf32>
      %add3A_951 = arith.addf %add3A_923, %get3A_950 : vector<16xf32>
      %add3A_952 = arith.constant 38 : i32
      %add3A_953 = arith.addi %mul3A_689, %add3A_952 : i32
      %get3A_954 = arith.index_cast %add3A_953 : i32 to index
      %get3A_955 = arith.constant 0 : index
      %get3A_956 = tpu.vector_load %arg15[%get3A_954, %get3A_955] {strides = array<i32>} : memref<3200x16xf32, #tpu.memory_space<vmem>>, vector<1x16xf32>,
      %get3A_957 = vector.shape_cast %get3A_956 : vector<1x16xf32> to vector<16xf32>
      %add3A_958 = arith.addf %add3A_930, %get3A_957 : vector<16xf32>
      %add3A_959 = arith.constant 39 : i32
      %add3A_960 = arith.addi %mul3A_689, %add3A_959 : i32
      %get3A_961 = arith.index_cast %add3A_960 : i32 to index
      %get3A_962 = arith.constant 0 : index
      %get3A_963 = tpu.vector_load %arg15[%get3A_961, %get3A_962] {strides = array<i32>} : memref<3200x16xf32, #tpu.memory_space<vmem>>, vector<1x16xf32>,
      %get3A_964 = vector.shape_cast %get3A_963 : vector<1x16xf32> to vector<16xf32>
      %add3A_965 = arith.addf %add3A_937, %get3A_964 : vector<16xf32>
      %add3A_966 = arith.constant 40 : i32
      %add3A_967 = arith.addi %mul3A_689, %add3A_966 : i32
      %get3A_968 = arith.index_cast %add3A_967 : i32 to index
      %get3A_969 = arith.constant 0 : index
      %get3A_970 = tpu.vector_load %arg15[%get3A_968, %get3A_969] {strides = array<i32>} : memref<3200x16xf32, #tpu.memory_space<vmem>>, vector<1x16xf32>,
      %get3A_971 = vector.shape_cast %get3A_970 : vector<1x16xf32> to vector<16xf32>
      %add3A_972 = arith.addf %add3A_944, %get3A_971 : vector<16xf32>
      %add3A_973 = arith.constant 41 : i32
      %add3A_974 = arith.addi %mul3A_689, %add3A_973 : i32
      %get3A_975 = arith.index_cast %add3A_974 : i32 to index
      %get3A_976 = arith.constant 0 : index
      %get3A_977 = tpu.vector_load %arg15[%get3A_975, %get3A_976] {strides = array<i32>} : memref<3200x16xf32, #tpu.memory_space<vmem>>, vector<1x16xf32>,
      %get3A_978 = vector.shape_cast %get3A_977 : vector<1x16xf32> to vector<16xf32>
      %add3A_979 = arith.addf %add3A_951, %get3A_978 : vector<16xf32>
      %add3A_980 = arith.constant 42 : i32
      %add3A_981 = arith.addi %mul3A_689, %add3A_980 : i32
      %get3A_982 = arith.index_cast %add3A_981 : i32 to index
      %get3A_983 = arith.constant 0 : index
      %get3A_984 = tpu.vector_load %arg15[%get3A_982, %get3A_983] {strides = array<i32>} : memref<3200x16xf32, #tpu.memory_space<vmem>>, vector<1x16xf32>,
      %get3A_985 = vector.shape_cast %get3A_984 : vector<1x16xf32> to vector<16xf32>
      %add3A_986 = arith.addf %add3A_958, %get3A_985 : vector<16xf32>
      %add3A_987 = arith.constant 43 : i32
      %add3A_988 = arith.addi %mul3A_689, %add3A_987 : i32
      %get3A_989 = arith.index_cast %add3A_988 : i32 to index
      %get3A_990 = arith.constant 0 : index
      %get3A_991 = tpu.vector_load %arg15[%get3A_989, %get3A_990] {strides = array<i32>} : memref<3200x16xf32, #tpu.memory_space<vmem>>, vector<1x16xf32>,
      %get3A_992 = vector.shape_cast %get3A_991 : vector<1x16xf32> to vector<16xf32>
      %add3A_993 = arith.addf %add3A_965, %get3A_992 : vector<16xf32>
      %add3A_994 = arith.constant 44 : i32
      %add3A_995 = arith.addi %mul3A_689, %add3A_994 : i32
      %get3A_996 = arith.index_cast %add3A_995 : i32 to index
      %get3A_997 = arith.constant 0 : index
      %get3A_998 = tpu.vector_load %arg15[%get3A_996, %get3A_997] {strides = array<i32>} : memref<3200x16xf32, #tpu.memory_space<vmem>>, vector<1x16xf32>,
      %get3A_999 = vector.shape_cast %get3A_998 : vector<1x16xf32> to vector<16xf32>
      %add3A_1000 = arith.addf %add3A_972, %get3A_999 : vector<16xf32>
      %add3A_1001 = arith.constant 45 : i32
      %add3A_1002 = arith.addi %mul3A_689, %add3A_1001 : i32
      %get3A_1003 = arith.index_cast %add3A_1002 : i32 to index
      %get3A_1004 = arith.constant 0 : index
      %get3A_1005 = tpu.vector_load %arg15[%get3A_1003, %get3A_1004] {strides = array<i32>} : memref<3200x16xf32, #tpu.memory_space<vmem>>, vector<1x16xf32>,
      %get3A_1006 = vector.shape_cast %get3A_1005 : vector<1x16xf32> to vector<16xf32>
      %add3A_1007 = arith.addf %add3A_979, %get3A_1006 : vector<16xf32>
      %add3A_1008 = arith.constant 46 : i32
      %add3A_1009 = arith.addi %mul3A_689, %add3A_1008 : i32
      %get3A_1010 = arith.index_cast %add3A_1009 : i32 to index
      %get3A_1011 = arith.constant 0 : index
      %get3A_1012 = tpu.vector_load %arg15[%get3A_1010, %get3A_1011] {strides = array<i32>} : memref<3200x16xf32, #tpu.memory_space<vmem>>, vector<1x16xf32>,
      %get3A_1013 = vector.shape_cast %get3A_1012 : vector<1x16xf32> to vector<16xf32>
      %add3A_1014 = arith.addf %add3A_986, %get3A_1013 : vector<16xf32>
      %add3A_1015 = arith.constant 47 : i32
      %add3A_1016 = arith.addi %mul3A_689, %add3A_1015 : i32
      %get3A_1017 = arith.index_cast %add3A_1016 : i32 to index
      %get3A_1018 = arith.constant 0 : index
      %get3A_1019 = tpu.vector_load %arg15[%get3A_1017, %get3A_1018] {strides = array<i32>} : memref<3200x16xf32, #tpu.memory_space<vmem>>, vector<1x16xf32>,
      %get3A_1020 = vector.shape_cast %get3A_1019 : vector<1x16xf32> to vector<16xf32>
      %add3A_1021 = arith.addf %add3A_993, %get3A_1020 : vector<16xf32>
      %add3A_1022 = arith.constant 48 : i32
      %add3A_1023 = arith.addi %mul3A_689, %add3A_1022 : i32
      %get3A_1024 = arith.index_cast %add3A_1023 : i32 to index
      %get3A_1025 = arith.constant 0 : index
      %get3A_1026 = tpu.vector_load %arg15[%get3A_1024, %get3A_1025] {strides = array<i32>} : memref<3200x16xf32, #tpu.memory_space<vmem>>, vector<1x16xf32>,
      %get3A_1027 = vector.shape_cast %get3A_1026 : vector<1x16xf32> to vector<16xf32>
      %add3A_1028 = arith.addf %add3A_1000, %get3A_1027 : vector<16xf32>
      %add3A_1029 = arith.constant 49 : i32
      %add3A_1030 = arith.addi %mul3A_689, %add3A_1029 : i32
      %get3A_1031 = arith.index_cast %add3A_1030 : i32 to index
      %get3A_1032 = arith.constant 0 : index
      %get3A_1033 = tpu.vector_load %arg15[%get3A_1031, %get3A_1032] {strides = array<i32>} : memref<3200x16xf32, #tpu.memory_space<vmem>>, vector<1x16xf32>,
      %get3A_1034 = vector.shape_cast %get3A_1033 : vector<1x16xf32> to vector<16xf32>
      %add3A_1035 = arith.addf %add3A_1007, %get3A_1034 : vector<16xf32>
      %add3A_1036 = arith.addf %add3A_1028, %add3A_1035 : vector<16xf32>
      %add3A_1037 = arith.addf %add3A_1014, %add3A_1021 : vector<16xf32>
      %add3A_1038 = arith.addf %add3A_1036, %add3A_1037 : vector<16xf32>
      %get3A_1039 = arith.index_cast %scan3A_687 : i32 to index
      %get3A_1040 = arith.constant 0 : index
      %get3A_1041 = tpu.vector_load %arg13[%get3A_1039, %get3A_1040] {strides = array<i32>} : memref<64x50xi32, #tpu.memory_space<vmem>>, vector<1x16xi32>,
      %get3A_1042 = vector.shape_cast %get3A_1041 : vector<1x16xi32> to vector<16xi32>
      %get3A_1043 = arith.index_cast %scan3A_687 : i32 to index
      %get3A_1044 = arith.constant 16 : index
      %get3A_1045 = tpu.vector_load %arg13[%get3A_1043, %get3A_1044] {strides = array<i32>} : memref<64x50xi32, #tpu.memory_space<vmem>>, vector<1x16xi32>,
      %get3A_1046 = vector.shape_cast %get3A_1045 : vector<1x16xi32> to vector<16xi32>
      %get3A_1047 = arith.index_cast %scan3A_687 : i32 to index
      %get3A_1048 = arith.constant 32 : index
      %get3A_1049 = tpu.vector_load %arg13[%get3A_1047, %get3A_1048] {strides = array<i32>} : memref<64x50xi32, #tpu.memory_space<vmem>>, vector<1x16xi32>,
      %get3A_1050 = vector.shape_cast %get3A_1049 : vector<1x16xi32> to vector<16xi32>
      %get3A_1051 = arith.index_cast %scan3A_687 : i32 to index
      %get3A_1052 = arith.constant 34 : index
      %get3A_1053 = tpu.vector_load %arg13[%get3A_1051, %get3A_1052] {strides = array<i32>} : memref<64x50xi32, #tpu.memory_space<vmem>>, vector<1x16xi32>,
      %get3A_1054 = vector.shape_cast %get3A_1053 : vector<1x16xi32> to vector<16xi32>
      %eq3A = arith.constant 0 : i32
      %eq3A_1055 = vector.broadcast %eq3A : i32 to vector<16xi32>
      %eq3A_1056 = arith.cmpi eq, %get3A_1042, %eq3A_1055 : vector<16xi32>
      %jit3A = arith.constant 1.000000e+00 : f32
      %jit3A_1057 = arith.constant 0.000000e+00 : f32
      %broadcast_in_dim3A = vector.broadcast %jit3A : f32 to vector<16xf32>
      %broadcast_in_dim3A_1058 = vector.broadcast %jit3A_1057 : f32 to vector<16xf32>
      %select_n3A = arith.select %eq3A_1056, %broadcast_in_dim3A, %broadcast_in_dim3A_1058 : vector<16xi1>, vector<16xf32>
      %eq3A_1059 = arith.constant 0 : i32
      %eq3A_1060 = vector.broadcast %eq3A_1059 : i32 to vector<16xi32>
      %eq3A_1061 = arith.cmpi eq, %get3A_1046, %eq3A_1060 : vector<16xi32>
      %jit3A_1062 = arith.constant 1.000000e+00 : f32
      %jit3A_1063 = arith.constant 0.000000e+00 : f32
      %broadcast_in_dim3A_1064 = vector.broadcast %jit3A_1062 : f32 to vector<16xf32>
      %broadcast_in_dim3A_1065 = vector.broadcast %jit3A_1063 : f32 to vector<16xf32>
      %select_n3A_1066 = arith.select %eq3A_1061, %broadcast_in_dim3A_1064, %broadcast_in_dim3A_1065 : vector<16xi1>, vector<16xf32>
      %add3A_1067 = arith.addf %select_n3A, %select_n3A_1066 : vector<16xf32>
      %eq3A_1068 = arith.constant 0 : i32
      %eq3A_1069 = vector.broadcast %eq3A_1068 : i32 to vector<16xi32>
      %eq3A_1070 = arith.cmpi eq, %get3A_1050, %eq3A_1069 : vector<16xi32>
      %jit3A_1071 = arith.constant 1.000000e+00 : f32
      %jit3A_1072 = arith.constant 0.000000e+00 : f32
      %broadcast_in_dim3A_1073 = vector.broadcast %jit3A_1071 : f32 to vector<16xf32>
      %broadcast_in_dim3A_1074 = vector.broadcast %jit3A_1072 : f32 to vector<16xf32>
      %select_n3A_1075 = arith.select %eq3A_1070, %broadcast_in_dim3A_1073, %broadcast_in_dim3A_1074 : vector<16xi1>, vector<16xf32>
      %add3A_1076 = arith.addf %add3A_1067, %select_n3A_1075 : vector<16xf32>
      %eq3A_1077 = arith.constant 0 : i32
      %eq3A_1078 = vector.broadcast %eq3A_1077 : i32 to vector<16xi32>
      %eq3A_1079 = arith.cmpi eq, %get3A_1054, %eq3A_1078 : vector<16xi32>
      %ge3A = arith.constant 14 : i32
      %ge3A_1080 = vector.broadcast %ge3A : i32 to vector<16xi32>
      %ge3A_1081 = arith.cmpi sge, %iota3A, %ge3A_1080 : vector<16xi32>
      %and3A = arith.andi %eq3A_1079, %ge3A_1081 : vector<16xi1>
      %jit3A_1082 = arith.constant 1.000000e+00 : f32
      %jit3A_1083 = arith.constant 0.000000e+00 : f32
      %broadcast_in_dim3A_1084 = vector.broadcast %jit3A_1082 : f32 to vector<16xf32>
      %broadcast_in_dim3A_1085 = vector.broadcast %jit3A_1083 : f32 to vector<16xf32>
      %select_n3A_1086 = arith.select %and3A, %broadcast_in_dim3A_1084, %broadcast_in_dim3A_1085 : vector<16xi1>, vector<16xf32>
      %add3A_1087 = arith.addf %add3A_1076, %select_n3A_1086 : vector<16xf32>
      %add3A_1088 = arith.constant 8 : i32
      %add3A_1089 = vector.broadcast %add3A_1088 : i32 to vector<16xi32>
      %add3A_1090 = arith.addi %iota3A, %add3A_1089 : vector<16xi32>
      %and3A_1091 = arith.constant 15 : i32
      %and3A_1092 = vector.broadcast %and3A_1091 : i32 to vector<16xi32>
      %and3A_1093 = arith.andi %add3A_1090, %and3A_1092 : vector<16xi32>
      %lt3A = arith.constant 0 : i32
      %lt3A_1094 = vector.broadcast %lt3A : i32 to vector<16xi32>
      %lt3A_1095 = arith.cmpi slt, %and3A_1093, %lt3A_1094 : vector<16xi32>
      %add3A_1096 = arith.constant 16 : i32
      %add3A_1097 = vector.broadcast %add3A_1096 : i32 to vector<16xi32>
      %add3A_1098 = arith.addi %and3A_1093, %add3A_1097 : vector<16xi32>
      %select_n3A_1099 = arith.select %lt3A_1095, %add3A_1098, %and3A_1093 : vector<16xi1>, vector<16xi32>
      %broadcast_in_dim3A_1100 = vector.shape_cast %select_n3A_1099 : vector<16xi32> to vector<16x1xi32>
      %gather3A = vector.shape_cast %broadcast_in_dim3A_1100 : vector<16x1xi32> to vector<16xi32>
      %gather3A_1101 = tpu.dynamic_gather %add3A_1087[%gather3A] in [0] : vector<16xf32>, vector<16xi32> -> vector<16xf32>
      %add3A_1102 = arith.addf %add3A_1087, %gather3A_1101 : vector<16xf32>
      %add3A_1103 = arith.constant 4 : i32
      %add3A_1104 = vector.broadcast %add3A_1103 : i32 to vector<16xi32>
      %add3A_1105 = arith.addi %iota3A, %add3A_1104 : vector<16xi32>
      %and3A_1106 = arith.constant 15 : i32
      %and3A_1107 = vector.broadcast %and3A_1106 : i32 to vector<16xi32>
      %and3A_1108 = arith.andi %add3A_1105, %and3A_1107 : vector<16xi32>
      %lt3A_1109 = arith.constant 0 : i32
      %lt3A_1110 = vector.broadcast %lt3A_1109 : i32 to vector<16xi32>
      %lt3A_1111 = arith.cmpi slt, %and3A_1108, %lt3A_1110 : vector<16xi32>
      %add3A_1112 = arith.constant 16 : i32
      %add3A_1113 = vector.broadcast %add3A_1112 : i32 to vector<16xi32>
      %add3A_1114 = arith.addi %and3A_1108, %add3A_1113 : vector<16xi32>
      %select_n3A_1115 = arith.select %lt3A_1111, %add3A_1114, %and3A_1108 : vector<16xi1>, vector<16xi32>
      %broadcast_in_dim3A_1116 = vector.shape_cast %select_n3A_1115 : vector<16xi32> to vector<16x1xi32>
      %gather3A_1117 = vector.shape_cast %broadcast_in_dim3A_1116 : vector<16x1xi32> to vector<16xi32>
      %gather3A_1118 = tpu.dynamic_gather %add3A_1102[%gather3A_1117] in [0] : vector<16xf32>, vector<16xi32> -> vector<16xf32>
      %add3A_1119 = arith.addf %add3A_1102, %gather3A_1118 : vector<16xf32>
      %add3A_1120 = arith.constant 2 : i32
      %add3A_1121 = vector.broadcast %add3A_1120 : i32 to vector<16xi32>
      %add3A_1122 = arith.addi %iota3A, %add3A_1121 : vector<16xi32>
      %and3A_1123 = arith.constant 15 : i32
      %and3A_1124 = vector.broadcast %and3A_1123 : i32 to vector<16xi32>
      %and3A_1125 = arith.andi %add3A_1122, %and3A_1124 : vector<16xi32>
      %lt3A_1126 = arith.constant 0 : i32
      %lt3A_1127 = vector.broadcast %lt3A_1126 : i32 to vector<16xi32>
      %lt3A_1128 = arith.cmpi slt, %and3A_1125, %lt3A_1127 : vector<16xi32>
      %add3A_1129 = arith.constant 16 : i32
      %add3A_1130 = vector.broadcast %add3A_1129 : i32 to vector<16xi32>
      %add3A_1131 = arith.addi %and3A_1125, %add3A_1130 : vector<16xi32>
      %select_n3A_1132 = arith.select %lt3A_1128, %add3A_1131, %and3A_1125 : vector<16xi1>, vector<16xi32>
      %broadcast_in_dim3A_1133 = vector.shape_cast %select_n3A_1132 : vector<16xi32> to vector<16x1xi32>
      %gather3A_1134 = vector.shape_cast %broadcast_in_dim3A_1133 : vector<16x1xi32> to vector<16xi32>
      %gather3A_1135 = tpu.dynamic_gather %add3A_1119[%gather3A_1134] in [0] : vector<16xf32>, vector<16xi32> -> vector<16xf32>
      %add3A_1136 = arith.addf %add3A_1119, %gather3A_1135 : vector<16xf32>
      %add3A_1137 = arith.constant 1 : i32
      %add3A_1138 = vector.broadcast %add3A_1137 : i32 to vector<16xi32>
      %add3A_1139 = arith.addi %iota3A, %add3A_1138 : vector<16xi32>
      %and3A_1140 = arith.constant 15 : i32
      %and3A_1141 = vector.broadcast %and3A_1140 : i32 to vector<16xi32>
      %and3A_1142 = arith.andi %add3A_1139, %and3A_1141 : vector<16xi32>
      %lt3A_1143 = arith.constant 0 : i32
      %lt3A_1144 = vector.broadcast %lt3A_1143 : i32 to vector<16xi32>
      %lt3A_1145 = arith.cmpi slt, %and3A_1142, %lt3A_1144 : vector<16xi32>
      %add3A_1146 = arith.constant 16 : i32
      %add3A_1147 = vector.broadcast %add3A_1146 : i32 to vector<16xi32>
      %add3A_1148 = arith.addi %and3A_1142, %add3A_1147 : vector<16xi32>
      %select_n3A_1149 = arith.select %lt3A_1145, %add3A_1148, %and3A_1142 : vector<16xi1>, vector<16xi32>
      %broadcast_in_dim3A_1150 = vector.shape_cast %select_n3A_1149 : vector<16xi32> to vector<16x1xi32>
      %gather3A_1151 = vector.shape_cast %broadcast_in_dim3A_1150 : vector<16x1xi32> to vector<16xi32>
      %gather3A_1152 = tpu.dynamic_gather %add3A_1136[%gather3A_1151] in [0] : vector<16xf32>, vector<16xi32> -> vector<16xf32>
      %add3A_1153 = arith.addf %add3A_1136, %gather3A_1152 : vector<16xf32>
      %sub3A_1154 = arith.constant 5.000000e+01 : f32
      %sub3A_1155 = vector.broadcast %sub3A_1154 : f32 to vector<16xf32>
      %sub3A_1156 = arith.subf %sub3A_1155, %add3A_1153 : vector<16xf32>
      %max3A = arith.constant 9.99999971E-10 : f32
      %max3A_1157 = vector.broadcast %max3A : f32 to vector<16xf32>
      %max3A_1158 = arith.maximumf %sub3A_1156, %max3A_1157 : vector<16xf32>
      %mul3A_1159 = arith.mulf %add3A_1153, %get3A_4 : vector<16xf32>
      %sub3A_1160 = arith.subf %add3A_1038, %mul3A_1159 : vector<16xf32>
      %div3A_1161 = arith.divf %sub3A_1160, %max3A_1158 : vector<16xf32>
      %add3A_1162 = arith.constant 128 : i32
      %add3A_1163 = arith.addi %add3A_1162, %scan3A_687 : i32
      %swap3A_1164 = arith.index_cast %add3A_1163 : i32 to index
      %swap3A_1165 = arith.constant 0 : index
      %swap3A_1166 = tpu.vector_load %arg18[%swap3A_1164, %swap3A_1165] {strides = array<i32>} : memref<512x16xf32, #tpu.memory_space<vmem>>, vector<1x16xf32>,
      %swap3A_1167 = vector.shape_cast %swap3A_1166 : vector<1x16xf32> to vector<16xf32>
      %swap3A_1168 = vector.shape_cast %div3A_1161 : vector<16xf32> to vector<1x16xf32>
      tpu.vector_store %arg18[%swap3A_1164, %swap3A_1165], %swap3A_1168 {strides = array<i32>} : memref<512x16xf32, #tpu.memory_space<vmem>>, vector<1x16xf32>,
    }
    %scan3A_577 = arith.constant 64 : i32
    %add3A_578 = arith.constant 256 : i32
    %add3A_579 = arith.addi %mul3A_2, %add3A_578 : i32
    %mul3A_580 = arith.constant 50 : i32
    %mul3A_581 = arith.muli %add3A_579, %mul3A_580 : i32
    "tpu.region"() ({
      %run_scoped3A_687 = tpu.sem_alloc : memref<!tpu.dma_semaphore, #tpu.memory_space<semaphore_mem>>
      %dma_start3A_688 = tpu.memref_slice %arg4[%mul3A_581] : memref<819200xi32, #tpu.memory_space<hbm>> -> memref<3200xi32, #tpu.memory_space<hbm>>
      %dma_start3A_689 = tpu.memref_slice %arg4[%mul3A_581] : memref<819200xi32, #tpu.memory_space<hbm>> -> memref<3200xi32, #tpu.memory_space<hbm>>
      tpu.enqueue_dma source(%dma_start3A_689 : memref<3200xi32, #tpu.memory_space<hbm>>) target(%arg11 : memref<3200xi32, #tpu.memory_space<vmem>>) target_semaphore(%run_scoped3A_687 : memref<!tpu.dma_semaphore, #tpu.memory_space<semaphore_mem>>)
      %dma_wait3A_690 = tpu.memref_slice %arg4[%mul3A_581] : memref<819200xi32, #tpu.memory_space<hbm>> -> memref<3200xi32, #tpu.memory_space<hbm>>
      %dma_wait3A_691 = tpu.memref_slice %arg4[%mul3A_581] : memref<819200xi32, #tpu.memory_space<hbm>> -> memref<3200xi32, #tpu.memory_space<hbm>>
      tpu.wait_dma2 semaphore(%run_scoped3A_687 : memref<!tpu.dma_semaphore, #tpu.memory_space<semaphore_mem>>) src(%dma_wait3A_691 : memref<3200xi32, #tpu.memory_space<hbm>>) dst(%arg11 : memref<3200xi32, #tpu.memory_space<vmem>>)
      tpu.yield
    }) : () -> ()
    %dma_start3A_582 = arith.constant 0 : i32
    %dma_start3A_583 = tpu.memref_slice %arg5[%add3A_579, %dma_start3A_582] : memref<16384x50xi32, #tpu.memory_space<hbm>> -> memref<64x50xi32, #tpu.memory_space<hbm>>
    %dma_start3A_584 = arith.constant 0 : i32
    %dma_start3A_585 = tpu.memref_slice %arg5[%add3A_579, %dma_start3A_584] : memref<16384x50xi32, #tpu.memory_space<hbm>> -> memref<64x50xi32, #tpu.memory_space<hbm>>
    tpu.enqueue_dma source(%dma_start3A_585 : memref<64x50xi32, #tpu.memory_space<hbm>>) target(%arg13 : memref<64x50xi32, #tpu.memory_space<vmem>>) target_semaphore(%arg20 : memref<!tpu.dma_semaphore, #tpu.memory_space<semaphore_mem>>)
    %dma_start3A_586 = arith.constant 0 : i32
    %dma_start3A_587 = arith.constant 0 : i32
    %dma_start3A_588 = tpu.memref_slice %arg7[%dma_start3A_586, %dma_start3A_587] : memref<1000001x16xf32, #tpu.memory_space<hbm>> -> memref<1000001x16xf32, #tpu.memory_space<hbm>>
    tpu.enqueue_indirect_dma source(%dma_start3A_588 : memref<1000001x16xf32, #tpu.memory_space<hbm>>) target(%arg15 : memref<3200x16xf32, #tpu.memory_space<vmem>>) offsets(%arg11 : memref<3200xi32, #tpu.memory_space<vmem>>) semaphore(%arg20 : memref<!tpu.dma_semaphore, #tpu.memory_space<semaphore_mem>>)
    %dma_wait3A_589 = arith.constant 0 : i32
    %dma_wait3A_590 = tpu.memref_slice %arg5[%add3A_555, %dma_wait3A_589] : memref<16384x50xi32, #tpu.memory_space<hbm>> -> memref<64x50xi32, #tpu.memory_space<hbm>>
    %dma_wait3A_591 = arith.constant 0 : i32
    %dma_wait3A_592 = tpu.memref_slice %arg5[%add3A_555, %dma_wait3A_591] : memref<16384x50xi32, #tpu.memory_space<hbm>> -> memref<64x50xi32, #tpu.memory_space<hbm>>
    tpu.wait_dma2 semaphore(%arg21 : memref<!tpu.dma_semaphore, #tpu.memory_space<semaphore_mem>>) src(%dma_wait3A_592 : memref<64x50xi32, #tpu.memory_space<hbm>>) dst(%arg14 : memref<64x50xi32, #tpu.memory_space<vmem>>)
    %dma_wait3A_593 = arith.constant 0 : i32
    %dma_wait3A_594 = arith.constant 0 : i32
    %dma_wait3A_595 = tpu.memref_slice %arg7[%dma_wait3A_593, %dma_wait3A_594] : memref<1000001x16xf32, #tpu.memory_space<hbm>> -> memref<1000001x16xf32, #tpu.memory_space<hbm>>
    tpu.wait_indirect_dma semaphore(%arg21 : memref<!tpu.dma_semaphore, #tpu.memory_space<semaphore_mem>>) src(%dma_wait3A_595 : memref<1000001x16xf32, #tpu.memory_space<hbm>>) dst(%arg16 : memref<3200x16xf32, #tpu.memory_space<vmem>>)
    %scan3A_596 = arith.constant 0 : i32
    %scan3A_597 = arith.constant 0 : i32
    %scan3A_598 = arith.constant 64 : i32
    %scan3A_599 = arith.addi %scan3A_597, %scan3A_598 : i32
    %scan3A_600 = arith.constant 1 : i32
    scf.for %scan3A_687 = %scan3A_597 to %scan3A_599 step %scan3A_600  : i32 {
      %mul3A_688 = arith.constant 50 : i32
      %mul3A_689 = arith.muli %scan3A_687, %mul3A_688 : i32
      %add3A_690 = arith.constant 0 : i32
      %add3A_691 = arith.addi %mul3A_689, %add3A_690 : i32
      %get3A_692 = arith.index_cast %add3A_691 : i32 to index
      %get3A_693 = arith.constant 0 : index
      %get3A_694 = tpu.vector_load %arg16[%get3A_692, %get3A_693] {strides = array<i32>} : memref<3200x16xf32, #tpu.memory_space<vmem>>, vector<1x16xf32>,
      %get3A_695 = vector.shape_cast %get3A_694 : vector<1x16xf32> to vector<16xf32>
      %add3A_696 = arith.constant 1 : i32
      %add3A_697 = arith.addi %mul3A_689, %add3A_696 : i32
      %get3A_698 = arith.index_cast %add3A_697 : i32 to index
      %get3A_699 = arith.constant 0 : index
      %get3A_700 = tpu.vector_load %arg16[%get3A_698, %get3A_699] {strides = array<i32>} : memref<3200x16xf32, #tpu.memory_space<vmem>>, vector<1x16xf32>,
      %get3A_701 = vector.shape_cast %get3A_700 : vector<1x16xf32> to vector<16xf32>
      %add3A_702 = arith.constant 2 : i32
      %add3A_703 = arith.addi %mul3A_689, %add3A_702 : i32
      %get3A_704 = arith.index_cast %add3A_703 : i32 to index
      %get3A_705 = arith.constant 0 : index
      %get3A_706 = tpu.vector_load %arg16[%get3A_704, %get3A_705] {strides = array<i32>} : memref<3200x16xf32, #tpu.memory_space<vmem>>, vector<1x16xf32>,
      %get3A_707 = vector.shape_cast %get3A_706 : vector<1x16xf32> to vector<16xf32>
      %add3A_708 = arith.constant 3 : i32
      %add3A_709 = arith.addi %mul3A_689, %add3A_708 : i32
      %get3A_710 = arith.index_cast %add3A_709 : i32 to index
      %get3A_711 = arith.constant 0 : index
      %get3A_712 = tpu.vector_load %arg16[%get3A_710, %get3A_711] {strides = array<i32>} : memref<3200x16xf32, #tpu.memory_space<vmem>>, vector<1x16xf32>,
      %get3A_713 = vector.shape_cast %get3A_712 : vector<1x16xf32> to vector<16xf32>
      %add3A_714 = arith.constant 4 : i32
      %add3A_715 = arith.addi %mul3A_689, %add3A_714 : i32
      %get3A_716 = arith.index_cast %add3A_715 : i32 to index
      %get3A_717 = arith.constant 0 : index
      %get3A_718 = tpu.vector_load %arg16[%get3A_716, %get3A_717] {strides = array<i32>} : memref<3200x16xf32, #tpu.memory_space<vmem>>, vector<1x16xf32>,
      %get3A_719 = vector.shape_cast %get3A_718 : vector<1x16xf32> to vector<16xf32>
      %add3A_720 = arith.addf %get3A_695, %get3A_719 : vector<16xf32>
      %add3A_721 = arith.constant 5 : i32
      %add3A_722 = arith.addi %mul3A_689, %add3A_721 : i32
      %get3A_723 = arith.index_cast %add3A_722 : i32 to index
      %get3A_724 = arith.constant 0 : index
      %get3A_725 = tpu.vector_load %arg16[%get3A_723, %get3A_724] {strides = array<i32>} : memref<3200x16xf32, #tpu.memory_space<vmem>>, vector<1x16xf32>,
      %get3A_726 = vector.shape_cast %get3A_725 : vector<1x16xf32> to vector<16xf32>
      %add3A_727 = arith.addf %get3A_701, %get3A_726 : vector<16xf32>
      %add3A_728 = arith.constant 6 : i32
      %add3A_729 = arith.addi %mul3A_689, %add3A_728 : i32
      %get3A_730 = arith.index_cast %add3A_729 : i32 to index
      %get3A_731 = arith.constant 0 : index
      %get3A_732 = tpu.vector_load %arg16[%get3A_730, %get3A_731] {strides = array<i32>} : memref<3200x16xf32, #tpu.memory_space<vmem>>, vector<1x16xf32>,
      %get3A_733 = vector.shape_cast %get3A_732 : vector<1x16xf32> to vector<16xf32>
      %add3A_734 = arith.addf %get3A_707, %get3A_733 : vector<16xf32>
      %add3A_735 = arith.constant 7 : i32
      %add3A_736 = arith.addi %mul3A_689, %add3A_735 : i32
      %get3A_737 = arith.index_cast %add3A_736 : i32 to index
      %get3A_738 = arith.constant 0 : index
      %get3A_739 = tpu.vector_load %arg16[%get3A_737, %get3A_738] {strides = array<i32>} : memref<3200x16xf32, #tpu.memory_space<vmem>>, vector<1x16xf32>,
      %get3A_740 = vector.shape_cast %get3A_739 : vector<1x16xf32> to vector<16xf32>
      %add3A_741 = arith.addf %get3A_713, %get3A_740 : vector<16xf32>
      %add3A_742 = arith.constant 8 : i32
      %add3A_743 = arith.addi %mul3A_689, %add3A_742 : i32
      %get3A_744 = arith.index_cast %add3A_743 : i32 to index
      %get3A_745 = arith.constant 0 : index
      %get3A_746 = tpu.vector_load %arg16[%get3A_744, %get3A_745] {strides = array<i32>} : memref<3200x16xf32, #tpu.memory_space<vmem>>, vector<1x16xf32>,
      %get3A_747 = vector.shape_cast %get3A_746 : vector<1x16xf32> to vector<16xf32>
      %add3A_748 = arith.addf %add3A_720, %get3A_747 : vector<16xf32>
      %add3A_749 = arith.constant 9 : i32
      %add3A_750 = arith.addi %mul3A_689, %add3A_749 : i32
      %get3A_751 = arith.index_cast %add3A_750 : i32 to index
      %get3A_752 = arith.constant 0 : index
      %get3A_753 = tpu.vector_load %arg16[%get3A_751, %get3A_752] {strides = array<i32>} : memref<3200x16xf32, #tpu.memory_space<vmem>>, vector<1x16xf32>,
      %get3A_754 = vector.shape_cast %get3A_753 : vector<1x16xf32> to vector<16xf32>
      %add3A_755 = arith.addf %add3A_727, %get3A_754 : vector<16xf32>
      %add3A_756 = arith.constant 10 : i32
      %add3A_757 = arith.addi %mul3A_689, %add3A_756 : i32
      %get3A_758 = arith.index_cast %add3A_757 : i32 to index
      %get3A_759 = arith.constant 0 : index
      %get3A_760 = tpu.vector_load %arg16[%get3A_758, %get3A_759] {strides = array<i32>} : memref<3200x16xf32, #tpu.memory_space<vmem>>, vector<1x16xf32>,
      %get3A_761 = vector.shape_cast %get3A_760 : vector<1x16xf32> to vector<16xf32>
      %add3A_762 = arith.addf %add3A_734, %get3A_761 : vector<16xf32>
      %add3A_763 = arith.constant 11 : i32
      %add3A_764 = arith.addi %mul3A_689, %add3A_763 : i32
      %get3A_765 = arith.index_cast %add3A_764 : i32 to index
      %get3A_766 = arith.constant 0 : index
      %get3A_767 = tpu.vector_load %arg16[%get3A_765, %get3A_766] {strides = array<i32>} : memref<3200x16xf32, #tpu.memory_space<vmem>>, vector<1x16xf32>,
      %get3A_768 = vector.shape_cast %get3A_767 : vector<1x16xf32> to vector<16xf32>
      %add3A_769 = arith.addf %add3A_741, %get3A_768 : vector<16xf32>
      %add3A_770 = arith.constant 12 : i32
      %add3A_771 = arith.addi %mul3A_689, %add3A_770 : i32
      %get3A_772 = arith.index_cast %add3A_771 : i32 to index
      %get3A_773 = arith.constant 0 : index
      %get3A_774 = tpu.vector_load %arg16[%get3A_772, %get3A_773] {strides = array<i32>} : memref<3200x16xf32, #tpu.memory_space<vmem>>, vector<1x16xf32>,
      %get3A_775 = vector.shape_cast %get3A_774 : vector<1x16xf32> to vector<16xf32>
      %add3A_776 = arith.addf %add3A_748, %get3A_775 : vector<16xf32>
      %add3A_777 = arith.constant 13 : i32
      %add3A_778 = arith.addi %mul3A_689, %add3A_777 : i32
      %get3A_779 = arith.index_cast %add3A_778 : i32 to index
      %get3A_780 = arith.constant 0 : index
      %get3A_781 = tpu.vector_load %arg16[%get3A_779, %get3A_780] {strides = array<i32>} : memref<3200x16xf32, #tpu.memory_space<vmem>>, vector<1x16xf32>,
      %get3A_782 = vector.shape_cast %get3A_781 : vector<1x16xf32> to vector<16xf32>
      %add3A_783 = arith.addf %add3A_755, %get3A_782 : vector<16xf32>
      %add3A_784 = arith.constant 14 : i32
      %add3A_785 = arith.addi %mul3A_689, %add3A_784 : i32
      %get3A_786 = arith.index_cast %add3A_785 : i32 to index
      %get3A_787 = arith.constant 0 : index
      %get3A_788 = tpu.vector_load %arg16[%get3A_786, %get3A_787] {strides = array<i32>} : memref<3200x16xf32, #tpu.memory_space<vmem>>, vector<1x16xf32>,
      %get3A_789 = vector.shape_cast %get3A_788 : vector<1x16xf32> to vector<16xf32>
      %add3A_790 = arith.addf %add3A_762, %get3A_789 : vector<16xf32>
      %add3A_791 = arith.constant 15 : i32
      %add3A_792 = arith.addi %mul3A_689, %add3A_791 : i32
      %get3A_793 = arith.index_cast %add3A_792 : i32 to index
      %get3A_794 = arith.constant 0 : index
      %get3A_795 = tpu.vector_load %arg16[%get3A_793, %get3A_794] {strides = array<i32>} : memref<3200x16xf32, #tpu.memory_space<vmem>>, vector<1x16xf32>,
      %get3A_796 = vector.shape_cast %get3A_795 : vector<1x16xf32> to vector<16xf32>
      %add3A_797 = arith.addf %add3A_769, %get3A_796 : vector<16xf32>
      %add3A_798 = arith.constant 16 : i32
      %add3A_799 = arith.addi %mul3A_689, %add3A_798 : i32
      %get3A_800 = arith.index_cast %add3A_799 : i32 to index
      %get3A_801 = arith.constant 0 : index
      %get3A_802 = tpu.vector_load %arg16[%get3A_800, %get3A_801] {strides = array<i32>} : memref<3200x16xf32, #tpu.memory_space<vmem>>, vector<1x16xf32>,
      %get3A_803 = vector.shape_cast %get3A_802 : vector<1x16xf32> to vector<16xf32>
      %add3A_804 = arith.addf %add3A_776, %get3A_803 : vector<16xf32>
      %add3A_805 = arith.constant 17 : i32
      %add3A_806 = arith.addi %mul3A_689, %add3A_805 : i32
      %get3A_807 = arith.index_cast %add3A_806 : i32 to index
      %get3A_808 = arith.constant 0 : index
      %get3A_809 = tpu.vector_load %arg16[%get3A_807, %get3A_808] {strides = array<i32>} : memref<3200x16xf32, #tpu.memory_space<vmem>>, vector<1x16xf32>,
      %get3A_810 = vector.shape_cast %get3A_809 : vector<1x16xf32> to vector<16xf32>
      %add3A_811 = arith.addf %add3A_783, %get3A_810 : vector<16xf32>
      %add3A_812 = arith.constant 18 : i32
      %add3A_813 = arith.addi %mul3A_689, %add3A_812 : i32
      %get3A_814 = arith.index_cast %add3A_813 : i32 to index
      %get3A_815 = arith.constant 0 : index
      %get3A_816 = tpu.vector_load %arg16[%get3A_814, %get3A_815] {strides = array<i32>} : memref<3200x16xf32, #tpu.memory_space<vmem>>, vector<1x16xf32>,
      %get3A_817 = vector.shape_cast %get3A_816 : vector<1x16xf32> to vector<16xf32>
      %add3A_818 = arith.addf %add3A_790, %get3A_817 : vector<16xf32>
      %add3A_819 = arith.constant 19 : i32
      %add3A_820 = arith.addi %mul3A_689, %add3A_819 : i32
      %get3A_821 = arith.index_cast %add3A_820 : i32 to index
      %get3A_822 = arith.constant 0 : index
      %get3A_823 = tpu.vector_load %arg16[%get3A_821, %get3A_822] {strides = array<i32>} : memref<3200x16xf32, #tpu.memory_space<vmem>>, vector<1x16xf32>,
      %get3A_824 = vector.shape_cast %get3A_823 : vector<1x16xf32> to vector<16xf32>
      %add3A_825 = arith.addf %add3A_797, %get3A_824 : vector<16xf32>
      %add3A_826 = arith.constant 20 : i32
      %add3A_827 = arith.addi %mul3A_689, %add3A_826 : i32
      %get3A_828 = arith.index_cast %add3A_827 : i32 to index
      %get3A_829 = arith.constant 0 : index
      %get3A_830 = tpu.vector_load %arg16[%get3A_828, %get3A_829] {strides = array<i32>} : memref<3200x16xf32, #tpu.memory_space<vmem>>, vector<1x16xf32>,
      %get3A_831 = vector.shape_cast %get3A_830 : vector<1x16xf32> to vector<16xf32>
      %add3A_832 = arith.addf %add3A_804, %get3A_831 : vector<16xf32>
      %add3A_833 = arith.constant 21 : i32
      %add3A_834 = arith.addi %mul3A_689, %add3A_833 : i32
      %get3A_835 = arith.index_cast %add3A_834 : i32 to index
      %get3A_836 = arith.constant 0 : index
      %get3A_837 = tpu.vector_load %arg16[%get3A_835, %get3A_836] {strides = array<i32>} : memref<3200x16xf32, #tpu.memory_space<vmem>>, vector<1x16xf32>,
      %get3A_838 = vector.shape_cast %get3A_837 : vector<1x16xf32> to vector<16xf32>
      %add3A_839 = arith.addf %add3A_811, %get3A_838 : vector<16xf32>
      %add3A_840 = arith.constant 22 : i32
      %add3A_841 = arith.addi %mul3A_689, %add3A_840 : i32
      %get3A_842 = arith.index_cast %add3A_841 : i32 to index
      %get3A_843 = arith.constant 0 : index
      %get3A_844 = tpu.vector_load %arg16[%get3A_842, %get3A_843] {strides = array<i32>} : memref<3200x16xf32, #tpu.memory_space<vmem>>, vector<1x16xf32>,
      %get3A_845 = vector.shape_cast %get3A_844 : vector<1x16xf32> to vector<16xf32>
      %add3A_846 = arith.addf %add3A_818, %get3A_845 : vector<16xf32>
      %add3A_847 = arith.constant 23 : i32
      %add3A_848 = arith.addi %mul3A_689, %add3A_847 : i32
      %get3A_849 = arith.index_cast %add3A_848 : i32 to index
      %get3A_850 = arith.constant 0 : index
      %get3A_851 = tpu.vector_load %arg16[%get3A_849, %get3A_850] {strides = array<i32>} : memref<3200x16xf32, #tpu.memory_space<vmem>>, vector<1x16xf32>,
      %get3A_852 = vector.shape_cast %get3A_851 : vector<1x16xf32> to vector<16xf32>
      %add3A_853 = arith.addf %add3A_825, %get3A_852 : vector<16xf32>
      %add3A_854 = arith.constant 24 : i32
      %add3A_855 = arith.addi %mul3A_689, %add3A_854 : i32
      %get3A_856 = arith.index_cast %add3A_855 : i32 to index
      %get3A_857 = arith.constant 0 : index
      %get3A_858 = tpu.vector_load %arg16[%get3A_856, %get3A_857] {strides = array<i32>} : memref<3200x16xf32, #tpu.memory_space<vmem>>, vector<1x16xf32>,
      %get3A_859 = vector.shape_cast %get3A_858 : vector<1x16xf32> to vector<16xf32>
      %add3A_860 = arith.addf %add3A_832, %get3A_859 : vector<16xf32>
      %add3A_861 = arith.constant 25 : i32
      %add3A_862 = arith.addi %mul3A_689, %add3A_861 : i32
      %get3A_863 = arith.index_cast %add3A_862 : i32 to index
      %get3A_864 = arith.constant 0 : index
      %get3A_865 = tpu.vector_load %arg16[%get3A_863, %get3A_864] {strides = array<i32>} : memref<3200x16xf32, #tpu.memory_space<vmem>>, vector<1x16xf32>,
      %get3A_866 = vector.shape_cast %get3A_865 : vector<1x16xf32> to vector<16xf32>
      %add3A_867 = arith.addf %add3A_839, %get3A_866 : vector<16xf32>
      %add3A_868 = arith.constant 26 : i32
      %add3A_869 = arith.addi %mul3A_689, %add3A_868 : i32
      %get3A_870 = arith.index_cast %add3A_869 : i32 to index
      %get3A_871 = arith.constant 0 : index
      %get3A_872 = tpu.vector_load %arg16[%get3A_870, %get3A_871] {strides = array<i32>} : memref<3200x16xf32, #tpu.memory_space<vmem>>, vector<1x16xf32>,
      %get3A_873 = vector.shape_cast %get3A_872 : vector<1x16xf32> to vector<16xf32>
      %add3A_874 = arith.addf %add3A_846, %get3A_873 : vector<16xf32>
      %add3A_875 = arith.constant 27 : i32
      %add3A_876 = arith.addi %mul3A_689, %add3A_875 : i32
      %get3A_877 = arith.index_cast %add3A_876 : i32 to index
      %get3A_878 = arith.constant 0 : index
      %get3A_879 = tpu.vector_load %arg16[%get3A_877, %get3A_878] {strides = array<i32>} : memref<3200x16xf32, #tpu.memory_space<vmem>>, vector<1x16xf32>,
      %get3A_880 = vector.shape_cast %get3A_879 : vector<1x16xf32> to vector<16xf32>
      %add3A_881 = arith.addf %add3A_853, %get3A_880 : vector<16xf32>
      %add3A_882 = arith.constant 28 : i32
      %add3A_883 = arith.addi %mul3A_689, %add3A_882 : i32
      %get3A_884 = arith.index_cast %add3A_883 : i32 to index
      %get3A_885 = arith.constant 0 : index
      %get3A_886 = tpu.vector_load %arg16[%get3A_884, %get3A_885] {strides = array<i32>} : memref<3200x16xf32, #tpu.memory_space<vmem>>, vector<1x16xf32>,
      %get3A_887 = vector.shape_cast %get3A_886 : vector<1x16xf32> to vector<16xf32>
      %add3A_888 = arith.addf %add3A_860, %get3A_887 : vector<16xf32>
      %add3A_889 = arith.constant 29 : i32
      %add3A_890 = arith.addi %mul3A_689, %add3A_889 : i32
      %get3A_891 = arith.index_cast %add3A_890 : i32 to index
      %get3A_892 = arith.constant 0 : index
      %get3A_893 = tpu.vector_load %arg16[%get3A_891, %get3A_892] {strides = array<i32>} : memref<3200x16xf32, #tpu.memory_space<vmem>>, vector<1x16xf32>,
      %get3A_894 = vector.shape_cast %get3A_893 : vector<1x16xf32> to vector<16xf32>
      %add3A_895 = arith.addf %add3A_867, %get3A_894 : vector<16xf32>
      %add3A_896 = arith.constant 30 : i32
      %add3A_897 = arith.addi %mul3A_689, %add3A_896 : i32
      %get3A_898 = arith.index_cast %add3A_897 : i32 to index
      %get3A_899 = arith.constant 0 : index
      %get3A_900 = tpu.vector_load %arg16[%get3A_898, %get3A_899] {strides = array<i32>} : memref<3200x16xf32, #tpu.memory_space<vmem>>, vector<1x16xf32>,
      %get3A_901 = vector.shape_cast %get3A_900 : vector<1x16xf32> to vector<16xf32>
      %add3A_902 = arith.addf %add3A_874, %get3A_901 : vector<16xf32>
      %add3A_903 = arith.constant 31 : i32
      %add3A_904 = arith.addi %mul3A_689, %add3A_903 : i32
      %get3A_905 = arith.index_cast %add3A_904 : i32 to index
      %get3A_906 = arith.constant 0 : index
      %get3A_907 = tpu.vector_load %arg16[%get3A_905, %get3A_906] {strides = array<i32>} : memref<3200x16xf32, #tpu.memory_space<vmem>>, vector<1x16xf32>,
      %get3A_908 = vector.shape_cast %get3A_907 : vector<1x16xf32> to vector<16xf32>
      %add3A_909 = arith.addf %add3A_881, %get3A_908 : vector<16xf32>
      %add3A_910 = arith.constant 32 : i32
      %add3A_911 = arith.addi %mul3A_689, %add3A_910 : i32
      %get3A_912 = arith.index_cast %add3A_911 : i32 to index
      %get3A_913 = arith.constant 0 : index
      %get3A_914 = tpu.vector_load %arg16[%get3A_912, %get3A_913] {strides = array<i32>} : memref<3200x16xf32, #tpu.memory_space<vmem>>, vector<1x16xf32>,
      %get3A_915 = vector.shape_cast %get3A_914 : vector<1x16xf32> to vector<16xf32>
      %add3A_916 = arith.addf %add3A_888, %get3A_915 : vector<16xf32>
      %add3A_917 = arith.constant 33 : i32
      %add3A_918 = arith.addi %mul3A_689, %add3A_917 : i32
      %get3A_919 = arith.index_cast %add3A_918 : i32 to index
      %get3A_920 = arith.constant 0 : index
      %get3A_921 = tpu.vector_load %arg16[%get3A_919, %get3A_920] {strides = array<i32>} : memref<3200x16xf32, #tpu.memory_space<vmem>>, vector<1x16xf32>,
      %get3A_922 = vector.shape_cast %get3A_921 : vector<1x16xf32> to vector<16xf32>
      %add3A_923 = arith.addf %add3A_895, %get3A_922 : vector<16xf32>
      %add3A_924 = arith.constant 34 : i32
      %add3A_925 = arith.addi %mul3A_689, %add3A_924 : i32
      %get3A_926 = arith.index_cast %add3A_925 : i32 to index
      %get3A_927 = arith.constant 0 : index
      %get3A_928 = tpu.vector_load %arg16[%get3A_926, %get3A_927] {strides = array<i32>} : memref<3200x16xf32, #tpu.memory_space<vmem>>, vector<1x16xf32>,
      %get3A_929 = vector.shape_cast %get3A_928 : vector<1x16xf32> to vector<16xf32>
      %add3A_930 = arith.addf %add3A_902, %get3A_929 : vector<16xf32>
      %add3A_931 = arith.constant 35 : i32
      %add3A_932 = arith.addi %mul3A_689, %add3A_931 : i32
      %get3A_933 = arith.index_cast %add3A_932 : i32 to index
      %get3A_934 = arith.constant 0 : index
      %get3A_935 = tpu.vector_load %arg16[%get3A_933, %get3A_934] {strides = array<i32>} : memref<3200x16xf32, #tpu.memory_space<vmem>>, vector<1x16xf32>,
      %get3A_936 = vector.shape_cast %get3A_935 : vector<1x16xf32> to vector<16xf32>
      %add3A_937 = arith.addf %add3A_909, %get3A_936 : vector<16xf32>
      %add3A_938 = arith.constant 36 : i32
      %add3A_939 = arith.addi %mul3A_689, %add3A_938 : i32
      %get3A_940 = arith.index_cast %add3A_939 : i32 to index
      %get3A_941 = arith.constant 0 : index
      %get3A_942 = tpu.vector_load %arg16[%get3A_940, %get3A_941] {strides = array<i32>} : memref<3200x16xf32, #tpu.memory_space<vmem>>, vector<1x16xf32>,
      %get3A_943 = vector.shape_cast %get3A_942 : vector<1x16xf32> to vector<16xf32>
      %add3A_944 = arith.addf %add3A_916, %get3A_943 : vector<16xf32>
      %add3A_945 = arith.constant 37 : i32
      %add3A_946 = arith.addi %mul3A_689, %add3A_945 : i32
      %get3A_947 = arith.index_cast %add3A_946 : i32 to index
      %get3A_948 = arith.constant 0 : index
      %get3A_949 = tpu.vector_load %arg16[%get3A_947, %get3A_948] {strides = array<i32>} : memref<3200x16xf32, #tpu.memory_space<vmem>>, vector<1x16xf32>,
      %get3A_950 = vector.shape_cast %get3A_949 : vector<1x16xf32> to vector<16xf32>
      %add3A_951 = arith.addf %add3A_923, %get3A_950 : vector<16xf32>
      %add3A_952 = arith.constant 38 : i32
      %add3A_953 = arith.addi %mul3A_689, %add3A_952 : i32
      %get3A_954 = arith.index_cast %add3A_953 : i32 to index
      %get3A_955 = arith.constant 0 : index
      %get3A_956 = tpu.vector_load %arg16[%get3A_954, %get3A_955] {strides = array<i32>} : memref<3200x16xf32, #tpu.memory_space<vmem>>, vector<1x16xf32>,
      %get3A_957 = vector.shape_cast %get3A_956 : vector<1x16xf32> to vector<16xf32>
      %add3A_958 = arith.addf %add3A_930, %get3A_957 : vector<16xf32>
      %add3A_959 = arith.constant 39 : i32
      %add3A_960 = arith.addi %mul3A_689, %add3A_959 : i32
      %get3A_961 = arith.index_cast %add3A_960 : i32 to index
      %get3A_962 = arith.constant 0 : index
      %get3A_963 = tpu.vector_load %arg16[%get3A_961, %get3A_962] {strides = array<i32>} : memref<3200x16xf32, #tpu.memory_space<vmem>>, vector<1x16xf32>,
      %get3A_964 = vector.shape_cast %get3A_963 : vector<1x16xf32> to vector<16xf32>
      %add3A_965 = arith.addf %add3A_937, %get3A_964 : vector<16xf32>
      %add3A_966 = arith.constant 40 : i32
      %add3A_967 = arith.addi %mul3A_689, %add3A_966 : i32
      %get3A_968 = arith.index_cast %add3A_967 : i32 to index
      %get3A_969 = arith.constant 0 : index
      %get3A_970 = tpu.vector_load %arg16[%get3A_968, %get3A_969] {strides = array<i32>} : memref<3200x16xf32, #tpu.memory_space<vmem>>, vector<1x16xf32>,
      %get3A_971 = vector.shape_cast %get3A_970 : vector<1x16xf32> to vector<16xf32>
      %add3A_972 = arith.addf %add3A_944, %get3A_971 : vector<16xf32>
      %add3A_973 = arith.constant 41 : i32
      %add3A_974 = arith.addi %mul3A_689, %add3A_973 : i32
      %get3A_975 = arith.index_cast %add3A_974 : i32 to index
      %get3A_976 = arith.constant 0 : index
      %get3A_977 = tpu.vector_load %arg16[%get3A_975, %get3A_976] {strides = array<i32>} : memref<3200x16xf32, #tpu.memory_space<vmem>>, vector<1x16xf32>,
      %get3A_978 = vector.shape_cast %get3A_977 : vector<1x16xf32> to vector<16xf32>
      %add3A_979 = arith.addf %add3A_951, %get3A_978 : vector<16xf32>
      %add3A_980 = arith.constant 42 : i32
      %add3A_981 = arith.addi %mul3A_689, %add3A_980 : i32
      %get3A_982 = arith.index_cast %add3A_981 : i32 to index
      %get3A_983 = arith.constant 0 : index
      %get3A_984 = tpu.vector_load %arg16[%get3A_982, %get3A_983] {strides = array<i32>} : memref<3200x16xf32, #tpu.memory_space<vmem>>, vector<1x16xf32>,
      %get3A_985 = vector.shape_cast %get3A_984 : vector<1x16xf32> to vector<16xf32>
      %add3A_986 = arith.addf %add3A_958, %get3A_985 : vector<16xf32>
      %add3A_987 = arith.constant 43 : i32
      %add3A_988 = arith.addi %mul3A_689, %add3A_987 : i32
      %get3A_989 = arith.index_cast %add3A_988 : i32 to index
      %get3A_990 = arith.constant 0 : index
      %get3A_991 = tpu.vector_load %arg16[%get3A_989, %get3A_990] {strides = array<i32>} : memref<3200x16xf32, #tpu.memory_space<vmem>>, vector<1x16xf32>,
      %get3A_992 = vector.shape_cast %get3A_991 : vector<1x16xf32> to vector<16xf32>
      %add3A_993 = arith.addf %add3A_965, %get3A_992 : vector<16xf32>
      %add3A_994 = arith.constant 44 : i32
      %add3A_995 = arith.addi %mul3A_689, %add3A_994 : i32
      %get3A_996 = arith.index_cast %add3A_995 : i32 to index
      %get3A_997 = arith.constant 0 : index
      %get3A_998 = tpu.vector_load %arg16[%get3A_996, %get3A_997] {strides = array<i32>} : memref<3200x16xf32, #tpu.memory_space<vmem>>, vector<1x16xf32>,
      %get3A_999 = vector.shape_cast %get3A_998 : vector<1x16xf32> to vector<16xf32>
      %add3A_1000 = arith.addf %add3A_972, %get3A_999 : vector<16xf32>
      %add3A_1001 = arith.constant 45 : i32
      %add3A_1002 = arith.addi %mul3A_689, %add3A_1001 : i32
      %get3A_1003 = arith.index_cast %add3A_1002 : i32 to index
      %get3A_1004 = arith.constant 0 : index
      %get3A_1005 = tpu.vector_load %arg16[%get3A_1003, %get3A_1004] {strides = array<i32>} : memref<3200x16xf32, #tpu.memory_space<vmem>>, vector<1x16xf32>,
      %get3A_1006 = vector.shape_cast %get3A_1005 : vector<1x16xf32> to vector<16xf32>
      %add3A_1007 = arith.addf %add3A_979, %get3A_1006 : vector<16xf32>
      %add3A_1008 = arith.constant 46 : i32
      %add3A_1009 = arith.addi %mul3A_689, %add3A_1008 : i32
      %get3A_1010 = arith.index_cast %add3A_1009 : i32 to index
      %get3A_1011 = arith.constant 0 : index
      %get3A_1012 = tpu.vector_load %arg16[%get3A_1010, %get3A_1011] {strides = array<i32>} : memref<3200x16xf32, #tpu.memory_space<vmem>>, vector<1x16xf32>,
      %get3A_1013 = vector.shape_cast %get3A_1012 : vector<1x16xf32> to vector<16xf32>
      %add3A_1014 = arith.addf %add3A_986, %get3A_1013 : vector<16xf32>
      %add3A_1015 = arith.constant 47 : i32
      %add3A_1016 = arith.addi %mul3A_689, %add3A_1015 : i32
      %get3A_1017 = arith.index_cast %add3A_1016 : i32 to index
      %get3A_1018 = arith.constant 0 : index
      %get3A_1019 = tpu.vector_load %arg16[%get3A_1017, %get3A_1018] {strides = array<i32>} : memref<3200x16xf32, #tpu.memory_space<vmem>>, vector<1x16xf32>,
      %get3A_1020 = vector.shape_cast %get3A_1019 : vector<1x16xf32> to vector<16xf32>
      %add3A_1021 = arith.addf %add3A_993, %get3A_1020 : vector<16xf32>
      %add3A_1022 = arith.constant 48 : i32
      %add3A_1023 = arith.addi %mul3A_689, %add3A_1022 : i32
      %get3A_1024 = arith.index_cast %add3A_1023 : i32 to index
      %get3A_1025 = arith.constant 0 : index
      %get3A_1026 = tpu.vector_load %arg16[%get3A_1024, %get3A_1025] {strides = array<i32>} : memref<3200x16xf32, #tpu.memory_space<vmem>>, vector<1x16xf32>,
      %get3A_1027 = vector.shape_cast %get3A_1026 : vector<1x16xf32> to vector<16xf32>
      %add3A_1028 = arith.addf %add3A_1000, %get3A_1027 : vector<16xf32>
      %add3A_1029 = arith.constant 49 : i32
      %add3A_1030 = arith.addi %mul3A_689, %add3A_1029 : i32
      %get3A_1031 = arith.index_cast %add3A_1030 : i32 to index
      %get3A_1032 = arith.constant 0 : index
      %get3A_1033 = tpu.vector_load %arg16[%get3A_1031, %get3A_1032] {strides = array<i32>} : memref<3200x16xf32, #tpu.memory_space<vmem>>, vector<1x16xf32>,
      %get3A_1034 = vector.shape_cast %get3A_1033 : vector<1x16xf32> to vector<16xf32>
      %add3A_1035 = arith.addf %add3A_1007, %get3A_1034 : vector<16xf32>
      %add3A_1036 = arith.addf %add3A_1028, %add3A_1035 : vector<16xf32>
      %add3A_1037 = arith.addf %add3A_1014, %add3A_1021 : vector<16xf32>
      %add3A_1038 = arith.addf %add3A_1036, %add3A_1037 : vector<16xf32>
      %get3A_1039 = arith.index_cast %scan3A_687 : i32 to index
      %get3A_1040 = arith.constant 0 : index
      %get3A_1041 = tpu.vector_load %arg14[%get3A_1039, %get3A_1040] {strides = array<i32>} : memref<64x50xi32, #tpu.memory_space<vmem>>, vector<1x16xi32>,
      %get3A_1042 = vector.shape_cast %get3A_1041 : vector<1x16xi32> to vector<16xi32>
      %get3A_1043 = arith.index_cast %scan3A_687 : i32 to index
      %get3A_1044 = arith.constant 16 : index
      %get3A_1045 = tpu.vector_load %arg14[%get3A_1043, %get3A_1044] {strides = array<i32>} : memref<64x50xi32, #tpu.memory_space<vmem>>, vector<1x16xi32>,
      %get3A_1046 = vector.shape_cast %get3A_1045 : vector<1x16xi32> to vector<16xi32>
      %get3A_1047 = arith.index_cast %scan3A_687 : i32 to index
      %get3A_1048 = arith.constant 32 : index
      %get3A_1049 = tpu.vector_load %arg14[%get3A_1047, %get3A_1048] {strides = array<i32>} : memref<64x50xi32, #tpu.memory_space<vmem>>, vector<1x16xi32>,
      %get3A_1050 = vector.shape_cast %get3A_1049 : vector<1x16xi32> to vector<16xi32>
      %get3A_1051 = arith.index_cast %scan3A_687 : i32 to index
      %get3A_1052 = arith.constant 34 : index
      %get3A_1053 = tpu.vector_load %arg14[%get3A_1051, %get3A_1052] {strides = array<i32>} : memref<64x50xi32, #tpu.memory_space<vmem>>, vector<1x16xi32>,
      %get3A_1054 = vector.shape_cast %get3A_1053 : vector<1x16xi32> to vector<16xi32>
      %eq3A = arith.constant 0 : i32
      %eq3A_1055 = vector.broadcast %eq3A : i32 to vector<16xi32>
      %eq3A_1056 = arith.cmpi eq, %get3A_1042, %eq3A_1055 : vector<16xi32>
      %jit3A = arith.constant 1.000000e+00 : f32
      %jit3A_1057 = arith.constant 0.000000e+00 : f32
      %broadcast_in_dim3A = vector.broadcast %jit3A : f32 to vector<16xf32>
      %broadcast_in_dim3A_1058 = vector.broadcast %jit3A_1057 : f32 to vector<16xf32>
      %select_n3A = arith.select %eq3A_1056, %broadcast_in_dim3A, %broadcast_in_dim3A_1058 : vector<16xi1>, vector<16xf32>
      %eq3A_1059 = arith.constant 0 : i32
      %eq3A_1060 = vector.broadcast %eq3A_1059 : i32 to vector<16xi32>
      %eq3A_1061 = arith.cmpi eq, %get3A_1046, %eq3A_1060 : vector<16xi32>
      %jit3A_1062 = arith.constant 1.000000e+00 : f32
      %jit3A_1063 = arith.constant 0.000000e+00 : f32
      %broadcast_in_dim3A_1064 = vector.broadcast %jit3A_1062 : f32 to vector<16xf32>
      %broadcast_in_dim3A_1065 = vector.broadcast %jit3A_1063 : f32 to vector<16xf32>
      %select_n3A_1066 = arith.select %eq3A_1061, %broadcast_in_dim3A_1064, %broadcast_in_dim3A_1065 : vector<16xi1>, vector<16xf32>
      %add3A_1067 = arith.addf %select_n3A, %select_n3A_1066 : vector<16xf32>
      %eq3A_1068 = arith.constant 0 : i32
      %eq3A_1069 = vector.broadcast %eq3A_1068 : i32 to vector<16xi32>
      %eq3A_1070 = arith.cmpi eq, %get3A_1050, %eq3A_1069 : vector<16xi32>
      %jit3A_1071 = arith.constant 1.000000e+00 : f32
      %jit3A_1072 = arith.constant 0.000000e+00 : f32
      %broadcast_in_dim3A_1073 = vector.broadcast %jit3A_1071 : f32 to vector<16xf32>
      %broadcast_in_dim3A_1074 = vector.broadcast %jit3A_1072 : f32 to vector<16xf32>
      %select_n3A_1075 = arith.select %eq3A_1070, %broadcast_in_dim3A_1073, %broadcast_in_dim3A_1074 : vector<16xi1>, vector<16xf32>
      %add3A_1076 = arith.addf %add3A_1067, %select_n3A_1075 : vector<16xf32>
      %eq3A_1077 = arith.constant 0 : i32
      %eq3A_1078 = vector.broadcast %eq3A_1077 : i32 to vector<16xi32>
      %eq3A_1079 = arith.cmpi eq, %get3A_1054, %eq3A_1078 : vector<16xi32>
      %ge3A = arith.constant 14 : i32
      %ge3A_1080 = vector.broadcast %ge3A : i32 to vector<16xi32>
      %ge3A_1081 = arith.cmpi sge, %iota3A, %ge3A_1080 : vector<16xi32>
      %and3A = arith.andi %eq3A_1079, %ge3A_1081 : vector<16xi1>
      %jit3A_1082 = arith.constant 1.000000e+00 : f32
      %jit3A_1083 = arith.constant 0.000000e+00 : f32
      %broadcast_in_dim3A_1084 = vector.broadcast %jit3A_1082 : f32 to vector<16xf32>
      %broadcast_in_dim3A_1085 = vector.broadcast %jit3A_1083 : f32 to vector<16xf32>
      %select_n3A_1086 = arith.select %and3A, %broadcast_in_dim3A_1084, %broadcast_in_dim3A_1085 : vector<16xi1>, vector<16xf32>
      %add3A_1087 = arith.addf %add3A_1076, %select_n3A_1086 : vector<16xf32>
      %add3A_1088 = arith.constant 8 : i32
      %add3A_1089 = vector.broadcast %add3A_1088 : i32 to vector<16xi32>
      %add3A_1090 = arith.addi %iota3A, %add3A_1089 : vector<16xi32>
      %and3A_1091 = arith.constant 15 : i32
      %and3A_1092 = vector.broadcast %and3A_1091 : i32 to vector<16xi32>
      %and3A_1093 = arith.andi %add3A_1090, %and3A_1092 : vector<16xi32>
      %lt3A = arith.constant 0 : i32
      %lt3A_1094 = vector.broadcast %lt3A : i32 to vector<16xi32>
      %lt3A_1095 = arith.cmpi slt, %and3A_1093, %lt3A_1094 : vector<16xi32>
      %add3A_1096 = arith.constant 16 : i32
      %add3A_1097 = vector.broadcast %add3A_1096 : i32 to vector<16xi32>
      %add3A_1098 = arith.addi %and3A_1093, %add3A_1097 : vector<16xi32>
      %select_n3A_1099 = arith.select %lt3A_1095, %add3A_1098, %and3A_1093 : vector<16xi1>, vector<16xi32>
      %broadcast_in_dim3A_1100 = vector.shape_cast %select_n3A_1099 : vector<16xi32> to vector<16x1xi32>
      %gather3A = vector.shape_cast %broadcast_in_dim3A_1100 : vector<16x1xi32> to vector<16xi32>
      %gather3A_1101 = tpu.dynamic_gather %add3A_1087[%gather3A] in [0] : vector<16xf32>, vector<16xi32> -> vector<16xf32>
      %add3A_1102 = arith.addf %add3A_1087, %gather3A_1101 : vector<16xf32>
      %add3A_1103 = arith.constant 4 : i32
      %add3A_1104 = vector.broadcast %add3A_1103 : i32 to vector<16xi32>
      %add3A_1105 = arith.addi %iota3A, %add3A_1104 : vector<16xi32>
      %and3A_1106 = arith.constant 15 : i32
      %and3A_1107 = vector.broadcast %and3A_1106 : i32 to vector<16xi32>
      %and3A_1108 = arith.andi %add3A_1105, %and3A_1107 : vector<16xi32>
      %lt3A_1109 = arith.constant 0 : i32
      %lt3A_1110 = vector.broadcast %lt3A_1109 : i32 to vector<16xi32>
      %lt3A_1111 = arith.cmpi slt, %and3A_1108, %lt3A_1110 : vector<16xi32>
      %add3A_1112 = arith.constant 16 : i32
      %add3A_1113 = vector.broadcast %add3A_1112 : i32 to vector<16xi32>
      %add3A_1114 = arith.addi %and3A_1108, %add3A_1113 : vector<16xi32>
      %select_n3A_1115 = arith.select %lt3A_1111, %add3A_1114, %and3A_1108 : vector<16xi1>, vector<16xi32>
      %broadcast_in_dim3A_1116 = vector.shape_cast %select_n3A_1115 : vector<16xi32> to vector<16x1xi32>
      %gather3A_1117 = vector.shape_cast %broadcast_in_dim3A_1116 : vector<16x1xi32> to vector<16xi32>
      %gather3A_1118 = tpu.dynamic_gather %add3A_1102[%gather3A_1117] in [0] : vector<16xf32>, vector<16xi32> -> vector<16xf32>
      %add3A_1119 = arith.addf %add3A_1102, %gather3A_1118 : vector<16xf32>
      %add3A_1120 = arith.constant 2 : i32
      %add3A_1121 = vector.broadcast %add3A_1120 : i32 to vector<16xi32>
      %add3A_1122 = arith.addi %iota3A, %add3A_1121 : vector<16xi32>
      %and3A_1123 = arith.constant 15 : i32
      %and3A_1124 = vector.broadcast %and3A_1123 : i32 to vector<16xi32>
      %and3A_1125 = arith.andi %add3A_1122, %and3A_1124 : vector<16xi32>
      %lt3A_1126 = arith.constant 0 : i32
      %lt3A_1127 = vector.broadcast %lt3A_1126 : i32 to vector<16xi32>
      %lt3A_1128 = arith.cmpi slt, %and3A_1125, %lt3A_1127 : vector<16xi32>
      %add3A_1129 = arith.constant 16 : i32
      %add3A_1130 = vector.broadcast %add3A_1129 : i32 to vector<16xi32>
      %add3A_1131 = arith.addi %and3A_1125, %add3A_1130 : vector<16xi32>
      %select_n3A_1132 = arith.select %lt3A_1128, %add3A_1131, %and3A_1125 : vector<16xi1>, vector<16xi32>
      %broadcast_in_dim3A_1133 = vector.shape_cast %select_n3A_1132 : vector<16xi32> to vector<16x1xi32>
      %gather3A_1134 = vector.shape_cast %broadcast_in_dim3A_1133 : vector<16x1xi32> to vector<16xi32>
      %gather3A_1135 = tpu.dynamic_gather %add3A_1119[%gather3A_1134] in [0] : vector<16xf32>, vector<16xi32> -> vector<16xf32>
      %add3A_1136 = arith.addf %add3A_1119, %gather3A_1135 : vector<16xf32>
      %add3A_1137 = arith.constant 1 : i32
      %add3A_1138 = vector.broadcast %add3A_1137 : i32 to vector<16xi32>
      %add3A_1139 = arith.addi %iota3A, %add3A_1138 : vector<16xi32>
      %and3A_1140 = arith.constant 15 : i32
      %and3A_1141 = vector.broadcast %and3A_1140 : i32 to vector<16xi32>
      %and3A_1142 = arith.andi %add3A_1139, %and3A_1141 : vector<16xi32>
      %lt3A_1143 = arith.constant 0 : i32
      %lt3A_1144 = vector.broadcast %lt3A_1143 : i32 to vector<16xi32>
      %lt3A_1145 = arith.cmpi slt, %and3A_1142, %lt3A_1144 : vector<16xi32>
      %add3A_1146 = arith.constant 16 : i32
      %add3A_1147 = vector.broadcast %add3A_1146 : i32 to vector<16xi32>
      %add3A_1148 = arith.addi %and3A_1142, %add3A_1147 : vector<16xi32>
      %select_n3A_1149 = arith.select %lt3A_1145, %add3A_1148, %and3A_1142 : vector<16xi1>, vector<16xi32>
      %broadcast_in_dim3A_1150 = vector.shape_cast %select_n3A_1149 : vector<16xi32> to vector<16x1xi32>
      %gather3A_1151 = vector.shape_cast %broadcast_in_dim3A_1150 : vector<16x1xi32> to vector<16xi32>
      %gather3A_1152 = tpu.dynamic_gather %add3A_1136[%gather3A_1151] in [0] : vector<16xf32>, vector<16xi32> -> vector<16xf32>
      %add3A_1153 = arith.addf %add3A_1136, %gather3A_1152 : vector<16xf32>
      %sub3A_1154 = arith.constant 5.000000e+01 : f32
      %sub3A_1155 = vector.broadcast %sub3A_1154 : f32 to vector<16xf32>
      %sub3A_1156 = arith.subf %sub3A_1155, %add3A_1153 : vector<16xf32>
      %max3A = arith.constant 9.99999971E-10 : f32
      %max3A_1157 = vector.broadcast %max3A : f32 to vector<16xf32>
      %max3A_1158 = arith.maximumf %sub3A_1156, %max3A_1157 : vector<16xf32>
      %mul3A_1159 = arith.mulf %add3A_1153, %get3A_4 : vector<16xf32>
      %sub3A_1160 = arith.subf %add3A_1038, %mul3A_1159 : vector<16xf32>
      %div3A_1161 = arith.divf %sub3A_1160, %max3A_1158 : vector<16xf32>
      %add3A_1162 = arith.constant 192 : i32
      %add3A_1163 = arith.addi %add3A_1162, %scan3A_687 : i32
      %swap3A_1164 = arith.index_cast %add3A_1163 : i32 to index
      %swap3A_1165 = arith.constant 0 : index
      %swap3A_1166 = tpu.vector_load %arg18[%swap3A_1164, %swap3A_1165] {strides = array<i32>} : memref<512x16xf32, #tpu.memory_space<vmem>>, vector<1x16xf32>,
      %swap3A_1167 = vector.shape_cast %swap3A_1166 : vector<1x16xf32> to vector<16xf32>
      %swap3A_1168 = vector.shape_cast %div3A_1161 : vector<16xf32> to vector<1x16xf32>
      tpu.vector_store %arg18[%swap3A_1164, %swap3A_1165], %swap3A_1168 {strides = array<i32>} : memref<512x16xf32, #tpu.memory_space<vmem>>, vector<1x16xf32>,
    }
    %scan3A_601 = arith.constant 64 : i32
    %add3A_602 = arith.constant 320 : i32
    %add3A_603 = arith.addi %mul3A_2, %add3A_602 : i32
    %mul3A_604 = arith.constant 50 : i32
    %mul3A_605 = arith.muli %add3A_603, %mul3A_604 : i32
    "tpu.region"() ({
      %run_scoped3A_687 = tpu.sem_alloc : memref<!tpu.dma_semaphore, #tpu.memory_space<semaphore_mem>>
      %dma_start3A_688 = tpu.memref_slice %arg4[%mul3A_605] : memref<819200xi32, #tpu.memory_space<hbm>> -> memref<3200xi32, #tpu.memory_space<hbm>>
      %dma_start3A_689 = tpu.memref_slice %arg4[%mul3A_605] : memref<819200xi32, #tpu.memory_space<hbm>> -> memref<3200xi32, #tpu.memory_space<hbm>>
      tpu.enqueue_dma source(%dma_start3A_689 : memref<3200xi32, #tpu.memory_space<hbm>>) target(%arg12 : memref<3200xi32, #tpu.memory_space<vmem>>) target_semaphore(%run_scoped3A_687 : memref<!tpu.dma_semaphore, #tpu.memory_space<semaphore_mem>>)
      %dma_wait3A_690 = tpu.memref_slice %arg4[%mul3A_605] : memref<819200xi32, #tpu.memory_space<hbm>> -> memref<3200xi32, #tpu.memory_space<hbm>>
      %dma_wait3A_691 = tpu.memref_slice %arg4[%mul3A_605] : memref<819200xi32, #tpu.memory_space<hbm>> -> memref<3200xi32, #tpu.memory_space<hbm>>
      tpu.wait_dma2 semaphore(%run_scoped3A_687 : memref<!tpu.dma_semaphore, #tpu.memory_space<semaphore_mem>>) src(%dma_wait3A_691 : memref<3200xi32, #tpu.memory_space<hbm>>) dst(%arg12 : memref<3200xi32, #tpu.memory_space<vmem>>)
      tpu.yield
    }) : () -> ()
    %dma_start3A_606 = arith.constant 0 : i32
    %dma_start3A_607 = tpu.memref_slice %arg5[%add3A_603, %dma_start3A_606] : memref<16384x50xi32, #tpu.memory_space<hbm>> -> memref<64x50xi32, #tpu.memory_space<hbm>>
    %dma_start3A_608 = arith.constant 0 : i32
    %dma_start3A_609 = tpu.memref_slice %arg5[%add3A_603, %dma_start3A_608] : memref<16384x50xi32, #tpu.memory_space<hbm>> -> memref<64x50xi32, #tpu.memory_space<hbm>>
    tpu.enqueue_dma source(%dma_start3A_609 : memref<64x50xi32, #tpu.memory_space<hbm>>) target(%arg14 : memref<64x50xi32, #tpu.memory_space<vmem>>) target_semaphore(%arg21 : memref<!tpu.dma_semaphore, #tpu.memory_space<semaphore_mem>>)
    %dma_start3A_610 = arith.constant 0 : i32
    %dma_start3A_611 = arith.constant 0 : i32
    %dma_start3A_612 = tpu.memref_slice %arg7[%dma_start3A_610, %dma_start3A_611] : memref<1000001x16xf32, #tpu.memory_space<hbm>> -> memref<1000001x16xf32, #tpu.memory_space<hbm>>
    tpu.enqueue_indirect_dma source(%dma_start3A_612 : memref<1000001x16xf32, #tpu.memory_space<hbm>>) target(%arg16 : memref<3200x16xf32, #tpu.memory_space<vmem>>) offsets(%arg12 : memref<3200xi32, #tpu.memory_space<vmem>>) semaphore(%arg21 : memref<!tpu.dma_semaphore, #tpu.memory_space<semaphore_mem>>)
    %dma_wait3A_613 = arith.constant 0 : i32
    %dma_wait3A_614 = tpu.memref_slice %arg5[%add3A_579, %dma_wait3A_613] : memref<16384x50xi32, #tpu.memory_space<hbm>> -> memref<64x50xi32, #tpu.memory_space<hbm>>
    %dma_wait3A_615 = arith.constant 0 : i32
    %dma_wait3A_616 = tpu.memref_slice %arg5[%add3A_579, %dma_wait3A_615] : memref<16384x50xi32, #tpu.memory_space<hbm>> -> memref<64x50xi32, #tpu.memory_space<hbm>>
    tpu.wait_dma2 semaphore(%arg20 : memref<!tpu.dma_semaphore, #tpu.memory_space<semaphore_mem>>) src(%dma_wait3A_616 : memref<64x50xi32, #tpu.memory_space<hbm>>) dst(%arg13 : memref<64x50xi32, #tpu.memory_space<vmem>>)
    %dma_wait3A_617 = arith.constant 0 : i32
    %dma_wait3A_618 = arith.constant 0 : i32
    %dma_wait3A_619 = tpu.memref_slice %arg7[%dma_wait3A_617, %dma_wait3A_618] : memref<1000001x16xf32, #tpu.memory_space<hbm>> -> memref<1000001x16xf32, #tpu.memory_space<hbm>>
    tpu.wait_indirect_dma semaphore(%arg20 : memref<!tpu.dma_semaphore, #tpu.memory_space<semaphore_mem>>) src(%dma_wait3A_619 : memref<1000001x16xf32, #tpu.memory_space<hbm>>) dst(%arg15 : memref<3200x16xf32, #tpu.memory_space<vmem>>)
    %scan3A_620 = arith.constant 0 : i32
    %scan3A_621 = arith.constant 0 : i32
    %scan3A_622 = arith.constant 64 : i32
    %scan3A_623 = arith.addi %scan3A_621, %scan3A_622 : i32
    %scan3A_624 = arith.constant 1 : i32
    scf.for %scan3A_687 = %scan3A_621 to %scan3A_623 step %scan3A_624  : i32 {
      %mul3A_688 = arith.constant 50 : i32
      %mul3A_689 = arith.muli %scan3A_687, %mul3A_688 : i32
      %add3A_690 = arith.constant 0 : i32
      %add3A_691 = arith.addi %mul3A_689, %add3A_690 : i32
      %get3A_692 = arith.index_cast %add3A_691 : i32 to index
      %get3A_693 = arith.constant 0 : index
      %get3A_694 = tpu.vector_load %arg15[%get3A_692, %get3A_693] {strides = array<i32>} : memref<3200x16xf32, #tpu.memory_space<vmem>>, vector<1x16xf32>,
      %get3A_695 = vector.shape_cast %get3A_694 : vector<1x16xf32> to vector<16xf32>
      %add3A_696 = arith.constant 1 : i32
      %add3A_697 = arith.addi %mul3A_689, %add3A_696 : i32
      %get3A_698 = arith.index_cast %add3A_697 : i32 to index
      %get3A_699 = arith.constant 0 : index
      %get3A_700 = tpu.vector_load %arg15[%get3A_698, %get3A_699] {strides = array<i32>} : memref<3200x16xf32, #tpu.memory_space<vmem>>, vector<1x16xf32>,
      %get3A_701 = vector.shape_cast %get3A_700 : vector<1x16xf32> to vector<16xf32>
      %add3A_702 = arith.constant 2 : i32
      %add3A_703 = arith.addi %mul3A_689, %add3A_702 : i32
      %get3A_704 = arith.index_cast %add3A_703 : i32 to index
      %get3A_705 = arith.constant 0 : index
      %get3A_706 = tpu.vector_load %arg15[%get3A_704, %get3A_705] {strides = array<i32>} : memref<3200x16xf32, #tpu.memory_space<vmem>>, vector<1x16xf32>,
      %get3A_707 = vector.shape_cast %get3A_706 : vector<1x16xf32> to vector<16xf32>
      %add3A_708 = arith.constant 3 : i32
      %add3A_709 = arith.addi %mul3A_689, %add3A_708 : i32
      %get3A_710 = arith.index_cast %add3A_709 : i32 to index
      %get3A_711 = arith.constant 0 : index
      %get3A_712 = tpu.vector_load %arg15[%get3A_710, %get3A_711] {strides = array<i32>} : memref<3200x16xf32, #tpu.memory_space<vmem>>, vector<1x16xf32>,
      %get3A_713 = vector.shape_cast %get3A_712 : vector<1x16xf32> to vector<16xf32>
      %add3A_714 = arith.constant 4 : i32
      %add3A_715 = arith.addi %mul3A_689, %add3A_714 : i32
      %get3A_716 = arith.index_cast %add3A_715 : i32 to index
      %get3A_717 = arith.constant 0 : index
      %get3A_718 = tpu.vector_load %arg15[%get3A_716, %get3A_717] {strides = array<i32>} : memref<3200x16xf32, #tpu.memory_space<vmem>>, vector<1x16xf32>,
      %get3A_719 = vector.shape_cast %get3A_718 : vector<1x16xf32> to vector<16xf32>
      %add3A_720 = arith.addf %get3A_695, %get3A_719 : vector<16xf32>
      %add3A_721 = arith.constant 5 : i32
      %add3A_722 = arith.addi %mul3A_689, %add3A_721 : i32
      %get3A_723 = arith.index_cast %add3A_722 : i32 to index
      %get3A_724 = arith.constant 0 : index
      %get3A_725 = tpu.vector_load %arg15[%get3A_723, %get3A_724] {strides = array<i32>} : memref<3200x16xf32, #tpu.memory_space<vmem>>, vector<1x16xf32>,
      %get3A_726 = vector.shape_cast %get3A_725 : vector<1x16xf32> to vector<16xf32>
      %add3A_727 = arith.addf %get3A_701, %get3A_726 : vector<16xf32>
      %add3A_728 = arith.constant 6 : i32
      %add3A_729 = arith.addi %mul3A_689, %add3A_728 : i32
      %get3A_730 = arith.index_cast %add3A_729 : i32 to index
      %get3A_731 = arith.constant 0 : index
      %get3A_732 = tpu.vector_load %arg15[%get3A_730, %get3A_731] {strides = array<i32>} : memref<3200x16xf32, #tpu.memory_space<vmem>>, vector<1x16xf32>,
      %get3A_733 = vector.shape_cast %get3A_732 : vector<1x16xf32> to vector<16xf32>
      %add3A_734 = arith.addf %get3A_707, %get3A_733 : vector<16xf32>
      %add3A_735 = arith.constant 7 : i32
      %add3A_736 = arith.addi %mul3A_689, %add3A_735 : i32
      %get3A_737 = arith.index_cast %add3A_736 : i32 to index
      %get3A_738 = arith.constant 0 : index
      %get3A_739 = tpu.vector_load %arg15[%get3A_737, %get3A_738] {strides = array<i32>} : memref<3200x16xf32, #tpu.memory_space<vmem>>, vector<1x16xf32>,
      %get3A_740 = vector.shape_cast %get3A_739 : vector<1x16xf32> to vector<16xf32>
      %add3A_741 = arith.addf %get3A_713, %get3A_740 : vector<16xf32>
      %add3A_742 = arith.constant 8 : i32
      %add3A_743 = arith.addi %mul3A_689, %add3A_742 : i32
      %get3A_744 = arith.index_cast %add3A_743 : i32 to index
      %get3A_745 = arith.constant 0 : index
      %get3A_746 = tpu.vector_load %arg15[%get3A_744, %get3A_745] {strides = array<i32>} : memref<3200x16xf32, #tpu.memory_space<vmem>>, vector<1x16xf32>,
      %get3A_747 = vector.shape_cast %get3A_746 : vector<1x16xf32> to vector<16xf32>
      %add3A_748 = arith.addf %add3A_720, %get3A_747 : vector<16xf32>
      %add3A_749 = arith.constant 9 : i32
      %add3A_750 = arith.addi %mul3A_689, %add3A_749 : i32
      %get3A_751 = arith.index_cast %add3A_750 : i32 to index
      %get3A_752 = arith.constant 0 : index
      %get3A_753 = tpu.vector_load %arg15[%get3A_751, %get3A_752] {strides = array<i32>} : memref<3200x16xf32, #tpu.memory_space<vmem>>, vector<1x16xf32>,
      %get3A_754 = vector.shape_cast %get3A_753 : vector<1x16xf32> to vector<16xf32>
      %add3A_755 = arith.addf %add3A_727, %get3A_754 : vector<16xf32>
      %add3A_756 = arith.constant 10 : i32
      %add3A_757 = arith.addi %mul3A_689, %add3A_756 : i32
      %get3A_758 = arith.index_cast %add3A_757 : i32 to index
      %get3A_759 = arith.constant 0 : index
      %get3A_760 = tpu.vector_load %arg15[%get3A_758, %get3A_759] {strides = array<i32>} : memref<3200x16xf32, #tpu.memory_space<vmem>>, vector<1x16xf32>,
      %get3A_761 = vector.shape_cast %get3A_760 : vector<1x16xf32> to vector<16xf32>
      %add3A_762 = arith.addf %add3A_734, %get3A_761 : vector<16xf32>
      %add3A_763 = arith.constant 11 : i32
      %add3A_764 = arith.addi %mul3A_689, %add3A_763 : i32
      %get3A_765 = arith.index_cast %add3A_764 : i32 to index
      %get3A_766 = arith.constant 0 : index
      %get3A_767 = tpu.vector_load %arg15[%get3A_765, %get3A_766] {strides = array<i32>} : memref<3200x16xf32, #tpu.memory_space<vmem>>, vector<1x16xf32>,
      %get3A_768 = vector.shape_cast %get3A_767 : vector<1x16xf32> to vector<16xf32>
      %add3A_769 = arith.addf %add3A_741, %get3A_768 : vector<16xf32>
      %add3A_770 = arith.constant 12 : i32
      %add3A_771 = arith.addi %mul3A_689, %add3A_770 : i32
      %get3A_772 = arith.index_cast %add3A_771 : i32 to index
      %get3A_773 = arith.constant 0 : index
      %get3A_774 = tpu.vector_load %arg15[%get3A_772, %get3A_773] {strides = array<i32>} : memref<3200x16xf32, #tpu.memory_space<vmem>>, vector<1x16xf32>,
      %get3A_775 = vector.shape_cast %get3A_774 : vector<1x16xf32> to vector<16xf32>
      %add3A_776 = arith.addf %add3A_748, %get3A_775 : vector<16xf32>
      %add3A_777 = arith.constant 13 : i32
      %add3A_778 = arith.addi %mul3A_689, %add3A_777 : i32
      %get3A_779 = arith.index_cast %add3A_778 : i32 to index
      %get3A_780 = arith.constant 0 : index
      %get3A_781 = tpu.vector_load %arg15[%get3A_779, %get3A_780] {strides = array<i32>} : memref<3200x16xf32, #tpu.memory_space<vmem>>, vector<1x16xf32>,
      %get3A_782 = vector.shape_cast %get3A_781 : vector<1x16xf32> to vector<16xf32>
      %add3A_783 = arith.addf %add3A_755, %get3A_782 : vector<16xf32>
      %add3A_784 = arith.constant 14 : i32
      %add3A_785 = arith.addi %mul3A_689, %add3A_784 : i32
      %get3A_786 = arith.index_cast %add3A_785 : i32 to index
      %get3A_787 = arith.constant 0 : index
      %get3A_788 = tpu.vector_load %arg15[%get3A_786, %get3A_787] {strides = array<i32>} : memref<3200x16xf32, #tpu.memory_space<vmem>>, vector<1x16xf32>,
      %get3A_789 = vector.shape_cast %get3A_788 : vector<1x16xf32> to vector<16xf32>
      %add3A_790 = arith.addf %add3A_762, %get3A_789 : vector<16xf32>
      %add3A_791 = arith.constant 15 : i32
      %add3A_792 = arith.addi %mul3A_689, %add3A_791 : i32
      %get3A_793 = arith.index_cast %add3A_792 : i32 to index
      %get3A_794 = arith.constant 0 : index
      %get3A_795 = tpu.vector_load %arg15[%get3A_793, %get3A_794] {strides = array<i32>} : memref<3200x16xf32, #tpu.memory_space<vmem>>, vector<1x16xf32>,
      %get3A_796 = vector.shape_cast %get3A_795 : vector<1x16xf32> to vector<16xf32>
      %add3A_797 = arith.addf %add3A_769, %get3A_796 : vector<16xf32>
      %add3A_798 = arith.constant 16 : i32
      %add3A_799 = arith.addi %mul3A_689, %add3A_798 : i32
      %get3A_800 = arith.index_cast %add3A_799 : i32 to index
      %get3A_801 = arith.constant 0 : index
      %get3A_802 = tpu.vector_load %arg15[%get3A_800, %get3A_801] {strides = array<i32>} : memref<3200x16xf32, #tpu.memory_space<vmem>>, vector<1x16xf32>,
      %get3A_803 = vector.shape_cast %get3A_802 : vector<1x16xf32> to vector<16xf32>
      %add3A_804 = arith.addf %add3A_776, %get3A_803 : vector<16xf32>
      %add3A_805 = arith.constant 17 : i32
      %add3A_806 = arith.addi %mul3A_689, %add3A_805 : i32
      %get3A_807 = arith.index_cast %add3A_806 : i32 to index
      %get3A_808 = arith.constant 0 : index
      %get3A_809 = tpu.vector_load %arg15[%get3A_807, %get3A_808] {strides = array<i32>} : memref<3200x16xf32, #tpu.memory_space<vmem>>, vector<1x16xf32>,
      %get3A_810 = vector.shape_cast %get3A_809 : vector<1x16xf32> to vector<16xf32>
      %add3A_811 = arith.addf %add3A_783, %get3A_810 : vector<16xf32>
      %add3A_812 = arith.constant 18 : i32
      %add3A_813 = arith.addi %mul3A_689, %add3A_812 : i32
      %get3A_814 = arith.index_cast %add3A_813 : i32 to index
      %get3A_815 = arith.constant 0 : index
      %get3A_816 = tpu.vector_load %arg15[%get3A_814, %get3A_815] {strides = array<i32>} : memref<3200x16xf32, #tpu.memory_space<vmem>>, vector<1x16xf32>,
      %get3A_817 = vector.shape_cast %get3A_816 : vector<1x16xf32> to vector<16xf32>
      %add3A_818 = arith.addf %add3A_790, %get3A_817 : vector<16xf32>
      %add3A_819 = arith.constant 19 : i32
      %add3A_820 = arith.addi %mul3A_689, %add3A_819 : i32
      %get3A_821 = arith.index_cast %add3A_820 : i32 to index
      %get3A_822 = arith.constant 0 : index
      %get3A_823 = tpu.vector_load %arg15[%get3A_821, %get3A_822] {strides = array<i32>} : memref<3200x16xf32, #tpu.memory_space<vmem>>, vector<1x16xf32>,
      %get3A_824 = vector.shape_cast %get3A_823 : vector<1x16xf32> to vector<16xf32>
      %add3A_825 = arith.addf %add3A_797, %get3A_824 : vector<16xf32>
      %add3A_826 = arith.constant 20 : i32
      %add3A_827 = arith.addi %mul3A_689, %add3A_826 : i32
      %get3A_828 = arith.index_cast %add3A_827 : i32 to index
      %get3A_829 = arith.constant 0 : index
      %get3A_830 = tpu.vector_load %arg15[%get3A_828, %get3A_829] {strides = array<i32>} : memref<3200x16xf32, #tpu.memory_space<vmem>>, vector<1x16xf32>,
      %get3A_831 = vector.shape_cast %get3A_830 : vector<1x16xf32> to vector<16xf32>
      %add3A_832 = arith.addf %add3A_804, %get3A_831 : vector<16xf32>
      %add3A_833 = arith.constant 21 : i32
      %add3A_834 = arith.addi %mul3A_689, %add3A_833 : i32
      %get3A_835 = arith.index_cast %add3A_834 : i32 to index
      %get3A_836 = arith.constant 0 : index
      %get3A_837 = tpu.vector_load %arg15[%get3A_835, %get3A_836] {strides = array<i32>} : memref<3200x16xf32, #tpu.memory_space<vmem>>, vector<1x16xf32>,
      %get3A_838 = vector.shape_cast %get3A_837 : vector<1x16xf32> to vector<16xf32>
      %add3A_839 = arith.addf %add3A_811, %get3A_838 : vector<16xf32>
      %add3A_840 = arith.constant 22 : i32
      %add3A_841 = arith.addi %mul3A_689, %add3A_840 : i32
      %get3A_842 = arith.index_cast %add3A_841 : i32 to index
      %get3A_843 = arith.constant 0 : index
      %get3A_844 = tpu.vector_load %arg15[%get3A_842, %get3A_843] {strides = array<i32>} : memref<3200x16xf32, #tpu.memory_space<vmem>>, vector<1x16xf32>,
      %get3A_845 = vector.shape_cast %get3A_844 : vector<1x16xf32> to vector<16xf32>
      %add3A_846 = arith.addf %add3A_818, %get3A_845 : vector<16xf32>
      %add3A_847 = arith.constant 23 : i32
      %add3A_848 = arith.addi %mul3A_689, %add3A_847 : i32
      %get3A_849 = arith.index_cast %add3A_848 : i32 to index
      %get3A_850 = arith.constant 0 : index
      %get3A_851 = tpu.vector_load %arg15[%get3A_849, %get3A_850] {strides = array<i32>} : memref<3200x16xf32, #tpu.memory_space<vmem>>, vector<1x16xf32>,
      %get3A_852 = vector.shape_cast %get3A_851 : vector<1x16xf32> to vector<16xf32>
      %add3A_853 = arith.addf %add3A_825, %get3A_852 : vector<16xf32>
      %add3A_854 = arith.constant 24 : i32
      %add3A_855 = arith.addi %mul3A_689, %add3A_854 : i32
      %get3A_856 = arith.index_cast %add3A_855 : i32 to index
      %get3A_857 = arith.constant 0 : index
      %get3A_858 = tpu.vector_load %arg15[%get3A_856, %get3A_857] {strides = array<i32>} : memref<3200x16xf32, #tpu.memory_space<vmem>>, vector<1x16xf32>,
      %get3A_859 = vector.shape_cast %get3A_858 : vector<1x16xf32> to vector<16xf32>
      %add3A_860 = arith.addf %add3A_832, %get3A_859 : vector<16xf32>
      %add3A_861 = arith.constant 25 : i32
      %add3A_862 = arith.addi %mul3A_689, %add3A_861 : i32
      %get3A_863 = arith.index_cast %add3A_862 : i32 to index
      %get3A_864 = arith.constant 0 : index
      %get3A_865 = tpu.vector_load %arg15[%get3A_863, %get3A_864] {strides = array<i32>} : memref<3200x16xf32, #tpu.memory_space<vmem>>, vector<1x16xf32>,
      %get3A_866 = vector.shape_cast %get3A_865 : vector<1x16xf32> to vector<16xf32>
      %add3A_867 = arith.addf %add3A_839, %get3A_866 : vector<16xf32>
      %add3A_868 = arith.constant 26 : i32
      %add3A_869 = arith.addi %mul3A_689, %add3A_868 : i32
      %get3A_870 = arith.index_cast %add3A_869 : i32 to index
      %get3A_871 = arith.constant 0 : index
      %get3A_872 = tpu.vector_load %arg15[%get3A_870, %get3A_871] {strides = array<i32>} : memref<3200x16xf32, #tpu.memory_space<vmem>>, vector<1x16xf32>,
      %get3A_873 = vector.shape_cast %get3A_872 : vector<1x16xf32> to vector<16xf32>
      %add3A_874 = arith.addf %add3A_846, %get3A_873 : vector<16xf32>
      %add3A_875 = arith.constant 27 : i32
      %add3A_876 = arith.addi %mul3A_689, %add3A_875 : i32
      %get3A_877 = arith.index_cast %add3A_876 : i32 to index
      %get3A_878 = arith.constant 0 : index
      %get3A_879 = tpu.vector_load %arg15[%get3A_877, %get3A_878] {strides = array<i32>} : memref<3200x16xf32, #tpu.memory_space<vmem>>, vector<1x16xf32>,
      %get3A_880 = vector.shape_cast %get3A_879 : vector<1x16xf32> to vector<16xf32>
      %add3A_881 = arith.addf %add3A_853, %get3A_880 : vector<16xf32>
      %add3A_882 = arith.constant 28 : i32
      %add3A_883 = arith.addi %mul3A_689, %add3A_882 : i32
      %get3A_884 = arith.index_cast %add3A_883 : i32 to index
      %get3A_885 = arith.constant 0 : index
      %get3A_886 = tpu.vector_load %arg15[%get3A_884, %get3A_885] {strides = array<i32>} : memref<3200x16xf32, #tpu.memory_space<vmem>>, vector<1x16xf32>,
      %get3A_887 = vector.shape_cast %get3A_886 : vector<1x16xf32> to vector<16xf32>
      %add3A_888 = arith.addf %add3A_860, %get3A_887 : vector<16xf32>
      %add3A_889 = arith.constant 29 : i32
      %add3A_890 = arith.addi %mul3A_689, %add3A_889 : i32
      %get3A_891 = arith.index_cast %add3A_890 : i32 to index
      %get3A_892 = arith.constant 0 : index
      %get3A_893 = tpu.vector_load %arg15[%get3A_891, %get3A_892] {strides = array<i32>} : memref<3200x16xf32, #tpu.memory_space<vmem>>, vector<1x16xf32>,
      %get3A_894 = vector.shape_cast %get3A_893 : vector<1x16xf32> to vector<16xf32>
      %add3A_895 = arith.addf %add3A_867, %get3A_894 : vector<16xf32>
      %add3A_896 = arith.constant 30 : i32
      %add3A_897 = arith.addi %mul3A_689, %add3A_896 : i32
      %get3A_898 = arith.index_cast %add3A_897 : i32 to index
      %get3A_899 = arith.constant 0 : index
      %get3A_900 = tpu.vector_load %arg15[%get3A_898, %get3A_899] {strides = array<i32>} : memref<3200x16xf32, #tpu.memory_space<vmem>>, vector<1x16xf32>,
      %get3A_901 = vector.shape_cast %get3A_900 : vector<1x16xf32> to vector<16xf32>
      %add3A_902 = arith.addf %add3A_874, %get3A_901 : vector<16xf32>
      %add3A_903 = arith.constant 31 : i32
      %add3A_904 = arith.addi %mul3A_689, %add3A_903 : i32
      %get3A_905 = arith.index_cast %add3A_904 : i32 to index
      %get3A_906 = arith.constant 0 : index
      %get3A_907 = tpu.vector_load %arg15[%get3A_905, %get3A_906] {strides = array<i32>} : memref<3200x16xf32, #tpu.memory_space<vmem>>, vector<1x16xf32>,
      %get3A_908 = vector.shape_cast %get3A_907 : vector<1x16xf32> to vector<16xf32>
      %add3A_909 = arith.addf %add3A_881, %get3A_908 : vector<16xf32>
      %add3A_910 = arith.constant 32 : i32
      %add3A_911 = arith.addi %mul3A_689, %add3A_910 : i32
      %get3A_912 = arith.index_cast %add3A_911 : i32 to index
      %get3A_913 = arith.constant 0 : index
      %get3A_914 = tpu.vector_load %arg15[%get3A_912, %get3A_913] {strides = array<i32>} : memref<3200x16xf32, #tpu.memory_space<vmem>>, vector<1x16xf32>,
      %get3A_915 = vector.shape_cast %get3A_914 : vector<1x16xf32> to vector<16xf32>
      %add3A_916 = arith.addf %add3A_888, %get3A_915 : vector<16xf32>
      %add3A_917 = arith.constant 33 : i32
      %add3A_918 = arith.addi %mul3A_689, %add3A_917 : i32
      %get3A_919 = arith.index_cast %add3A_918 : i32 to index
      %get3A_920 = arith.constant 0 : index
      %get3A_921 = tpu.vector_load %arg15[%get3A_919, %get3A_920] {strides = array<i32>} : memref<3200x16xf32, #tpu.memory_space<vmem>>, vector<1x16xf32>,
      %get3A_922 = vector.shape_cast %get3A_921 : vector<1x16xf32> to vector<16xf32>
      %add3A_923 = arith.addf %add3A_895, %get3A_922 : vector<16xf32>
      %add3A_924 = arith.constant 34 : i32
      %add3A_925 = arith.addi %mul3A_689, %add3A_924 : i32
      %get3A_926 = arith.index_cast %add3A_925 : i32 to index
      %get3A_927 = arith.constant 0 : index
      %get3A_928 = tpu.vector_load %arg15[%get3A_926, %get3A_927] {strides = array<i32>} : memref<3200x16xf32, #tpu.memory_space<vmem>>, vector<1x16xf32>,
      %get3A_929 = vector.shape_cast %get3A_928 : vector<1x16xf32> to vector<16xf32>
      %add3A_930 = arith.addf %add3A_902, %get3A_929 : vector<16xf32>
      %add3A_931 = arith.constant 35 : i32
      %add3A_932 = arith.addi %mul3A_689, %add3A_931 : i32
      %get3A_933 = arith.index_cast %add3A_932 : i32 to index
      %get3A_934 = arith.constant 0 : index
      %get3A_935 = tpu.vector_load %arg15[%get3A_933, %get3A_934] {strides = array<i32>} : memref<3200x16xf32, #tpu.memory_space<vmem>>, vector<1x16xf32>,
      %get3A_936 = vector.shape_cast %get3A_935 : vector<1x16xf32> to vector<16xf32>
      %add3A_937 = arith.addf %add3A_909, %get3A_936 : vector<16xf32>
      %add3A_938 = arith.constant 36 : i32
      %add3A_939 = arith.addi %mul3A_689, %add3A_938 : i32
      %get3A_940 = arith.index_cast %add3A_939 : i32 to index
      %get3A_941 = arith.constant 0 : index
      %get3A_942 = tpu.vector_load %arg15[%get3A_940, %get3A_941] {strides = array<i32>} : memref<3200x16xf32, #tpu.memory_space<vmem>>, vector<1x16xf32>,
      %get3A_943 = vector.shape_cast %get3A_942 : vector<1x16xf32> to vector<16xf32>
      %add3A_944 = arith.addf %add3A_916, %get3A_943 : vector<16xf32>
      %add3A_945 = arith.constant 37 : i32
      %add3A_946 = arith.addi %mul3A_689, %add3A_945 : i32
      %get3A_947 = arith.index_cast %add3A_946 : i32 to index
      %get3A_948 = arith.constant 0 : index
      %get3A_949 = tpu.vector_load %arg15[%get3A_947, %get3A_948] {strides = array<i32>} : memref<3200x16xf32, #tpu.memory_space<vmem>>, vector<1x16xf32>,
      %get3A_950 = vector.shape_cast %get3A_949 : vector<1x16xf32> to vector<16xf32>
      %add3A_951 = arith.addf %add3A_923, %get3A_950 : vector<16xf32>
      %add3A_952 = arith.constant 38 : i32
      %add3A_953 = arith.addi %mul3A_689, %add3A_952 : i32
      %get3A_954 = arith.index_cast %add3A_953 : i32 to index
      %get3A_955 = arith.constant 0 : index
      %get3A_956 = tpu.vector_load %arg15[%get3A_954, %get3A_955] {strides = array<i32>} : memref<3200x16xf32, #tpu.memory_space<vmem>>, vector<1x16xf32>,
      %get3A_957 = vector.shape_cast %get3A_956 : vector<1x16xf32> to vector<16xf32>
      %add3A_958 = arith.addf %add3A_930, %get3A_957 : vector<16xf32>
      %add3A_959 = arith.constant 39 : i32
      %add3A_960 = arith.addi %mul3A_689, %add3A_959 : i32
      %get3A_961 = arith.index_cast %add3A_960 : i32 to index
      %get3A_962 = arith.constant 0 : index
      %get3A_963 = tpu.vector_load %arg15[%get3A_961, %get3A_962] {strides = array<i32>} : memref<3200x16xf32, #tpu.memory_space<vmem>>, vector<1x16xf32>,
      %get3A_964 = vector.shape_cast %get3A_963 : vector<1x16xf32> to vector<16xf32>
      %add3A_965 = arith.addf %add3A_937, %get3A_964 : vector<16xf32>
      %add3A_966 = arith.constant 40 : i32
      %add3A_967 = arith.addi %mul3A_689, %add3A_966 : i32
      %get3A_968 = arith.index_cast %add3A_967 : i32 to index
      %get3A_969 = arith.constant 0 : index
      %get3A_970 = tpu.vector_load %arg15[%get3A_968, %get3A_969] {strides = array<i32>} : memref<3200x16xf32, #tpu.memory_space<vmem>>, vector<1x16xf32>,
      %get3A_971 = vector.shape_cast %get3A_970 : vector<1x16xf32> to vector<16xf32>
      %add3A_972 = arith.addf %add3A_944, %get3A_971 : vector<16xf32>
      %add3A_973 = arith.constant 41 : i32
      %add3A_974 = arith.addi %mul3A_689, %add3A_973 : i32
      %get3A_975 = arith.index_cast %add3A_974 : i32 to index
      %get3A_976 = arith.constant 0 : index
      %get3A_977 = tpu.vector_load %arg15[%get3A_975, %get3A_976] {strides = array<i32>} : memref<3200x16xf32, #tpu.memory_space<vmem>>, vector<1x16xf32>,
      %get3A_978 = vector.shape_cast %get3A_977 : vector<1x16xf32> to vector<16xf32>
      %add3A_979 = arith.addf %add3A_951, %get3A_978 : vector<16xf32>
      %add3A_980 = arith.constant 42 : i32
      %add3A_981 = arith.addi %mul3A_689, %add3A_980 : i32
      %get3A_982 = arith.index_cast %add3A_981 : i32 to index
      %get3A_983 = arith.constant 0 : index
      %get3A_984 = tpu.vector_load %arg15[%get3A_982, %get3A_983] {strides = array<i32>} : memref<3200x16xf32, #tpu.memory_space<vmem>>, vector<1x16xf32>,
      %get3A_985 = vector.shape_cast %get3A_984 : vector<1x16xf32> to vector<16xf32>
      %add3A_986 = arith.addf %add3A_958, %get3A_985 : vector<16xf32>
      %add3A_987 = arith.constant 43 : i32
      %add3A_988 = arith.addi %mul3A_689, %add3A_987 : i32
      %get3A_989 = arith.index_cast %add3A_988 : i32 to index
      %get3A_990 = arith.constant 0 : index
      %get3A_991 = tpu.vector_load %arg15[%get3A_989, %get3A_990] {strides = array<i32>} : memref<3200x16xf32, #tpu.memory_space<vmem>>, vector<1x16xf32>,
      %get3A_992 = vector.shape_cast %get3A_991 : vector<1x16xf32> to vector<16xf32>
      %add3A_993 = arith.addf %add3A_965, %get3A_992 : vector<16xf32>
      %add3A_994 = arith.constant 44 : i32
      %add3A_995 = arith.addi %mul3A_689, %add3A_994 : i32
      %get3A_996 = arith.index_cast %add3A_995 : i32 to index
      %get3A_997 = arith.constant 0 : index
      %get3A_998 = tpu.vector_load %arg15[%get3A_996, %get3A_997] {strides = array<i32>} : memref<3200x16xf32, #tpu.memory_space<vmem>>, vector<1x16xf32>,
      %get3A_999 = vector.shape_cast %get3A_998 : vector<1x16xf32> to vector<16xf32>
      %add3A_1000 = arith.addf %add3A_972, %get3A_999 : vector<16xf32>
      %add3A_1001 = arith.constant 45 : i32
      %add3A_1002 = arith.addi %mul3A_689, %add3A_1001 : i32
      %get3A_1003 = arith.index_cast %add3A_1002 : i32 to index
      %get3A_1004 = arith.constant 0 : index
      %get3A_1005 = tpu.vector_load %arg15[%get3A_1003, %get3A_1004] {strides = array<i32>} : memref<3200x16xf32, #tpu.memory_space<vmem>>, vector<1x16xf32>,
      %get3A_1006 = vector.shape_cast %get3A_1005 : vector<1x16xf32> to vector<16xf32>
      %add3A_1007 = arith.addf %add3A_979, %get3A_1006 : vector<16xf32>
      %add3A_1008 = arith.constant 46 : i32
      %add3A_1009 = arith.addi %mul3A_689, %add3A_1008 : i32
      %get3A_1010 = arith.index_cast %add3A_1009 : i32 to index
      %get3A_1011 = arith.constant 0 : index
      %get3A_1012 = tpu.vector_load %arg15[%get3A_1010, %get3A_1011] {strides = array<i32>} : memref<3200x16xf32, #tpu.memory_space<vmem>>, vector<1x16xf32>,
      %get3A_1013 = vector.shape_cast %get3A_1012 : vector<1x16xf32> to vector<16xf32>
      %add3A_1014 = arith.addf %add3A_986, %get3A_1013 : vector<16xf32>
      %add3A_1015 = arith.constant 47 : i32
      %add3A_1016 = arith.addi %mul3A_689, %add3A_1015 : i32
      %get3A_1017 = arith.index_cast %add3A_1016 : i32 to index
      %get3A_1018 = arith.constant 0 : index
      %get3A_1019 = tpu.vector_load %arg15[%get3A_1017, %get3A_1018] {strides = array<i32>} : memref<3200x16xf32, #tpu.memory_space<vmem>>, vector<1x16xf32>,
      %get3A_1020 = vector.shape_cast %get3A_1019 : vector<1x16xf32> to vector<16xf32>
      %add3A_1021 = arith.addf %add3A_993, %get3A_1020 : vector<16xf32>
      %add3A_1022 = arith.constant 48 : i32
      %add3A_1023 = arith.addi %mul3A_689, %add3A_1022 : i32
      %get3A_1024 = arith.index_cast %add3A_1023 : i32 to index
      %get3A_1025 = arith.constant 0 : index
      %get3A_1026 = tpu.vector_load %arg15[%get3A_1024, %get3A_1025] {strides = array<i32>} : memref<3200x16xf32, #tpu.memory_space<vmem>>, vector<1x16xf32>,
      %get3A_1027 = vector.shape_cast %get3A_1026 : vector<1x16xf32> to vector<16xf32>
      %add3A_1028 = arith.addf %add3A_1000, %get3A_1027 : vector<16xf32>
      %add3A_1029 = arith.constant 49 : i32
      %add3A_1030 = arith.addi %mul3A_689, %add3A_1029 : i32
      %get3A_1031 = arith.index_cast %add3A_1030 : i32 to index
      %get3A_1032 = arith.constant 0 : index
      %get3A_1033 = tpu.vector_load %arg15[%get3A_1031, %get3A_1032] {strides = array<i32>} : memref<3200x16xf32, #tpu.memory_space<vmem>>, vector<1x16xf32>,
      %get3A_1034 = vector.shape_cast %get3A_1033 : vector<1x16xf32> to vector<16xf32>
      %add3A_1035 = arith.addf %add3A_1007, %get3A_1034 : vector<16xf32>
      %add3A_1036 = arith.addf %add3A_1028, %add3A_1035 : vector<16xf32>
      %add3A_1037 = arith.addf %add3A_1014, %add3A_1021 : vector<16xf32>
      %add3A_1038 = arith.addf %add3A_1036, %add3A_1037 : vector<16xf32>
      %get3A_1039 = arith.index_cast %scan3A_687 : i32 to index
      %get3A_1040 = arith.constant 0 : index
      %get3A_1041 = tpu.vector_load %arg13[%get3A_1039, %get3A_1040] {strides = array<i32>} : memref<64x50xi32, #tpu.memory_space<vmem>>, vector<1x16xi32>,
      %get3A_1042 = vector.shape_cast %get3A_1041 : vector<1x16xi32> to vector<16xi32>
      %get3A_1043 = arith.index_cast %scan3A_687 : i32 to index
      %get3A_1044 = arith.constant 16 : index
      %get3A_1045 = tpu.vector_load %arg13[%get3A_1043, %get3A_1044] {strides = array<i32>} : memref<64x50xi32, #tpu.memory_space<vmem>>, vector<1x16xi32>,
      %get3A_1046 = vector.shape_cast %get3A_1045 : vector<1x16xi32> to vector<16xi32>
      %get3A_1047 = arith.index_cast %scan3A_687 : i32 to index
      %get3A_1048 = arith.constant 32 : index
      %get3A_1049 = tpu.vector_load %arg13[%get3A_1047, %get3A_1048] {strides = array<i32>} : memref<64x50xi32, #tpu.memory_space<vmem>>, vector<1x16xi32>,
      %get3A_1050 = vector.shape_cast %get3A_1049 : vector<1x16xi32> to vector<16xi32>
      %get3A_1051 = arith.index_cast %scan3A_687 : i32 to index
      %get3A_1052 = arith.constant 34 : index
      %get3A_1053 = tpu.vector_load %arg13[%get3A_1051, %get3A_1052] {strides = array<i32>} : memref<64x50xi32, #tpu.memory_space<vmem>>, vector<1x16xi32>,
      %get3A_1054 = vector.shape_cast %get3A_1053 : vector<1x16xi32> to vector<16xi32>
      %eq3A = arith.constant 0 : i32
      %eq3A_1055 = vector.broadcast %eq3A : i32 to vector<16xi32>
      %eq3A_1056 = arith.cmpi eq, %get3A_1042, %eq3A_1055 : vector<16xi32>
      %jit3A = arith.constant 1.000000e+00 : f32
      %jit3A_1057 = arith.constant 0.000000e+00 : f32
      %broadcast_in_dim3A = vector.broadcast %jit3A : f32 to vector<16xf32>
      %broadcast_in_dim3A_1058 = vector.broadcast %jit3A_1057 : f32 to vector<16xf32>
      %select_n3A = arith.select %eq3A_1056, %broadcast_in_dim3A, %broadcast_in_dim3A_1058 : vector<16xi1>, vector<16xf32>
      %eq3A_1059 = arith.constant 0 : i32
      %eq3A_1060 = vector.broadcast %eq3A_1059 : i32 to vector<16xi32>
      %eq3A_1061 = arith.cmpi eq, %get3A_1046, %eq3A_1060 : vector<16xi32>
      %jit3A_1062 = arith.constant 1.000000e+00 : f32
      %jit3A_1063 = arith.constant 0.000000e+00 : f32
      %broadcast_in_dim3A_1064 = vector.broadcast %jit3A_1062 : f32 to vector<16xf32>
      %broadcast_in_dim3A_1065 = vector.broadcast %jit3A_1063 : f32 to vector<16xf32>
      %select_n3A_1066 = arith.select %eq3A_1061, %broadcast_in_dim3A_1064, %broadcast_in_dim3A_1065 : vector<16xi1>, vector<16xf32>
      %add3A_1067 = arith.addf %select_n3A, %select_n3A_1066 : vector<16xf32>
      %eq3A_1068 = arith.constant 0 : i32
      %eq3A_1069 = vector.broadcast %eq3A_1068 : i32 to vector<16xi32>
      %eq3A_1070 = arith.cmpi eq, %get3A_1050, %eq3A_1069 : vector<16xi32>
      %jit3A_1071 = arith.constant 1.000000e+00 : f32
      %jit3A_1072 = arith.constant 0.000000e+00 : f32
      %broadcast_in_dim3A_1073 = vector.broadcast %jit3A_1071 : f32 to vector<16xf32>
      %broadcast_in_dim3A_1074 = vector.broadcast %jit3A_1072 : f32 to vector<16xf32>
      %select_n3A_1075 = arith.select %eq3A_1070, %broadcast_in_dim3A_1073, %broadcast_in_dim3A_1074 : vector<16xi1>, vector<16xf32>
      %add3A_1076 = arith.addf %add3A_1067, %select_n3A_1075 : vector<16xf32>
      %eq3A_1077 = arith.constant 0 : i32
      %eq3A_1078 = vector.broadcast %eq3A_1077 : i32 to vector<16xi32>
      %eq3A_1079 = arith.cmpi eq, %get3A_1054, %eq3A_1078 : vector<16xi32>
      %ge3A = arith.constant 14 : i32
      %ge3A_1080 = vector.broadcast %ge3A : i32 to vector<16xi32>
      %ge3A_1081 = arith.cmpi sge, %iota3A, %ge3A_1080 : vector<16xi32>
      %and3A = arith.andi %eq3A_1079, %ge3A_1081 : vector<16xi1>
      %jit3A_1082 = arith.constant 1.000000e+00 : f32
      %jit3A_1083 = arith.constant 0.000000e+00 : f32
      %broadcast_in_dim3A_1084 = vector.broadcast %jit3A_1082 : f32 to vector<16xf32>
      %broadcast_in_dim3A_1085 = vector.broadcast %jit3A_1083 : f32 to vector<16xf32>
      %select_n3A_1086 = arith.select %and3A, %broadcast_in_dim3A_1084, %broadcast_in_dim3A_1085 : vector<16xi1>, vector<16xf32>
      %add3A_1087 = arith.addf %add3A_1076, %select_n3A_1086 : vector<16xf32>
      %add3A_1088 = arith.constant 8 : i32
      %add3A_1089 = vector.broadcast %add3A_1088 : i32 to vector<16xi32>
      %add3A_1090 = arith.addi %iota3A, %add3A_1089 : vector<16xi32>
      %and3A_1091 = arith.constant 15 : i32
      %and3A_1092 = vector.broadcast %and3A_1091 : i32 to vector<16xi32>
      %and3A_1093 = arith.andi %add3A_1090, %and3A_1092 : vector<16xi32>
      %lt3A = arith.constant 0 : i32
      %lt3A_1094 = vector.broadcast %lt3A : i32 to vector<16xi32>
      %lt3A_1095 = arith.cmpi slt, %and3A_1093, %lt3A_1094 : vector<16xi32>
      %add3A_1096 = arith.constant 16 : i32
      %add3A_1097 = vector.broadcast %add3A_1096 : i32 to vector<16xi32>
      %add3A_1098 = arith.addi %and3A_1093, %add3A_1097 : vector<16xi32>
      %select_n3A_1099 = arith.select %lt3A_1095, %add3A_1098, %and3A_1093 : vector<16xi1>, vector<16xi32>
      %broadcast_in_dim3A_1100 = vector.shape_cast %select_n3A_1099 : vector<16xi32> to vector<16x1xi32>
      %gather3A = vector.shape_cast %broadcast_in_dim3A_1100 : vector<16x1xi32> to vector<16xi32>
      %gather3A_1101 = tpu.dynamic_gather %add3A_1087[%gather3A] in [0] : vector<16xf32>, vector<16xi32> -> vector<16xf32>
      %add3A_1102 = arith.addf %add3A_1087, %gather3A_1101 : vector<16xf32>
      %add3A_1103 = arith.constant 4 : i32
      %add3A_1104 = vector.broadcast %add3A_1103 : i32 to vector<16xi32>
      %add3A_1105 = arith.addi %iota3A, %add3A_1104 : vector<16xi32>
      %and3A_1106 = arith.constant 15 : i32
      %and3A_1107 = vector.broadcast %and3A_1106 : i32 to vector<16xi32>
      %and3A_1108 = arith.andi %add3A_1105, %and3A_1107 : vector<16xi32>
      %lt3A_1109 = arith.constant 0 : i32
      %lt3A_1110 = vector.broadcast %lt3A_1109 : i32 to vector<16xi32>
      %lt3A_1111 = arith.cmpi slt, %and3A_1108, %lt3A_1110 : vector<16xi32>
      %add3A_1112 = arith.constant 16 : i32
      %add3A_1113 = vector.broadcast %add3A_1112 : i32 to vector<16xi32>
      %add3A_1114 = arith.addi %and3A_1108, %add3A_1113 : vector<16xi32>
      %select_n3A_1115 = arith.select %lt3A_1111, %add3A_1114, %and3A_1108 : vector<16xi1>, vector<16xi32>
      %broadcast_in_dim3A_1116 = vector.shape_cast %select_n3A_1115 : vector<16xi32> to vector<16x1xi32>
      %gather3A_1117 = vector.shape_cast %broadcast_in_dim3A_1116 : vector<16x1xi32> to vector<16xi32>
      %gather3A_1118 = tpu.dynamic_gather %add3A_1102[%gather3A_1117] in [0] : vector<16xf32>, vector<16xi32> -> vector<16xf32>
      %add3A_1119 = arith.addf %add3A_1102, %gather3A_1118 : vector<16xf32>
      %add3A_1120 = arith.constant 2 : i32
      %add3A_1121 = vector.broadcast %add3A_1120 : i32 to vector<16xi32>
      %add3A_1122 = arith.addi %iota3A, %add3A_1121 : vector<16xi32>
      %and3A_1123 = arith.constant 15 : i32
      %and3A_1124 = vector.broadcast %and3A_1123 : i32 to vector<16xi32>
      %and3A_1125 = arith.andi %add3A_1122, %and3A_1124 : vector<16xi32>
      %lt3A_1126 = arith.constant 0 : i32
      %lt3A_1127 = vector.broadcast %lt3A_1126 : i32 to vector<16xi32>
      %lt3A_1128 = arith.cmpi slt, %and3A_1125, %lt3A_1127 : vector<16xi32>
      %add3A_1129 = arith.constant 16 : i32
      %add3A_1130 = vector.broadcast %add3A_1129 : i32 to vector<16xi32>
      %add3A_1131 = arith.addi %and3A_1125, %add3A_1130 : vector<16xi32>
      %select_n3A_1132 = arith.select %lt3A_1128, %add3A_1131, %and3A_1125 : vector<16xi1>, vector<16xi32>
      %broadcast_in_dim3A_1133 = vector.shape_cast %select_n3A_1132 : vector<16xi32> to vector<16x1xi32>
      %gather3A_1134 = vector.shape_cast %broadcast_in_dim3A_1133 : vector<16x1xi32> to vector<16xi32>
      %gather3A_1135 = tpu.dynamic_gather %add3A_1119[%gather3A_1134] in [0] : vector<16xf32>, vector<16xi32> -> vector<16xf32>
      %add3A_1136 = arith.addf %add3A_1119, %gather3A_1135 : vector<16xf32>
      %add3A_1137 = arith.constant 1 : i32
      %add3A_1138 = vector.broadcast %add3A_1137 : i32 to vector<16xi32>
      %add3A_1139 = arith.addi %iota3A, %add3A_1138 : vector<16xi32>
      %and3A_1140 = arith.constant 15 : i32
      %and3A_1141 = vector.broadcast %and3A_1140 : i32 to vector<16xi32>
      %and3A_1142 = arith.andi %add3A_1139, %and3A_1141 : vector<16xi32>
      %lt3A_1143 = arith.constant 0 : i32
      %lt3A_1144 = vector.broadcast %lt3A_1143 : i32 to vector<16xi32>
      %lt3A_1145 = arith.cmpi slt, %and3A_1142, %lt3A_1144 : vector<16xi32>
      %add3A_1146 = arith.constant 16 : i32
      %add3A_1147 = vector.broadcast %add3A_1146 : i32 to vector<16xi32>
      %add3A_1148 = arith.addi %and3A_1142, %add3A_1147 : vector<16xi32>
      %select_n3A_1149 = arith.select %lt3A_1145, %add3A_1148, %and3A_1142 : vector<16xi1>, vector<16xi32>
      %broadcast_in_dim3A_1150 = vector.shape_cast %select_n3A_1149 : vector<16xi32> to vector<16x1xi32>
      %gather3A_1151 = vector.shape_cast %broadcast_in_dim3A_1150 : vector<16x1xi32> to vector<16xi32>
      %gather3A_1152 = tpu.dynamic_gather %add3A_1136[%gather3A_1151] in [0] : vector<16xf32>, vector<16xi32> -> vector<16xf32>
      %add3A_1153 = arith.addf %add3A_1136, %gather3A_1152 : vector<16xf32>
      %sub3A_1154 = arith.constant 5.000000e+01 : f32
      %sub3A_1155 = vector.broadcast %sub3A_1154 : f32 to vector<16xf32>
      %sub3A_1156 = arith.subf %sub3A_1155, %add3A_1153 : vector<16xf32>
      %max3A = arith.constant 9.99999971E-10 : f32
      %max3A_1157 = vector.broadcast %max3A : f32 to vector<16xf32>
      %max3A_1158 = arith.maximumf %sub3A_1156, %max3A_1157 : vector<16xf32>
      %mul3A_1159 = arith.mulf %add3A_1153, %get3A_4 : vector<16xf32>
      %sub3A_1160 = arith.subf %add3A_1038, %mul3A_1159 : vector<16xf32>
      %div3A_1161 = arith.divf %sub3A_1160, %max3A_1158 : vector<16xf32>
      %add3A_1162 = arith.constant 256 : i32
      %add3A_1163 = arith.addi %add3A_1162, %scan3A_687 : i32
      %swap3A_1164 = arith.index_cast %add3A_1163 : i32 to index
      %swap3A_1165 = arith.constant 0 : index
      %swap3A_1166 = tpu.vector_load %arg18[%swap3A_1164, %swap3A_1165] {strides = array<i32>} : memref<512x16xf32, #tpu.memory_space<vmem>>, vector<1x16xf32>,
      %swap3A_1167 = vector.shape_cast %swap3A_1166 : vector<1x16xf32> to vector<16xf32>
      %swap3A_1168 = vector.shape_cast %div3A_1161 : vector<16xf32> to vector<1x16xf32>
      tpu.vector_store %arg18[%swap3A_1164, %swap3A_1165], %swap3A_1168 {strides = array<i32>} : memref<512x16xf32, #tpu.memory_space<vmem>>, vector<1x16xf32>,
    }
    %scan3A_625 = arith.constant 64 : i32
    %add3A_626 = arith.constant 384 : i32
    %add3A_627 = arith.addi %mul3A_2, %add3A_626 : i32
    %mul3A_628 = arith.constant 50 : i32
    %mul3A_629 = arith.muli %add3A_627, %mul3A_628 : i32
    "tpu.region"() ({
      %run_scoped3A_687 = tpu.sem_alloc : memref<!tpu.dma_semaphore, #tpu.memory_space<semaphore_mem>>
      %dma_start3A_688 = tpu.memref_slice %arg4[%mul3A_629] : memref<819200xi32, #tpu.memory_space<hbm>> -> memref<3200xi32, #tpu.memory_space<hbm>>
      %dma_start3A_689 = tpu.memref_slice %arg4[%mul3A_629] : memref<819200xi32, #tpu.memory_space<hbm>> -> memref<3200xi32, #tpu.memory_space<hbm>>
      tpu.enqueue_dma source(%dma_start3A_689 : memref<3200xi32, #tpu.memory_space<hbm>>) target(%arg11 : memref<3200xi32, #tpu.memory_space<vmem>>) target_semaphore(%run_scoped3A_687 : memref<!tpu.dma_semaphore, #tpu.memory_space<semaphore_mem>>)
      %dma_wait3A_690 = tpu.memref_slice %arg4[%mul3A_629] : memref<819200xi32, #tpu.memory_space<hbm>> -> memref<3200xi32, #tpu.memory_space<hbm>>
      %dma_wait3A_691 = tpu.memref_slice %arg4[%mul3A_629] : memref<819200xi32, #tpu.memory_space<hbm>> -> memref<3200xi32, #tpu.memory_space<hbm>>
      tpu.wait_dma2 semaphore(%run_scoped3A_687 : memref<!tpu.dma_semaphore, #tpu.memory_space<semaphore_mem>>) src(%dma_wait3A_691 : memref<3200xi32, #tpu.memory_space<hbm>>) dst(%arg11 : memref<3200xi32, #tpu.memory_space<vmem>>)
      tpu.yield
    }) : () -> ()
    %dma_start3A_630 = arith.constant 0 : i32
    %dma_start3A_631 = tpu.memref_slice %arg5[%add3A_627, %dma_start3A_630] : memref<16384x50xi32, #tpu.memory_space<hbm>> -> memref<64x50xi32, #tpu.memory_space<hbm>>
    %dma_start3A_632 = arith.constant 0 : i32
    %dma_start3A_633 = tpu.memref_slice %arg5[%add3A_627, %dma_start3A_632] : memref<16384x50xi32, #tpu.memory_space<hbm>> -> memref<64x50xi32, #tpu.memory_space<hbm>>
    tpu.enqueue_dma source(%dma_start3A_633 : memref<64x50xi32, #tpu.memory_space<hbm>>) target(%arg13 : memref<64x50xi32, #tpu.memory_space<vmem>>) target_semaphore(%arg20 : memref<!tpu.dma_semaphore, #tpu.memory_space<semaphore_mem>>)
    %dma_start3A_634 = arith.constant 0 : i32
    %dma_start3A_635 = arith.constant 0 : i32
    %dma_start3A_636 = tpu.memref_slice %arg7[%dma_start3A_634, %dma_start3A_635] : memref<1000001x16xf32, #tpu.memory_space<hbm>> -> memref<1000001x16xf32, #tpu.memory_space<hbm>>
    tpu.enqueue_indirect_dma source(%dma_start3A_636 : memref<1000001x16xf32, #tpu.memory_space<hbm>>) target(%arg15 : memref<3200x16xf32, #tpu.memory_space<vmem>>) offsets(%arg11 : memref<3200xi32, #tpu.memory_space<vmem>>) semaphore(%arg20 : memref<!tpu.dma_semaphore, #tpu.memory_space<semaphore_mem>>)
    %dma_wait3A_637 = arith.constant 0 : i32
    %dma_wait3A_638 = tpu.memref_slice %arg5[%add3A_603, %dma_wait3A_637] : memref<16384x50xi32, #tpu.memory_space<hbm>> -> memref<64x50xi32, #tpu.memory_space<hbm>>
    %dma_wait3A_639 = arith.constant 0 : i32
    %dma_wait3A_640 = tpu.memref_slice %arg5[%add3A_603, %dma_wait3A_639] : memref<16384x50xi32, #tpu.memory_space<hbm>> -> memref<64x50xi32, #tpu.memory_space<hbm>>
    tpu.wait_dma2 semaphore(%arg21 : memref<!tpu.dma_semaphore, #tpu.memory_space<semaphore_mem>>) src(%dma_wait3A_640 : memref<64x50xi32, #tpu.memory_space<hbm>>) dst(%arg14 : memref<64x50xi32, #tpu.memory_space<vmem>>)
    %dma_wait3A_641 = arith.constant 0 : i32
    %dma_wait3A_642 = arith.constant 0 : i32
    %dma_wait3A_643 = tpu.memref_slice %arg7[%dma_wait3A_641, %dma_wait3A_642] : memref<1000001x16xf32, #tpu.memory_space<hbm>> -> memref<1000001x16xf32, #tpu.memory_space<hbm>>
    tpu.wait_indirect_dma semaphore(%arg21 : memref<!tpu.dma_semaphore, #tpu.memory_space<semaphore_mem>>) src(%dma_wait3A_643 : memref<1000001x16xf32, #tpu.memory_space<hbm>>) dst(%arg16 : memref<3200x16xf32, #tpu.memory_space<vmem>>)
    %scan3A_644 = arith.constant 0 : i32
    %scan3A_645 = arith.constant 0 : i32
    %scan3A_646 = arith.constant 64 : i32
    %scan3A_647 = arith.addi %scan3A_645, %scan3A_646 : i32
    %scan3A_648 = arith.constant 1 : i32
    scf.for %scan3A_687 = %scan3A_645 to %scan3A_647 step %scan3A_648  : i32 {
      %mul3A_688 = arith.constant 50 : i32
      %mul3A_689 = arith.muli %scan3A_687, %mul3A_688 : i32
      %add3A_690 = arith.constant 0 : i32
      %add3A_691 = arith.addi %mul3A_689, %add3A_690 : i32
      %get3A_692 = arith.index_cast %add3A_691 : i32 to index
      %get3A_693 = arith.constant 0 : index
      %get3A_694 = tpu.vector_load %arg16[%get3A_692, %get3A_693] {strides = array<i32>} : memref<3200x16xf32, #tpu.memory_space<vmem>>, vector<1x16xf32>,
      %get3A_695 = vector.shape_cast %get3A_694 : vector<1x16xf32> to vector<16xf32>
      %add3A_696 = arith.constant 1 : i32
      %add3A_697 = arith.addi %mul3A_689, %add3A_696 : i32
      %get3A_698 = arith.index_cast %add3A_697 : i32 to index
      %get3A_699 = arith.constant 0 : index
      %get3A_700 = tpu.vector_load %arg16[%get3A_698, %get3A_699] {strides = array<i32>} : memref<3200x16xf32, #tpu.memory_space<vmem>>, vector<1x16xf32>,
      %get3A_701 = vector.shape_cast %get3A_700 : vector<1x16xf32> to vector<16xf32>
      %add3A_702 = arith.constant 2 : i32
      %add3A_703 = arith.addi %mul3A_689, %add3A_702 : i32
      %get3A_704 = arith.index_cast %add3A_703 : i32 to index
      %get3A_705 = arith.constant 0 : index
      %get3A_706 = tpu.vector_load %arg16[%get3A_704, %get3A_705] {strides = array<i32>} : memref<3200x16xf32, #tpu.memory_space<vmem>>, vector<1x16xf32>,
      %get3A_707 = vector.shape_cast %get3A_706 : vector<1x16xf32> to vector<16xf32>
      %add3A_708 = arith.constant 3 : i32
      %add3A_709 = arith.addi %mul3A_689, %add3A_708 : i32
      %get3A_710 = arith.index_cast %add3A_709 : i32 to index
      %get3A_711 = arith.constant 0 : index
      %get3A_712 = tpu.vector_load %arg16[%get3A_710, %get3A_711] {strides = array<i32>} : memref<3200x16xf32, #tpu.memory_space<vmem>>, vector<1x16xf32>,
      %get3A_713 = vector.shape_cast %get3A_712 : vector<1x16xf32> to vector<16xf32>
      %add3A_714 = arith.constant 4 : i32
      %add3A_715 = arith.addi %mul3A_689, %add3A_714 : i32
      %get3A_716 = arith.index_cast %add3A_715 : i32 to index
      %get3A_717 = arith.constant 0 : index
      %get3A_718 = tpu.vector_load %arg16[%get3A_716, %get3A_717] {strides = array<i32>} : memref<3200x16xf32, #tpu.memory_space<vmem>>, vector<1x16xf32>,
      %get3A_719 = vector.shape_cast %get3A_718 : vector<1x16xf32> to vector<16xf32>
      %add3A_720 = arith.addf %get3A_695, %get3A_719 : vector<16xf32>
      %add3A_721 = arith.constant 5 : i32
      %add3A_722 = arith.addi %mul3A_689, %add3A_721 : i32
      %get3A_723 = arith.index_cast %add3A_722 : i32 to index
      %get3A_724 = arith.constant 0 : index
      %get3A_725 = tpu.vector_load %arg16[%get3A_723, %get3A_724] {strides = array<i32>} : memref<3200x16xf32, #tpu.memory_space<vmem>>, vector<1x16xf32>,
      %get3A_726 = vector.shape_cast %get3A_725 : vector<1x16xf32> to vector<16xf32>
      %add3A_727 = arith.addf %get3A_701, %get3A_726 : vector<16xf32>
      %add3A_728 = arith.constant 6 : i32
      %add3A_729 = arith.addi %mul3A_689, %add3A_728 : i32
      %get3A_730 = arith.index_cast %add3A_729 : i32 to index
      %get3A_731 = arith.constant 0 : index
      %get3A_732 = tpu.vector_load %arg16[%get3A_730, %get3A_731] {strides = array<i32>} : memref<3200x16xf32, #tpu.memory_space<vmem>>, vector<1x16xf32>,
      %get3A_733 = vector.shape_cast %get3A_732 : vector<1x16xf32> to vector<16xf32>
      %add3A_734 = arith.addf %get3A_707, %get3A_733 : vector<16xf32>
      %add3A_735 = arith.constant 7 : i32
      %add3A_736 = arith.addi %mul3A_689, %add3A_735 : i32
      %get3A_737 = arith.index_cast %add3A_736 : i32 to index
      %get3A_738 = arith.constant 0 : index
      %get3A_739 = tpu.vector_load %arg16[%get3A_737, %get3A_738] {strides = array<i32>} : memref<3200x16xf32, #tpu.memory_space<vmem>>, vector<1x16xf32>,
      %get3A_740 = vector.shape_cast %get3A_739 : vector<1x16xf32> to vector<16xf32>
      %add3A_741 = arith.addf %get3A_713, %get3A_740 : vector<16xf32>
      %add3A_742 = arith.constant 8 : i32
      %add3A_743 = arith.addi %mul3A_689, %add3A_742 : i32
      %get3A_744 = arith.index_cast %add3A_743 : i32 to index
      %get3A_745 = arith.constant 0 : index
      %get3A_746 = tpu.vector_load %arg16[%get3A_744, %get3A_745] {strides = array<i32>} : memref<3200x16xf32, #tpu.memory_space<vmem>>, vector<1x16xf32>,
      %get3A_747 = vector.shape_cast %get3A_746 : vector<1x16xf32> to vector<16xf32>
      %add3A_748 = arith.addf %add3A_720, %get3A_747 : vector<16xf32>
      %add3A_749 = arith.constant 9 : i32
      %add3A_750 = arith.addi %mul3A_689, %add3A_749 : i32
      %get3A_751 = arith.index_cast %add3A_750 : i32 to index
      %get3A_752 = arith.constant 0 : index
      %get3A_753 = tpu.vector_load %arg16[%get3A_751, %get3A_752] {strides = array<i32>} : memref<3200x16xf32, #tpu.memory_space<vmem>>, vector<1x16xf32>,
      %get3A_754 = vector.shape_cast %get3A_753 : vector<1x16xf32> to vector<16xf32>
      %add3A_755 = arith.addf %add3A_727, %get3A_754 : vector<16xf32>
      %add3A_756 = arith.constant 10 : i32
      %add3A_757 = arith.addi %mul3A_689, %add3A_756 : i32
      %get3A_758 = arith.index_cast %add3A_757 : i32 to index
      %get3A_759 = arith.constant 0 : index
      %get3A_760 = tpu.vector_load %arg16[%get3A_758, %get3A_759] {strides = array<i32>} : memref<3200x16xf32, #tpu.memory_space<vmem>>, vector<1x16xf32>,
      %get3A_761 = vector.shape_cast %get3A_760 : vector<1x16xf32> to vector<16xf32>
      %add3A_762 = arith.addf %add3A_734, %get3A_761 : vector<16xf32>
      %add3A_763 = arith.constant 11 : i32
      %add3A_764 = arith.addi %mul3A_689, %add3A_763 : i32
      %get3A_765 = arith.index_cast %add3A_764 : i32 to index
      %get3A_766 = arith.constant 0 : index
      %get3A_767 = tpu.vector_load %arg16[%get3A_765, %get3A_766] {strides = array<i32>} : memref<3200x16xf32, #tpu.memory_space<vmem>>, vector<1x16xf32>,
      %get3A_768 = vector.shape_cast %get3A_767 : vector<1x16xf32> to vector<16xf32>
      %add3A_769 = arith.addf %add3A_741, %get3A_768 : vector<16xf32>
      %add3A_770 = arith.constant 12 : i32
      %add3A_771 = arith.addi %mul3A_689, %add3A_770 : i32
      %get3A_772 = arith.index_cast %add3A_771 : i32 to index
      %get3A_773 = arith.constant 0 : index
      %get3A_774 = tpu.vector_load %arg16[%get3A_772, %get3A_773] {strides = array<i32>} : memref<3200x16xf32, #tpu.memory_space<vmem>>, vector<1x16xf32>,
      %get3A_775 = vector.shape_cast %get3A_774 : vector<1x16xf32> to vector<16xf32>
      %add3A_776 = arith.addf %add3A_748, %get3A_775 : vector<16xf32>
      %add3A_777 = arith.constant 13 : i32
      %add3A_778 = arith.addi %mul3A_689, %add3A_777 : i32
      %get3A_779 = arith.index_cast %add3A_778 : i32 to index
      %get3A_780 = arith.constant 0 : index
      %get3A_781 = tpu.vector_load %arg16[%get3A_779, %get3A_780] {strides = array<i32>} : memref<3200x16xf32, #tpu.memory_space<vmem>>, vector<1x16xf32>,
      %get3A_782 = vector.shape_cast %get3A_781 : vector<1x16xf32> to vector<16xf32>
      %add3A_783 = arith.addf %add3A_755, %get3A_782 : vector<16xf32>
      %add3A_784 = arith.constant 14 : i32
      %add3A_785 = arith.addi %mul3A_689, %add3A_784 : i32
      %get3A_786 = arith.index_cast %add3A_785 : i32 to index
      %get3A_787 = arith.constant 0 : index
      %get3A_788 = tpu.vector_load %arg16[%get3A_786, %get3A_787] {strides = array<i32>} : memref<3200x16xf32, #tpu.memory_space<vmem>>, vector<1x16xf32>,
      %get3A_789 = vector.shape_cast %get3A_788 : vector<1x16xf32> to vector<16xf32>
      %add3A_790 = arith.addf %add3A_762, %get3A_789 : vector<16xf32>
      %add3A_791 = arith.constant 15 : i32
      %add3A_792 = arith.addi %mul3A_689, %add3A_791 : i32
      %get3A_793 = arith.index_cast %add3A_792 : i32 to index
      %get3A_794 = arith.constant 0 : index
      %get3A_795 = tpu.vector_load %arg16[%get3A_793, %get3A_794] {strides = array<i32>} : memref<3200x16xf32, #tpu.memory_space<vmem>>, vector<1x16xf32>,
      %get3A_796 = vector.shape_cast %get3A_795 : vector<1x16xf32> to vector<16xf32>
      %add3A_797 = arith.addf %add3A_769, %get3A_796 : vector<16xf32>
      %add3A_798 = arith.constant 16 : i32
      %add3A_799 = arith.addi %mul3A_689, %add3A_798 : i32
      %get3A_800 = arith.index_cast %add3A_799 : i32 to index
      %get3A_801 = arith.constant 0 : index
      %get3A_802 = tpu.vector_load %arg16[%get3A_800, %get3A_801] {strides = array<i32>} : memref<3200x16xf32, #tpu.memory_space<vmem>>, vector<1x16xf32>,
      %get3A_803 = vector.shape_cast %get3A_802 : vector<1x16xf32> to vector<16xf32>
      %add3A_804 = arith.addf %add3A_776, %get3A_803 : vector<16xf32>
      %add3A_805 = arith.constant 17 : i32
      %add3A_806 = arith.addi %mul3A_689, %add3A_805 : i32
      %get3A_807 = arith.index_cast %add3A_806 : i32 to index
      %get3A_808 = arith.constant 0 : index
      %get3A_809 = tpu.vector_load %arg16[%get3A_807, %get3A_808] {strides = array<i32>} : memref<3200x16xf32, #tpu.memory_space<vmem>>, vector<1x16xf32>,
      %get3A_810 = vector.shape_cast %get3A_809 : vector<1x16xf32> to vector<16xf32>
      %add3A_811 = arith.addf %add3A_783, %get3A_810 : vector<16xf32>
      %add3A_812 = arith.constant 18 : i32
      %add3A_813 = arith.addi %mul3A_689, %add3A_812 : i32
      %get3A_814 = arith.index_cast %add3A_813 : i32 to index
      %get3A_815 = arith.constant 0 : index
      %get3A_816 = tpu.vector_load %arg16[%get3A_814, %get3A_815] {strides = array<i32>} : memref<3200x16xf32, #tpu.memory_space<vmem>>, vector<1x16xf32>,
      %get3A_817 = vector.shape_cast %get3A_816 : vector<1x16xf32> to vector<16xf32>
      %add3A_818 = arith.addf %add3A_790, %get3A_817 : vector<16xf32>
      %add3A_819 = arith.constant 19 : i32
      %add3A_820 = arith.addi %mul3A_689, %add3A_819 : i32
      %get3A_821 = arith.index_cast %add3A_820 : i32 to index
      %get3A_822 = arith.constant 0 : index
      %get3A_823 = tpu.vector_load %arg16[%get3A_821, %get3A_822] {strides = array<i32>} : memref<3200x16xf32, #tpu.memory_space<vmem>>, vector<1x16xf32>,
      %get3A_824 = vector.shape_cast %get3A_823 : vector<1x16xf32> to vector<16xf32>
      %add3A_825 = arith.addf %add3A_797, %get3A_824 : vector<16xf32>
      %add3A_826 = arith.constant 20 : i32
      %add3A_827 = arith.addi %mul3A_689, %add3A_826 : i32
      %get3A_828 = arith.index_cast %add3A_827 : i32 to index
      %get3A_829 = arith.constant 0 : index
      %get3A_830 = tpu.vector_load %arg16[%get3A_828, %get3A_829] {strides = array<i32>} : memref<3200x16xf32, #tpu.memory_space<vmem>>, vector<1x16xf32>,
      %get3A_831 = vector.shape_cast %get3A_830 : vector<1x16xf32> to vector<16xf32>
      %add3A_832 = arith.addf %add3A_804, %get3A_831 : vector<16xf32>
      %add3A_833 = arith.constant 21 : i32
      %add3A_834 = arith.addi %mul3A_689, %add3A_833 : i32
      %get3A_835 = arith.index_cast %add3A_834 : i32 to index
      %get3A_836 = arith.constant 0 : index
      %get3A_837 = tpu.vector_load %arg16[%get3A_835, %get3A_836] {strides = array<i32>} : memref<3200x16xf32, #tpu.memory_space<vmem>>, vector<1x16xf32>,
      %get3A_838 = vector.shape_cast %get3A_837 : vector<1x16xf32> to vector<16xf32>
      %add3A_839 = arith.addf %add3A_811, %get3A_838 : vector<16xf32>
      %add3A_840 = arith.constant 22 : i32
      %add3A_841 = arith.addi %mul3A_689, %add3A_840 : i32
      %get3A_842 = arith.index_cast %add3A_841 : i32 to index
      %get3A_843 = arith.constant 0 : index
      %get3A_844 = tpu.vector_load %arg16[%get3A_842, %get3A_843] {strides = array<i32>} : memref<3200x16xf32, #tpu.memory_space<vmem>>, vector<1x16xf32>,
      %get3A_845 = vector.shape_cast %get3A_844 : vector<1x16xf32> to vector<16xf32>
      %add3A_846 = arith.addf %add3A_818, %get3A_845 : vector<16xf32>
      %add3A_847 = arith.constant 23 : i32
      %add3A_848 = arith.addi %mul3A_689, %add3A_847 : i32
      %get3A_849 = arith.index_cast %add3A_848 : i32 to index
      %get3A_850 = arith.constant 0 : index
      %get3A_851 = tpu.vector_load %arg16[%get3A_849, %get3A_850] {strides = array<i32>} : memref<3200x16xf32, #tpu.memory_space<vmem>>, vector<1x16xf32>,
      %get3A_852 = vector.shape_cast %get3A_851 : vector<1x16xf32> to vector<16xf32>
      %add3A_853 = arith.addf %add3A_825, %get3A_852 : vector<16xf32>
      %add3A_854 = arith.constant 24 : i32
      %add3A_855 = arith.addi %mul3A_689, %add3A_854 : i32
      %get3A_856 = arith.index_cast %add3A_855 : i32 to index
      %get3A_857 = arith.constant 0 : index
      %get3A_858 = tpu.vector_load %arg16[%get3A_856, %get3A_857] {strides = array<i32>} : memref<3200x16xf32, #tpu.memory_space<vmem>>, vector<1x16xf32>,
      %get3A_859 = vector.shape_cast %get3A_858 : vector<1x16xf32> to vector<16xf32>
      %add3A_860 = arith.addf %add3A_832, %get3A_859 : vector<16xf32>
      %add3A_861 = arith.constant 25 : i32
      %add3A_862 = arith.addi %mul3A_689, %add3A_861 : i32
      %get3A_863 = arith.index_cast %add3A_862 : i32 to index
      %get3A_864 = arith.constant 0 : index
      %get3A_865 = tpu.vector_load %arg16[%get3A_863, %get3A_864] {strides = array<i32>} : memref<3200x16xf32, #tpu.memory_space<vmem>>, vector<1x16xf32>,
      %get3A_866 = vector.shape_cast %get3A_865 : vector<1x16xf32> to vector<16xf32>
      %add3A_867 = arith.addf %add3A_839, %get3A_866 : vector<16xf32>
      %add3A_868 = arith.constant 26 : i32
      %add3A_869 = arith.addi %mul3A_689, %add3A_868 : i32
      %get3A_870 = arith.index_cast %add3A_869 : i32 to index
      %get3A_871 = arith.constant 0 : index
      %get3A_872 = tpu.vector_load %arg16[%get3A_870, %get3A_871] {strides = array<i32>} : memref<3200x16xf32, #tpu.memory_space<vmem>>, vector<1x16xf32>,
      %get3A_873 = vector.shape_cast %get3A_872 : vector<1x16xf32> to vector<16xf32>
      %add3A_874 = arith.addf %add3A_846, %get3A_873 : vector<16xf32>
      %add3A_875 = arith.constant 27 : i32
      %add3A_876 = arith.addi %mul3A_689, %add3A_875 : i32
      %get3A_877 = arith.index_cast %add3A_876 : i32 to index
      %get3A_878 = arith.constant 0 : index
      %get3A_879 = tpu.vector_load %arg16[%get3A_877, %get3A_878] {strides = array<i32>} : memref<3200x16xf32, #tpu.memory_space<vmem>>, vector<1x16xf32>,
      %get3A_880 = vector.shape_cast %get3A_879 : vector<1x16xf32> to vector<16xf32>
      %add3A_881 = arith.addf %add3A_853, %get3A_880 : vector<16xf32>
      %add3A_882 = arith.constant 28 : i32
      %add3A_883 = arith.addi %mul3A_689, %add3A_882 : i32
      %get3A_884 = arith.index_cast %add3A_883 : i32 to index
      %get3A_885 = arith.constant 0 : index
      %get3A_886 = tpu.vector_load %arg16[%get3A_884, %get3A_885] {strides = array<i32>} : memref<3200x16xf32, #tpu.memory_space<vmem>>, vector<1x16xf32>,
      %get3A_887 = vector.shape_cast %get3A_886 : vector<1x16xf32> to vector<16xf32>
      %add3A_888 = arith.addf %add3A_860, %get3A_887 : vector<16xf32>
      %add3A_889 = arith.constant 29 : i32
      %add3A_890 = arith.addi %mul3A_689, %add3A_889 : i32
      %get3A_891 = arith.index_cast %add3A_890 : i32 to index
      %get3A_892 = arith.constant 0 : index
      %get3A_893 = tpu.vector_load %arg16[%get3A_891, %get3A_892] {strides = array<i32>} : memref<3200x16xf32, #tpu.memory_space<vmem>>, vector<1x16xf32>,
      %get3A_894 = vector.shape_cast %get3A_893 : vector<1x16xf32> to vector<16xf32>
      %add3A_895 = arith.addf %add3A_867, %get3A_894 : vector<16xf32>
      %add3A_896 = arith.constant 30 : i32
      %add3A_897 = arith.addi %mul3A_689, %add3A_896 : i32
      %get3A_898 = arith.index_cast %add3A_897 : i32 to index
      %get3A_899 = arith.constant 0 : index
      %get3A_900 = tpu.vector_load %arg16[%get3A_898, %get3A_899] {strides = array<i32>} : memref<3200x16xf32, #tpu.memory_space<vmem>>, vector<1x16xf32>,
      %get3A_901 = vector.shape_cast %get3A_900 : vector<1x16xf32> to vector<16xf32>
      %add3A_902 = arith.addf %add3A_874, %get3A_901 : vector<16xf32>
      %add3A_903 = arith.constant 31 : i32
      %add3A_904 = arith.addi %mul3A_689, %add3A_903 : i32
      %get3A_905 = arith.index_cast %add3A_904 : i32 to index
      %get3A_906 = arith.constant 0 : index
      %get3A_907 = tpu.vector_load %arg16[%get3A_905, %get3A_906] {strides = array<i32>} : memref<3200x16xf32, #tpu.memory_space<vmem>>, vector<1x16xf32>,
      %get3A_908 = vector.shape_cast %get3A_907 : vector<1x16xf32> to vector<16xf32>
      %add3A_909 = arith.addf %add3A_881, %get3A_908 : vector<16xf32>
      %add3A_910 = arith.constant 32 : i32
      %add3A_911 = arith.addi %mul3A_689, %add3A_910 : i32
      %get3A_912 = arith.index_cast %add3A_911 : i32 to index
      %get3A_913 = arith.constant 0 : index
      %get3A_914 = tpu.vector_load %arg16[%get3A_912, %get3A_913] {strides = array<i32>} : memref<3200x16xf32, #tpu.memory_space<vmem>>, vector<1x16xf32>,
      %get3A_915 = vector.shape_cast %get3A_914 : vector<1x16xf32> to vector<16xf32>
      %add3A_916 = arith.addf %add3A_888, %get3A_915 : vector<16xf32>
      %add3A_917 = arith.constant 33 : i32
      %add3A_918 = arith.addi %mul3A_689, %add3A_917 : i32
      %get3A_919 = arith.index_cast %add3A_918 : i32 to index
      %get3A_920 = arith.constant 0 : index
      %get3A_921 = tpu.vector_load %arg16[%get3A_919, %get3A_920] {strides = array<i32>} : memref<3200x16xf32, #tpu.memory_space<vmem>>, vector<1x16xf32>,
      %get3A_922 = vector.shape_cast %get3A_921 : vector<1x16xf32> to vector<16xf32>
      %add3A_923 = arith.addf %add3A_895, %get3A_922 : vector<16xf32>
      %add3A_924 = arith.constant 34 : i32
      %add3A_925 = arith.addi %mul3A_689, %add3A_924 : i32
      %get3A_926 = arith.index_cast %add3A_925 : i32 to index
      %get3A_927 = arith.constant 0 : index
      %get3A_928 = tpu.vector_load %arg16[%get3A_926, %get3A_927] {strides = array<i32>} : memref<3200x16xf32, #tpu.memory_space<vmem>>, vector<1x16xf32>,
      %get3A_929 = vector.shape_cast %get3A_928 : vector<1x16xf32> to vector<16xf32>
      %add3A_930 = arith.addf %add3A_902, %get3A_929 : vector<16xf32>
      %add3A_931 = arith.constant 35 : i32
      %add3A_932 = arith.addi %mul3A_689, %add3A_931 : i32
      %get3A_933 = arith.index_cast %add3A_932 : i32 to index
      %get3A_934 = arith.constant 0 : index
      %get3A_935 = tpu.vector_load %arg16[%get3A_933, %get3A_934] {strides = array<i32>} : memref<3200x16xf32, #tpu.memory_space<vmem>>, vector<1x16xf32>,
      %get3A_936 = vector.shape_cast %get3A_935 : vector<1x16xf32> to vector<16xf32>
      %add3A_937 = arith.addf %add3A_909, %get3A_936 : vector<16xf32>
      %add3A_938 = arith.constant 36 : i32
      %add3A_939 = arith.addi %mul3A_689, %add3A_938 : i32
      %get3A_940 = arith.index_cast %add3A_939 : i32 to index
      %get3A_941 = arith.constant 0 : index
      %get3A_942 = tpu.vector_load %arg16[%get3A_940, %get3A_941] {strides = array<i32>} : memref<3200x16xf32, #tpu.memory_space<vmem>>, vector<1x16xf32>,
      %get3A_943 = vector.shape_cast %get3A_942 : vector<1x16xf32> to vector<16xf32>
      %add3A_944 = arith.addf %add3A_916, %get3A_943 : vector<16xf32>
      %add3A_945 = arith.constant 37 : i32
      %add3A_946 = arith.addi %mul3A_689, %add3A_945 : i32
      %get3A_947 = arith.index_cast %add3A_946 : i32 to index
      %get3A_948 = arith.constant 0 : index
      %get3A_949 = tpu.vector_load %arg16[%get3A_947, %get3A_948] {strides = array<i32>} : memref<3200x16xf32, #tpu.memory_space<vmem>>, vector<1x16xf32>,
      %get3A_950 = vector.shape_cast %get3A_949 : vector<1x16xf32> to vector<16xf32>
      %add3A_951 = arith.addf %add3A_923, %get3A_950 : vector<16xf32>
      %add3A_952 = arith.constant 38 : i32
      %add3A_953 = arith.addi %mul3A_689, %add3A_952 : i32
      %get3A_954 = arith.index_cast %add3A_953 : i32 to index
      %get3A_955 = arith.constant 0 : index
      %get3A_956 = tpu.vector_load %arg16[%get3A_954, %get3A_955] {strides = array<i32>} : memref<3200x16xf32, #tpu.memory_space<vmem>>, vector<1x16xf32>,
      %get3A_957 = vector.shape_cast %get3A_956 : vector<1x16xf32> to vector<16xf32>
      %add3A_958 = arith.addf %add3A_930, %get3A_957 : vector<16xf32>
      %add3A_959 = arith.constant 39 : i32
      %add3A_960 = arith.addi %mul3A_689, %add3A_959 : i32
      %get3A_961 = arith.index_cast %add3A_960 : i32 to index
      %get3A_962 = arith.constant 0 : index
      %get3A_963 = tpu.vector_load %arg16[%get3A_961, %get3A_962] {strides = array<i32>} : memref<3200x16xf32, #tpu.memory_space<vmem>>, vector<1x16xf32>,
      %get3A_964 = vector.shape_cast %get3A_963 : vector<1x16xf32> to vector<16xf32>
      %add3A_965 = arith.addf %add3A_937, %get3A_964 : vector<16xf32>
      %add3A_966 = arith.constant 40 : i32
      %add3A_967 = arith.addi %mul3A_689, %add3A_966 : i32
      %get3A_968 = arith.index_cast %add3A_967 : i32 to index
      %get3A_969 = arith.constant 0 : index
      %get3A_970 = tpu.vector_load %arg16[%get3A_968, %get3A_969] {strides = array<i32>} : memref<3200x16xf32, #tpu.memory_space<vmem>>, vector<1x16xf32>,
      %get3A_971 = vector.shape_cast %get3A_970 : vector<1x16xf32> to vector<16xf32>
      %add3A_972 = arith.addf %add3A_944, %get3A_971 : vector<16xf32>
      %add3A_973 = arith.constant 41 : i32
      %add3A_974 = arith.addi %mul3A_689, %add3A_973 : i32
      %get3A_975 = arith.index_cast %add3A_974 : i32 to index
      %get3A_976 = arith.constant 0 : index
      %get3A_977 = tpu.vector_load %arg16[%get3A_975, %get3A_976] {strides = array<i32>} : memref<3200x16xf32, #tpu.memory_space<vmem>>, vector<1x16xf32>,
      %get3A_978 = vector.shape_cast %get3A_977 : vector<1x16xf32> to vector<16xf32>
      %add3A_979 = arith.addf %add3A_951, %get3A_978 : vector<16xf32>
      %add3A_980 = arith.constant 42 : i32
      %add3A_981 = arith.addi %mul3A_689, %add3A_980 : i32
      %get3A_982 = arith.index_cast %add3A_981 : i32 to index
      %get3A_983 = arith.constant 0 : index
      %get3A_984 = tpu.vector_load %arg16[%get3A_982, %get3A_983] {strides = array<i32>} : memref<3200x16xf32, #tpu.memory_space<vmem>>, vector<1x16xf32>,
      %get3A_985 = vector.shape_cast %get3A_984 : vector<1x16xf32> to vector<16xf32>
      %add3A_986 = arith.addf %add3A_958, %get3A_985 : vector<16xf32>
      %add3A_987 = arith.constant 43 : i32
      %add3A_988 = arith.addi %mul3A_689, %add3A_987 : i32
      %get3A_989 = arith.index_cast %add3A_988 : i32 to index
      %get3A_990 = arith.constant 0 : index
      %get3A_991 = tpu.vector_load %arg16[%get3A_989, %get3A_990] {strides = array<i32>} : memref<3200x16xf32, #tpu.memory_space<vmem>>, vector<1x16xf32>,
      %get3A_992 = vector.shape_cast %get3A_991 : vector<1x16xf32> to vector<16xf32>
      %add3A_993 = arith.addf %add3A_965, %get3A_992 : vector<16xf32>
      %add3A_994 = arith.constant 44 : i32
      %add3A_995 = arith.addi %mul3A_689, %add3A_994 : i32
      %get3A_996 = arith.index_cast %add3A_995 : i32 to index
      %get3A_997 = arith.constant 0 : index
      %get3A_998 = tpu.vector_load %arg16[%get3A_996, %get3A_997] {strides = array<i32>} : memref<3200x16xf32, #tpu.memory_space<vmem>>, vector<1x16xf32>,
      %get3A_999 = vector.shape_cast %get3A_998 : vector<1x16xf32> to vector<16xf32>
      %add3A_1000 = arith.addf %add3A_972, %get3A_999 : vector<16xf32>
      %add3A_1001 = arith.constant 45 : i32
      %add3A_1002 = arith.addi %mul3A_689, %add3A_1001 : i32
      %get3A_1003 = arith.index_cast %add3A_1002 : i32 to index
      %get3A_1004 = arith.constant 0 : index
      %get3A_1005 = tpu.vector_load %arg16[%get3A_1003, %get3A_1004] {strides = array<i32>} : memref<3200x16xf32, #tpu.memory_space<vmem>>, vector<1x16xf32>,
      %get3A_1006 = vector.shape_cast %get3A_1005 : vector<1x16xf32> to vector<16xf32>
      %add3A_1007 = arith.addf %add3A_979, %get3A_1006 : vector<16xf32>
      %add3A_1008 = arith.constant 46 : i32
      %add3A_1009 = arith.addi %mul3A_689, %add3A_1008 : i32
      %get3A_1010 = arith.index_cast %add3A_1009 : i32 to index
      %get3A_1011 = arith.constant 0 : index
      %get3A_1012 = tpu.vector_load %arg16[%get3A_1010, %get3A_1011] {strides = array<i32>} : memref<3200x16xf32, #tpu.memory_space<vmem>>, vector<1x16xf32>,
      %get3A_1013 = vector.shape_cast %get3A_1012 : vector<1x16xf32> to vector<16xf32>
      %add3A_1014 = arith.addf %add3A_986, %get3A_1013 : vector<16xf32>
      %add3A_1015 = arith.constant 47 : i32
      %add3A_1016 = arith.addi %mul3A_689, %add3A_1015 : i32
      %get3A_1017 = arith.index_cast %add3A_1016 : i32 to index
      %get3A_1018 = arith.constant 0 : index
      %get3A_1019 = tpu.vector_load %arg16[%get3A_1017, %get3A_1018] {strides = array<i32>} : memref<3200x16xf32, #tpu.memory_space<vmem>>, vector<1x16xf32>,
      %get3A_1020 = vector.shape_cast %get3A_1019 : vector<1x16xf32> to vector<16xf32>
      %add3A_1021 = arith.addf %add3A_993, %get3A_1020 : vector<16xf32>
      %add3A_1022 = arith.constant 48 : i32
      %add3A_1023 = arith.addi %mul3A_689, %add3A_1022 : i32
      %get3A_1024 = arith.index_cast %add3A_1023 : i32 to index
      %get3A_1025 = arith.constant 0 : index
      %get3A_1026 = tpu.vector_load %arg16[%get3A_1024, %get3A_1025] {strides = array<i32>} : memref<3200x16xf32, #tpu.memory_space<vmem>>, vector<1x16xf32>,
      %get3A_1027 = vector.shape_cast %get3A_1026 : vector<1x16xf32> to vector<16xf32>
      %add3A_1028 = arith.addf %add3A_1000, %get3A_1027 : vector<16xf32>
      %add3A_1029 = arith.constant 49 : i32
      %add3A_1030 = arith.addi %mul3A_689, %add3A_1029 : i32
      %get3A_1031 = arith.index_cast %add3A_1030 : i32 to index
      %get3A_1032 = arith.constant 0 : index
      %get3A_1033 = tpu.vector_load %arg16[%get3A_1031, %get3A_1032] {strides = array<i32>} : memref<3200x16xf32, #tpu.memory_space<vmem>>, vector<1x16xf32>,
      %get3A_1034 = vector.shape_cast %get3A_1033 : vector<1x16xf32> to vector<16xf32>
      %add3A_1035 = arith.addf %add3A_1007, %get3A_1034 : vector<16xf32>
      %add3A_1036 = arith.addf %add3A_1028, %add3A_1035 : vector<16xf32>
      %add3A_1037 = arith.addf %add3A_1014, %add3A_1021 : vector<16xf32>
      %add3A_1038 = arith.addf %add3A_1036, %add3A_1037 : vector<16xf32>
      %get3A_1039 = arith.index_cast %scan3A_687 : i32 to index
      %get3A_1040 = arith.constant 0 : index
      %get3A_1041 = tpu.vector_load %arg14[%get3A_1039, %get3A_1040] {strides = array<i32>} : memref<64x50xi32, #tpu.memory_space<vmem>>, vector<1x16xi32>,
      %get3A_1042 = vector.shape_cast %get3A_1041 : vector<1x16xi32> to vector<16xi32>
      %get3A_1043 = arith.index_cast %scan3A_687 : i32 to index
      %get3A_1044 = arith.constant 16 : index
      %get3A_1045 = tpu.vector_load %arg14[%get3A_1043, %get3A_1044] {strides = array<i32>} : memref<64x50xi32, #tpu.memory_space<vmem>>, vector<1x16xi32>,
      %get3A_1046 = vector.shape_cast %get3A_1045 : vector<1x16xi32> to vector<16xi32>
      %get3A_1047 = arith.index_cast %scan3A_687 : i32 to index
      %get3A_1048 = arith.constant 32 : index
      %get3A_1049 = tpu.vector_load %arg14[%get3A_1047, %get3A_1048] {strides = array<i32>} : memref<64x50xi32, #tpu.memory_space<vmem>>, vector<1x16xi32>,
      %get3A_1050 = vector.shape_cast %get3A_1049 : vector<1x16xi32> to vector<16xi32>
      %get3A_1051 = arith.index_cast %scan3A_687 : i32 to index
      %get3A_1052 = arith.constant 34 : index
      %get3A_1053 = tpu.vector_load %arg14[%get3A_1051, %get3A_1052] {strides = array<i32>} : memref<64x50xi32, #tpu.memory_space<vmem>>, vector<1x16xi32>,
      %get3A_1054 = vector.shape_cast %get3A_1053 : vector<1x16xi32> to vector<16xi32>
      %eq3A = arith.constant 0 : i32
      %eq3A_1055 = vector.broadcast %eq3A : i32 to vector<16xi32>
      %eq3A_1056 = arith.cmpi eq, %get3A_1042, %eq3A_1055 : vector<16xi32>
      %jit3A = arith.constant 1.000000e+00 : f32
      %jit3A_1057 = arith.constant 0.000000e+00 : f32
      %broadcast_in_dim3A = vector.broadcast %jit3A : f32 to vector<16xf32>
      %broadcast_in_dim3A_1058 = vector.broadcast %jit3A_1057 : f32 to vector<16xf32>
      %select_n3A = arith.select %eq3A_1056, %broadcast_in_dim3A, %broadcast_in_dim3A_1058 : vector<16xi1>, vector<16xf32>
      %eq3A_1059 = arith.constant 0 : i32
      %eq3A_1060 = vector.broadcast %eq3A_1059 : i32 to vector<16xi32>
      %eq3A_1061 = arith.cmpi eq, %get3A_1046, %eq3A_1060 : vector<16xi32>
      %jit3A_1062 = arith.constant 1.000000e+00 : f32
      %jit3A_1063 = arith.constant 0.000000e+00 : f32
      %broadcast_in_dim3A_1064 = vector.broadcast %jit3A_1062 : f32 to vector<16xf32>
      %broadcast_in_dim3A_1065 = vector.broadcast %jit3A_1063 : f32 to vector<16xf32>
      %select_n3A_1066 = arith.select %eq3A_1061, %broadcast_in_dim3A_1064, %broadcast_in_dim3A_1065 : vector<16xi1>, vector<16xf32>
      %add3A_1067 = arith.addf %select_n3A, %select_n3A_1066 : vector<16xf32>
      %eq3A_1068 = arith.constant 0 : i32
      %eq3A_1069 = vector.broadcast %eq3A_1068 : i32 to vector<16xi32>
      %eq3A_1070 = arith.cmpi eq, %get3A_1050, %eq3A_1069 : vector<16xi32>
      %jit3A_1071 = arith.constant 1.000000e+00 : f32
      %jit3A_1072 = arith.constant 0.000000e+00 : f32
      %broadcast_in_dim3A_1073 = vector.broadcast %jit3A_1071 : f32 to vector<16xf32>
      %broadcast_in_dim3A_1074 = vector.broadcast %jit3A_1072 : f32 to vector<16xf32>
      %select_n3A_1075 = arith.select %eq3A_1070, %broadcast_in_dim3A_1073, %broadcast_in_dim3A_1074 : vector<16xi1>, vector<16xf32>
      %add3A_1076 = arith.addf %add3A_1067, %select_n3A_1075 : vector<16xf32>
      %eq3A_1077 = arith.constant 0 : i32
      %eq3A_1078 = vector.broadcast %eq3A_1077 : i32 to vector<16xi32>
      %eq3A_1079 = arith.cmpi eq, %get3A_1054, %eq3A_1078 : vector<16xi32>
      %ge3A = arith.constant 14 : i32
      %ge3A_1080 = vector.broadcast %ge3A : i32 to vector<16xi32>
      %ge3A_1081 = arith.cmpi sge, %iota3A, %ge3A_1080 : vector<16xi32>
      %and3A = arith.andi %eq3A_1079, %ge3A_1081 : vector<16xi1>
      %jit3A_1082 = arith.constant 1.000000e+00 : f32
      %jit3A_1083 = arith.constant 0.000000e+00 : f32
      %broadcast_in_dim3A_1084 = vector.broadcast %jit3A_1082 : f32 to vector<16xf32>
      %broadcast_in_dim3A_1085 = vector.broadcast %jit3A_1083 : f32 to vector<16xf32>
      %select_n3A_1086 = arith.select %and3A, %broadcast_in_dim3A_1084, %broadcast_in_dim3A_1085 : vector<16xi1>, vector<16xf32>
      %add3A_1087 = arith.addf %add3A_1076, %select_n3A_1086 : vector<16xf32>
      %add3A_1088 = arith.constant 8 : i32
      %add3A_1089 = vector.broadcast %add3A_1088 : i32 to vector<16xi32>
      %add3A_1090 = arith.addi %iota3A, %add3A_1089 : vector<16xi32>
      %and3A_1091 = arith.constant 15 : i32
      %and3A_1092 = vector.broadcast %and3A_1091 : i32 to vector<16xi32>
      %and3A_1093 = arith.andi %add3A_1090, %and3A_1092 : vector<16xi32>
      %lt3A = arith.constant 0 : i32
      %lt3A_1094 = vector.broadcast %lt3A : i32 to vector<16xi32>
      %lt3A_1095 = arith.cmpi slt, %and3A_1093, %lt3A_1094 : vector<16xi32>
      %add3A_1096 = arith.constant 16 : i32
      %add3A_1097 = vector.broadcast %add3A_1096 : i32 to vector<16xi32>
      %add3A_1098 = arith.addi %and3A_1093, %add3A_1097 : vector<16xi32>
      %select_n3A_1099 = arith.select %lt3A_1095, %add3A_1098, %and3A_1093 : vector<16xi1>, vector<16xi32>
      %broadcast_in_dim3A_1100 = vector.shape_cast %select_n3A_1099 : vector<16xi32> to vector<16x1xi32>
      %gather3A = vector.shape_cast %broadcast_in_dim3A_1100 : vector<16x1xi32> to vector<16xi32>
      %gather3A_1101 = tpu.dynamic_gather %add3A_1087[%gather3A] in [0] : vector<16xf32>, vector<16xi32> -> vector<16xf32>
      %add3A_1102 = arith.addf %add3A_1087, %gather3A_1101 : vector<16xf32>
      %add3A_1103 = arith.constant 4 : i32
      %add3A_1104 = vector.broadcast %add3A_1103 : i32 to vector<16xi32>
      %add3A_1105 = arith.addi %iota3A, %add3A_1104 : vector<16xi32>
      %and3A_1106 = arith.constant 15 : i32
      %and3A_1107 = vector.broadcast %and3A_1106 : i32 to vector<16xi32>
      %and3A_1108 = arith.andi %add3A_1105, %and3A_1107 : vector<16xi32>
      %lt3A_1109 = arith.constant 0 : i32
      %lt3A_1110 = vector.broadcast %lt3A_1109 : i32 to vector<16xi32>
      %lt3A_1111 = arith.cmpi slt, %and3A_1108, %lt3A_1110 : vector<16xi32>
      %add3A_1112 = arith.constant 16 : i32
      %add3A_1113 = vector.broadcast %add3A_1112 : i32 to vector<16xi32>
      %add3A_1114 = arith.addi %and3A_1108, %add3A_1113 : vector<16xi32>
      %select_n3A_1115 = arith.select %lt3A_1111, %add3A_1114, %and3A_1108 : vector<16xi1>, vector<16xi32>
      %broadcast_in_dim3A_1116 = vector.shape_cast %select_n3A_1115 : vector<16xi32> to vector<16x1xi32>
      %gather3A_1117 = vector.shape_cast %broadcast_in_dim3A_1116 : vector<16x1xi32> to vector<16xi32>
      %gather3A_1118 = tpu.dynamic_gather %add3A_1102[%gather3A_1117] in [0] : vector<16xf32>, vector<16xi32> -> vector<16xf32>
      %add3A_1119 = arith.addf %add3A_1102, %gather3A_1118 : vector<16xf32>
      %add3A_1120 = arith.constant 2 : i32
      %add3A_1121 = vector.broadcast %add3A_1120 : i32 to vector<16xi32>
      %add3A_1122 = arith.addi %iota3A, %add3A_1121 : vector<16xi32>
      %and3A_1123 = arith.constant 15 : i32
      %and3A_1124 = vector.broadcast %and3A_1123 : i32 to vector<16xi32>
      %and3A_1125 = arith.andi %add3A_1122, %and3A_1124 : vector<16xi32>
      %lt3A_1126 = arith.constant 0 : i32
      %lt3A_1127 = vector.broadcast %lt3A_1126 : i32 to vector<16xi32>
      %lt3A_1128 = arith.cmpi slt, %and3A_1125, %lt3A_1127 : vector<16xi32>
      %add3A_1129 = arith.constant 16 : i32
      %add3A_1130 = vector.broadcast %add3A_1129 : i32 to vector<16xi32>
      %add3A_1131 = arith.addi %and3A_1125, %add3A_1130 : vector<16xi32>
      %select_n3A_1132 = arith.select %lt3A_1128, %add3A_1131, %and3A_1125 : vector<16xi1>, vector<16xi32>
      %broadcast_in_dim3A_1133 = vector.shape_cast %select_n3A_1132 : vector<16xi32> to vector<16x1xi32>
      %gather3A_1134 = vector.shape_cast %broadcast_in_dim3A_1133 : vector<16x1xi32> to vector<16xi32>
      %gather3A_1135 = tpu.dynamic_gather %add3A_1119[%gather3A_1134] in [0] : vector<16xf32>, vector<16xi32> -> vector<16xf32>
      %add3A_1136 = arith.addf %add3A_1119, %gather3A_1135 : vector<16xf32>
      %add3A_1137 = arith.constant 1 : i32
      %add3A_1138 = vector.broadcast %add3A_1137 : i32 to vector<16xi32>
      %add3A_1139 = arith.addi %iota3A, %add3A_1138 : vector<16xi32>
      %and3A_1140 = arith.constant 15 : i32
      %and3A_1141 = vector.broadcast %and3A_1140 : i32 to vector<16xi32>
      %and3A_1142 = arith.andi %add3A_1139, %and3A_1141 : vector<16xi32>
      %lt3A_1143 = arith.constant 0 : i32
      %lt3A_1144 = vector.broadcast %lt3A_1143 : i32 to vector<16xi32>
      %lt3A_1145 = arith.cmpi slt, %and3A_1142, %lt3A_1144 : vector<16xi32>
      %add3A_1146 = arith.constant 16 : i32
      %add3A_1147 = vector.broadcast %add3A_1146 : i32 to vector<16xi32>
      %add3A_1148 = arith.addi %and3A_1142, %add3A_1147 : vector<16xi32>
      %select_n3A_1149 = arith.select %lt3A_1145, %add3A_1148, %and3A_1142 : vector<16xi1>, vector<16xi32>
      %broadcast_in_dim3A_1150 = vector.shape_cast %select_n3A_1149 : vector<16xi32> to vector<16x1xi32>
      %gather3A_1151 = vector.shape_cast %broadcast_in_dim3A_1150 : vector<16x1xi32> to vector<16xi32>
      %gather3A_1152 = tpu.dynamic_gather %add3A_1136[%gather3A_1151] in [0] : vector<16xf32>, vector<16xi32> -> vector<16xf32>
      %add3A_1153 = arith.addf %add3A_1136, %gather3A_1152 : vector<16xf32>
      %sub3A_1154 = arith.constant 5.000000e+01 : f32
      %sub3A_1155 = vector.broadcast %sub3A_1154 : f32 to vector<16xf32>
      %sub3A_1156 = arith.subf %sub3A_1155, %add3A_1153 : vector<16xf32>
      %max3A = arith.constant 9.99999971E-10 : f32
      %max3A_1157 = vector.broadcast %max3A : f32 to vector<16xf32>
      %max3A_1158 = arith.maximumf %sub3A_1156, %max3A_1157 : vector<16xf32>
      %mul3A_1159 = arith.mulf %add3A_1153, %get3A_4 : vector<16xf32>
      %sub3A_1160 = arith.subf %add3A_1038, %mul3A_1159 : vector<16xf32>
      %div3A_1161 = arith.divf %sub3A_1160, %max3A_1158 : vector<16xf32>
      %add3A_1162 = arith.constant 320 : i32
      %add3A_1163 = arith.addi %add3A_1162, %scan3A_687 : i32
      %swap3A_1164 = arith.index_cast %add3A_1163 : i32 to index
      %swap3A_1165 = arith.constant 0 : index
      %swap3A_1166 = tpu.vector_load %arg18[%swap3A_1164, %swap3A_1165] {strides = array<i32>} : memref<512x16xf32, #tpu.memory_space<vmem>>, vector<1x16xf32>,
      %swap3A_1167 = vector.shape_cast %swap3A_1166 : vector<1x16xf32> to vector<16xf32>
      %swap3A_1168 = vector.shape_cast %div3A_1161 : vector<16xf32> to vector<1x16xf32>
      tpu.vector_store %arg18[%swap3A_1164, %swap3A_1165], %swap3A_1168 {strides = array<i32>} : memref<512x16xf32, #tpu.memory_space<vmem>>, vector<1x16xf32>,
    }
    %scan3A_649 = arith.constant 64 : i32
    %add3A_650 = arith.constant 448 : i32
    %add3A_651 = arith.addi %mul3A_2, %add3A_650 : i32
    %mul3A_652 = arith.constant 50 : i32
    %mul3A_653 = arith.muli %add3A_651, %mul3A_652 : i32
    "tpu.region"() ({
      %run_scoped3A_687 = tpu.sem_alloc : memref<!tpu.dma_semaphore, #tpu.memory_space<semaphore_mem>>
      %dma_start3A_688 = tpu.memref_slice %arg4[%mul3A_653] : memref<819200xi32, #tpu.memory_space<hbm>> -> memref<3200xi32, #tpu.memory_space<hbm>>
      %dma_start3A_689 = tpu.memref_slice %arg4[%mul3A_653] : memref<819200xi32, #tpu.memory_space<hbm>> -> memref<3200xi32, #tpu.memory_space<hbm>>
      tpu.enqueue_dma source(%dma_start3A_689 : memref<3200xi32, #tpu.memory_space<hbm>>) target(%arg12 : memref<3200xi32, #tpu.memory_space<vmem>>) target_semaphore(%run_scoped3A_687 : memref<!tpu.dma_semaphore, #tpu.memory_space<semaphore_mem>>)
      %dma_wait3A_690 = tpu.memref_slice %arg4[%mul3A_653] : memref<819200xi32, #tpu.memory_space<hbm>> -> memref<3200xi32, #tpu.memory_space<hbm>>
      %dma_wait3A_691 = tpu.memref_slice %arg4[%mul3A_653] : memref<819200xi32, #tpu.memory_space<hbm>> -> memref<3200xi32, #tpu.memory_space<hbm>>
      tpu.wait_dma2 semaphore(%run_scoped3A_687 : memref<!tpu.dma_semaphore, #tpu.memory_space<semaphore_mem>>) src(%dma_wait3A_691 : memref<3200xi32, #tpu.memory_space<hbm>>) dst(%arg12 : memref<3200xi32, #tpu.memory_space<vmem>>)
      tpu.yield
    }) : () -> ()
    %dma_start3A_654 = arith.constant 0 : i32
    %dma_start3A_655 = tpu.memref_slice %arg5[%add3A_651, %dma_start3A_654] : memref<16384x50xi32, #tpu.memory_space<hbm>> -> memref<64x50xi32, #tpu.memory_space<hbm>>
    %dma_start3A_656 = arith.constant 0 : i32
    %dma_start3A_657 = tpu.memref_slice %arg5[%add3A_651, %dma_start3A_656] : memref<16384x50xi32, #tpu.memory_space<hbm>> -> memref<64x50xi32, #tpu.memory_space<hbm>>
    tpu.enqueue_dma source(%dma_start3A_657 : memref<64x50xi32, #tpu.memory_space<hbm>>) target(%arg14 : memref<64x50xi32, #tpu.memory_space<vmem>>) target_semaphore(%arg21 : memref<!tpu.dma_semaphore, #tpu.memory_space<semaphore_mem>>)
    %dma_start3A_658 = arith.constant 0 : i32
    %dma_start3A_659 = arith.constant 0 : i32
    %dma_start3A_660 = tpu.memref_slice %arg7[%dma_start3A_658, %dma_start3A_659] : memref<1000001x16xf32, #tpu.memory_space<hbm>> -> memref<1000001x16xf32, #tpu.memory_space<hbm>>
    tpu.enqueue_indirect_dma source(%dma_start3A_660 : memref<1000001x16xf32, #tpu.memory_space<hbm>>) target(%arg16 : memref<3200x16xf32, #tpu.memory_space<vmem>>) offsets(%arg12 : memref<3200xi32, #tpu.memory_space<vmem>>) semaphore(%arg21 : memref<!tpu.dma_semaphore, #tpu.memory_space<semaphore_mem>>)
    %dma_wait3A_661 = arith.constant 0 : i32
    %dma_wait3A_662 = tpu.memref_slice %arg5[%add3A_627, %dma_wait3A_661] : memref<16384x50xi32, #tpu.memory_space<hbm>> -> memref<64x50xi32, #tpu.memory_space<hbm>>
    %dma_wait3A_663 = arith.constant 0 : i32
    %dma_wait3A_664 = tpu.memref_slice %arg5[%add3A_627, %dma_wait3A_663] : memref<16384x50xi32, #tpu.memory_space<hbm>> -> memref<64x50xi32, #tpu.memory_space<hbm>>
    tpu.wait_dma2 semaphore(%arg20 : memref<!tpu.dma_semaphore, #tpu.memory_space<semaphore_mem>>) src(%dma_wait3A_664 : memref<64x50xi32, #tpu.memory_space<hbm>>) dst(%arg13 : memref<64x50xi32, #tpu.memory_space<vmem>>)
    %dma_wait3A_665 = arith.constant 0 : i32
    %dma_wait3A_666 = arith.constant 0 : i32
    %dma_wait3A_667 = tpu.memref_slice %arg7[%dma_wait3A_665, %dma_wait3A_666] : memref<1000001x16xf32, #tpu.memory_space<hbm>> -> memref<1000001x16xf32, #tpu.memory_space<hbm>>
    tpu.wait_indirect_dma semaphore(%arg20 : memref<!tpu.dma_semaphore, #tpu.memory_space<semaphore_mem>>) src(%dma_wait3A_667 : memref<1000001x16xf32, #tpu.memory_space<hbm>>) dst(%arg15 : memref<3200x16xf32, #tpu.memory_space<vmem>>)
    %scan3A_668 = arith.constant 0 : i32
    %scan3A_669 = arith.constant 0 : i32
    %scan3A_670 = arith.constant 64 : i32
    %scan3A_671 = arith.addi %scan3A_669, %scan3A_670 : i32
    %scan3A_672 = arith.constant 1 : i32
    scf.for %scan3A_687 = %scan3A_669 to %scan3A_671 step %scan3A_672  : i32 {
      %mul3A_688 = arith.constant 50 : i32
      %mul3A_689 = arith.muli %scan3A_687, %mul3A_688 : i32
      %add3A_690 = arith.constant 0 : i32
      %add3A_691 = arith.addi %mul3A_689, %add3A_690 : i32
      %get3A_692 = arith.index_cast %add3A_691 : i32 to index
      %get3A_693 = arith.constant 0 : index
      %get3A_694 = tpu.vector_load %arg15[%get3A_692, %get3A_693] {strides = array<i32>} : memref<3200x16xf32, #tpu.memory_space<vmem>>, vector<1x16xf32>,
      %get3A_695 = vector.shape_cast %get3A_694 : vector<1x16xf32> to vector<16xf32>
      %add3A_696 = arith.constant 1 : i32
      %add3A_697 = arith.addi %mul3A_689, %add3A_696 : i32
      %get3A_698 = arith.index_cast %add3A_697 : i32 to index
      %get3A_699 = arith.constant 0 : index
      %get3A_700 = tpu.vector_load %arg15[%get3A_698, %get3A_699] {strides = array<i32>} : memref<3200x16xf32, #tpu.memory_space<vmem>>, vector<1x16xf32>,
      %get3A_701 = vector.shape_cast %get3A_700 : vector<1x16xf32> to vector<16xf32>
      %add3A_702 = arith.constant 2 : i32
      %add3A_703 = arith.addi %mul3A_689, %add3A_702 : i32
      %get3A_704 = arith.index_cast %add3A_703 : i32 to index
      %get3A_705 = arith.constant 0 : index
      %get3A_706 = tpu.vector_load %arg15[%get3A_704, %get3A_705] {strides = array<i32>} : memref<3200x16xf32, #tpu.memory_space<vmem>>, vector<1x16xf32>,
      %get3A_707 = vector.shape_cast %get3A_706 : vector<1x16xf32> to vector<16xf32>
      %add3A_708 = arith.constant 3 : i32
      %add3A_709 = arith.addi %mul3A_689, %add3A_708 : i32
      %get3A_710 = arith.index_cast %add3A_709 : i32 to index
      %get3A_711 = arith.constant 0 : index
      %get3A_712 = tpu.vector_load %arg15[%get3A_710, %get3A_711] {strides = array<i32>} : memref<3200x16xf32, #tpu.memory_space<vmem>>, vector<1x16xf32>,
      %get3A_713 = vector.shape_cast %get3A_712 : vector<1x16xf32> to vector<16xf32>
      %add3A_714 = arith.constant 4 : i32
      %add3A_715 = arith.addi %mul3A_689, %add3A_714 : i32
      %get3A_716 = arith.index_cast %add3A_715 : i32 to index
      %get3A_717 = arith.constant 0 : index
      %get3A_718 = tpu.vector_load %arg15[%get3A_716, %get3A_717] {strides = array<i32>} : memref<3200x16xf32, #tpu.memory_space<vmem>>, vector<1x16xf32>,
      %get3A_719 = vector.shape_cast %get3A_718 : vector<1x16xf32> to vector<16xf32>
      %add3A_720 = arith.addf %get3A_695, %get3A_719 : vector<16xf32>
      %add3A_721 = arith.constant 5 : i32
      %add3A_722 = arith.addi %mul3A_689, %add3A_721 : i32
      %get3A_723 = arith.index_cast %add3A_722 : i32 to index
      %get3A_724 = arith.constant 0 : index
      %get3A_725 = tpu.vector_load %arg15[%get3A_723, %get3A_724] {strides = array<i32>} : memref<3200x16xf32, #tpu.memory_space<vmem>>, vector<1x16xf32>,
      %get3A_726 = vector.shape_cast %get3A_725 : vector<1x16xf32> to vector<16xf32>
      %add3A_727 = arith.addf %get3A_701, %get3A_726 : vector<16xf32>
      %add3A_728 = arith.constant 6 : i32
      %add3A_729 = arith.addi %mul3A_689, %add3A_728 : i32
      %get3A_730 = arith.index_cast %add3A_729 : i32 to index
      %get3A_731 = arith.constant 0 : index
      %get3A_732 = tpu.vector_load %arg15[%get3A_730, %get3A_731] {strides = array<i32>} : memref<3200x16xf32, #tpu.memory_space<vmem>>, vector<1x16xf32>,
      %get3A_733 = vector.shape_cast %get3A_732 : vector<1x16xf32> to vector<16xf32>
      %add3A_734 = arith.addf %get3A_707, %get3A_733 : vector<16xf32>
      %add3A_735 = arith.constant 7 : i32
      %add3A_736 = arith.addi %mul3A_689, %add3A_735 : i32
      %get3A_737 = arith.index_cast %add3A_736 : i32 to index
      %get3A_738 = arith.constant 0 : index
      %get3A_739 = tpu.vector_load %arg15[%get3A_737, %get3A_738] {strides = array<i32>} : memref<3200x16xf32, #tpu.memory_space<vmem>>, vector<1x16xf32>,
      %get3A_740 = vector.shape_cast %get3A_739 : vector<1x16xf32> to vector<16xf32>
      %add3A_741 = arith.addf %get3A_713, %get3A_740 : vector<16xf32>
      %add3A_742 = arith.constant 8 : i32
      %add3A_743 = arith.addi %mul3A_689, %add3A_742 : i32
      %get3A_744 = arith.index_cast %add3A_743 : i32 to index
      %get3A_745 = arith.constant 0 : index
      %get3A_746 = tpu.vector_load %arg15[%get3A_744, %get3A_745] {strides = array<i32>} : memref<3200x16xf32, #tpu.memory_space<vmem>>, vector<1x16xf32>,
      %get3A_747 = vector.shape_cast %get3A_746 : vector<1x16xf32> to vector<16xf32>
      %add3A_748 = arith.addf %add3A_720, %get3A_747 : vector<16xf32>
      %add3A_749 = arith.constant 9 : i32
      %add3A_750 = arith.addi %mul3A_689, %add3A_749 : i32
      %get3A_751 = arith.index_cast %add3A_750 : i32 to index
      %get3A_752 = arith.constant 0 : index
      %get3A_753 = tpu.vector_load %arg15[%get3A_751, %get3A_752] {strides = array<i32>} : memref<3200x16xf32, #tpu.memory_space<vmem>>, vector<1x16xf32>,
      %get3A_754 = vector.shape_cast %get3A_753 : vector<1x16xf32> to vector<16xf32>
      %add3A_755 = arith.addf %add3A_727, %get3A_754 : vector<16xf32>
      %add3A_756 = arith.constant 10 : i32
      %add3A_757 = arith.addi %mul3A_689, %add3A_756 : i32
      %get3A_758 = arith.index_cast %add3A_757 : i32 to index
      %get3A_759 = arith.constant 0 : index
      %get3A_760 = tpu.vector_load %arg15[%get3A_758, %get3A_759] {strides = array<i32>} : memref<3200x16xf32, #tpu.memory_space<vmem>>, vector<1x16xf32>,
      %get3A_761 = vector.shape_cast %get3A_760 : vector<1x16xf32> to vector<16xf32>
      %add3A_762 = arith.addf %add3A_734, %get3A_761 : vector<16xf32>
      %add3A_763 = arith.constant 11 : i32
      %add3A_764 = arith.addi %mul3A_689, %add3A_763 : i32
      %get3A_765 = arith.index_cast %add3A_764 : i32 to index
      %get3A_766 = arith.constant 0 : index
      %get3A_767 = tpu.vector_load %arg15[%get3A_765, %get3A_766] {strides = array<i32>} : memref<3200x16xf32, #tpu.memory_space<vmem>>, vector<1x16xf32>,
      %get3A_768 = vector.shape_cast %get3A_767 : vector<1x16xf32> to vector<16xf32>
      %add3A_769 = arith.addf %add3A_741, %get3A_768 : vector<16xf32>
      %add3A_770 = arith.constant 12 : i32
      %add3A_771 = arith.addi %mul3A_689, %add3A_770 : i32
      %get3A_772 = arith.index_cast %add3A_771 : i32 to index
      %get3A_773 = arith.constant 0 : index
      %get3A_774 = tpu.vector_load %arg15[%get3A_772, %get3A_773] {strides = array<i32>} : memref<3200x16xf32, #tpu.memory_space<vmem>>, vector<1x16xf32>,
      %get3A_775 = vector.shape_cast %get3A_774 : vector<1x16xf32> to vector<16xf32>
      %add3A_776 = arith.addf %add3A_748, %get3A_775 : vector<16xf32>
      %add3A_777 = arith.constant 13 : i32
      %add3A_778 = arith.addi %mul3A_689, %add3A_777 : i32
      %get3A_779 = arith.index_cast %add3A_778 : i32 to index
      %get3A_780 = arith.constant 0 : index
      %get3A_781 = tpu.vector_load %arg15[%get3A_779, %get3A_780] {strides = array<i32>} : memref<3200x16xf32, #tpu.memory_space<vmem>>, vector<1x16xf32>,
      %get3A_782 = vector.shape_cast %get3A_781 : vector<1x16xf32> to vector<16xf32>
      %add3A_783 = arith.addf %add3A_755, %get3A_782 : vector<16xf32>
      %add3A_784 = arith.constant 14 : i32
      %add3A_785 = arith.addi %mul3A_689, %add3A_784 : i32
      %get3A_786 = arith.index_cast %add3A_785 : i32 to index
      %get3A_787 = arith.constant 0 : index
      %get3A_788 = tpu.vector_load %arg15[%get3A_786, %get3A_787] {strides = array<i32>} : memref<3200x16xf32, #tpu.memory_space<vmem>>, vector<1x16xf32>,
      %get3A_789 = vector.shape_cast %get3A_788 : vector<1x16xf32> to vector<16xf32>
      %add3A_790 = arith.addf %add3A_762, %get3A_789 : vector<16xf32>
      %add3A_791 = arith.constant 15 : i32
      %add3A_792 = arith.addi %mul3A_689, %add3A_791 : i32
      %get3A_793 = arith.index_cast %add3A_792 : i32 to index
      %get3A_794 = arith.constant 0 : index
      %get3A_795 = tpu.vector_load %arg15[%get3A_793, %get3A_794] {strides = array<i32>} : memref<3200x16xf32, #tpu.memory_space<vmem>>, vector<1x16xf32>,
      %get3A_796 = vector.shape_cast %get3A_795 : vector<1x16xf32> to vector<16xf32>
      %add3A_797 = arith.addf %add3A_769, %get3A_796 : vector<16xf32>
      %add3A_798 = arith.constant 16 : i32
      %add3A_799 = arith.addi %mul3A_689, %add3A_798 : i32
      %get3A_800 = arith.index_cast %add3A_799 : i32 to index
      %get3A_801 = arith.constant 0 : index
      %get3A_802 = tpu.vector_load %arg15[%get3A_800, %get3A_801] {strides = array<i32>} : memref<3200x16xf32, #tpu.memory_space<vmem>>, vector<1x16xf32>,
      %get3A_803 = vector.shape_cast %get3A_802 : vector<1x16xf32> to vector<16xf32>
      %add3A_804 = arith.addf %add3A_776, %get3A_803 : vector<16xf32>
      %add3A_805 = arith.constant 17 : i32
      %add3A_806 = arith.addi %mul3A_689, %add3A_805 : i32
      %get3A_807 = arith.index_cast %add3A_806 : i32 to index
      %get3A_808 = arith.constant 0 : index
      %get3A_809 = tpu.vector_load %arg15[%get3A_807, %get3A_808] {strides = array<i32>} : memref<3200x16xf32, #tpu.memory_space<vmem>>, vector<1x16xf32>,
      %get3A_810 = vector.shape_cast %get3A_809 : vector<1x16xf32> to vector<16xf32>
      %add3A_811 = arith.addf %add3A_783, %get3A_810 : vector<16xf32>
      %add3A_812 = arith.constant 18 : i32
      %add3A_813 = arith.addi %mul3A_689, %add3A_812 : i32
      %get3A_814 = arith.index_cast %add3A_813 : i32 to index
      %get3A_815 = arith.constant 0 : index
      %get3A_816 = tpu.vector_load %arg15[%get3A_814, %get3A_815] {strides = array<i32>} : memref<3200x16xf32, #tpu.memory_space<vmem>>, vector<1x16xf32>,
      %get3A_817 = vector.shape_cast %get3A_816 : vector<1x16xf32> to vector<16xf32>
      %add3A_818 = arith.addf %add3A_790, %get3A_817 : vector<16xf32>
      %add3A_819 = arith.constant 19 : i32
      %add3A_820 = arith.addi %mul3A_689, %add3A_819 : i32
      %get3A_821 = arith.index_cast %add3A_820 : i32 to index
      %get3A_822 = arith.constant 0 : index
      %get3A_823 = tpu.vector_load %arg15[%get3A_821, %get3A_822] {strides = array<i32>} : memref<3200x16xf32, #tpu.memory_space<vmem>>, vector<1x16xf32>,
      %get3A_824 = vector.shape_cast %get3A_823 : vector<1x16xf32> to vector<16xf32>
      %add3A_825 = arith.addf %add3A_797, %get3A_824 : vector<16xf32>
      %add3A_826 = arith.constant 20 : i32
      %add3A_827 = arith.addi %mul3A_689, %add3A_826 : i32
      %get3A_828 = arith.index_cast %add3A_827 : i32 to index
      %get3A_829 = arith.constant 0 : index
      %get3A_830 = tpu.vector_load %arg15[%get3A_828, %get3A_829] {strides = array<i32>} : memref<3200x16xf32, #tpu.memory_space<vmem>>, vector<1x16xf32>,
      %get3A_831 = vector.shape_cast %get3A_830 : vector<1x16xf32> to vector<16xf32>
      %add3A_832 = arith.addf %add3A_804, %get3A_831 : vector<16xf32>
      %add3A_833 = arith.constant 21 : i32
      %add3A_834 = arith.addi %mul3A_689, %add3A_833 : i32
      %get3A_835 = arith.index_cast %add3A_834 : i32 to index
      %get3A_836 = arith.constant 0 : index
      %get3A_837 = tpu.vector_load %arg15[%get3A_835, %get3A_836] {strides = array<i32>} : memref<3200x16xf32, #tpu.memory_space<vmem>>, vector<1x16xf32>,
      %get3A_838 = vector.shape_cast %get3A_837 : vector<1x16xf32> to vector<16xf32>
      %add3A_839 = arith.addf %add3A_811, %get3A_838 : vector<16xf32>
      %add3A_840 = arith.constant 22 : i32
      %add3A_841 = arith.addi %mul3A_689, %add3A_840 : i32
      %get3A_842 = arith.index_cast %add3A_841 : i32 to index
      %get3A_843 = arith.constant 0 : index
      %get3A_844 = tpu.vector_load %arg15[%get3A_842, %get3A_843] {strides = array<i32>} : memref<3200x16xf32, #tpu.memory_space<vmem>>, vector<1x16xf32>,
      %get3A_845 = vector.shape_cast %get3A_844 : vector<1x16xf32> to vector<16xf32>
      %add3A_846 = arith.addf %add3A_818, %get3A_845 : vector<16xf32>
      %add3A_847 = arith.constant 23 : i32
      %add3A_848 = arith.addi %mul3A_689, %add3A_847 : i32
      %get3A_849 = arith.index_cast %add3A_848 : i32 to index
      %get3A_850 = arith.constant 0 : index
      %get3A_851 = tpu.vector_load %arg15[%get3A_849, %get3A_850] {strides = array<i32>} : memref<3200x16xf32, #tpu.memory_space<vmem>>, vector<1x16xf32>,
      %get3A_852 = vector.shape_cast %get3A_851 : vector<1x16xf32> to vector<16xf32>
      %add3A_853 = arith.addf %add3A_825, %get3A_852 : vector<16xf32>
      %add3A_854 = arith.constant 24 : i32
      %add3A_855 = arith.addi %mul3A_689, %add3A_854 : i32
      %get3A_856 = arith.index_cast %add3A_855 : i32 to index
      %get3A_857 = arith.constant 0 : index
      %get3A_858 = tpu.vector_load %arg15[%get3A_856, %get3A_857] {strides = array<i32>} : memref<3200x16xf32, #tpu.memory_space<vmem>>, vector<1x16xf32>,
      %get3A_859 = vector.shape_cast %get3A_858 : vector<1x16xf32> to vector<16xf32>
      %add3A_860 = arith.addf %add3A_832, %get3A_859 : vector<16xf32>
      %add3A_861 = arith.constant 25 : i32
      %add3A_862 = arith.addi %mul3A_689, %add3A_861 : i32
      %get3A_863 = arith.index_cast %add3A_862 : i32 to index
      %get3A_864 = arith.constant 0 : index
      %get3A_865 = tpu.vector_load %arg15[%get3A_863, %get3A_864] {strides = array<i32>} : memref<3200x16xf32, #tpu.memory_space<vmem>>, vector<1x16xf32>,
      %get3A_866 = vector.shape_cast %get3A_865 : vector<1x16xf32> to vector<16xf32>
      %add3A_867 = arith.addf %add3A_839, %get3A_866 : vector<16xf32>
      %add3A_868 = arith.constant 26 : i32
      %add3A_869 = arith.addi %mul3A_689, %add3A_868 : i32
      %get3A_870 = arith.index_cast %add3A_869 : i32 to index
      %get3A_871 = arith.constant 0 : index
      %get3A_872 = tpu.vector_load %arg15[%get3A_870, %get3A_871] {strides = array<i32>} : memref<3200x16xf32, #tpu.memory_space<vmem>>, vector<1x16xf32>,
      %get3A_873 = vector.shape_cast %get3A_872 : vector<1x16xf32> to vector<16xf32>
      %add3A_874 = arith.addf %add3A_846, %get3A_873 : vector<16xf32>
      %add3A_875 = arith.constant 27 : i32
      %add3A_876 = arith.addi %mul3A_689, %add3A_875 : i32
      %get3A_877 = arith.index_cast %add3A_876 : i32 to index
      %get3A_878 = arith.constant 0 : index
      %get3A_879 = tpu.vector_load %arg15[%get3A_877, %get3A_878] {strides = array<i32>} : memref<3200x16xf32, #tpu.memory_space<vmem>>, vector<1x16xf32>,
      %get3A_880 = vector.shape_cast %get3A_879 : vector<1x16xf32> to vector<16xf32>
      %add3A_881 = arith.addf %add3A_853, %get3A_880 : vector<16xf32>
      %add3A_882 = arith.constant 28 : i32
      %add3A_883 = arith.addi %mul3A_689, %add3A_882 : i32
      %get3A_884 = arith.index_cast %add3A_883 : i32 to index
      %get3A_885 = arith.constant 0 : index
      %get3A_886 = tpu.vector_load %arg15[%get3A_884, %get3A_885] {strides = array<i32>} : memref<3200x16xf32, #tpu.memory_space<vmem>>, vector<1x16xf32>,
      %get3A_887 = vector.shape_cast %get3A_886 : vector<1x16xf32> to vector<16xf32>
      %add3A_888 = arith.addf %add3A_860, %get3A_887 : vector<16xf32>
      %add3A_889 = arith.constant 29 : i32
      %add3A_890 = arith.addi %mul3A_689, %add3A_889 : i32
      %get3A_891 = arith.index_cast %add3A_890 : i32 to index
      %get3A_892 = arith.constant 0 : index
      %get3A_893 = tpu.vector_load %arg15[%get3A_891, %get3A_892] {strides = array<i32>} : memref<3200x16xf32, #tpu.memory_space<vmem>>, vector<1x16xf32>,
      %get3A_894 = vector.shape_cast %get3A_893 : vector<1x16xf32> to vector<16xf32>
      %add3A_895 = arith.addf %add3A_867, %get3A_894 : vector<16xf32>
      %add3A_896 = arith.constant 30 : i32
      %add3A_897 = arith.addi %mul3A_689, %add3A_896 : i32
      %get3A_898 = arith.index_cast %add3A_897 : i32 to index
      %get3A_899 = arith.constant 0 : index
      %get3A_900 = tpu.vector_load %arg15[%get3A_898, %get3A_899] {strides = array<i32>} : memref<3200x16xf32, #tpu.memory_space<vmem>>, vector<1x16xf32>,
      %get3A_901 = vector.shape_cast %get3A_900 : vector<1x16xf32> to vector<16xf32>
      %add3A_902 = arith.addf %add3A_874, %get3A_901 : vector<16xf32>
      %add3A_903 = arith.constant 31 : i32
      %add3A_904 = arith.addi %mul3A_689, %add3A_903 : i32
      %get3A_905 = arith.index_cast %add3A_904 : i32 to index
      %get3A_906 = arith.constant 0 : index
      %get3A_907 = tpu.vector_load %arg15[%get3A_905, %get3A_906] {strides = array<i32>} : memref<3200x16xf32, #tpu.memory_space<vmem>>, vector<1x16xf32>,
      %get3A_908 = vector.shape_cast %get3A_907 : vector<1x16xf32> to vector<16xf32>
      %add3A_909 = arith.addf %add3A_881, %get3A_908 : vector<16xf32>
      %add3A_910 = arith.constant 32 : i32
      %add3A_911 = arith.addi %mul3A_689, %add3A_910 : i32
      %get3A_912 = arith.index_cast %add3A_911 : i32 to index
      %get3A_913 = arith.constant 0 : index
      %get3A_914 = tpu.vector_load %arg15[%get3A_912, %get3A_913] {strides = array<i32>} : memref<3200x16xf32, #tpu.memory_space<vmem>>, vector<1x16xf32>,
      %get3A_915 = vector.shape_cast %get3A_914 : vector<1x16xf32> to vector<16xf32>
      %add3A_916 = arith.addf %add3A_888, %get3A_915 : vector<16xf32>
      %add3A_917 = arith.constant 33 : i32
      %add3A_918 = arith.addi %mul3A_689, %add3A_917 : i32
      %get3A_919 = arith.index_cast %add3A_918 : i32 to index
      %get3A_920 = arith.constant 0 : index
      %get3A_921 = tpu.vector_load %arg15[%get3A_919, %get3A_920] {strides = array<i32>} : memref<3200x16xf32, #tpu.memory_space<vmem>>, vector<1x16xf32>,
      %get3A_922 = vector.shape_cast %get3A_921 : vector<1x16xf32> to vector<16xf32>
      %add3A_923 = arith.addf %add3A_895, %get3A_922 : vector<16xf32>
      %add3A_924 = arith.constant 34 : i32
      %add3A_925 = arith.addi %mul3A_689, %add3A_924 : i32
      %get3A_926 = arith.index_cast %add3A_925 : i32 to index
      %get3A_927 = arith.constant 0 : index
      %get3A_928 = tpu.vector_load %arg15[%get3A_926, %get3A_927] {strides = array<i32>} : memref<3200x16xf32, #tpu.memory_space<vmem>>, vector<1x16xf32>,
      %get3A_929 = vector.shape_cast %get3A_928 : vector<1x16xf32> to vector<16xf32>
      %add3A_930 = arith.addf %add3A_902, %get3A_929 : vector<16xf32>
      %add3A_931 = arith.constant 35 : i32
      %add3A_932 = arith.addi %mul3A_689, %add3A_931 : i32
      %get3A_933 = arith.index_cast %add3A_932 : i32 to index
      %get3A_934 = arith.constant 0 : index
      %get3A_935 = tpu.vector_load %arg15[%get3A_933, %get3A_934] {strides = array<i32>} : memref<3200x16xf32, #tpu.memory_space<vmem>>, vector<1x16xf32>,
      %get3A_936 = vector.shape_cast %get3A_935 : vector<1x16xf32> to vector<16xf32>
      %add3A_937 = arith.addf %add3A_909, %get3A_936 : vector<16xf32>
      %add3A_938 = arith.constant 36 : i32
      %add3A_939 = arith.addi %mul3A_689, %add3A_938 : i32
      %get3A_940 = arith.index_cast %add3A_939 : i32 to index
      %get3A_941 = arith.constant 0 : index
      %get3A_942 = tpu.vector_load %arg15[%get3A_940, %get3A_941] {strides = array<i32>} : memref<3200x16xf32, #tpu.memory_space<vmem>>, vector<1x16xf32>,
      %get3A_943 = vector.shape_cast %get3A_942 : vector<1x16xf32> to vector<16xf32>
      %add3A_944 = arith.addf %add3A_916, %get3A_943 : vector<16xf32>
      %add3A_945 = arith.constant 37 : i32
      %add3A_946 = arith.addi %mul3A_689, %add3A_945 : i32
      %get3A_947 = arith.index_cast %add3A_946 : i32 to index
      %get3A_948 = arith.constant 0 : index
      %get3A_949 = tpu.vector_load %arg15[%get3A_947, %get3A_948] {strides = array<i32>} : memref<3200x16xf32, #tpu.memory_space<vmem>>, vector<1x16xf32>,
      %get3A_950 = vector.shape_cast %get3A_949 : vector<1x16xf32> to vector<16xf32>
      %add3A_951 = arith.addf %add3A_923, %get3A_950 : vector<16xf32>
      %add3A_952 = arith.constant 38 : i32
      %add3A_953 = arith.addi %mul3A_689, %add3A_952 : i32
      %get3A_954 = arith.index_cast %add3A_953 : i32 to index
      %get3A_955 = arith.constant 0 : index
      %get3A_956 = tpu.vector_load %arg15[%get3A_954, %get3A_955] {strides = array<i32>} : memref<3200x16xf32, #tpu.memory_space<vmem>>, vector<1x16xf32>,
      %get3A_957 = vector.shape_cast %get3A_956 : vector<1x16xf32> to vector<16xf32>
      %add3A_958 = arith.addf %add3A_930, %get3A_957 : vector<16xf32>
      %add3A_959 = arith.constant 39 : i32
      %add3A_960 = arith.addi %mul3A_689, %add3A_959 : i32
      %get3A_961 = arith.index_cast %add3A_960 : i32 to index
      %get3A_962 = arith.constant 0 : index
      %get3A_963 = tpu.vector_load %arg15[%get3A_961, %get3A_962] {strides = array<i32>} : memref<3200x16xf32, #tpu.memory_space<vmem>>, vector<1x16xf32>,
      %get3A_964 = vector.shape_cast %get3A_963 : vector<1x16xf32> to vector<16xf32>
      %add3A_965 = arith.addf %add3A_937, %get3A_964 : vector<16xf32>
      %add3A_966 = arith.constant 40 : i32
      %add3A_967 = arith.addi %mul3A_689, %add3A_966 : i32
      %get3A_968 = arith.index_cast %add3A_967 : i32 to index
      %get3A_969 = arith.constant 0 : index
      %get3A_970 = tpu.vector_load %arg15[%get3A_968, %get3A_969] {strides = array<i32>} : memref<3200x16xf32, #tpu.memory_space<vmem>>, vector<1x16xf32>,
      %get3A_971 = vector.shape_cast %get3A_970 : vector<1x16xf32> to vector<16xf32>
      %add3A_972 = arith.addf %add3A_944, %get3A_971 : vector<16xf32>
      %add3A_973 = arith.constant 41 : i32
      %add3A_974 = arith.addi %mul3A_689, %add3A_973 : i32
      %get3A_975 = arith.index_cast %add3A_974 : i32 to index
      %get3A_976 = arith.constant 0 : index
      %get3A_977 = tpu.vector_load %arg15[%get3A_975, %get3A_976] {strides = array<i32>} : memref<3200x16xf32, #tpu.memory_space<vmem>>, vector<1x16xf32>,
      %get3A_978 = vector.shape_cast %get3A_977 : vector<1x16xf32> to vector<16xf32>
      %add3A_979 = arith.addf %add3A_951, %get3A_978 : vector<16xf32>
      %add3A_980 = arith.constant 42 : i32
      %add3A_981 = arith.addi %mul3A_689, %add3A_980 : i32
      %get3A_982 = arith.index_cast %add3A_981 : i32 to index
      %get3A_983 = arith.constant 0 : index
      %get3A_984 = tpu.vector_load %arg15[%get3A_982, %get3A_983] {strides = array<i32>} : memref<3200x16xf32, #tpu.memory_space<vmem>>, vector<1x16xf32>,
      %get3A_985 = vector.shape_cast %get3A_984 : vector<1x16xf32> to vector<16xf32>
      %add3A_986 = arith.addf %add3A_958, %get3A_985 : vector<16xf32>
      %add3A_987 = arith.constant 43 : i32
      %add3A_988 = arith.addi %mul3A_689, %add3A_987 : i32
      %get3A_989 = arith.index_cast %add3A_988 : i32 to index
      %get3A_990 = arith.constant 0 : index
      %get3A_991 = tpu.vector_load %arg15[%get3A_989, %get3A_990] {strides = array<i32>} : memref<3200x16xf32, #tpu.memory_space<vmem>>, vector<1x16xf32>,
      %get3A_992 = vector.shape_cast %get3A_991 : vector<1x16xf32> to vector<16xf32>
      %add3A_993 = arith.addf %add3A_965, %get3A_992 : vector<16xf32>
      %add3A_994 = arith.constant 44 : i32
      %add3A_995 = arith.addi %mul3A_689, %add3A_994 : i32
      %get3A_996 = arith.index_cast %add3A_995 : i32 to index
      %get3A_997 = arith.constant 0 : index
      %get3A_998 = tpu.vector_load %arg15[%get3A_996, %get3A_997] {strides = array<i32>} : memref<3200x16xf32, #tpu.memory_space<vmem>>, vector<1x16xf32>,
      %get3A_999 = vector.shape_cast %get3A_998 : vector<1x16xf32> to vector<16xf32>
      %add3A_1000 = arith.addf %add3A_972, %get3A_999 : vector<16xf32>
      %add3A_1001 = arith.constant 45 : i32
      %add3A_1002 = arith.addi %mul3A_689, %add3A_1001 : i32
      %get3A_1003 = arith.index_cast %add3A_1002 : i32 to index
      %get3A_1004 = arith.constant 0 : index
      %get3A_1005 = tpu.vector_load %arg15[%get3A_1003, %get3A_1004] {strides = array<i32>} : memref<3200x16xf32, #tpu.memory_space<vmem>>, vector<1x16xf32>,
      %get3A_1006 = vector.shape_cast %get3A_1005 : vector<1x16xf32> to vector<16xf32>
      %add3A_1007 = arith.addf %add3A_979, %get3A_1006 : vector<16xf32>
      %add3A_1008 = arith.constant 46 : i32
      %add3A_1009 = arith.addi %mul3A_689, %add3A_1008 : i32
      %get3A_1010 = arith.index_cast %add3A_1009 : i32 to index
      %get3A_1011 = arith.constant 0 : index
      %get3A_1012 = tpu.vector_load %arg15[%get3A_1010, %get3A_1011] {strides = array<i32>} : memref<3200x16xf32, #tpu.memory_space<vmem>>, vector<1x16xf32>,
      %get3A_1013 = vector.shape_cast %get3A_1012 : vector<1x16xf32> to vector<16xf32>
      %add3A_1014 = arith.addf %add3A_986, %get3A_1013 : vector<16xf32>
      %add3A_1015 = arith.constant 47 : i32
      %add3A_1016 = arith.addi %mul3A_689, %add3A_1015 : i32
      %get3A_1017 = arith.index_cast %add3A_1016 : i32 to index
      %get3A_1018 = arith.constant 0 : index
      %get3A_1019 = tpu.vector_load %arg15[%get3A_1017, %get3A_1018] {strides = array<i32>} : memref<3200x16xf32, #tpu.memory_space<vmem>>, vector<1x16xf32>,
      %get3A_1020 = vector.shape_cast %get3A_1019 : vector<1x16xf32> to vector<16xf32>
      %add3A_1021 = arith.addf %add3A_993, %get3A_1020 : vector<16xf32>
      %add3A_1022 = arith.constant 48 : i32
      %add3A_1023 = arith.addi %mul3A_689, %add3A_1022 : i32
      %get3A_1024 = arith.index_cast %add3A_1023 : i32 to index
      %get3A_1025 = arith.constant 0 : index
      %get3A_1026 = tpu.vector_load %arg15[%get3A_1024, %get3A_1025] {strides = array<i32>} : memref<3200x16xf32, #tpu.memory_space<vmem>>, vector<1x16xf32>,
      %get3A_1027 = vector.shape_cast %get3A_1026 : vector<1x16xf32> to vector<16xf32>
      %add3A_1028 = arith.addf %add3A_1000, %get3A_1027 : vector<16xf32>
      %add3A_1029 = arith.constant 49 : i32
      %add3A_1030 = arith.addi %mul3A_689, %add3A_1029 : i32
      %get3A_1031 = arith.index_cast %add3A_1030 : i32 to index
      %get3A_1032 = arith.constant 0 : index
      %get3A_1033 = tpu.vector_load %arg15[%get3A_1031, %get3A_1032] {strides = array<i32>} : memref<3200x16xf32, #tpu.memory_space<vmem>>, vector<1x16xf32>,
      %get3A_1034 = vector.shape_cast %get3A_1033 : vector<1x16xf32> to vector<16xf32>
      %add3A_1035 = arith.addf %add3A_1007, %get3A_1034 : vector<16xf32>
      %add3A_1036 = arith.addf %add3A_1028, %add3A_1035 : vector<16xf32>
      %add3A_1037 = arith.addf %add3A_1014, %add3A_1021 : vector<16xf32>
      %add3A_1038 = arith.addf %add3A_1036, %add3A_1037 : vector<16xf32>
      %get3A_1039 = arith.index_cast %scan3A_687 : i32 to index
      %get3A_1040 = arith.constant 0 : index
      %get3A_1041 = tpu.vector_load %arg13[%get3A_1039, %get3A_1040] {strides = array<i32>} : memref<64x50xi32, #tpu.memory_space<vmem>>, vector<1x16xi32>,
      %get3A_1042 = vector.shape_cast %get3A_1041 : vector<1x16xi32> to vector<16xi32>
      %get3A_1043 = arith.index_cast %scan3A_687 : i32 to index
      %get3A_1044 = arith.constant 16 : index
      %get3A_1045 = tpu.vector_load %arg13[%get3A_1043, %get3A_1044] {strides = array<i32>} : memref<64x50xi32, #tpu.memory_space<vmem>>, vector<1x16xi32>,
      %get3A_1046 = vector.shape_cast %get3A_1045 : vector<1x16xi32> to vector<16xi32>
      %get3A_1047 = arith.index_cast %scan3A_687 : i32 to index
      %get3A_1048 = arith.constant 32 : index
      %get3A_1049 = tpu.vector_load %arg13[%get3A_1047, %get3A_1048] {strides = array<i32>} : memref<64x50xi32, #tpu.memory_space<vmem>>, vector<1x16xi32>,
      %get3A_1050 = vector.shape_cast %get3A_1049 : vector<1x16xi32> to vector<16xi32>
      %get3A_1051 = arith.index_cast %scan3A_687 : i32 to index
      %get3A_1052 = arith.constant 34 : index
      %get3A_1053 = tpu.vector_load %arg13[%get3A_1051, %get3A_1052] {strides = array<i32>} : memref<64x50xi32, #tpu.memory_space<vmem>>, vector<1x16xi32>,
      %get3A_1054 = vector.shape_cast %get3A_1053 : vector<1x16xi32> to vector<16xi32>
      %eq3A = arith.constant 0 : i32
      %eq3A_1055 = vector.broadcast %eq3A : i32 to vector<16xi32>
      %eq3A_1056 = arith.cmpi eq, %get3A_1042, %eq3A_1055 : vector<16xi32>
      %jit3A = arith.constant 1.000000e+00 : f32
      %jit3A_1057 = arith.constant 0.000000e+00 : f32
      %broadcast_in_dim3A = vector.broadcast %jit3A : f32 to vector<16xf32>
      %broadcast_in_dim3A_1058 = vector.broadcast %jit3A_1057 : f32 to vector<16xf32>
      %select_n3A = arith.select %eq3A_1056, %broadcast_in_dim3A, %broadcast_in_dim3A_1058 : vector<16xi1>, vector<16xf32>
      %eq3A_1059 = arith.constant 0 : i32
      %eq3A_1060 = vector.broadcast %eq3A_1059 : i32 to vector<16xi32>
      %eq3A_1061 = arith.cmpi eq, %get3A_1046, %eq3A_1060 : vector<16xi32>
      %jit3A_1062 = arith.constant 1.000000e+00 : f32
      %jit3A_1063 = arith.constant 0.000000e+00 : f32
      %broadcast_in_dim3A_1064 = vector.broadcast %jit3A_1062 : f32 to vector<16xf32>
      %broadcast_in_dim3A_1065 = vector.broadcast %jit3A_1063 : f32 to vector<16xf32>
      %select_n3A_1066 = arith.select %eq3A_1061, %broadcast_in_dim3A_1064, %broadcast_in_dim3A_1065 : vector<16xi1>, vector<16xf32>
      %add3A_1067 = arith.addf %select_n3A, %select_n3A_1066 : vector<16xf32>
      %eq3A_1068 = arith.constant 0 : i32
      %eq3A_1069 = vector.broadcast %eq3A_1068 : i32 to vector<16xi32>
      %eq3A_1070 = arith.cmpi eq, %get3A_1050, %eq3A_1069 : vector<16xi32>
      %jit3A_1071 = arith.constant 1.000000e+00 : f32
      %jit3A_1072 = arith.constant 0.000000e+00 : f32
      %broadcast_in_dim3A_1073 = vector.broadcast %jit3A_1071 : f32 to vector<16xf32>
      %broadcast_in_dim3A_1074 = vector.broadcast %jit3A_1072 : f32 to vector<16xf32>
      %select_n3A_1075 = arith.select %eq3A_1070, %broadcast_in_dim3A_1073, %broadcast_in_dim3A_1074 : vector<16xi1>, vector<16xf32>
      %add3A_1076 = arith.addf %add3A_1067, %select_n3A_1075 : vector<16xf32>
      %eq3A_1077 = arith.constant 0 : i32
      %eq3A_1078 = vector.broadcast %eq3A_1077 : i32 to vector<16xi32>
      %eq3A_1079 = arith.cmpi eq, %get3A_1054, %eq3A_1078 : vector<16xi32>
      %ge3A = arith.constant 14 : i32
      %ge3A_1080 = vector.broadcast %ge3A : i32 to vector<16xi32>
      %ge3A_1081 = arith.cmpi sge, %iota3A, %ge3A_1080 : vector<16xi32>
      %and3A = arith.andi %eq3A_1079, %ge3A_1081 : vector<16xi1>
      %jit3A_1082 = arith.constant 1.000000e+00 : f32
      %jit3A_1083 = arith.constant 0.000000e+00 : f32
      %broadcast_in_dim3A_1084 = vector.broadcast %jit3A_1082 : f32 to vector<16xf32>
      %broadcast_in_dim3A_1085 = vector.broadcast %jit3A_1083 : f32 to vector<16xf32>
      %select_n3A_1086 = arith.select %and3A, %broadcast_in_dim3A_1084, %broadcast_in_dim3A_1085 : vector<16xi1>, vector<16xf32>
      %add3A_1087 = arith.addf %add3A_1076, %select_n3A_1086 : vector<16xf32>
      %add3A_1088 = arith.constant 8 : i32
      %add3A_1089 = vector.broadcast %add3A_1088 : i32 to vector<16xi32>
      %add3A_1090 = arith.addi %iota3A, %add3A_1089 : vector<16xi32>
      %and3A_1091 = arith.constant 15 : i32
      %and3A_1092 = vector.broadcast %and3A_1091 : i32 to vector<16xi32>
      %and3A_1093 = arith.andi %add3A_1090, %and3A_1092 : vector<16xi32>
      %lt3A = arith.constant 0 : i32
      %lt3A_1094 = vector.broadcast %lt3A : i32 to vector<16xi32>
      %lt3A_1095 = arith.cmpi slt, %and3A_1093, %lt3A_1094 : vector<16xi32>
      %add3A_1096 = arith.constant 16 : i32
      %add3A_1097 = vector.broadcast %add3A_1096 : i32 to vector<16xi32>
      %add3A_1098 = arith.addi %and3A_1093, %add3A_1097 : vector<16xi32>
      %select_n3A_1099 = arith.select %lt3A_1095, %add3A_1098, %and3A_1093 : vector<16xi1>, vector<16xi32>
      %broadcast_in_dim3A_1100 = vector.shape_cast %select_n3A_1099 : vector<16xi32> to vector<16x1xi32>
      %gather3A = vector.shape_cast %broadcast_in_dim3A_1100 : vector<16x1xi32> to vector<16xi32>
      %gather3A_1101 = tpu.dynamic_gather %add3A_1087[%gather3A] in [0] : vector<16xf32>, vector<16xi32> -> vector<16xf32>
      %add3A_1102 = arith.addf %add3A_1087, %gather3A_1101 : vector<16xf32>
      %add3A_1103 = arith.constant 4 : i32
      %add3A_1104 = vector.broadcast %add3A_1103 : i32 to vector<16xi32>
      %add3A_1105 = arith.addi %iota3A, %add3A_1104 : vector<16xi32>
      %and3A_1106 = arith.constant 15 : i32
      %and3A_1107 = vector.broadcast %and3A_1106 : i32 to vector<16xi32>
      %and3A_1108 = arith.andi %add3A_1105, %and3A_1107 : vector<16xi32>
      %lt3A_1109 = arith.constant 0 : i32
      %lt3A_1110 = vector.broadcast %lt3A_1109 : i32 to vector<16xi32>
      %lt3A_1111 = arith.cmpi slt, %and3A_1108, %lt3A_1110 : vector<16xi32>
      %add3A_1112 = arith.constant 16 : i32
      %add3A_1113 = vector.broadcast %add3A_1112 : i32 to vector<16xi32>
      %add3A_1114 = arith.addi %and3A_1108, %add3A_1113 : vector<16xi32>
      %select_n3A_1115 = arith.select %lt3A_1111, %add3A_1114, %and3A_1108 : vector<16xi1>, vector<16xi32>
      %broadcast_in_dim3A_1116 = vector.shape_cast %select_n3A_1115 : vector<16xi32> to vector<16x1xi32>
      %gather3A_1117 = vector.shape_cast %broadcast_in_dim3A_1116 : vector<16x1xi32> to vector<16xi32>
      %gather3A_1118 = tpu.dynamic_gather %add3A_1102[%gather3A_1117] in [0] : vector<16xf32>, vector<16xi32> -> vector<16xf32>
      %add3A_1119 = arith.addf %add3A_1102, %gather3A_1118 : vector<16xf32>
      %add3A_1120 = arith.constant 2 : i32
      %add3A_1121 = vector.broadcast %add3A_1120 : i32 to vector<16xi32>
      %add3A_1122 = arith.addi %iota3A, %add3A_1121 : vector<16xi32>
      %and3A_1123 = arith.constant 15 : i32
      %and3A_1124 = vector.broadcast %and3A_1123 : i32 to vector<16xi32>
      %and3A_1125 = arith.andi %add3A_1122, %and3A_1124 : vector<16xi32>
      %lt3A_1126 = arith.constant 0 : i32
      %lt3A_1127 = vector.broadcast %lt3A_1126 : i32 to vector<16xi32>
      %lt3A_1128 = arith.cmpi slt, %and3A_1125, %lt3A_1127 : vector<16xi32>
      %add3A_1129 = arith.constant 16 : i32
      %add3A_1130 = vector.broadcast %add3A_1129 : i32 to vector<16xi32>
      %add3A_1131 = arith.addi %and3A_1125, %add3A_1130 : vector<16xi32>
      %select_n3A_1132 = arith.select %lt3A_1128, %add3A_1131, %and3A_1125 : vector<16xi1>, vector<16xi32>
      %broadcast_in_dim3A_1133 = vector.shape_cast %select_n3A_1132 : vector<16xi32> to vector<16x1xi32>
      %gather3A_1134 = vector.shape_cast %broadcast_in_dim3A_1133 : vector<16x1xi32> to vector<16xi32>
      %gather3A_1135 = tpu.dynamic_gather %add3A_1119[%gather3A_1134] in [0] : vector<16xf32>, vector<16xi32> -> vector<16xf32>
      %add3A_1136 = arith.addf %add3A_1119, %gather3A_1135 : vector<16xf32>
      %add3A_1137 = arith.constant 1 : i32
      %add3A_1138 = vector.broadcast %add3A_1137 : i32 to vector<16xi32>
      %add3A_1139 = arith.addi %iota3A, %add3A_1138 : vector<16xi32>
      %and3A_1140 = arith.constant 15 : i32
      %and3A_1141 = vector.broadcast %and3A_1140 : i32 to vector<16xi32>
      %and3A_1142 = arith.andi %add3A_1139, %and3A_1141 : vector<16xi32>
      %lt3A_1143 = arith.constant 0 : i32
      %lt3A_1144 = vector.broadcast %lt3A_1143 : i32 to vector<16xi32>
      %lt3A_1145 = arith.cmpi slt, %and3A_1142, %lt3A_1144 : vector<16xi32>
      %add3A_1146 = arith.constant 16 : i32
      %add3A_1147 = vector.broadcast %add3A_1146 : i32 to vector<16xi32>
      %add3A_1148 = arith.addi %and3A_1142, %add3A_1147 : vector<16xi32>
      %select_n3A_1149 = arith.select %lt3A_1145, %add3A_1148, %and3A_1142 : vector<16xi1>, vector<16xi32>
      %broadcast_in_dim3A_1150 = vector.shape_cast %select_n3A_1149 : vector<16xi32> to vector<16x1xi32>
      %gather3A_1151 = vector.shape_cast %broadcast_in_dim3A_1150 : vector<16x1xi32> to vector<16xi32>
      %gather3A_1152 = tpu.dynamic_gather %add3A_1136[%gather3A_1151] in [0] : vector<16xf32>, vector<16xi32> -> vector<16xf32>
      %add3A_1153 = arith.addf %add3A_1136, %gather3A_1152 : vector<16xf32>
      %sub3A_1154 = arith.constant 5.000000e+01 : f32
      %sub3A_1155 = vector.broadcast %sub3A_1154 : f32 to vector<16xf32>
      %sub3A_1156 = arith.subf %sub3A_1155, %add3A_1153 : vector<16xf32>
      %max3A = arith.constant 9.99999971E-10 : f32
      %max3A_1157 = vector.broadcast %max3A : f32 to vector<16xf32>
      %max3A_1158 = arith.maximumf %sub3A_1156, %max3A_1157 : vector<16xf32>
      %mul3A_1159 = arith.mulf %add3A_1153, %get3A_4 : vector<16xf32>
      %sub3A_1160 = arith.subf %add3A_1038, %mul3A_1159 : vector<16xf32>
      %div3A_1161 = arith.divf %sub3A_1160, %max3A_1158 : vector<16xf32>
      %add3A_1162 = arith.constant 384 : i32
      %add3A_1163 = arith.addi %add3A_1162, %scan3A_687 : i32
      %swap3A_1164 = arith.index_cast %add3A_1163 : i32 to index
      %swap3A_1165 = arith.constant 0 : index
      %swap3A_1166 = tpu.vector_load %arg18[%swap3A_1164, %swap3A_1165] {strides = array<i32>} : memref<512x16xf32, #tpu.memory_space<vmem>>, vector<1x16xf32>,
      %swap3A_1167 = vector.shape_cast %swap3A_1166 : vector<1x16xf32> to vector<16xf32>
      %swap3A_1168 = vector.shape_cast %div3A_1161 : vector<16xf32> to vector<1x16xf32>
      tpu.vector_store %arg18[%swap3A_1164, %swap3A_1165], %swap3A_1168 {strides = array<i32>} : memref<512x16xf32, #tpu.memory_space<vmem>>, vector<1x16xf32>,
    }
    %scan3A_673 = arith.constant 64 : i32
    %dma_wait3A_674 = arith.constant 0 : i32
    %dma_wait3A_675 = tpu.memref_slice %arg5[%add3A_651, %dma_wait3A_674] : memref<16384x50xi32, #tpu.memory_space<hbm>> -> memref<64x50xi32, #tpu.memory_space<hbm>>
    %dma_wait3A_676 = arith.constant 0 : i32
    %dma_wait3A_677 = tpu.memref_slice %arg5[%add3A_651, %dma_wait3A_676] : memref<16384x50xi32, #tpu.memory_space<hbm>> -> memref<64x50xi32, #tpu.memory_space<hbm>>
    tpu.wait_dma2 semaphore(%arg21 : memref<!tpu.dma_semaphore, #tpu.memory_space<semaphore_mem>>) src(%dma_wait3A_677 : memref<64x50xi32, #tpu.memory_space<hbm>>) dst(%arg14 : memref<64x50xi32, #tpu.memory_space<vmem>>)
    %dma_wait3A_678 = arith.constant 0 : i32
    %dma_wait3A_679 = arith.constant 0 : i32
    %dma_wait3A_680 = tpu.memref_slice %arg7[%dma_wait3A_678, %dma_wait3A_679] : memref<1000001x16xf32, #tpu.memory_space<hbm>> -> memref<1000001x16xf32, #tpu.memory_space<hbm>>
    tpu.wait_indirect_dma semaphore(%arg21 : memref<!tpu.dma_semaphore, #tpu.memory_space<semaphore_mem>>) src(%dma_wait3A_680 : memref<1000001x16xf32, #tpu.memory_space<hbm>>) dst(%arg16 : memref<3200x16xf32, #tpu.memory_space<vmem>>)
    %scan3A_681 = arith.constant 0 : i32
    %scan3A_682 = arith.constant 0 : i32
    %scan3A_683 = arith.constant 64 : i32
    %scan3A_684 = arith.addi %scan3A_682, %scan3A_683 : i32
    %scan3A_685 = arith.constant 1 : i32
    scf.for %scan3A_687 = %scan3A_682 to %scan3A_684 step %scan3A_685  : i32 {
      %mul3A_688 = arith.constant 50 : i32
      %mul3A_689 = arith.muli %scan3A_687, %mul3A_688 : i32
      %add3A_690 = arith.constant 0 : i32
      %add3A_691 = arith.addi %mul3A_689, %add3A_690 : i32
      %get3A_692 = arith.index_cast %add3A_691 : i32 to index
      %get3A_693 = arith.constant 0 : index
      %get3A_694 = tpu.vector_load %arg16[%get3A_692, %get3A_693] {strides = array<i32>} : memref<3200x16xf32, #tpu.memory_space<vmem>>, vector<1x16xf32>,
      %get3A_695 = vector.shape_cast %get3A_694 : vector<1x16xf32> to vector<16xf32>
      %add3A_696 = arith.constant 1 : i32
      %add3A_697 = arith.addi %mul3A_689, %add3A_696 : i32
      %get3A_698 = arith.index_cast %add3A_697 : i32 to index
      %get3A_699 = arith.constant 0 : index
      %get3A_700 = tpu.vector_load %arg16[%get3A_698, %get3A_699] {strides = array<i32>} : memref<3200x16xf32, #tpu.memory_space<vmem>>, vector<1x16xf32>,
      %get3A_701 = vector.shape_cast %get3A_700 : vector<1x16xf32> to vector<16xf32>
      %add3A_702 = arith.constant 2 : i32
      %add3A_703 = arith.addi %mul3A_689, %add3A_702 : i32
      %get3A_704 = arith.index_cast %add3A_703 : i32 to index
      %get3A_705 = arith.constant 0 : index
      %get3A_706 = tpu.vector_load %arg16[%get3A_704, %get3A_705] {strides = array<i32>} : memref<3200x16xf32, #tpu.memory_space<vmem>>, vector<1x16xf32>,
      %get3A_707 = vector.shape_cast %get3A_706 : vector<1x16xf32> to vector<16xf32>
      %add3A_708 = arith.constant 3 : i32
      %add3A_709 = arith.addi %mul3A_689, %add3A_708 : i32
      %get3A_710 = arith.index_cast %add3A_709 : i32 to index
      %get3A_711 = arith.constant 0 : index
      %get3A_712 = tpu.vector_load %arg16[%get3A_710, %get3A_711] {strides = array<i32>} : memref<3200x16xf32, #tpu.memory_space<vmem>>, vector<1x16xf32>,
      %get3A_713 = vector.shape_cast %get3A_712 : vector<1x16xf32> to vector<16xf32>
      %add3A_714 = arith.constant 4 : i32
      %add3A_715 = arith.addi %mul3A_689, %add3A_714 : i32
      %get3A_716 = arith.index_cast %add3A_715 : i32 to index
      %get3A_717 = arith.constant 0 : index
      %get3A_718 = tpu.vector_load %arg16[%get3A_716, %get3A_717] {strides = array<i32>} : memref<3200x16xf32, #tpu.memory_space<vmem>>, vector<1x16xf32>,
      %get3A_719 = vector.shape_cast %get3A_718 : vector<1x16xf32> to vector<16xf32>
      %add3A_720 = arith.addf %get3A_695, %get3A_719 : vector<16xf32>
      %add3A_721 = arith.constant 5 : i32
      %add3A_722 = arith.addi %mul3A_689, %add3A_721 : i32
      %get3A_723 = arith.index_cast %add3A_722 : i32 to index
      %get3A_724 = arith.constant 0 : index
      %get3A_725 = tpu.vector_load %arg16[%get3A_723, %get3A_724] {strides = array<i32>} : memref<3200x16xf32, #tpu.memory_space<vmem>>, vector<1x16xf32>,
      %get3A_726 = vector.shape_cast %get3A_725 : vector<1x16xf32> to vector<16xf32>
      %add3A_727 = arith.addf %get3A_701, %get3A_726 : vector<16xf32>
      %add3A_728 = arith.constant 6 : i32
      %add3A_729 = arith.addi %mul3A_689, %add3A_728 : i32
      %get3A_730 = arith.index_cast %add3A_729 : i32 to index
      %get3A_731 = arith.constant 0 : index
      %get3A_732 = tpu.vector_load %arg16[%get3A_730, %get3A_731] {strides = array<i32>} : memref<3200x16xf32, #tpu.memory_space<vmem>>, vector<1x16xf32>,
      %get3A_733 = vector.shape_cast %get3A_732 : vector<1x16xf32> to vector<16xf32>
      %add3A_734 = arith.addf %get3A_707, %get3A_733 : vector<16xf32>
      %add3A_735 = arith.constant 7 : i32
      %add3A_736 = arith.addi %mul3A_689, %add3A_735 : i32
      %get3A_737 = arith.index_cast %add3A_736 : i32 to index
      %get3A_738 = arith.constant 0 : index
      %get3A_739 = tpu.vector_load %arg16[%get3A_737, %get3A_738] {strides = array<i32>} : memref<3200x16xf32, #tpu.memory_space<vmem>>, vector<1x16xf32>,
      %get3A_740 = vector.shape_cast %get3A_739 : vector<1x16xf32> to vector<16xf32>
      %add3A_741 = arith.addf %get3A_713, %get3A_740 : vector<16xf32>
      %add3A_742 = arith.constant 8 : i32
      %add3A_743 = arith.addi %mul3A_689, %add3A_742 : i32
      %get3A_744 = arith.index_cast %add3A_743 : i32 to index
      %get3A_745 = arith.constant 0 : index
      %get3A_746 = tpu.vector_load %arg16[%get3A_744, %get3A_745] {strides = array<i32>} : memref<3200x16xf32, #tpu.memory_space<vmem>>, vector<1x16xf32>,
      %get3A_747 = vector.shape_cast %get3A_746 : vector<1x16xf32> to vector<16xf32>
      %add3A_748 = arith.addf %add3A_720, %get3A_747 : vector<16xf32>
      %add3A_749 = arith.constant 9 : i32
      %add3A_750 = arith.addi %mul3A_689, %add3A_749 : i32
      %get3A_751 = arith.index_cast %add3A_750 : i32 to index
      %get3A_752 = arith.constant 0 : index
      %get3A_753 = tpu.vector_load %arg16[%get3A_751, %get3A_752] {strides = array<i32>} : memref<3200x16xf32, #tpu.memory_space<vmem>>, vector<1x16xf32>,
      %get3A_754 = vector.shape_cast %get3A_753 : vector<1x16xf32> to vector<16xf32>
      %add3A_755 = arith.addf %add3A_727, %get3A_754 : vector<16xf32>
      %add3A_756 = arith.constant 10 : i32
      %add3A_757 = arith.addi %mul3A_689, %add3A_756 : i32
      %get3A_758 = arith.index_cast %add3A_757 : i32 to index
      %get3A_759 = arith.constant 0 : index
      %get3A_760 = tpu.vector_load %arg16[%get3A_758, %get3A_759] {strides = array<i32>} : memref<3200x16xf32, #tpu.memory_space<vmem>>, vector<1x16xf32>,
      %get3A_761 = vector.shape_cast %get3A_760 : vector<1x16xf32> to vector<16xf32>
      %add3A_762 = arith.addf %add3A_734, %get3A_761 : vector<16xf32>
      %add3A_763 = arith.constant 11 : i32
      %add3A_764 = arith.addi %mul3A_689, %add3A_763 : i32
      %get3A_765 = arith.index_cast %add3A_764 : i32 to index
      %get3A_766 = arith.constant 0 : index
      %get3A_767 = tpu.vector_load %arg16[%get3A_765, %get3A_766] {strides = array<i32>} : memref<3200x16xf32, #tpu.memory_space<vmem>>, vector<1x16xf32>,
      %get3A_768 = vector.shape_cast %get3A_767 : vector<1x16xf32> to vector<16xf32>
      %add3A_769 = arith.addf %add3A_741, %get3A_768 : vector<16xf32>
      %add3A_770 = arith.constant 12 : i32
      %add3A_771 = arith.addi %mul3A_689, %add3A_770 : i32
      %get3A_772 = arith.index_cast %add3A_771 : i32 to index
      %get3A_773 = arith.constant 0 : index
      %get3A_774 = tpu.vector_load %arg16[%get3A_772, %get3A_773] {strides = array<i32>} : memref<3200x16xf32, #tpu.memory_space<vmem>>, vector<1x16xf32>,
      %get3A_775 = vector.shape_cast %get3A_774 : vector<1x16xf32> to vector<16xf32>
      %add3A_776 = arith.addf %add3A_748, %get3A_775 : vector<16xf32>
      %add3A_777 = arith.constant 13 : i32
      %add3A_778 = arith.addi %mul3A_689, %add3A_777 : i32
      %get3A_779 = arith.index_cast %add3A_778 : i32 to index
      %get3A_780 = arith.constant 0 : index
      %get3A_781 = tpu.vector_load %arg16[%get3A_779, %get3A_780] {strides = array<i32>} : memref<3200x16xf32, #tpu.memory_space<vmem>>, vector<1x16xf32>,
      %get3A_782 = vector.shape_cast %get3A_781 : vector<1x16xf32> to vector<16xf32>
      %add3A_783 = arith.addf %add3A_755, %get3A_782 : vector<16xf32>
      %add3A_784 = arith.constant 14 : i32
      %add3A_785 = arith.addi %mul3A_689, %add3A_784 : i32
      %get3A_786 = arith.index_cast %add3A_785 : i32 to index
      %get3A_787 = arith.constant 0 : index
      %get3A_788 = tpu.vector_load %arg16[%get3A_786, %get3A_787] {strides = array<i32>} : memref<3200x16xf32, #tpu.memory_space<vmem>>, vector<1x16xf32>,
      %get3A_789 = vector.shape_cast %get3A_788 : vector<1x16xf32> to vector<16xf32>
      %add3A_790 = arith.addf %add3A_762, %get3A_789 : vector<16xf32>
      %add3A_791 = arith.constant 15 : i32
      %add3A_792 = arith.addi %mul3A_689, %add3A_791 : i32
      %get3A_793 = arith.index_cast %add3A_792 : i32 to index
      %get3A_794 = arith.constant 0 : index
      %get3A_795 = tpu.vector_load %arg16[%get3A_793, %get3A_794] {strides = array<i32>} : memref<3200x16xf32, #tpu.memory_space<vmem>>, vector<1x16xf32>,
      %get3A_796 = vector.shape_cast %get3A_795 : vector<1x16xf32> to vector<16xf32>
      %add3A_797 = arith.addf %add3A_769, %get3A_796 : vector<16xf32>
      %add3A_798 = arith.constant 16 : i32
      %add3A_799 = arith.addi %mul3A_689, %add3A_798 : i32
      %get3A_800 = arith.index_cast %add3A_799 : i32 to index
      %get3A_801 = arith.constant 0 : index
      %get3A_802 = tpu.vector_load %arg16[%get3A_800, %get3A_801] {strides = array<i32>} : memref<3200x16xf32, #tpu.memory_space<vmem>>, vector<1x16xf32>,
      %get3A_803 = vector.shape_cast %get3A_802 : vector<1x16xf32> to vector<16xf32>
      %add3A_804 = arith.addf %add3A_776, %get3A_803 : vector<16xf32>
      %add3A_805 = arith.constant 17 : i32
      %add3A_806 = arith.addi %mul3A_689, %add3A_805 : i32
      %get3A_807 = arith.index_cast %add3A_806 : i32 to index
      %get3A_808 = arith.constant 0 : index
      %get3A_809 = tpu.vector_load %arg16[%get3A_807, %get3A_808] {strides = array<i32>} : memref<3200x16xf32, #tpu.memory_space<vmem>>, vector<1x16xf32>,
      %get3A_810 = vector.shape_cast %get3A_809 : vector<1x16xf32> to vector<16xf32>
      %add3A_811 = arith.addf %add3A_783, %get3A_810 : vector<16xf32>
      %add3A_812 = arith.constant 18 : i32
      %add3A_813 = arith.addi %mul3A_689, %add3A_812 : i32
      %get3A_814 = arith.index_cast %add3A_813 : i32 to index
      %get3A_815 = arith.constant 0 : index
      %get3A_816 = tpu.vector_load %arg16[%get3A_814, %get3A_815] {strides = array<i32>} : memref<3200x16xf32, #tpu.memory_space<vmem>>, vector<1x16xf32>,
      %get3A_817 = vector.shape_cast %get3A_816 : vector<1x16xf32> to vector<16xf32>
      %add3A_818 = arith.addf %add3A_790, %get3A_817 : vector<16xf32>
      %add3A_819 = arith.constant 19 : i32
      %add3A_820 = arith.addi %mul3A_689, %add3A_819 : i32
      %get3A_821 = arith.index_cast %add3A_820 : i32 to index
      %get3A_822 = arith.constant 0 : index
      %get3A_823 = tpu.vector_load %arg16[%get3A_821, %get3A_822] {strides = array<i32>} : memref<3200x16xf32, #tpu.memory_space<vmem>>, vector<1x16xf32>,
      %get3A_824 = vector.shape_cast %get3A_823 : vector<1x16xf32> to vector<16xf32>
      %add3A_825 = arith.addf %add3A_797, %get3A_824 : vector<16xf32>
      %add3A_826 = arith.constant 20 : i32
      %add3A_827 = arith.addi %mul3A_689, %add3A_826 : i32
      %get3A_828 = arith.index_cast %add3A_827 : i32 to index
      %get3A_829 = arith.constant 0 : index
      %get3A_830 = tpu.vector_load %arg16[%get3A_828, %get3A_829] {strides = array<i32>} : memref<3200x16xf32, #tpu.memory_space<vmem>>, vector<1x16xf32>,
      %get3A_831 = vector.shape_cast %get3A_830 : vector<1x16xf32> to vector<16xf32>
      %add3A_832 = arith.addf %add3A_804, %get3A_831 : vector<16xf32>
      %add3A_833 = arith.constant 21 : i32
      %add3A_834 = arith.addi %mul3A_689, %add3A_833 : i32
      %get3A_835 = arith.index_cast %add3A_834 : i32 to index
      %get3A_836 = arith.constant 0 : index
      %get3A_837 = tpu.vector_load %arg16[%get3A_835, %get3A_836] {strides = array<i32>} : memref<3200x16xf32, #tpu.memory_space<vmem>>, vector<1x16xf32>,
      %get3A_838 = vector.shape_cast %get3A_837 : vector<1x16xf32> to vector<16xf32>
      %add3A_839 = arith.addf %add3A_811, %get3A_838 : vector<16xf32>
      %add3A_840 = arith.constant 22 : i32
      %add3A_841 = arith.addi %mul3A_689, %add3A_840 : i32
      %get3A_842 = arith.index_cast %add3A_841 : i32 to index
      %get3A_843 = arith.constant 0 : index
      %get3A_844 = tpu.vector_load %arg16[%get3A_842, %get3A_843] {strides = array<i32>} : memref<3200x16xf32, #tpu.memory_space<vmem>>, vector<1x16xf32>,
      %get3A_845 = vector.shape_cast %get3A_844 : vector<1x16xf32> to vector<16xf32>
      %add3A_846 = arith.addf %add3A_818, %get3A_845 : vector<16xf32>
      %add3A_847 = arith.constant 23 : i32
      %add3A_848 = arith.addi %mul3A_689, %add3A_847 : i32
      %get3A_849 = arith.index_cast %add3A_848 : i32 to index
      %get3A_850 = arith.constant 0 : index
      %get3A_851 = tpu.vector_load %arg16[%get3A_849, %get3A_850] {strides = array<i32>} : memref<3200x16xf32, #tpu.memory_space<vmem>>, vector<1x16xf32>,
      %get3A_852 = vector.shape_cast %get3A_851 : vector<1x16xf32> to vector<16xf32>
      %add3A_853 = arith.addf %add3A_825, %get3A_852 : vector<16xf32>
      %add3A_854 = arith.constant 24 : i32
      %add3A_855 = arith.addi %mul3A_689, %add3A_854 : i32
      %get3A_856 = arith.index_cast %add3A_855 : i32 to index
      %get3A_857 = arith.constant 0 : index
      %get3A_858 = tpu.vector_load %arg16[%get3A_856, %get3A_857] {strides = array<i32>} : memref<3200x16xf32, #tpu.memory_space<vmem>>, vector<1x16xf32>,
      %get3A_859 = vector.shape_cast %get3A_858 : vector<1x16xf32> to vector<16xf32>
      %add3A_860 = arith.addf %add3A_832, %get3A_859 : vector<16xf32>
      %add3A_861 = arith.constant 25 : i32
      %add3A_862 = arith.addi %mul3A_689, %add3A_861 : i32
      %get3A_863 = arith.index_cast %add3A_862 : i32 to index
      %get3A_864 = arith.constant 0 : index
      %get3A_865 = tpu.vector_load %arg16[%get3A_863, %get3A_864] {strides = array<i32>} : memref<3200x16xf32, #tpu.memory_space<vmem>>, vector<1x16xf32>,
      %get3A_866 = vector.shape_cast %get3A_865 : vector<1x16xf32> to vector<16xf32>
      %add3A_867 = arith.addf %add3A_839, %get3A_866 : vector<16xf32>
      %add3A_868 = arith.constant 26 : i32
      %add3A_869 = arith.addi %mul3A_689, %add3A_868 : i32
      %get3A_870 = arith.index_cast %add3A_869 : i32 to index
      %get3A_871 = arith.constant 0 : index
      %get3A_872 = tpu.vector_load %arg16[%get3A_870, %get3A_871] {strides = array<i32>} : memref<3200x16xf32, #tpu.memory_space<vmem>>, vector<1x16xf32>,
      %get3A_873 = vector.shape_cast %get3A_872 : vector<1x16xf32> to vector<16xf32>
      %add3A_874 = arith.addf %add3A_846, %get3A_873 : vector<16xf32>
      %add3A_875 = arith.constant 27 : i32
      %add3A_876 = arith.addi %mul3A_689, %add3A_875 : i32
      %get3A_877 = arith.index_cast %add3A_876 : i32 to index
      %get3A_878 = arith.constant 0 : index
      %get3A_879 = tpu.vector_load %arg16[%get3A_877, %get3A_878] {strides = array<i32>} : memref<3200x16xf32, #tpu.memory_space<vmem>>, vector<1x16xf32>,
      %get3A_880 = vector.shape_cast %get3A_879 : vector<1x16xf32> to vector<16xf32>
      %add3A_881 = arith.addf %add3A_853, %get3A_880 : vector<16xf32>
      %add3A_882 = arith.constant 28 : i32
      %add3A_883 = arith.addi %mul3A_689, %add3A_882 : i32
      %get3A_884 = arith.index_cast %add3A_883 : i32 to index
      %get3A_885 = arith.constant 0 : index
      %get3A_886 = tpu.vector_load %arg16[%get3A_884, %get3A_885] {strides = array<i32>} : memref<3200x16xf32, #tpu.memory_space<vmem>>, vector<1x16xf32>,
      %get3A_887 = vector.shape_cast %get3A_886 : vector<1x16xf32> to vector<16xf32>
      %add3A_888 = arith.addf %add3A_860, %get3A_887 : vector<16xf32>
      %add3A_889 = arith.constant 29 : i32
      %add3A_890 = arith.addi %mul3A_689, %add3A_889 : i32
      %get3A_891 = arith.index_cast %add3A_890 : i32 to index
      %get3A_892 = arith.constant 0 : index
      %get3A_893 = tpu.vector_load %arg16[%get3A_891, %get3A_892] {strides = array<i32>} : memref<3200x16xf32, #tpu.memory_space<vmem>>, vector<1x16xf32>,
      %get3A_894 = vector.shape_cast %get3A_893 : vector<1x16xf32> to vector<16xf32>
      %add3A_895 = arith.addf %add3A_867, %get3A_894 : vector<16xf32>
      %add3A_896 = arith.constant 30 : i32
      %add3A_897 = arith.addi %mul3A_689, %add3A_896 : i32
      %get3A_898 = arith.index_cast %add3A_897 : i32 to index
      %get3A_899 = arith.constant 0 : index
      %get3A_900 = tpu.vector_load %arg16[%get3A_898, %get3A_899] {strides = array<i32>} : memref<3200x16xf32, #tpu.memory_space<vmem>>, vector<1x16xf32>,
      %get3A_901 = vector.shape_cast %get3A_900 : vector<1x16xf32> to vector<16xf32>
      %add3A_902 = arith.addf %add3A_874, %get3A_901 : vector<16xf32>
      %add3A_903 = arith.constant 31 : i32
      %add3A_904 = arith.addi %mul3A_689, %add3A_903 : i32
      %get3A_905 = arith.index_cast %add3A_904 : i32 to index
      %get3A_906 = arith.constant 0 : index
      %get3A_907 = tpu.vector_load %arg16[%get3A_905, %get3A_906] {strides = array<i32>} : memref<3200x16xf32, #tpu.memory_space<vmem>>, vector<1x16xf32>,
      %get3A_908 = vector.shape_cast %get3A_907 : vector<1x16xf32> to vector<16xf32>
      %add3A_909 = arith.addf %add3A_881, %get3A_908 : vector<16xf32>
      %add3A_910 = arith.constant 32 : i32
      %add3A_911 = arith.addi %mul3A_689, %add3A_910 : i32
      %get3A_912 = arith.index_cast %add3A_911 : i32 to index
      %get3A_913 = arith.constant 0 : index
      %get3A_914 = tpu.vector_load %arg16[%get3A_912, %get3A_913] {strides = array<i32>} : memref<3200x16xf32, #tpu.memory_space<vmem>>, vector<1x16xf32>,
      %get3A_915 = vector.shape_cast %get3A_914 : vector<1x16xf32> to vector<16xf32>
      %add3A_916 = arith.addf %add3A_888, %get3A_915 : vector<16xf32>
      %add3A_917 = arith.constant 33 : i32
      %add3A_918 = arith.addi %mul3A_689, %add3A_917 : i32
      %get3A_919 = arith.index_cast %add3A_918 : i32 to index
      %get3A_920 = arith.constant 0 : index
      %get3A_921 = tpu.vector_load %arg16[%get3A_919, %get3A_920] {strides = array<i32>} : memref<3200x16xf32, #tpu.memory_space<vmem>>, vector<1x16xf32>,
      %get3A_922 = vector.shape_cast %get3A_921 : vector<1x16xf32> to vector<16xf32>
      %add3A_923 = arith.addf %add3A_895, %get3A_922 : vector<16xf32>
      %add3A_924 = arith.constant 34 : i32
      %add3A_925 = arith.addi %mul3A_689, %add3A_924 : i32
      %get3A_926 = arith.index_cast %add3A_925 : i32 to index
      %get3A_927 = arith.constant 0 : index
      %get3A_928 = tpu.vector_load %arg16[%get3A_926, %get3A_927] {strides = array<i32>} : memref<3200x16xf32, #tpu.memory_space<vmem>>, vector<1x16xf32>,
      %get3A_929 = vector.shape_cast %get3A_928 : vector<1x16xf32> to vector<16xf32>
      %add3A_930 = arith.addf %add3A_902, %get3A_929 : vector<16xf32>
      %add3A_931 = arith.constant 35 : i32
      %add3A_932 = arith.addi %mul3A_689, %add3A_931 : i32
      %get3A_933 = arith.index_cast %add3A_932 : i32 to index
      %get3A_934 = arith.constant 0 : index
      %get3A_935 = tpu.vector_load %arg16[%get3A_933, %get3A_934] {strides = array<i32>} : memref<3200x16xf32, #tpu.memory_space<vmem>>, vector<1x16xf32>,
      %get3A_936 = vector.shape_cast %get3A_935 : vector<1x16xf32> to vector<16xf32>
      %add3A_937 = arith.addf %add3A_909, %get3A_936 : vector<16xf32>
      %add3A_938 = arith.constant 36 : i32
      %add3A_939 = arith.addi %mul3A_689, %add3A_938 : i32
      %get3A_940 = arith.index_cast %add3A_939 : i32 to index
      %get3A_941 = arith.constant 0 : index
      %get3A_942 = tpu.vector_load %arg16[%get3A_940, %get3A_941] {strides = array<i32>} : memref<3200x16xf32, #tpu.memory_space<vmem>>, vector<1x16xf32>,
      %get3A_943 = vector.shape_cast %get3A_942 : vector<1x16xf32> to vector<16xf32>
      %add3A_944 = arith.addf %add3A_916, %get3A_943 : vector<16xf32>
      %add3A_945 = arith.constant 37 : i32
      %add3A_946 = arith.addi %mul3A_689, %add3A_945 : i32
      %get3A_947 = arith.index_cast %add3A_946 : i32 to index
      %get3A_948 = arith.constant 0 : index
      %get3A_949 = tpu.vector_load %arg16[%get3A_947, %get3A_948] {strides = array<i32>} : memref<3200x16xf32, #tpu.memory_space<vmem>>, vector<1x16xf32>,
      %get3A_950 = vector.shape_cast %get3A_949 : vector<1x16xf32> to vector<16xf32>
      %add3A_951 = arith.addf %add3A_923, %get3A_950 : vector<16xf32>
      %add3A_952 = arith.constant 38 : i32
      %add3A_953 = arith.addi %mul3A_689, %add3A_952 : i32
      %get3A_954 = arith.index_cast %add3A_953 : i32 to index
      %get3A_955 = arith.constant 0 : index
      %get3A_956 = tpu.vector_load %arg16[%get3A_954, %get3A_955] {strides = array<i32>} : memref<3200x16xf32, #tpu.memory_space<vmem>>, vector<1x16xf32>,
      %get3A_957 = vector.shape_cast %get3A_956 : vector<1x16xf32> to vector<16xf32>
      %add3A_958 = arith.addf %add3A_930, %get3A_957 : vector<16xf32>
      %add3A_959 = arith.constant 39 : i32
      %add3A_960 = arith.addi %mul3A_689, %add3A_959 : i32
      %get3A_961 = arith.index_cast %add3A_960 : i32 to index
      %get3A_962 = arith.constant 0 : index
      %get3A_963 = tpu.vector_load %arg16[%get3A_961, %get3A_962] {strides = array<i32>} : memref<3200x16xf32, #tpu.memory_space<vmem>>, vector<1x16xf32>,
      %get3A_964 = vector.shape_cast %get3A_963 : vector<1x16xf32> to vector<16xf32>
      %add3A_965 = arith.addf %add3A_937, %get3A_964 : vector<16xf32>
      %add3A_966 = arith.constant 40 : i32
      %add3A_967 = arith.addi %mul3A_689, %add3A_966 : i32
      %get3A_968 = arith.index_cast %add3A_967 : i32 to index
      %get3A_969 = arith.constant 0 : index
      %get3A_970 = tpu.vector_load %arg16[%get3A_968, %get3A_969] {strides = array<i32>} : memref<3200x16xf32, #tpu.memory_space<vmem>>, vector<1x16xf32>,
      %get3A_971 = vector.shape_cast %get3A_970 : vector<1x16xf32> to vector<16xf32>
      %add3A_972 = arith.addf %add3A_944, %get3A_971 : vector<16xf32>
      %add3A_973 = arith.constant 41 : i32
      %add3A_974 = arith.addi %mul3A_689, %add3A_973 : i32
      %get3A_975 = arith.index_cast %add3A_974 : i32 to index
      %get3A_976 = arith.constant 0 : index
      %get3A_977 = tpu.vector_load %arg16[%get3A_975, %get3A_976] {strides = array<i32>} : memref<3200x16xf32, #tpu.memory_space<vmem>>, vector<1x16xf32>,
      %get3A_978 = vector.shape_cast %get3A_977 : vector<1x16xf32> to vector<16xf32>
      %add3A_979 = arith.addf %add3A_951, %get3A_978 : vector<16xf32>
      %add3A_980 = arith.constant 42 : i32
      %add3A_981 = arith.addi %mul3A_689, %add3A_980 : i32
      %get3A_982 = arith.index_cast %add3A_981 : i32 to index
      %get3A_983 = arith.constant 0 : index
      %get3A_984 = tpu.vector_load %arg16[%get3A_982, %get3A_983] {strides = array<i32>} : memref<3200x16xf32, #tpu.memory_space<vmem>>, vector<1x16xf32>,
      %get3A_985 = vector.shape_cast %get3A_984 : vector<1x16xf32> to vector<16xf32>
      %add3A_986 = arith.addf %add3A_958, %get3A_985 : vector<16xf32>
      %add3A_987 = arith.constant 43 : i32
      %add3A_988 = arith.addi %mul3A_689, %add3A_987 : i32
      %get3A_989 = arith.index_cast %add3A_988 : i32 to index
      %get3A_990 = arith.constant 0 : index
      %get3A_991 = tpu.vector_load %arg16[%get3A_989, %get3A_990] {strides = array<i32>} : memref<3200x16xf32, #tpu.memory_space<vmem>>, vector<1x16xf32>,
      %get3A_992 = vector.shape_cast %get3A_991 : vector<1x16xf32> to vector<16xf32>
      %add3A_993 = arith.addf %add3A_965, %get3A_992 : vector<16xf32>
      %add3A_994 = arith.constant 44 : i32
      %add3A_995 = arith.addi %mul3A_689, %add3A_994 : i32
      %get3A_996 = arith.index_cast %add3A_995 : i32 to index
      %get3A_997 = arith.constant 0 : index
      %get3A_998 = tpu.vector_load %arg16[%get3A_996, %get3A_997] {strides = array<i32>} : memref<3200x16xf32, #tpu.memory_space<vmem>>, vector<1x16xf32>,
      %get3A_999 = vector.shape_cast %get3A_998 : vector<1x16xf32> to vector<16xf32>
      %add3A_1000 = arith.addf %add3A_972, %get3A_999 : vector<16xf32>
      %add3A_1001 = arith.constant 45 : i32
      %add3A_1002 = arith.addi %mul3A_689, %add3A_1001 : i32
      %get3A_1003 = arith.index_cast %add3A_1002 : i32 to index
      %get3A_1004 = arith.constant 0 : index
      %get3A_1005 = tpu.vector_load %arg16[%get3A_1003, %get3A_1004] {strides = array<i32>} : memref<3200x16xf32, #tpu.memory_space<vmem>>, vector<1x16xf32>,
      %get3A_1006 = vector.shape_cast %get3A_1005 : vector<1x16xf32> to vector<16xf32>
      %add3A_1007 = arith.addf %add3A_979, %get3A_1006 : vector<16xf32>
      %add3A_1008 = arith.constant 46 : i32
      %add3A_1009 = arith.addi %mul3A_689, %add3A_1008 : i32
      %get3A_1010 = arith.index_cast %add3A_1009 : i32 to index
      %get3A_1011 = arith.constant 0 : index
      %get3A_1012 = tpu.vector_load %arg16[%get3A_1010, %get3A_1011] {strides = array<i32>} : memref<3200x16xf32, #tpu.memory_space<vmem>>, vector<1x16xf32>,
      %get3A_1013 = vector.shape_cast %get3A_1012 : vector<1x16xf32> to vector<16xf32>
      %add3A_1014 = arith.addf %add3A_986, %get3A_1013 : vector<16xf32>
      %add3A_1015 = arith.constant 47 : i32
      %add3A_1016 = arith.addi %mul3A_689, %add3A_1015 : i32
      %get3A_1017 = arith.index_cast %add3A_1016 : i32 to index
      %get3A_1018 = arith.constant 0 : index
      %get3A_1019 = tpu.vector_load %arg16[%get3A_1017, %get3A_1018] {strides = array<i32>} : memref<3200x16xf32, #tpu.memory_space<vmem>>, vector<1x16xf32>,
      %get3A_1020 = vector.shape_cast %get3A_1019 : vector<1x16xf32> to vector<16xf32>
      %add3A_1021 = arith.addf %add3A_993, %get3A_1020 : vector<16xf32>
      %add3A_1022 = arith.constant 48 : i32
      %add3A_1023 = arith.addi %mul3A_689, %add3A_1022 : i32
      %get3A_1024 = arith.index_cast %add3A_1023 : i32 to index
      %get3A_1025 = arith.constant 0 : index
      %get3A_1026 = tpu.vector_load %arg16[%get3A_1024, %get3A_1025] {strides = array<i32>} : memref<3200x16xf32, #tpu.memory_space<vmem>>, vector<1x16xf32>,
      %get3A_1027 = vector.shape_cast %get3A_1026 : vector<1x16xf32> to vector<16xf32>
      %add3A_1028 = arith.addf %add3A_1000, %get3A_1027 : vector<16xf32>
      %add3A_1029 = arith.constant 49 : i32
      %add3A_1030 = arith.addi %mul3A_689, %add3A_1029 : i32
      %get3A_1031 = arith.index_cast %add3A_1030 : i32 to index
      %get3A_1032 = arith.constant 0 : index
      %get3A_1033 = tpu.vector_load %arg16[%get3A_1031, %get3A_1032] {strides = array<i32>} : memref<3200x16xf32, #tpu.memory_space<vmem>>, vector<1x16xf32>,
      %get3A_1034 = vector.shape_cast %get3A_1033 : vector<1x16xf32> to vector<16xf32>
      %add3A_1035 = arith.addf %add3A_1007, %get3A_1034 : vector<16xf32>
      %add3A_1036 = arith.addf %add3A_1028, %add3A_1035 : vector<16xf32>
      %add3A_1037 = arith.addf %add3A_1014, %add3A_1021 : vector<16xf32>
      %add3A_1038 = arith.addf %add3A_1036, %add3A_1037 : vector<16xf32>
      %get3A_1039 = arith.index_cast %scan3A_687 : i32 to index
      %get3A_1040 = arith.constant 0 : index
      %get3A_1041 = tpu.vector_load %arg14[%get3A_1039, %get3A_1040] {strides = array<i32>} : memref<64x50xi32, #tpu.memory_space<vmem>>, vector<1x16xi32>,
      %get3A_1042 = vector.shape_cast %get3A_1041 : vector<1x16xi32> to vector<16xi32>
      %get3A_1043 = arith.index_cast %scan3A_687 : i32 to index
      %get3A_1044 = arith.constant 16 : index
      %get3A_1045 = tpu.vector_load %arg14[%get3A_1043, %get3A_1044] {strides = array<i32>} : memref<64x50xi32, #tpu.memory_space<vmem>>, vector<1x16xi32>,
      %get3A_1046 = vector.shape_cast %get3A_1045 : vector<1x16xi32> to vector<16xi32>
      %get3A_1047 = arith.index_cast %scan3A_687 : i32 to index
      %get3A_1048 = arith.constant 32 : index
      %get3A_1049 = tpu.vector_load %arg14[%get3A_1047, %get3A_1048] {strides = array<i32>} : memref<64x50xi32, #tpu.memory_space<vmem>>, vector<1x16xi32>,
      %get3A_1050 = vector.shape_cast %get3A_1049 : vector<1x16xi32> to vector<16xi32>
      %get3A_1051 = arith.index_cast %scan3A_687 : i32 to index
      %get3A_1052 = arith.constant 34 : index
      %get3A_1053 = tpu.vector_load %arg14[%get3A_1051, %get3A_1052] {strides = array<i32>} : memref<64x50xi32, #tpu.memory_space<vmem>>, vector<1x16xi32>,
      %get3A_1054 = vector.shape_cast %get3A_1053 : vector<1x16xi32> to vector<16xi32>
      %eq3A = arith.constant 0 : i32
      %eq3A_1055 = vector.broadcast %eq3A : i32 to vector<16xi32>
      %eq3A_1056 = arith.cmpi eq, %get3A_1042, %eq3A_1055 : vector<16xi32>
      %jit3A = arith.constant 1.000000e+00 : f32
      %jit3A_1057 = arith.constant 0.000000e+00 : f32
      %broadcast_in_dim3A = vector.broadcast %jit3A : f32 to vector<16xf32>
      %broadcast_in_dim3A_1058 = vector.broadcast %jit3A_1057 : f32 to vector<16xf32>
      %select_n3A = arith.select %eq3A_1056, %broadcast_in_dim3A, %broadcast_in_dim3A_1058 : vector<16xi1>, vector<16xf32>
      %eq3A_1059 = arith.constant 0 : i32
      %eq3A_1060 = vector.broadcast %eq3A_1059 : i32 to vector<16xi32>
      %eq3A_1061 = arith.cmpi eq, %get3A_1046, %eq3A_1060 : vector<16xi32>
      %jit3A_1062 = arith.constant 1.000000e+00 : f32
      %jit3A_1063 = arith.constant 0.000000e+00 : f32
      %broadcast_in_dim3A_1064 = vector.broadcast %jit3A_1062 : f32 to vector<16xf32>
      %broadcast_in_dim3A_1065 = vector.broadcast %jit3A_1063 : f32 to vector<16xf32>
      %select_n3A_1066 = arith.select %eq3A_1061, %broadcast_in_dim3A_1064, %broadcast_in_dim3A_1065 : vector<16xi1>, vector<16xf32>
      %add3A_1067 = arith.addf %select_n3A, %select_n3A_1066 : vector<16xf32>
      %eq3A_1068 = arith.constant 0 : i32
      %eq3A_1069 = vector.broadcast %eq3A_1068 : i32 to vector<16xi32>
      %eq3A_1070 = arith.cmpi eq, %get3A_1050, %eq3A_1069 : vector<16xi32>
      %jit3A_1071 = arith.constant 1.000000e+00 : f32
      %jit3A_1072 = arith.constant 0.000000e+00 : f32
      %broadcast_in_dim3A_1073 = vector.broadcast %jit3A_1071 : f32 to vector<16xf32>
      %broadcast_in_dim3A_1074 = vector.broadcast %jit3A_1072 : f32 to vector<16xf32>
      %select_n3A_1075 = arith.select %eq3A_1070, %broadcast_in_dim3A_1073, %broadcast_in_dim3A_1074 : vector<16xi1>, vector<16xf32>
      %add3A_1076 = arith.addf %add3A_1067, %select_n3A_1075 : vector<16xf32>
      %eq3A_1077 = arith.constant 0 : i32
      %eq3A_1078 = vector.broadcast %eq3A_1077 : i32 to vector<16xi32>
      %eq3A_1079 = arith.cmpi eq, %get3A_1054, %eq3A_1078 : vector<16xi32>
      %ge3A = arith.constant 14 : i32
      %ge3A_1080 = vector.broadcast %ge3A : i32 to vector<16xi32>
      %ge3A_1081 = arith.cmpi sge, %iota3A, %ge3A_1080 : vector<16xi32>
      %and3A = arith.andi %eq3A_1079, %ge3A_1081 : vector<16xi1>
      %jit3A_1082 = arith.constant 1.000000e+00 : f32
      %jit3A_1083 = arith.constant 0.000000e+00 : f32
      %broadcast_in_dim3A_1084 = vector.broadcast %jit3A_1082 : f32 to vector<16xf32>
      %broadcast_in_dim3A_1085 = vector.broadcast %jit3A_1083 : f32 to vector<16xf32>
      %select_n3A_1086 = arith.select %and3A, %broadcast_in_dim3A_1084, %broadcast_in_dim3A_1085 : vector<16xi1>, vector<16xf32>
      %add3A_1087 = arith.addf %add3A_1076, %select_n3A_1086 : vector<16xf32>
      %add3A_1088 = arith.constant 8 : i32
      %add3A_1089 = vector.broadcast %add3A_1088 : i32 to vector<16xi32>
      %add3A_1090 = arith.addi %iota3A, %add3A_1089 : vector<16xi32>
      %and3A_1091 = arith.constant 15 : i32
      %and3A_1092 = vector.broadcast %and3A_1091 : i32 to vector<16xi32>
      %and3A_1093 = arith.andi %add3A_1090, %and3A_1092 : vector<16xi32>
      %lt3A = arith.constant 0 : i32
      %lt3A_1094 = vector.broadcast %lt3A : i32 to vector<16xi32>
      %lt3A_1095 = arith.cmpi slt, %and3A_1093, %lt3A_1094 : vector<16xi32>
      %add3A_1096 = arith.constant 16 : i32
      %add3A_1097 = vector.broadcast %add3A_1096 : i32 to vector<16xi32>
      %add3A_1098 = arith.addi %and3A_1093, %add3A_1097 : vector<16xi32>
      %select_n3A_1099 = arith.select %lt3A_1095, %add3A_1098, %and3A_1093 : vector<16xi1>, vector<16xi32>
      %broadcast_in_dim3A_1100 = vector.shape_cast %select_n3A_1099 : vector<16xi32> to vector<16x1xi32>
      %gather3A = vector.shape_cast %broadcast_in_dim3A_1100 : vector<16x1xi32> to vector<16xi32>
      %gather3A_1101 = tpu.dynamic_gather %add3A_1087[%gather3A] in [0] : vector<16xf32>, vector<16xi32> -> vector<16xf32>
      %add3A_1102 = arith.addf %add3A_1087, %gather3A_1101 : vector<16xf32>
      %add3A_1103 = arith.constant 4 : i32
      %add3A_1104 = vector.broadcast %add3A_1103 : i32 to vector<16xi32>
      %add3A_1105 = arith.addi %iota3A, %add3A_1104 : vector<16xi32>
      %and3A_1106 = arith.constant 15 : i32
      %and3A_1107 = vector.broadcast %and3A_1106 : i32 to vector<16xi32>
      %and3A_1108 = arith.andi %add3A_1105, %and3A_1107 : vector<16xi32>
      %lt3A_1109 = arith.constant 0 : i32
      %lt3A_1110 = vector.broadcast %lt3A_1109 : i32 to vector<16xi32>
      %lt3A_1111 = arith.cmpi slt, %and3A_1108, %lt3A_1110 : vector<16xi32>
      %add3A_1112 = arith.constant 16 : i32
      %add3A_1113 = vector.broadcast %add3A_1112 : i32 to vector<16xi32>
      %add3A_1114 = arith.addi %and3A_1108, %add3A_1113 : vector<16xi32>
      %select_n3A_1115 = arith.select %lt3A_1111, %add3A_1114, %and3A_1108 : vector<16xi1>, vector<16xi32>
      %broadcast_in_dim3A_1116 = vector.shape_cast %select_n3A_1115 : vector<16xi32> to vector<16x1xi32>
      %gather3A_1117 = vector.shape_cast %broadcast_in_dim3A_1116 : vector<16x1xi32> to vector<16xi32>
      %gather3A_1118 = tpu.dynamic_gather %add3A_1102[%gather3A_1117] in [0] : vector<16xf32>, vector<16xi32> -> vector<16xf32>
      %add3A_1119 = arith.addf %add3A_1102, %gather3A_1118 : vector<16xf32>
      %add3A_1120 = arith.constant 2 : i32
      %add3A_1121 = vector.broadcast %add3A_1120 : i32 to vector<16xi32>
      %add3A_1122 = arith.addi %iota3A, %add3A_1121 : vector<16xi32>
      %and3A_1123 = arith.constant 15 : i32
      %and3A_1124 = vector.broadcast %and3A_1123 : i32 to vector<16xi32>
      %and3A_1125 = arith.andi %add3A_1122, %and3A_1124 : vector<16xi32>
      %lt3A_1126 = arith.constant 0 : i32
      %lt3A_1127 = vector.broadcast %lt3A_1126 : i32 to vector<16xi32>
      %lt3A_1128 = arith.cmpi slt, %and3A_1125, %lt3A_1127 : vector<16xi32>
      %add3A_1129 = arith.constant 16 : i32
      %add3A_1130 = vector.broadcast %add3A_1129 : i32 to vector<16xi32>
      %add3A_1131 = arith.addi %and3A_1125, %add3A_1130 : vector<16xi32>
      %select_n3A_1132 = arith.select %lt3A_1128, %add3A_1131, %and3A_1125 : vector<16xi1>, vector<16xi32>
      %broadcast_in_dim3A_1133 = vector.shape_cast %select_n3A_1132 : vector<16xi32> to vector<16x1xi32>
      %gather3A_1134 = vector.shape_cast %broadcast_in_dim3A_1133 : vector<16x1xi32> to vector<16xi32>
      %gather3A_1135 = tpu.dynamic_gather %add3A_1119[%gather3A_1134] in [0] : vector<16xf32>, vector<16xi32> -> vector<16xf32>
      %add3A_1136 = arith.addf %add3A_1119, %gather3A_1135 : vector<16xf32>
      %add3A_1137 = arith.constant 1 : i32
      %add3A_1138 = vector.broadcast %add3A_1137 : i32 to vector<16xi32>
      %add3A_1139 = arith.addi %iota3A, %add3A_1138 : vector<16xi32>
      %and3A_1140 = arith.constant 15 : i32
      %and3A_1141 = vector.broadcast %and3A_1140 : i32 to vector<16xi32>
      %and3A_1142 = arith.andi %add3A_1139, %and3A_1141 : vector<16xi32>
      %lt3A_1143 = arith.constant 0 : i32
      %lt3A_1144 = vector.broadcast %lt3A_1143 : i32 to vector<16xi32>
      %lt3A_1145 = arith.cmpi slt, %and3A_1142, %lt3A_1144 : vector<16xi32>
      %add3A_1146 = arith.constant 16 : i32
      %add3A_1147 = vector.broadcast %add3A_1146 : i32 to vector<16xi32>
      %add3A_1148 = arith.addi %and3A_1142, %add3A_1147 : vector<16xi32>
      %select_n3A_1149 = arith.select %lt3A_1145, %add3A_1148, %and3A_1142 : vector<16xi1>, vector<16xi32>
      %broadcast_in_dim3A_1150 = vector.shape_cast %select_n3A_1149 : vector<16xi32> to vector<16x1xi32>
      %gather3A_1151 = vector.shape_cast %broadcast_in_dim3A_1150 : vector<16x1xi32> to vector<16xi32>
      %gather3A_1152 = tpu.dynamic_gather %add3A_1136[%gather3A_1151] in [0] : vector<16xf32>, vector<16xi32> -> vector<16xf32>
      %add3A_1153 = arith.addf %add3A_1136, %gather3A_1152 : vector<16xf32>
      %sub3A_1154 = arith.constant 5.000000e+01 : f32
      %sub3A_1155 = vector.broadcast %sub3A_1154 : f32 to vector<16xf32>
      %sub3A_1156 = arith.subf %sub3A_1155, %add3A_1153 : vector<16xf32>
      %max3A = arith.constant 9.99999971E-10 : f32
      %max3A_1157 = vector.broadcast %max3A : f32 to vector<16xf32>
      %max3A_1158 = arith.maximumf %sub3A_1156, %max3A_1157 : vector<16xf32>
      %mul3A_1159 = arith.mulf %add3A_1153, %get3A_4 : vector<16xf32>
      %sub3A_1160 = arith.subf %add3A_1038, %mul3A_1159 : vector<16xf32>
      %div3A_1161 = arith.divf %sub3A_1160, %max3A_1158 : vector<16xf32>
      %add3A_1162 = arith.constant 448 : i32
      %add3A_1163 = arith.addi %add3A_1162, %scan3A_687 : i32
      %swap3A_1164 = arith.index_cast %add3A_1163 : i32 to index
      %swap3A_1165 = arith.constant 0 : index
      %swap3A_1166 = tpu.vector_load %arg18[%swap3A_1164, %swap3A_1165] {strides = array<i32>} : memref<512x16xf32, #tpu.memory_space<vmem>>, vector<1x16xf32>,
      %swap3A_1167 = vector.shape_cast %swap3A_1166 : vector<1x16xf32> to vector<16xf32>
      %swap3A_1168 = vector.shape_cast %div3A_1161 : vector<16xf32> to vector<1x16xf32>
      tpu.vector_store %arg18[%swap3A_1164, %swap3A_1165], %swap3A_1168 {strides = array<i32>} : memref<512x16xf32, #tpu.memory_space<vmem>>, vector<1x16xf32>,
    }
    %scan3A_686 = arith.constant 64 : i32
    "tpu.region"() ({
      %run_scoped3A_687 = tpu.sem_alloc : memref<!tpu.dma_semaphore, #tpu.memory_space<semaphore_mem>>
      %dma_start3A_688 = arith.constant 0 : i32
      %dma_start3A_689 = tpu.memref_slice %arg10[%mul3A_2, %dma_start3A_688] : memref<16384x16xf32, #tpu.memory_space<hbm>> -> memref<512x16xf32, #tpu.memory_space<hbm>>
      %dma_start3A_690 = arith.constant 0 : i32
      %dma_start3A_691 = tpu.memref_slice %arg10[%mul3A_2, %dma_start3A_690] : memref<16384x16xf32, #tpu.memory_space<hbm>> -> memref<512x16xf32, #tpu.memory_space<hbm>>
      tpu.enqueue_dma source(%arg18 : memref<512x16xf32, #tpu.memory_space<vmem>>) target(%dma_start3A_691 : memref<512x16xf32, #tpu.memory_space<hbm>>) target_semaphore(%run_scoped3A_687 : memref<!tpu.dma_semaphore, #tpu.memory_space<semaphore_mem>>)
      %dma_wait3A_692 = arith.constant 0 : i32
      %dma_wait3A_693 = tpu.memref_slice %arg10[%mul3A_2, %dma_wait3A_692] : memref<16384x16xf32, #tpu.memory_space<hbm>> -> memref<512x16xf32, #tpu.memory_space<hbm>>
      %dma_wait3A_694 = arith.constant 0 : i32
      %dma_wait3A_695 = tpu.memref_slice %arg10[%mul3A_2, %dma_wait3A_694] : memref<16384x16xf32, #tpu.memory_space<hbm>> -> memref<512x16xf32, #tpu.memory_space<hbm>>
      tpu.wait_dma2 semaphore(%run_scoped3A_687 : memref<!tpu.dma_semaphore, #tpu.memory_space<semaphore_mem>>) src(%arg18 : memref<512x16xf32, #tpu.memory_space<vmem>>) dst(%dma_wait3A_695 : memref<512x16xf32, #tpu.memory_space<hbm>>)
      tpu.yield
    }) : () -> ()
    return
  }
}

</mosaic_0001>

<sc_bundles>
// kernel: kernel.3.cloned.1.call-start
scs
__scs_entry_jumppad:
0x0: {  	(pc) =	sbr.rel $0x88, $3  }
0x1: {  	(tag) =	ssettag $0x0;
	lr =	simm.s32 $0x1  }
0x2: {  	[smem:$0x3F9C] =	sst lr;
	_ =	strace $0xD0000000  }
0x3: {  	_ = 	snop  }
0x4: {  	_ = 	snop  }
0x5: {  	_ = 	snop  }
0x6: {  	_ = 	snop  }
0x7: {  	_ = 	snop  }
__scs_overlays_trampoline_lowered:
0x8: {  	[smem:$0x3FAB] =	sst s0  }
0x9: {  	[smem:$0x3FAC] =	sst s1  }
0xa: {  	[smem:$0x3FAD] =	sst s2  }
0xb: {  	[smem:$0x3FAE] =	sst s3  }
0xc: {  	[smem:$0x3FAF] =	sst s4  }
0xd: {  	[smem:$0x3FB0] =	sst s5  }
0xe: {  	[smem:$0x3FB1] =	sst s6  }
0xf: {  	[smem:$0x3FB2] =	sst s7  }
0x10: {  	[smem:$0x3FB3] =	sst s8  }
0x11: {  	[smem:$0x3FB4] =	sst s9;
	s0 =	simm.s32 @!p0 $0x0  }
0x12: {  	s1 =	sld [smem:$0x3F9A];
	s0 =	simm.s32 @p0 $0x1  }
0x13: {  	[smem:$0x3FB5] =	sst s0;
	s0 =	simm.s32 @!p1 $0x0  }
0x14: {  	s2 =	sld [smem:$0x3F99];
	s0 =	simm.s32 @p1 $0x1  }
0x15: {  	[smem:$0x3FB6] =	sst s0;
	s0 =	simm.s32 @!p2 $0x0  }
0x16: {  	s3 =	sld [smem:$0x3FDB];
	s0 =	simm.s32 @p2 $0x1  }
0x17: {  	s4 =	simm.s32 $0x1BF5;
	[smem:$0x3FB8] =	sst s0  }
0x18: {  	s0 =	sld [smem:$0x3F9B];
	_ =	swait.ge [sflag:s4], $0x0  }
0x19: {  	s7 =	sld [smem:$0x3F9C]  }
0x1a: {  	s8 =	sadd.s32 $0xFFFFE003, lr  }
0x1b: {  	s9 =	sadd.s32 $0xFFFFFEF7, lr;
	s5 =	simm.s32 $0xFFFFFFFF;
	p2 =	slt.u32 s8, $0xFFFFF086  }
0x1c: {  	p1 =	slt.u32 s9, $0xF7A;
	s5 =	simm.s32 @!p2 $0x0  }
0x1d: {  	s5 =	simm.s32 @p1 $0x1;
	p0 =	seq.s32 s7, s2  }
0x1e: {  	s7 =	smul.u32 @!p0 $0xF7A, s2;
	p2 =	seq.s32 @!p0 s5, $0x0  }
0x1f: {  	s9 =	smul.u32 $0xF7A, s1;
	s8 =	simm.s32 @!p0 $0x1BF5;
	p2 =	por !p2, p0  }
0x20: {  	[sflag:s8] =	ssyncset.s32 @!p0 $0xFFFFF086;
	s6 =	sadd.s32 @!p0 s3, s7;
	s7 =	simm.s32 @!p0 $0x108  }
0x21: {  	s3 =	sadd.s32 s3, s9;
	s6 =	sadd.s32 @!p0 $0x88, s6;
	s7 =	simm.s32 @p2 $0x1082  }
0x22: {  	[simem:s7], [sflag:s8] =	dma.local @!p0 [hbm:s6], $0xF7A  }
0x23: {  	s9 =	sor.u32 $0xD0000000, s2;
	s6 =	simm.s32 $0x108;
	_ =	swait.ge @!p0 [sflag:s8], $0x0  }
0x24: {  	s3 =	sadd.s32 $0x88, s3;
	s6 =	simm.s32 @!p1 $0x1082;
	[sflag:s4] =	ssyncset.s32 $0xFFFFF086  }
0x25: {  	[simem:s6], [sflag:s4] =	dma.local [hbm:s3], $0xF7A  }
0x26: {  	[smem:$0x3F9C] =	sst s1;
	(tag) =	ssettag s2;
	_ =	strace s9  }
0x27: {  	s1 =	sld [smem:$0x3FAC]  }
0x28: {  	s2 =	sld [smem:$0x3FAD]  }
0x29: {  	s4 =	sld [smem:$0x3FAF]  }
0x2a: {  	p0 =	seq.s32 s5, $0x0;
	s5 =	sld [smem:$0x3FB0]  }
0x2b: {  	s6 =	sld [smem:$0x3FB1]  }
0x2c: {  	s7 =	sld [smem:$0x3FB2]  }
0x2d: {  	s3 =	simm.s32 $0x108;
	s8 =	sld [smem:$0x3FB3]  }
0x2e: {  	s3 =	simm.s32 @!p0 $0x1082;
	s9 =	sld [smem:$0x3FB4]  }
0x2f: {  	lr =	sadd.s32 s0, s3;
	s0 =	sld [smem:$0x3FAB]  }
0x30: {  	s3 =	sld [smem:$0x3FAE]  }
0x31: {  	[smem:$0x3FB7] =	sst s10  }
0x32: {  	s10 =	sld [smem:$0x3FB5];
	_ =	sdelay $0x3  }
0x33: {  	p0 =	seq.s32 s10, $0x1;
	s10 =	sld [smem:$0x3FB7];
	_ =	sdelay $0x3  }
0x34: {  	[smem:$0x3FB7] =	sst s10  }
0x35: {  	s10 =	sld [smem:$0x3FB6];
	_ =	sdelay $0x3  }
0x36: {  	p1 =	seq.s32 s10, $0x1;
	s10 =	sld [smem:$0x3FB7];
	_ =	sdelay $0x3  }
0x37: {  	[smem:$0x3FB7] =	sst s10  }
0x38: {  	s10 =	sld [smem:$0x3FB8]  }
0x39: {  	_ = 	snop;
	(pc) =	sbr.ind lr, $3  }
0x3a: {  	_ = 	snop  }
0x3b: {  	_ = 	snop  }
0x3c: {  	p2 =	seq.s32 s10, $0x1;
	s10 =	sld [smem:$0x3FB7]  }
0x3d: {  	_ =	shalt  }
0x3e: {  	_ =	shalt  }
0x3f: {  	_ =	shalt  }
0x40: {  	_ =	shalt  }
0x41: {  	_ =	shalt  }
0x42: {  	_ =	shalt  }
0x43: {  	_ =	shalt  }
0x44: {  	_ =	shalt  }
0x45: {  	_ =	shalt  }
0x46: {  	_ =	shalt  }
0x47: {  	_ =	shalt  }
0x48: {  	_ =	shalt  }
0x49: {  	_ =	shalt  }
0x4a: {  	_ =	shalt  }
0x4b: {  	_ =	shalt  }
0x4c: {  	_ =	shalt  }
0x4d: {  	_ =	shalt  }
0x4e: {  	_ =	shalt  }
0x4f: {  	_ =	shalt  }
0x50: {  	_ =	shalt  }
0x51: {  	_ =	shalt  }
0x52: {  	_ =	shalt  }
0x53: {  	_ =	shalt  }
0x54: {  	_ =	shalt  }
0x55: {  	_ =	shalt  }
0x56: {  	_ =	shalt  }
0x57: {  	_ =	shalt  }
0x58: {  	_ =	shalt  }
0x59: {  	_ =	shalt  }
0x5a: {  	_ =	shalt  }
0x5b: {  	_ =	shalt  }
0x5c: {  	_ =	shalt  }
0x5d: {  	_ =	shalt  }
0x5e: {  	_ =	shalt  }
0x5f: {  	_ =	shalt  }
0x60: {  	_ =	shalt  }
0x61: {  	_ =	shalt  }
0x62: {  	_ =	shalt  }
0x63: {  	_ =	shalt  }
0x64: {  	_ =	shalt  }
0x65: {  	_ =	shalt  }
0x66: {  	_ =	shalt  }
0x67: {  	_ =	shalt  }
0x68: {  	_ =	shalt  }
0x69: {  	_ =	shalt  }
0x6a: {  	_ =	shalt  }
0x6b: {  	_ =	shalt  }
0x6c: {  	_ =	shalt  }
0x6d: {  	_ =	shalt  }
0x6e: {  	_ =	shalt  }
0x6f: {  	_ =	shalt  }
0x70: {  	_ =	shalt  }
0x71: {  	_ =	shalt  }
0x72: {  	_ =	shalt  }
0x73: {  	_ =	shalt  }
0x74: {  	_ =	shalt  }
0x75: {  	_ =	shalt  }
0x76: {  	_ =	shalt  }
0x77: {  	_ =	shalt  }
0x78: {  	_ =	shalt  }
0x79: {  	_ =	shalt  }
0x7a: {  	_ =	shalt  }
0x7b: {  	_ =	shalt  }
0x7c: {  	_ =	shalt  }
0x7d: {  	_ =	shalt  }
0x7e: {  	_ =	shalt  }
0x7f: {  	_ =	shalt  }
0x80: {  	_ =	shalt  }
0x81: {  	_ =	shalt  }
0x82: {  	_ =	shalt  }
0x83: {  	_ =	shalt  }
0x84: {  	_ =	shalt  }
0x85: {  	_ =	shalt  }
0x86: {  	_ =	shalt  }
0x87: {  	_ =	shalt  }
.Lfunc_end0:
.L_simem_size_0:
called_computation_lowered:
.L_overlay_start_0:
0x88: {  	s2 =	sld [smem:$0x3FD9]  }
0x89: {  	s3 =	sld [smem:$0x3FFE];
	_ =	sdelay $0x1  }
0x8a: {  	s1 =	srdreg.scid  }
0x8b: {  	s0 =	sand.u32 $0x1, s1  }
0x8c: {  	s17 =	sshll.u32 s0, $0xA;
	s2 =	sadd.s32 s3, s2  }
0x8d: {  	s2 =	sadd.s32 s2, s17  }
0x8e: {  	[smem:$0x3FC3] =	sst s2  }
0x8f: {  	_ = 	snop  }
0x90: {  	s2 =	sld [smem:$0x3FC9]  }
0x91: {  	s18 =	sld [smem:$0x3FC8]  }
0x92: {  	s4 =	sld [smem:$0x3FD0];
	(tm) =	ssettm $0x1  }
0x93: {  	s5 =	sld [smem:$0x3FFB];
	_ =	sdelay $0x3  }
0x94: {  	_ =	strace s5  }
0x95: {  	s5 =	sld [smem:$0x3FFC];
	_ =	sdelay $0x3  }
0x96: {  	_ =	strace s5  }
0x97: {  	s5 =	sld [smem:$0x3FFD];
	_ =	sdelay $0x3  }
0x98: {  	_ =	strace s5  }
0x99: {  	_ =	strace $0x8FFFFFFF  }
0x9a: {  	s19 =	sld [smem:$0x3FDB];
	_ =	sdelay $0x1  }
0x9b: {  	s6 =	simm.s32 $_scs_section_size  }
0x9c: {  	s7 =	simm.s32 $_size__tile_overlayer_lowered;
	s8 =	simm.s32 $_tile_overlayer_lowered  }
0x9d: {  	s22 =	simm.s32 $0x1BFF;
	s21 =	sshll.u32 s8, $0x1;
	s5 =	sadd.s32 s6, s19  }
0x9e: {  	s9 =	simm.s32 $0x0;
	s20 =	sshll.u32 s7, $0x1;
	s7 =	sadd.s32 s21, s5  }
0x9f: {  	[timem:s9], [sflag:s22] =	dma.local [hbm:s7], s20  }
0xa0: {  	_ =	swait.ge [sflag:s22], s20  }
0xa1: {  	s6 =	ssub.s32 $0x0, s20;
	[sflag:s22] =	ssyncset.done $0x0  }
0xa2: {  	[sflag:s22] =	ssyncadd.s32 s6;
	_ =	sdelay $0x1  }
0xa3: {  	s23 =	simm.s32 $0x1B8B  }
0xa4: {  	_ =	swait.ge [sflag:s23], $0x1  }
0xa5: {  	[sflag:s23] =	ssyncset.done $0x0  }
0xa6: {  	s25 =	simm.s32 $0x1B8E;
	s24 =	sld [smem:$0x3FFE];
	[sflag:s23] =	ssyncadd.s32 $0xFFFFFFFF  }
0xa7: {  	s26 =	simm.s32 $execute0_lowered;
	[smem:$0x3FD2] =	sst s25  }
0xa8: {  	s7 =	sshll.u32 s26, $0x1;
	_ =	strace $0x80000046;
	[dreg:$0x1] =	wrdreg $0xFFFFFFFF  }
0xa9: {  	s28 =	simm.s32 $_size_execute0_lowered;
	s5 =	sadd.s32 s5, s7;
	[dreg:$0x0] =	wrdreg $0x0  }
0xaa: {  	s7 =	sshll.u32 s28, $0x1;
	[dreg:$0x2] =	wrdreg s5  }
0xab: {  	[dreg:$0x3] =	wrdreg s7  }
0xac: {  	[dreg:$0x4] =	wrdreg $0xC0  }
0xad: {  	_ =	task [dreg:s9], $0x5FFFF  }
0xae: {  	[dreg:$0x1] =	wrdreg $0xFFFFFFFF  }
0xaf: {  	[dreg:$0x0] =	wrdreg $0x60  }
0xb0: {  	[dreg:$0x2] =	wrdreg s2  }
0xb1: {  	[dreg:$0x3] =	wrdreg s18  }
0xb2: {  	[dreg:$0x4] =	wrdreg s24  }
0xb3: {  	[dreg:$0x5] =	wrdreg s4  }
0xb4: {  	[dreg:$0x6] =	wrdreg $0x9  }
0xb5: {  	_ =	task.clear_ibuf [dreg:s9], $0x7FFFF;
	_ =	strace $0x90000046  }
0xb6: {  	s29 =	simm.s32 $0x9;
	_ =	strace $0x80000048  }
0xb7: {  	_ =	swait.ge [sflag:s29], $0x1  }
0xb8: {  	[sflag:s29] =	ssyncadd.s32 $0xFFFFFFFF  }
0xb9: {  	_ =	strace $0x90000048  }
0xba: {  	_ =	sfence  }
0xbb: {  	s30 =	sld [smem:$0x0];
	_ =	sdelay $0x2  }
0xbc: {  	s31 =	sshll.u32 s1, $0xD;
	s1 =	sshrl.u32 s1, $0x2  }
0xbd: {  	s3 =	sand.u32 $0x4000, s31;
	s1 =	sadd.s32 s1, s30  }
0xbe: {  	s0 =	sor.u32 s3, s0;
	s1 =	sshll.u32 s1, $0x11  }
0xbf: {  	s0 =	sor.u32 s1, s0  }
0xc0: {  	s0 =	sadd.s32 $0x8F2B, s0  }
0xc1: {  	[sflag:s0] =	ssyncadd.remote.s32 $0x1  }
0xc2: {  	_ =	sfence.sel $0xFFFF  }
0xc3: {  	[dreg:$0x0] =	wrdreg $0xFFFFFFFF;
	(pc) =	sbr.abs _section_cstart, $3  }
0xc4: {  	[dreg:$0x1] =	wrdreg $0xFFFFFFFF  }
0xc5: {  	_ =	task.clear_ibuf [dreg:s9], $0x2FFFF;
	_ =	strace $0x9FFFFFFF  }
0xc6: {  	(tm) =	ssettm $0x7FFFFFFF  }
0xc7: {  	_ =	shalt  }
tec
execute0_lowered:
.L_overlay_start_1:
0x0: {  	(tag) =	ssettag $0x1  }
0x1: {  	s2 =	srdreg.scid;
	s4 =	stileid.u32  }
0x2: {  	s1 =	rddreg [dreg:$0x0];
	s5 =	sand.u32 $0x1, s2;
	s17 =	sshll.u32 s4, $0x1  }
0x3: {  	s3 =	rddreg [dreg:$0x1];
	s6 =	sor.u32 s5, s17  }
0x4: {  	s0 =	rddreg [dreg:$0x2];
	s7 =	sshll.u32 s6, $0x9;
	s8 =	smul.u32 $0xC80, s6  }
0x5: {  	s29 =	simm.s32 $0x3;
	s9 =	smul.u32 $0xE00, s6;
	s10 =	sor.u32 $0x40, s7  }
0x6: {  	s30 =	simm.s32 $0xC80;
	s31 =	simm.s32 $0x80;
	s11 =	smul.u32 $0x32, s10  }
0x7: {  	s4 =	rddreg [dreg:$0x3];
	s13 =	sor.u32 $0x80, s7;
	s10 =	smul.u32 $0x7, s10  }
0x8: {  	s2 =	simm.s32 $0x0;
	s14 =	sadd.s32 $0xC00, s0;
	s18 =	smul.u32 $0x32, s13  }
0x9: {  	s5 =	ssub.s32 $0x2, s5;
	s15 =	sor.u32 $0xC0, s7;
	s13 =	smul.u32 $0x7, s13  }
0xa: {  	[smem:$0x7FF] =	sst s2;
	s12 =	sshrl.u32 s5, $0x1;
	s20 =	smul.u32 $0x32, s15  }
0xb: {  	s5 =	ssub.s32 s5, s12;
	s22 =	sor.u32 $0x100, s7;
	s15 =	smul.u32 $0x7, s15  }
0xc: {  	s16 =	sor.u32 $0x140, s7;
	s8 =	sadd.s32 s14, s8;
	s23 =	smul.u32 $0x32, s22  }
0xd: {  	s17 =	smul.u32 $0x32, s16;
	[dreg:$0x5] =	wrdreg s8;
	s11 =	sshrl.u32 s11, $0x3  }
0xe: {  	s21 =	sshrl.u32 s18, $0x3;
	s8 =	sshrl.u32 s20, $0x3;
	s18 =	sor.u32 $0x180, s7  }
0xf: {  	s7 =	sor.u32 $0x1C0, s7;
	s17 =	sshrl.u32 s17, $0x3;
	s19 =	sadd.s32 s14, s11  }
0x10: {  	s11 =	sadd.s32 s14, s21;
	s8 =	sadd.s32 s14, s8;
	[dreg:$0x6] =	wrdreg s19  }
0x11: {  	s25 =	smul.u32 $0x32, s7;
	s12 =	sadd.s32 s14, s17;
	[dreg:$0x7] =	wrdreg s11  }
0x12: {  	s11 =	sshrl.u32 s23, $0x3;
	s19 =	smul.u32 $0x32, s18;
	[dreg:$0x8] =	wrdreg s8  }
0x13: {  	[dreg:$0xa] =	wrdreg s12;
	s24 =	sadd.s32 s14, s11;
	s8 =	sshrl.u32 s25, $0x3  }
0x14: {  	[dreg:$0x9] =	wrdreg s24;
	s20 =	sshrl.u32 s19, $0x3;
	s8 =	sadd.s32 s14, s8  }
0x15: {  	v0 =	vimm.s32 $0xFEDCBA98;
	s26 =	smul.u32 $0x7, s22;
	s21 =	sadd.s32 s14, s20;
	[dreg:$0xc] =	wrdreg s8  }
0x16: {  	v1 =	vimm.s32 $0x76543210;
	v2 =	vimm.f32 $1.250000000e+00;
	s28 =	simm.s32 $0x3500;
	s16 =	smul.u32 $0x7, s16;
	[dreg:$0xb] =	wrdreg s21  }
0x17: {  	vm0 =	vcmask $0x3700;
	v3 =	vimm.s32 $0x3210FEDC;
	s22 =	sadd.s32 $0x19C00, s0;
	s7 =	smul.u32 $0x7, s7;
	_ =	strace $0x80000047  }
0x18: {  	v4 =	vimm.s32 $0xBA987654;
	v5 =	vimm.s32 $0x10FEDCBA;
	s9 =	sadd.s32 s22, s9;
	s10 =	sadd.s32 s22, s10;
	s23 =	smul.u32 $0x7, s18;
	(erf) = vrcp.f32 v2  }
0x19: {  	v6 =	vimm.s32 $0x98765432;
	v7 =	vimm.s32 $0xFEDCBA9;
	v8 =	vimm.s32 $0x87654321;
	s13 =	sadd.s32 s22, s13;
	s16 =	sadd.s32 s22, s16;
	s18 =	sadd.s32 s22, s7  }
0x1a: {  	v0 =	vunpack.c.l.s4.s8 v0;
	v1 =	vunpack.c.l.s4.s8 v1;
	v3 =	vunpack.c.l.s4.s8 v3;
	s7 =	simm.s32 $0x0;
	s17 =	sadd.s32 s22, s23;
	s24 =	sshll.u32 s6, $0x6  }
0x1b: {  	v4 =	vunpack.c.l.s4.s8 v4;
	v5 =	vunpack.c.l.s4.s8 v5;
	v6 =	vunpack.c.l.s4.s8 v6;
	s6 =	sshll.u32 s6, $0xA;
	s23 =	sadd.s32 $0x1160800, s0;
	s14 =	sadd.s32 s22, s15  }
0x1c: {  	v7 =	vunpack.c.l.s4.s8 v7;
	v8 =	vunpack.c.l.s4.s8 v8;
	v0 =	vunpack.c.0.s8.s32 v0;
	s15 =	sadd.s32 s22, s26;
	s19 =	sadd.s32 s3, s24;
	s20 =	sadd.s32 s1, s24  }
0x1d: {  	v1 =	vunpack.c.0.s8.s32 v1;
	v3 =	vunpack.c.0.s8.s32 v3;
	v4 =	vunpack.c.0.s8.s32 v4;
	s25 =	sadd.s32 s24, s0;
	s22 =	sadd.s32 $0xF78200, s0;
	s26 =	sadd.s32 s6, s0  }
0x1e: {  	v5 =	vunpack.c.0.s8.s32 v5;
	v6 =	vunpack.c.0.s8.s32 v6;
	v7 =	vunpack.c.0.s8.s32 v7;
	s1 =	simm.s32 $0xFD00;
	s0 =	simm.s32 $0x1900;
	s3 =	simm.s32 $0x1C500  }
0x1f: {  	v8 =	vunpack.c.0.s8.s32 v8;
	v0 =	vand.u32 $0xF, v0;
	s21 =	sadd.s32 s4, s6;
	s24 =	sadd.s32 $0x3DC00, s25;
	s25 =	sadd.s32 $0x35C00, s26;
	v2 =	vimm.f32 $1.000000000e+00  }
0x20: {  	v0 =	vcombine.low v0, v1;
	s26 =	smax.u32 s5, $0x1;
	s4 =	simm.s32 $0x2;
	[dreg:$0xd] =	wrdreg s9;
	v1 =	vsel vm0, $0x0, v2;
	v2 =	vcombine.low v4, v3  }
0x21: {  	s5 =	simm.s32 $0x2700;
	s6 =	simm.s32 $0x1;
	[dreg:$0xe] =	wrdreg s10;
	v4 =	vcombine.low v6, v5;
	v5 =	vimm.f32 $0.0e+00;
	v6 =	vcombine.low v8, v7;
	v3 =	vpop (erf)  }
.LBB2_1:
0x22: {  	s8 =	simm.s32 $0x1E700  }
0x23: {  	[tilespmem:s8], [sflag:$0x3] =	stream.linear.gather [hbm4b:s23+s2], $0x10, $0x38;
	[tilespmem:$0x1E710] =	vst v63  }
0x24: {  	_ =	swait.ge [sflag:s29], $0x10  }
0x25: {  	[sflag:s29] =	ssyncset.done $0x0  }
0x26: {  	[sflag:s29] =	ssyncadd.s32 $0xFFFFFFF0  }
0x27: {  	v7 =	vld [tilespmem:$0x1E700];
	[tilespmem:s30], [sflag:$0x3] =	stream.linear.gather [hbm4b:s19+s2], $0x200, $0x38  }
0x28: {  	_ =	swait.ge [sflag:s29], $0x200  }
0x29: {  	[sflag:s29] =	ssyncset.done $0x0  }
0x2a: {  	[sflag:s29] =	ssyncadd.s32 $0xFFFFFE00  }
0x2b: {  	[tilespmem:s1], [sflag:$0x2] =	stream.indirect.gather [hbm4b:s22+s31], $0x10, s30, s31, $0xb8;
	[tilespmem:$0x1E710] =	vst v63  }
0x2c: {  	s12 =	simm.s32 $0xD00;
	s9 =	simm.s32 $0x10500  }
0x2d: {  	[tilespmem:s9], [sflag:$0x2] =	stream.indirect.gather [hbm4b:s22+s31], $0x10, s12, s31, $0xb8;
	[tilespmem:$0x1E710] =	vst v63  }
0x2e: {  	s10 =	simm.s32 $0x10D00;
	s9 =	simm.s32 $0xD80  }
0x2f: {  	[tilespmem:s10], [sflag:$0x2] =	stream.indirect.gather [hbm4b:s22+s31], $0x10, s9, s31, $0xb8;
	[tilespmem:$0x1E710] =	vst v63  }
0x30: {  	s11 =	simm.s32 $0xE00;
	s12 =	simm.s32 $0x11500  }
0x31: {  	[tilespmem:s12], [sflag:$0x2] =	stream.indirect.gather [hbm4b:s22+s31], $0x10, s11, s31, $0xb8;
	[tilespmem:$0x1E710] =	vst v63  }
0x32: {  	s9 =	rddreg [dreg:$0x5]  }
0x33: {  	[tilespmem:s2], [sflag:$0x3] =	stream.linear.gather [hbm4b:s9+s2], $0xC80, $0x38;
	[tilespmem:$0x1E710] =	vst v63  }
0x34: {  	_ =	swait.ge [sflag:s29], $0xC80  }
0x35: {  	[sflag:s29] =	ssyncset.done $0x0  }
0x36: {  	s10 =	rddreg [dreg:$0xd];
	[sflag:s29] =	ssyncadd.s32 $0xFFFFF380  }
0x37: {  	[tilespmem:s0], [sflag:$0x1] =	stream.linear.gather [hbm4b:s10+s2], $0xE00, $0x38;
	[tilespmem:$0x1E710] =	vst v63  }
0x38: {  	_ = 	snop  }
0x39: {  	[tilespmem:s28], [sflag:$0x1] =	stream.indirect.gather [hbm4b:s23+s30], $0x10, s2, s30, $0xb8;
	[tilespmem:$0x1E710] =	vst v63  }
0x3a: {  	_ = 	snop  }
0x3b: {  	[tilespmem:s3], [sflag:$0x3] =	stream.linear.gather [hbm4b:s20+s2], $0x200, $0x38;
	[tilespmem:$0x1E710] =	vst v63  }
0x3c: {  	_ =	swait.ge [sflag:s29], $0x200  }
0x3d: {  	[sflag:s29] =	ssyncset.done $0x0  }
0x3e: {  	[sflag:s29] =	ssyncadd.s32 $0xFFFFFE00  }
0x3f: {  	v8 =	vld [tilespmem:$0x1C500]  }
0x40: {  	v9 =	vld [tilespmem:$0x1C510]  }
0x41: {  	v10 =	vld [tilespmem:$0x1C520]  }
0x42: {  	v11 =	vld [tilespmem:$0x1C530]  }
0x43: {  	v12 =	vld [tilespmem:$0x1C540]  }
0x44: {  	v13 =	vld [tilespmem:$0x1C550];
	v8 =	vadd.f32 $-3.000000000e+00, v8  }
0x45: {  	v14 =	vld [tilespmem:$0x1C560];
	v9 =	vadd.f32 $-3.000000000e+00, v9  }
0x46: {  	v15 =	vld [tilespmem:$0x1C570];
	v10 =	vadd.f32 $-3.000000000e+00, v10;
	v8 =	vmul.f32 v8, v3  }
0x47: {  	v16 =	vld [tilespmem:$0x1C580];
	v11 =	vadd.f32 $-3.000000000e+00, v11;
	v9 =	vmul.f32 v9, v3  }
0x48: {  	[tilespmem:$0x1C500] =	vst v8;
	v8 =	vmul.f32 v10, v3;
	v10 =	vadd.f32 $-3.000000000e+00, v12;
	v12 =	vld [tilespmem:$0x1C590]  }
0x49: {  	[tilespmem:$0x1C510] =	vst v9;
	v9 =	vmul.f32 v11, v3;
	v11 =	vadd.f32 $-3.000000000e+00, v13;
	v13 =	vld [tilespmem:$0x1C5A0]  }
0x4a: {  	[tilespmem:$0x1C520] =	vst v8;
	v8 =	vmul.f32 v10, v3;
	v10 =	vadd.f32 $-3.000000000e+00, v14;
	v14 =	vld [tilespmem:$0x1C5B0]  }
0x4b: {  	[tilespmem:$0x1C530] =	vst v9;
	v9 =	vmul.f32 v11, v3;
	v11 =	vadd.f32 $-3.000000000e+00, v15;
	v15 =	vld [tilespmem:$0x1C5C0]  }
0x4c: {  	[tilespmem:$0x1C540] =	vst v8;
	v8 =	vmul.f32 v10, v3;
	v10 =	vadd.f32 $-3.000000000e+00, v16;
	v16 =	vld [tilespmem:$0x1C5D0]  }
0x4d: {  	[tilespmem:$0x1C550] =	vst v9;
	v9 =	vmul.f32 v11, v3;
	v11 =	vadd.f32 $-3.000000000e+00, v12;
	v12 =	vld [tilespmem:$0x1C5E0]  }
0x4e: {  	[tilespmem:$0x1C560] =	vst v8;
	v8 =	vmul.f32 v10, v3;
	v10 =	vadd.f32 $-3.000000000e+00, v13;
	v13 =	vld [tilespmem:$0x1C5F0]  }
0x4f: {  	[tilespmem:$0x1C570] =	vst v9;
	v9 =	vmul.f32 v11, v3;
	v11 =	vadd.f32 $-3.000000000e+00, v14;
	v14 =	vld [tilespmem:$0x1C600]  }
0x50: {  	[tilespmem:$0x1C580] =	vst v8;
	v8 =	vmul.f32 v10, v3;
	v10 =	vadd.f32 $-3.000000000e+00, v15;
	v15 =	vld [tilespmem:$0x1C610]  }
0x51: {  	[tilespmem:$0x1C590] =	vst v9;
	v9 =	vmul.f32 v11, v3;
	v11 =	vadd.f32 $-3.000000000e+00, v16;
	v16 =	vld [tilespmem:$0x1C620]  }
0x52: {  	[tilespmem:$0x1C5A0] =	vst v8;
	v8 =	vmul.f32 v10, v3;
	v10 =	vadd.f32 $-3.000000000e+00, v12;
	v12 =	vld [tilespmem:$0x1C630]  }
0x53: {  	[tilespmem:$0x1C5B0] =	vst v9;
	v9 =	vmul.f32 v11, v3;
	v11 =	vadd.f32 $-3.000000000e+00, v13;
	v13 =	vld [tilespmem:$0x1C640]  }
0x54: {  	[tilespmem:$0x1C5C0] =	vst v8;
	v8 =	vmul.f32 v10, v3;
	v10 =	vadd.f32 $-3.000000000e+00, v14;
	v14 =	vld [tilespmem:$0x1C650]  }
0x55: {  	[tilespmem:$0x1C5D0] =	vst v9;
	v9 =	vmul.f32 v11, v3;
	v11 =	vadd.f32 $-3.000000000e+00, v15;
	v15 =	vld [tilespmem:$0x1C660]  }
0x56: {  	[tilespmem:$0x1C5E0] =	vst v8;
	v8 =	vmul.f32 v10, v3;
	v10 =	vadd.f32 $-3.000000000e+00, v16;
	v16 =	vld [tilespmem:$0x1C670]  }
0x57: {  	[tilespmem:$0x1C5F0] =	vst v9;
	v9 =	vmul.f32 v11, v3;
	v11 =	vadd.f32 $-3.000000000e+00, v12;
	v12 =	vld [tilespmem:$0x1C680]  }
0x58: {  	[tilespmem:$0x1C600] =	vst v8;
	v8 =	vmul.f32 v10, v3;
	v10 =	vadd.f32 $-3.000000000e+00, v13;
	v13 =	vld [tilespmem:$0x1C690]  }
0x59: {  	[tilespmem:$0x1C610] =	vst v9;
	v9 =	vmul.f32 v11, v3;
	v11 =	vadd.f32 $-3.000000000e+00, v14;
	v14 =	vld [tilespmem:$0x1C6A0]  }
0x5a: {  	[tilespmem:$0x1C620] =	vst v8;
	v8 =	vmul.f32 v10, v3;
	v10 =	vadd.f32 $-3.000000000e+00, v15;
	v15 =	vld [tilespmem:$0x1C6B0]  }
0x5b: {  	[tilespmem:$0x1C630] =	vst v9;
	v9 =	vmul.f32 v11, v3;
	v11 =	vadd.f32 $-3.000000000e+00, v16;
	v16 =	vld [tilespmem:$0x1C6C0]  }
0x5c: {  	[tilespmem:$0x1C640] =	vst v8;
	v8 =	vmul.f32 v10, v3;
	v10 =	vadd.f32 $-3.000000000e+00, v12;
	v12 =	vld [tilespmem:$0x1C6D0]  }
0x5d: {  	[tilespmem:$0x1C650] =	vst v9;
	v9 =	vmul.f32 v11, v3;
	v11 =	vadd.f32 $-3.000000000e+00, v13;
	v13 =	vld [tilespmem:$0x1C6E0]  }
0x5e: {  	[tilespmem:$0x1C660] =	vst v8;
	v8 =	vmul.f32 v10, v3;
	v10 =	vadd.f32 $-3.000000000e+00, v14;
	v14 =	vld [tilespmem:$0x1C6F0]  }
0x5f: {  	[tilespmem:$0x1C670] =	vst v9;
	v9 =	vmul.f32 v11, v3;
	v11 =	vadd.f32 $-3.000000000e+00, v15  }
0x60: {  	[tilespmem:$0x1C680] =	vst v8;
	v8 =	vmul.f32 v10, v3;
	v10 =	vadd.f32 $-3.000000000e+00, v16  }
0x61: {  	[tilespmem:$0x1C690] =	vst v9;
	v9 =	vmul.f32 v11, v3;
	v11 =	vadd.f32 $-3.000000000e+00, v12  }
0x62: {  	[tilespmem:$0x1C6A0] =	vst v8;
	v8 =	vmul.f32 v10, v3;
	v10 =	vadd.f32 $-3.000000000e+00, v13  }
0x63: {  	[tilespmem:$0x1C6B0] =	vst v9;
	v9 =	vmul.f32 v11, v3;
	v11 =	vadd.f32 $-3.000000000e+00, v14  }
0x64: {  	[tilespmem:$0x1C6C0] =	vst v8;
	v8 =	vmul.f32 v10, v3  }
0x65: {  	[tilespmem:$0x1C6D0] =	vst v9;
	v9 =	vmul.f32 v11, v3  }
0x66: {  	[tilespmem:$0x1C6E0] =	vst v8  }
0x67: {  	[tilespmem:$0x1C6F0] =	vst v9  }
0x68: {  	[hbm4b:s24+s2] =	stream.linear.scatter [tilespmem:s3], [sflag:$0x3], $0x200, $0x38;
	[tilespmem:$0x1E710] =	vst v63  }
0x69: {  	_ =	swait.ge [sflag:s29], $0x200  }
0x6a: {  	[sflag:s29] =	ssyncset.done $0x0  }
0x6b: {  	[sflag:s29] =	ssyncadd.s32 $0xFFFFFE00  }
0x6c: {  	_ =	swait.ge [sflag:s4], $0x800  }
0x6d: {  	[sflag:s4] =	ssyncset.done $0x0  }
0x6e: {  	[sflag:s4] =	ssyncadd.s32 $0xFFFFF800  }
0x6f: {  	_ =	swait.ge [sflag:s4], $0x800  }
0x70: {  	[sflag:s4] =	ssyncset.done $0x0  }
0x71: {  	[sflag:s4] =	ssyncadd.s32 $0xFFFFF800  }
0x72: {  	_ =	swait.ge [sflag:s4], $0x800  }
0x73: {  	[sflag:s4] =	ssyncset.done $0x0  }
0x74: {  	[sflag:s4] =	ssyncadd.s32 $0xFFFFF800  }
0x75: {  	_ =	swait.ge [sflag:s4], $0x800  }
0x76: {  	[sflag:s4] =	ssyncset.done $0x0  }
0x77: {  	[sflag:s4] =	ssyncadd.s32 $0xFFFFF800  }
0x78: {  	[hbm4b:s21+s2] =	stream.linear.scatter [tilespmem:s1], [sflag:$0x3], $0x2000, $0x38;
	[tilespmem:$0x1E710] =	vst v63  }
0x79: {  	_ =	swait.ge [sflag:s29], $0x2000  }
0x7a: {  	[sflag:s29] =	ssyncset.done $0x0  }
0x7b: {  	s11 =	rddreg [dreg:$0x6];
	[sflag:s29] =	ssyncadd.s32 $0xFFFFE000  }
0x7c: {  	[tilespmem:s30], [sflag:$0x3] =	stream.linear.gather [hbm4b:s11+s2], $0xC80, $0x38;
	[tilespmem:$0x1E710] =	vst v63  }
0x7d: {  	_ =	swait.ge [sflag:s29], $0xC80  }
0x7e: {  	[sflag:s29] =	ssyncset.done $0x0  }
0x7f: {  	s12 =	rddreg [dreg:$0xe];
	[sflag:s29] =	ssyncadd.s32 $0xFFFFF380  }
0x80: {  	[tilespmem:s5], [sflag:$0x2] =	stream.linear.gather [hbm4b:s12+s2], $0xE00, $0x38;
	[tilespmem:$0x1E710] =	vst v63  }
0x81: {  	_ = 	snop  }
0x82: {  	[tilespmem:s1], [sflag:$0x2] =	stream.indirect.gather [hbm4b:s23+s30], $0x10, s30, s30, $0xb8;
	[tilespmem:$0x1E710] =	vst v63  }
0x83: {  	_ =	swait.ge [sflag:s6], $0xE00  }
0x84: {  	[sflag:s6] =	ssyncset.done $0x0  }
0x85: {  	[sflag:s6] =	ssyncadd.s32 $0xFFFFF200  }
0x86: {  	_ =	swait.ge [sflag:s6], $0xC800  }
0x87: {  	[sflag:s6] =	ssyncset.done $0x0  }
0x88: {  	s8 =	simm.s32 $0x3690;
	[sflag:s6] =	ssyncadd.s32 $0xFFFF3800  }
0x89: {  	v8 =	vld [tilespmem:s8+$0x170]  }
0x8a: {  	v9 =	vld [tilespmem:s8+$0x150]  }
0x8b: {  	v10 =	vld [tilespmem:s8+$0x130]  }
0x8c: {  	v11 =	vld [tilespmem:s8+$0x110]  }
0x8d: {  	v12 =	vld [tilespmem:s8+$0xF0]  }
0x8e: {  	v14 =	vld [tilespmem:s8+$0xD0]  }
0x8f: {  	v13 =	vld [tilespmem:s8+$0xB0]  }
0x90: {  	v17 =	vld [tilespmem:s8+$0x90]  }
0x91: {  	v15 =	vld [tilespmem:s8+$0x70]  }
0x92: {  	v20 =	vld [tilespmem:s8+$0x50]  }
0x93: {  	v16 =	vld [tilespmem:s8+$0x30]  }
0x94: {  	v22 =	vld [tilespmem:s8+$0x10]  }
0x95: {  	v18 =	vld [tilespmem:s8+$0xFFFFFFF0]  }
0x96: {  	v24 =	vld [tilespmem:s8+$0xFFFFFFD0]  }
0x97: {  	v19 =	vld [tilespmem:s8+$0xFFFFFFB0]  }
0x98: {  	v26 =	vld [tilespmem:s8+$0xFFFFFF90]  }
0x99: {  	v21 =	vld [tilespmem:s8+$0xFFFFFF70]  }
0x9a: {  	v27 =	vld [tilespmem:s8+$0xFFFFFF50]  }
0x9b: {  	v23 =	vld [tilespmem:s8+$0xFFFFFF30]  }
0x9c: {  	v28 =	vld [tilespmem:s8+$0xFFFFFF10]  }
0x9d: {  	v25 =	vld [tilespmem:s8+$0xFFFFFEF0]  }
0x9e: {  	v30 =	vld [tilespmem:s8+$0xFFFFFE90]  }
0x9f: {  	s10 =	simm.s32 $0x1920;
	v32 =	vld [tilespmem:s8+$0xFFFFFED0]  }
0xa0: {  	v29 =	vld [tilespmem:s10+$0xFFFFFFF0]  }
0xa1: {  	s9 =	simm.s32 $0x0;
	s11 =	simm.s32 $0x40;
	v31 =	vld [tilespmem:s10+$0xFFFFFFE0]  }
.LBB2_2:
0xa2: {  	p0 =	sne.s32 s11, $0xFC0;
	v33 =	vld [tilespmem:s8+$0xFFFFFEA0]  }
0xa3: {  	v34 =	vld [tilespmem:s10+$0x0]  }
0xa4: {  	v35 =	vld [tilespmem:s8+$0xFFFFFEB0];
	v30 =	vadd.f32 v32, v30  }
0xa5: {  	v32 =	vld [tilespmem:s10+$0x2]  }
0xa6: {  	vm1 =	veq.s32 v29, $0x0;
	v36 =	vld [tilespmem:s8+$0xFFFFFE70];
	v28 =	vadd.f32 v28, v30;
	vm0 =	veq.s32 v31, $0x0  }
0xa7: {  	v31 =	vsel vm1, $0x3F800000, v5;
	v29 =	vld [tilespmem:s8+$0xFFFFFE80];
	v30 =	vsel vm0, $0x3F800000, v5  }
0xa8: {  	v37 =	vld [tilespmem:s8+$0xFFFFFEC0];
	v27 =	vadd.f32 v27, v28;
	v28 =	vadd.f32 v31, v30;
	vm0 =	veq.s32 v34, $0x0  }
0xa9: {  	v30 =	vld [tilespmem:s8+$0xFFFFFEE0];
	v31 =	vsel vm0, $0x3F800000, v5  }
0xaa: {  	v34 =	vld [tilespmem:s8+$0xFFFFFF00];
	v26 =	vadd.f32 v26, v27;
	v27 =	vadd.f32 v31, v28;
	vm0 =	veq.s32 v32, $0x0  }
0xab: {  	v28 =	vld [tilespmem:s8+$0xFFFFFF20];
	v31 =	vnsel vm0, $0x0, v1  }
0xac: {  	v32 =	vld [tilespmem:s8+$0xFFFFFF40];
	v24 =	vadd.f32 v24, v26;
	v26 =	vadd.f32 v31, v27  }
0xad: {  	v27 =	vadd.f32 v35, v36;
	v29 =	vadd.f32 v37, v29;
	v31 =	vld [tilespmem:s8+$0xFFFFFF60]  }
0xae: {  	v30 =	vadd.f32 v30, v33;
	v33 =	vld [tilespmem:s8+$0xFFFFFF80];
	v22 =	vadd.f32 v22, v24;
	v24 =	vperm.xlane v26, v0  }
0xaf: {  	v25 =	vadd.f32 v25, v27;
	v27 =	vadd.f32 v34, v29;
	v29 =	vld [tilespmem:s8+$0xFFFFFFA0]  }
0xb0: {  	v28 =	vadd.f32 v28, v30;
	v30 =	vld [tilespmem:s8+$0xFFFFFFC0];
	v24 =	vadd.f32 v26, v24  }
0xb1: {  	v23 =	vadd.f32 v23, v25;
	v25 =	vadd.f32 v32, v27;
	v26 =	vld [tilespmem:s8+$0xFFFFFFE0]  }
0xb2: {  	v20 =	vadd.f32 v20, v22;
	v27 =	vadd.f32 v31, v28;
	v28 =	vld [tilespmem:s8+$0x0];
	v22 =	vperm.xlane v24, v2  }
0xb3: {  	v21 =	vadd.f32 v21, v23;
	v23 =	vadd.f32 v33, v25;
	v25 =	vld [tilespmem:s8+$0x20]  }
0xb4: {  	v27 =	vadd.f32 v29, v27;
	v29 =	vld [tilespmem:s8+$0x40];
	v22 =	vadd.f32 v24, v22  }
0xb5: {  	v19 =	vadd.f32 v19, v21;
	v21 =	vadd.f32 v30, v23;
	v23 =	vld [tilespmem:s8+$0x60]  }
0xb6: {  	v17 =	vadd.f32 v17, v20;
	v24 =	vadd.f32 v26, v27;
	v26 =	vld [tilespmem:s8+$0x80];
	v20 =	vperm.xlane v22, v4  }
0xb7: {  	v18 =	vadd.f32 v18, v19;
	v19 =	vadd.f32 v28, v21;
	v21 =	vld [tilespmem:s8+$0xA0]  }
0xb8: {  	v24 =	vadd.f32 v25, v24;
	v25 =	vld [tilespmem:s8+$0xC0];
	v20 =	vadd.f32 v22, v20  }
0xb9: {  	v16 =	vadd.f32 v16, v18;
	v18 =	vadd.f32 v29, v19;
	v19 =	vld [tilespmem:s8+$0xE0]  }
0xba: {  	v14 =	vadd.f32 v14, v17;
	v22 =	vadd.f32 v23, v24;
	v17 =	vld [tilespmem:s8+$0x100];
	v23 =	vperm.xlane v20, v6  }
0xbb: {  	v15 =	vadd.f32 v15, v16;
	v16 =	vadd.f32 v26, v18;
	v18 =	vld [tilespmem:s8+$0x120]  }
0xbc: {  	v21 =	vadd.f32 v21, v22;
	v22 =	vld [tilespmem:s8+$0x140];
	v20 =	vadd.f32 v20, v23  }
0xbd: {  	v13 =	vadd.f32 v13, v15;
	v15 =	vadd.f32 v25, v16;
	v16 =	vld [tilespmem:s8+$0x160]  }
0xbe: {  	v19 =	vadd.f32 v19, v21;
	v21 =	vld [tilespmem:s8+$0x180];
	v23 =	vsub.f32 $5.000000000e+01, v20  }
0xbf: {  	v12 =	vadd.f32 v12, v13;
	v13 =	vadd.f32 v17, v15  }
0xc0: {  	v11 =	vadd.f32 v11, v14;
	v14 =	vadd.f32 v18, v19;
	v15 =	vmax.f32 v23, $9.999999710e-10  }
0xc1: {  	v10 =	vadd.f32 v10, v12;
	v12 =	vadd.f32 v22, v13;
	(erf) = vrcp.f32 v15  }
0xc2: {  	v9 =	vadd.f32 v9, v11;
	v11 =	vadd.f32 v16, v14  }
0xc3: {  	v8 =	vadd.f32 v8, v10;
	v10 =	vadd.f32 v21, v12;
	_ =	sdelay $0x1  }
0xc4: {  	v9 =	vadd.f32 v11, v9;
	v8 =	vadd.f32 v10, v8;
	_ =	sdelay $0x1  }
0xc5: {  	v10 =	vmul.f32 v20, v7;
	v8 =	vadd.f32 v8, v9;
	_ =	sdelay $0x1  }
0xc6: {  	v8 =	vsub.f32 v8, v10  }
0xc7: {  	v9 =	vpop (erf)  }
0xc8: {  	v8 =	vmul.f32 v9, v8  }
0xc9: {  	s12 =	sshra.s32 s9, $0x2;
	s9 =	smov.u32 s11  }
0xca: {  	s8 =	sadd.s32 $0x320, s8;
	[tilespmem:s12+$0x1C700] =	vst v8  }
0xcb: {  	v8 =	vld [tilespmem:s8+$0x170]  }
0xcc: {  	v9 =	vld [tilespmem:s8+$0x150]  }
0xcd: {  	v10 =	vld [tilespmem:s8+$0x130]  }
0xce: {  	v11 =	vld [tilespmem:s8+$0x110]  }
0xcf: {  	v12 =	vld [tilespmem:s8+$0xF0]  }
0xd0: {  	v14 =	vld [tilespmem:s8+$0xD0]  }
0xd1: {  	v13 =	vld [tilespmem:s8+$0xB0]  }
0xd2: {  	v17 =	vld [tilespmem:s8+$0x90]  }
0xd3: {  	v15 =	vld [tilespmem:s8+$0x70]  }
0xd4: {  	v20 =	vld [tilespmem:s8+$0x50]  }
0xd5: {  	v16 =	vld [tilespmem:s8+$0x30]  }
0xd6: {  	v22 =	vld [tilespmem:s8+$0x10]  }
0xd7: {  	v18 =	vld [tilespmem:s8+$0xFFFFFFF0]  }
0xd8: {  	v24 =	vld [tilespmem:s8+$0xFFFFFFD0]  }
0xd9: {  	v19 =	vld [tilespmem:s8+$0xFFFFFFB0]  }
0xda: {  	v26 =	vld [tilespmem:s8+$0xFFFFFF90]  }
0xdb: {  	v21 =	vld [tilespmem:s8+$0xFFFFFF70]  }
0xdc: {  	v27 =	vld [tilespmem:s8+$0xFFFFFF50]  }
0xdd: {  	v23 =	vld [tilespmem:s8+$0xFFFFFF30]  }
0xde: {  	v28 =	vld [tilespmem:s8+$0xFFFFFF10]  }
.Ltmp0:
0xdf: {  	v25 =	vld [tilespmem:s8+$0xFFFFFEF0];
	(pc) =	sbr.rel @p0 .LBB2_2-.Ltmp0, $4  }
0xe0: {  	v30 =	vld [tilespmem:s8+$0xFFFFFE90]  }
0xe1: {  	s10 =	sadd.s32 $0x38, s10;
	v32 =	vld [tilespmem:s8+$0xFFFFFED0]  }
0xe2: {  	v29 =	vld [tilespmem:s10+$0xFFFFFFF0]  }
0xe3: {  	s11 =	sadd.s32 $0x40, s11;
	v31 =	vld [tilespmem:s10+$0xFFFFFFE0]  }
0xe4: {  	v33 =	vld [tilespmem:s8+$0xFFFFFEA0]  }
0xe5: {  	v34 =	vld [tilespmem:s10+$0x0]  }
0xe6: {  	v35 =	vld [tilespmem:s8+$0xFFFFFEB0];
	v30 =	vadd.f32 v32, v30  }
0xe7: {  	v60 =	vld [tilespmem:s10+$0x2]  }
0xe8: {  	v36 =	vld [tilespmem:s8+$0xFFFFFE70];
	vm1 =	veq.s32 v29, $0x0;
	v28 =	vadd.f32 v28, v30;
	vm0 =	veq.s32 v31, $0x0  }
0xe9: {  	v37 =	vld [tilespmem:s8+$0xFFFFFEC0];
	v31 =	vsel vm1, $0x3F800000, v5;
	v30 =	vsel vm0, $0x3F800000, v5  }
0xea: {  	v29 =	vld [tilespmem:s8+$0xFFFFFE80];
	vm14 =	veq.s32 v34, $0x0;
	v27 =	vadd.f32 v27, v28;
	v28 =	vadd.f32 v31, v30  }
0xeb: {  	v30 =	vld [tilespmem:s8+$0xFFFFFEE0];
	v31 =	vsel vm14, $0x3F800000, v5  }
0xec: {  	v61 =	vld [tilespmem:s8+$0xFFFFFF00];
	vm15 =	veq.s32 v60, $0x0;
	v26 =	vadd.f32 v26, v27;
	v27 =	vadd.f32 v31, v28  }
0xed: {  	v28 =	vld [tilespmem:s8+$0xFFFFFF20];
	v31 =	vnsel vm15, $0x0, v1  }
0xee: {  	v62 =	vld [tilespmem:s8+$0xFFFFFF40];
	v24 =	vadd.f32 v24, v26;
	v26 =	vadd.f32 v31, v27  }
0xef: {  	v29 =	vadd.f32 v37, v29;
	v27 =	vadd.f32 v35, v36;
	v31 =	vld [tilespmem:s8+$0xFFFFFF60]  }
0xf0: {  	v63 =	vld [tilespmem:s8+$0xFFFFFF80];
	v30 =	vadd.f32 v30, v33;
	v22 =	vadd.f32 v22, v24;
	v24 =	vperm.xlane v26, v0  }
0xf1: {  	v25 =	vadd.f32 v25, v27;
	v27 =	vadd.f32 v61, v29;
	v29 =	vld [tilespmem:s8+$0xFFFFFFA0]  }
0xf2: {  	v28 =	vadd.f32 v28, v30;
	v30 =	vld [tilespmem:s8+$0xFFFFFFC0];
	v24 =	vadd.f32 v26, v24  }
0xf3: {  	v23 =	vadd.f32 v23, v25;
	v25 =	vadd.f32 v62, v27;
	v26 =	vld [tilespmem:s8+$0xFFFFFFE0]  }
0xf4: {  	v20 =	vadd.f32 v20, v22;
	v27 =	vadd.f32 v31, v28;
	v28 =	vld [tilespmem:s8+$0x0];
	v22 =	vperm.xlane v24, v2  }
0xf5: {  	v21 =	vadd.f32 v21, v23;
	v23 =	vadd.f32 v63, v25;
	v25 =	vld [tilespmem:s8+$0x20]  }
0xf6: {  	v27 =	vadd.f32 v29, v27;
	v29 =	vld [tilespmem:s8+$0x40];
	v22 =	vadd.f32 v24, v22  }
0xf7: {  	v19 =	vadd.f32 v19, v21;
	v21 =	vadd.f32 v30, v23;
	v23 =	vld [tilespmem:s8+$0x60]  }
0xf8: {  	v17 =	vadd.f32 v17, v20;
	v24 =	vadd.f32 v26, v27;
	v26 =	vld [tilespmem:s8+$0x80];
	v20 =	vperm.xlane v22, v4  }
0xf9: {  	v18 =	vadd.f32 v18, v19;
	v19 =	vadd.f32 v28, v21;
	v21 =	vld [tilespmem:s8+$0xA0]  }
0xfa: {  	v24 =	vadd.f32 v25, v24;
	v25 =	vld [tilespmem:s8+$0xC0];
	v20 =	vadd.f32 v22, v20  }
0xfb: {  	v16 =	vadd.f32 v16, v18;
	v18 =	vadd.f32 v29, v19;
	v19 =	vld [tilespmem:s8+$0xE0]  }
0xfc: {  	v14 =	vadd.f32 v14, v17;
	v17 =	vld [tilespmem:s8+$0x100];
	v22 =	vadd.f32 v23, v24;
	v23 =	vperm.xlane v20, v6  }
0xfd: {  	v15 =	vadd.f32 v15, v16;
	v16 =	vadd.f32 v26, v18;
	v18 =	vld [tilespmem:s8+$0x120]  }
0xfe: {  	v21 =	vadd.f32 v21, v22;
	v22 =	vld [tilespmem:s8+$0x140];
	v20 =	vadd.f32 v20, v23  }
0xff: {  	v13 =	vadd.f32 v13, v15;
	v15 =	vadd.f32 v25, v16;
	v16 =	vld [tilespmem:s8+$0x160]  }
0x100: {  	v19 =	vadd.f32 v19, v21;
	v21 =	vld [tilespmem:s8+$0x180];
	v23 =	vsub.f32 $5.000000000e+01, v20  }
0x101: {  	v12 =	vadd.f32 v12, v13;
	v13 =	vadd.f32 v17, v15  }
0x102: {  	v11 =	vadd.f32 v11, v14;
	v14 =	vadd.f32 v18, v19  }
0x103: {  	v15 =	vmax.f32 v23, $9.999999710e-10;
	v10 =	vadd.f32 v10, v12;
	v12 =	vadd.f32 v22, v13  }
0x104: {  	v9 =	vadd.f32 v9, v11;
	(erf) = vrcp.f32 v15;
	v11 =	vadd.f32 v16, v14  }
0x105: {  	v8 =	vadd.f32 v8, v10;
	v10 =	vadd.f32 v21, v12;
	_ =	sdelay $0x1  }
0x106: {  	v9 =	vadd.f32 v11, v9;
	v8 =	vadd.f32 v10, v8;
	_ =	sdelay $0x1  }
0x107: {  	v8 =	vadd.f32 v8, v9;
	v9 =	vmul.f32 v20, v7;
	_ =	sdelay $0x2  }
0x108: {  	v8 =	vsub.f32 v8, v9  }
0x109: {  	v9 =	vpop (erf)  }
0x10a: {  	v8 =	vmul.f32 v9, v8  }
0x10b: {  	s11 =	sshra.s32 s9, $0x2  }
0x10c: {  	s12 =	rddreg [dreg:$0x7];
	s8 =	simm.s32 $0x0;
	[tilespmem:s11+$0x1C700] =	vst v8  }
0x10d: {  	[tilespmem:s8], [sflag:$0x3] =	stream.linear.gather [hbm4b:s12+s8], $0xC80, $0x38;
	[tilespmem:$0x1E710] =	vst v63  }
0x10e: {  	_ =	swait.ge [sflag:s29], $0xC80  }
0x10f: {  	[sflag:s29] =	ssyncset.done $0x0  }
0x110: {  	[sflag:s29] =	ssyncadd.s32 $0xFFFFF380  }
0x111: {  	[tilespmem:s0], [sflag:$0x1] =	stream.linear.gather [hbm4b:s13+s8], $0xE00, $0x38;
	[tilespmem:$0x1E710] =	vst v63  }
0x112: {  	_ = 	snop  }
0x113: {  	[tilespmem:s28], [sflag:$0x1] =	stream.indirect.gather [hbm4b:s23+s30], $0x10, s8, s30, $0xb8;
	[tilespmem:$0x1E710] =	vst v63  }
0x114: {  	_ =	swait.ge [sflag:s4], $0xE00  }
0x115: {  	[sflag:s4] =	ssyncset.done $0x0  }
0x116: {  	[sflag:s4] =	ssyncadd.s32 $0xFFFFF200  }
0x117: {  	_ =	swait.ge [sflag:s4], $0xC800  }
0x118: {  	[sflag:s4] =	ssyncset.done $0x0  }
0x119: {  	s9 =	simm.s32 $0xFE90;
	[sflag:s4] =	ssyncadd.s32 $0xFFFF3800  }
0x11a: {  	v8 =	vld [tilespmem:s9+$0x170]  }
0x11b: {  	v9 =	vld [tilespmem:s9+$0x150]  }
0x11c: {  	v10 =	vld [tilespmem:s9+$0x130]  }
0x11d: {  	v11 =	vld [tilespmem:s9+$0x110]  }
0x11e: {  	v12 =	vld [tilespmem:s9+$0xF0]  }
0x11f: {  	v14 =	vld [tilespmem:s9+$0xD0]  }
0x120: {  	v13 =	vld [tilespmem:s9+$0xB0]  }
0x121: {  	v17 =	vld [tilespmem:s9+$0x90]  }
0x122: {  	v15 =	vld [tilespmem:s9+$0x70]  }
0x123: {  	v20 =	vld [tilespmem:s9+$0x50]  }
0x124: {  	v16 =	vld [tilespmem:s9+$0x30]  }
0x125: {  	v22 =	vld [tilespmem:s9+$0x10]  }
0x126: {  	v18 =	vld [tilespmem:s9+$0xFFFFFFF0]  }
0x127: {  	v24 =	vld [tilespmem:s9+$0xFFFFFFD0]  }
0x128: {  	v19 =	vld [tilespmem:s9+$0xFFFFFFB0]  }
0x129: {  	v26 =	vld [tilespmem:s9+$0xFFFFFF90]  }
0x12a: {  	v21 =	vld [tilespmem:s9+$0xFFFFFF70]  }
0x12b: {  	v27 =	vld [tilespmem:s9+$0xFFFFFF50]  }
0x12c: {  	v23 =	vld [tilespmem:s9+$0xFFFFFF30]  }
0x12d: {  	v28 =	vld [tilespmem:s9+$0xFFFFFF10]  }
0x12e: {  	v25 =	vld [tilespmem:s9+$0xFFFFFEF0]  }
0x12f: {  	v30 =	vld [tilespmem:s9+$0xFFFFFE90]  }
0x130: {  	s10 =	simm.s32 $0x2720;
	v32 =	vld [tilespmem:s9+$0xFFFFFED0]  }
0x131: {  	v29 =	vld [tilespmem:s10+$0xFFFFFFF0]  }
0x132: {  	s11 =	simm.s32 $0x40;
	v31 =	vld [tilespmem:s10+$0xFFFFFFE0]  }
.LBB2_4:
0x133: {  	p0 =	sne.s32 s11, $0xFC0;
	v33 =	vld [tilespmem:s9+$0xFFFFFEA0]  }
0x134: {  	v34 =	vld [tilespmem:s10+$0x0]  }
0x135: {  	v35 =	vld [tilespmem:s9+$0xFFFFFEB0];
	v30 =	vadd.f32 v32, v30  }
0x136: {  	v32 =	vld [tilespmem:s10+$0x2]  }
0x137: {  	vm1 =	veq.s32 v29, $0x0;
	v36 =	vld [tilespmem:s9+$0xFFFFFE70];
	v28 =	vadd.f32 v28, v30;
	vm0 =	veq.s32 v31, $0x0  }
0x138: {  	v31 =	vsel vm1, $0x3F800000, v5;
	v29 =	vld [tilespmem:s9+$0xFFFFFE80];
	v30 =	vsel vm0, $0x3F800000, v5  }
0x139: {  	v37 =	vld [tilespmem:s9+$0xFFFFFEC0];
	v27 =	vadd.f32 v27, v28;
	v28 =	vadd.f32 v31, v30;
	vm0 =	veq.s32 v34, $0x0  }
0x13a: {  	v30 =	vld [tilespmem:s9+$0xFFFFFEE0];
	v31 =	vsel vm0, $0x3F800000, v5  }
0x13b: {  	v34 =	vld [tilespmem:s9+$0xFFFFFF00];
	v26 =	vadd.f32 v26, v27;
	v27 =	vadd.f32 v31, v28;
	vm0 =	veq.s32 v32, $0x0  }
0x13c: {  	v28 =	vld [tilespmem:s9+$0xFFFFFF20];
	v31 =	vnsel vm0, $0x0, v1  }
0x13d: {  	v32 =	vld [tilespmem:s9+$0xFFFFFF40];
	v24 =	vadd.f32 v24, v26;
	v26 =	vadd.f32 v31, v27  }
0x13e: {  	v27 =	vadd.f32 v35, v36;
	v29 =	vadd.f32 v37, v29;
	v31 =	vld [tilespmem:s9+$0xFFFFFF60]  }
0x13f: {  	v30 =	vadd.f32 v30, v33;
	v33 =	vld [tilespmem:s9+$0xFFFFFF80];
	v22 =	vadd.f32 v22, v24;
	v24 =	vperm.xlane v26, v0  }
0x140: {  	v25 =	vadd.f32 v25, v27;
	v27 =	vadd.f32 v34, v29;
	v29 =	vld [tilespmem:s9+$0xFFFFFFA0]  }
0x141: {  	v28 =	vadd.f32 v28, v30;
	v30 =	vld [tilespmem:s9+$0xFFFFFFC0];
	v24 =	vadd.f32 v26, v24  }
0x142: {  	v23 =	vadd.f32 v23, v25;
	v25 =	vadd.f32 v32, v27;
	v26 =	vld [tilespmem:s9+$0xFFFFFFE0]  }
0x143: {  	v20 =	vadd.f32 v20, v22;
	v27 =	vadd.f32 v31, v28;
	v28 =	vld [tilespmem:s9+$0x0];
	v22 =	vperm.xlane v24, v2  }
0x144: {  	v21 =	vadd.f32 v21, v23;
	v23 =	vadd.f32 v33, v25;
	v25 =	vld [tilespmem:s9+$0x20]  }
0x145: {  	v27 =	vadd.f32 v29, v27;
	v29 =	vld [tilespmem:s9+$0x40];
	v22 =	vadd.f32 v24, v22  }
0x146: {  	v19 =	vadd.f32 v19, v21;
	v21 =	vadd.f32 v30, v23;
	v23 =	vld [tilespmem:s9+$0x60]  }
0x147: {  	v17 =	vadd.f32 v17, v20;
	v24 =	vadd.f32 v26, v27;
	v26 =	vld [tilespmem:s9+$0x80];
	v20 =	vperm.xlane v22, v4  }
0x148: {  	v18 =	vadd.f32 v18, v19;
	v19 =	vadd.f32 v28, v21;
	v21 =	vld [tilespmem:s9+$0xA0]  }
0x149: {  	v24 =	vadd.f32 v25, v24;
	v25 =	vld [tilespmem:s9+$0xC0];
	v20 =	vadd.f32 v22, v20  }
0x14a: {  	v16 =	vadd.f32 v16, v18;
	v18 =	vadd.f32 v29, v19;
	v19 =	vld [tilespmem:s9+$0xE0]  }
0x14b: {  	v14 =	vadd.f32 v14, v17;
	v22 =	vadd.f32 v23, v24;
	v17 =	vld [tilespmem:s9+$0x100];
	v23 =	vperm.xlane v20, v6  }
0x14c: {  	v15 =	vadd.f32 v15, v16;
	v16 =	vadd.f32 v26, v18;
	v18 =	vld [tilespmem:s9+$0x120]  }
0x14d: {  	v21 =	vadd.f32 v21, v22;
	v22 =	vld [tilespmem:s9+$0x140];
	v20 =	vadd.f32 v20, v23  }
0x14e: {  	v13 =	vadd.f32 v13, v15;
	v15 =	vadd.f32 v25, v16;
	v16 =	vld [tilespmem:s9+$0x160]  }
0x14f: {  	v19 =	vadd.f32 v19, v21;
	v21 =	vld [tilespmem:s9+$0x180];
	v23 =	vsub.f32 $5.000000000e+01, v20  }
0x150: {  	v12 =	vadd.f32 v12, v13;
	v13 =	vadd.f32 v17, v15  }
0x151: {  	v11 =	vadd.f32 v11, v14;
	v14 =	vadd.f32 v18, v19;
	v15 =	vmax.f32 v23, $9.999999710e-10  }
0x152: {  	v10 =	vadd.f32 v10, v12;
	v12 =	vadd.f32 v22, v13;
	(erf) = vrcp.f32 v15  }
0x153: {  	v9 =	vadd.f32 v9, v11;
	v11 =	vadd.f32 v16, v14  }
0x154: {  	v8 =	vadd.f32 v8, v10;
	v10 =	vadd.f32 v21, v12;
	_ =	sdelay $0x1  }
0x155: {  	v9 =	vadd.f32 v11, v9;
	v8 =	vadd.f32 v10, v8;
	_ =	sdelay $0x1  }
0x156: {  	v10 =	vmul.f32 v20, v7;
	v8 =	vadd.f32 v8, v9;
	_ =	sdelay $0x1  }
0x157: {  	v8 =	vsub.f32 v8, v10  }
0x158: {  	v9 =	vpop (erf)  }
0x159: {  	v8 =	vmul.f32 v9, v8  }
0x15a: {  	s12 =	sshra.s32 s8, $0x2;
	s8 =	smov.u32 s11  }
0x15b: {  	s9 =	sadd.s32 $0x320, s9;
	[tilespmem:s12+$0x1CB00] =	vst v8  }
0x15c: {  	v8 =	vld [tilespmem:s9+$0x170]  }
0x15d: {  	v9 =	vld [tilespmem:s9+$0x150]  }
0x15e: {  	v10 =	vld [tilespmem:s9+$0x130]  }
0x15f: {  	v11 =	vld [tilespmem:s9+$0x110]  }
0x160: {  	v12 =	vld [tilespmem:s9+$0xF0]  }
0x161: {  	v14 =	vld [tilespmem:s9+$0xD0]  }
0x162: {  	v13 =	vld [tilespmem:s9+$0xB0]  }
0x163: {  	v17 =	vld [tilespmem:s9+$0x90]  }
0x164: {  	v15 =	vld [tilespmem:s9+$0x70]  }
0x165: {  	v20 =	vld [tilespmem:s9+$0x50]  }
0x166: {  	v16 =	vld [tilespmem:s9+$0x30]  }
0x167: {  	v22 =	vld [tilespmem:s9+$0x10]  }
0x168: {  	v18 =	vld [tilespmem:s9+$0xFFFFFFF0]  }
0x169: {  	v24 =	vld [tilespmem:s9+$0xFFFFFFD0]  }
0x16a: {  	v19 =	vld [tilespmem:s9+$0xFFFFFFB0]  }
0x16b: {  	v26 =	vld [tilespmem:s9+$0xFFFFFF90]  }
0x16c: {  	v21 =	vld [tilespmem:s9+$0xFFFFFF70]  }
0x16d: {  	v27 =	vld [tilespmem:s9+$0xFFFFFF50]  }
0x16e: {  	v23 =	vld [tilespmem:s9+$0xFFFFFF30]  }
0x16f: {  	v28 =	vld [tilespmem:s9+$0xFFFFFF10]  }
.Ltmp1:
0x170: {  	v25 =	vld [tilespmem:s9+$0xFFFFFEF0];
	(pc) =	sbr.rel @p0 .LBB2_4-.Ltmp1, $4  }
0x171: {  	v30 =	vld [tilespmem:s9+$0xFFFFFE90]  }
0x172: {  	s10 =	sadd.s32 $0x38, s10;
	v32 =	vld [tilespmem:s9+$0xFFFFFED0]  }
0x173: {  	v29 =	vld [tilespmem:s10+$0xFFFFFFF0]  }
0x174: {  	s11 =	sadd.s32 $0x40, s11;
	v31 =	vld [tilespmem:s10+$0xFFFFFFE0]  }
0x175: {  	v33 =	vld [tilespmem:s9+$0xFFFFFEA0]  }
0x176: {  	v34 =	vld [tilespmem:s10+$0x0]  }
0x177: {  	v35 =	vld [tilespmem:s9+$0xFFFFFEB0];
	v30 =	vadd.f32 v32, v30  }
0x178: {  	v60 =	vld [tilespmem:s10+$0x2]  }
0x179: {  	v36 =	vld [tilespmem:s9+$0xFFFFFE70];
	vm1 =	veq.s32 v29, $0x0;
	v28 =	vadd.f32 v28, v30;
	vm0 =	veq.s32 v31, $0x0  }
0x17a: {  	v37 =	vld [tilespmem:s9+$0xFFFFFEC0];
	v31 =	vsel vm1, $0x3F800000, v5;
	v30 =	vsel vm0, $0x3F800000, v5  }
0x17b: {  	v29 =	vld [tilespmem:s9+$0xFFFFFE80];
	vm14 =	veq.s32 v34, $0x0;
	v27 =	vadd.f32 v27, v28;
	v28 =	vadd.f32 v31, v30  }
0x17c: {  	v30 =	vld [tilespmem:s9+$0xFFFFFEE0];
	v31 =	vsel vm14, $0x3F800000, v5  }
0x17d: {  	v61 =	vld [tilespmem:s9+$0xFFFFFF00];
	vm15 =	veq.s32 v60, $0x0;
	v26 =	vadd.f32 v26, v27;
	v27 =	vadd.f32 v31, v28  }
0x17e: {  	v28 =	vld [tilespmem:s9+$0xFFFFFF20];
	v31 =	vnsel vm15, $0x0, v1  }
0x17f: {  	v62 =	vld [tilespmem:s9+$0xFFFFFF40];
	v24 =	vadd.f32 v24, v26;
	v26 =	vadd.f32 v31, v27  }
0x180: {  	v29 =	vadd.f32 v37, v29;
	v27 =	vadd.f32 v35, v36;
	v31 =	vld [tilespmem:s9+$0xFFFFFF60]  }
0x181: {  	v63 =	vld [tilespmem:s9+$0xFFFFFF80];
	v30 =	vadd.f32 v30, v33;
	v22 =	vadd.f32 v22, v24;
	v24 =	vperm.xlane v26, v0  }
0x182: {  	v25 =	vadd.f32 v25, v27;
	v27 =	vadd.f32 v61, v29;
	v29 =	vld [tilespmem:s9+$0xFFFFFFA0]  }
0x183: {  	v28 =	vadd.f32 v28, v30;
	v30 =	vld [tilespmem:s9+$0xFFFFFFC0];
	v24 =	vadd.f32 v26, v24  }
0x184: {  	v23 =	vadd.f32 v23, v25;
	v25 =	vadd.f32 v62, v27;
	v26 =	vld [tilespmem:s9+$0xFFFFFFE0]  }
0x185: {  	v20 =	vadd.f32 v20, v22;
	v27 =	vadd.f32 v31, v28;
	v28 =	vld [tilespmem:s9+$0x0];
	v22 =	vperm.xlane v24, v2  }
0x186: {  	v21 =	vadd.f32 v21, v23;
	v23 =	vadd.f32 v63, v25;
	v25 =	vld [tilespmem:s9+$0x20]  }
0x187: {  	v27 =	vadd.f32 v29, v27;
	v29 =	vld [tilespmem:s9+$0x40];
	v22 =	vadd.f32 v24, v22  }
0x188: {  	v19 =	vadd.f32 v19, v21;
	v21 =	vadd.f32 v30, v23;
	v23 =	vld [tilespmem:s9+$0x60]  }
0x189: {  	v17 =	vadd.f32 v17, v20;
	v24 =	vadd.f32 v26, v27;
	v26 =	vld [tilespmem:s9+$0x80];
	v20 =	vperm.xlane v22, v4  }
0x18a: {  	v18 =	vadd.f32 v18, v19;
	v19 =	vadd.f32 v28, v21;
	v21 =	vld [tilespmem:s9+$0xA0]  }
0x18b: {  	v24 =	vadd.f32 v25, v24;
	v25 =	vld [tilespmem:s9+$0xC0];
	v20 =	vadd.f32 v22, v20  }
0x18c: {  	v16 =	vadd.f32 v16, v18;
	v18 =	vadd.f32 v29, v19;
	v19 =	vld [tilespmem:s9+$0xE0]  }
0x18d: {  	v14 =	vadd.f32 v14, v17;
	v17 =	vld [tilespmem:s9+$0x100];
	v22 =	vadd.f32 v23, v24;
	v23 =	vperm.xlane v20, v6  }
0x18e: {  	v15 =	vadd.f32 v15, v16;
	v16 =	vadd.f32 v26, v18;
	v18 =	vld [tilespmem:s9+$0x120]  }
0x18f: {  	v21 =	vadd.f32 v21, v22;
	v22 =	vld [tilespmem:s9+$0x140];
	v20 =	vadd.f32 v20, v23  }
0x190: {  	v13 =	vadd.f32 v13, v15;
	v15 =	vadd.f32 v25, v16;
	v16 =	vld [tilespmem:s9+$0x160]  }
0x191: {  	v19 =	vadd.f32 v19, v21;
	v21 =	vld [tilespmem:s9+$0x180];
	v23 =	vsub.f32 $5.000000000e+01, v20  }
0x192: {  	v12 =	vadd.f32 v12, v13;
	v13 =	vadd.f32 v17, v15  }
0x193: {  	v11 =	vadd.f32 v11, v14;
	v14 =	vadd.f32 v18, v19  }
0x194: {  	v15 =	vmax.f32 v23, $9.999999710e-10;
	v10 =	vadd.f32 v10, v12;
	v12 =	vadd.f32 v22, v13  }
0x195: {  	v9 =	vadd.f32 v9, v11;
	(erf) = vrcp.f32 v15;
	v11 =	vadd.f32 v16, v14  }
0x196: {  	v8 =	vadd.f32 v8, v10;
	v10 =	vadd.f32 v21, v12;
	_ =	sdelay $0x1  }
0x197: {  	v9 =	vadd.f32 v11, v9;
	v8 =	vadd.f32 v10, v8;
	_ =	sdelay $0x1  }
0x198: {  	v8 =	vadd.f32 v8, v9;
	v9 =	vmul.f32 v20, v7;
	_ =	sdelay $0x2  }
0x199: {  	v8 =	vsub.f32 v8, v9  }
0x19a: {  	v9 =	vpop (erf)  }
0x19b: {  	v8 =	vmul.f32 v9, v8  }
0x19c: {  	s8 =	sshra.s32 s8, $0x2  }
0x19d: {  	s12 =	rddreg [dreg:$0x8];
	[tilespmem:s8+$0x1CB00] =	vst v8;
	s8 =	simm.s32 $0x0  }
0x19e: {  	[tilespmem:s30], [sflag:$0x3] =	stream.linear.gather [hbm4b:s12+s8], $0xC80, $0x38;
	[tilespmem:$0x1E710] =	vst v63  }
0x19f: {  	_ =	swait.ge [sflag:s29], $0xC80  }
0x1a0: {  	[sflag:s29] =	ssyncset.done $0x0  }
0x1a1: {  	[sflag:s29] =	ssyncadd.s32 $0xFFFFF380  }
0x1a2: {  	[tilespmem:s5], [sflag:$0x2] =	stream.linear.gather [hbm4b:s14+s8], $0xE00, $0x38;
	[tilespmem:$0x1E710] =	vst v63  }
0x1a3: {  	_ = 	snop  }
0x1a4: {  	[tilespmem:s1], [sflag:$0x2] =	stream.indirect.gather [hbm4b:s23+s30], $0x10, s30, s30, $0xb8;
	[tilespmem:$0x1E710] =	vst v63  }
0x1a5: {  	_ =	swait.ge [sflag:s6], $0xE00  }
0x1a6: {  	[sflag:s6] =	ssyncset.done $0x0  }
0x1a7: {  	[sflag:s6] =	ssyncadd.s32 $0xFFFFF200  }
0x1a8: {  	_ =	swait.ge [sflag:s6], $0xC800  }
0x1a9: {  	[sflag:s6] =	ssyncset.done $0x0  }
0x1aa: {  	s9 =	simm.s32 $0x3690;
	[sflag:s6] =	ssyncadd.s32 $0xFFFF3800  }
0x1ab: {  	v8 =	vld [tilespmem:s9+$0x170]  }
0x1ac: {  	v9 =	vld [tilespmem:s9+$0x150]  }
0x1ad: {  	v10 =	vld [tilespmem:s9+$0x130]  }
0x1ae: {  	v11 =	vld [tilespmem:s9+$0x110]  }
0x1af: {  	v12 =	vld [tilespmem:s9+$0xF0]  }
0x1b0: {  	v14 =	vld [tilespmem:s9+$0xD0]  }
0x1b1: {  	v13 =	vld [tilespmem:s9+$0xB0]  }
0x1b2: {  	v17 =	vld [tilespmem:s9+$0x90]  }
0x1b3: {  	v15 =	vld [tilespmem:s9+$0x70]  }
0x1b4: {  	v20 =	vld [tilespmem:s9+$0x50]  }
0x1b5: {  	v16 =	vld [tilespmem:s9+$0x30]  }
0x1b6: {  	v22 =	vld [tilespmem:s9+$0x10]  }
0x1b7: {  	v18 =	vld [tilespmem:s9+$0xFFFFFFF0]  }
0x1b8: {  	v24 =	vld [tilespmem:s9+$0xFFFFFFD0]  }
0x1b9: {  	v19 =	vld [tilespmem:s9+$0xFFFFFFB0]  }
0x1ba: {  	v26 =	vld [tilespmem:s9+$0xFFFFFF90]  }
0x1bb: {  	v21 =	vld [tilespmem:s9+$0xFFFFFF70]  }
0x1bc: {  	v27 =	vld [tilespmem:s9+$0xFFFFFF50]  }
0x1bd: {  	v23 =	vld [tilespmem:s9+$0xFFFFFF30]  }
0x1be: {  	v28 =	vld [tilespmem:s9+$0xFFFFFF10]  }
0x1bf: {  	v25 =	vld [tilespmem:s9+$0xFFFFFEF0]  }
0x1c0: {  	v30 =	vld [tilespmem:s9+$0xFFFFFE90]  }
0x1c1: {  	s10 =	simm.s32 $0x1920;
	v32 =	vld [tilespmem:s9+$0xFFFFFED0]  }
0x1c2: {  	v29 =	vld [tilespmem:s10+$0xFFFFFFF0]  }
0x1c3: {  	s11 =	simm.s32 $0x40;
	v31 =	vld [tilespmem:s10+$0xFFFFFFE0]  }
.LBB2_6:
0x1c4: {  	p0 =	sne.s32 s11, $0xFC0;
	v33 =	vld [tilespmem:s9+$0xFFFFFEA0]  }
0x1c5: {  	v34 =	vld [tilespmem:s10+$0x0]  }
0x1c6: {  	v35 =	vld [tilespmem:s9+$0xFFFFFEB0];
	v30 =	vadd.f32 v32, v30  }
0x1c7: {  	v32 =	vld [tilespmem:s10+$0x2]  }
0x1c8: {  	vm1 =	veq.s32 v29, $0x0;
	v36 =	vld [tilespmem:s9+$0xFFFFFE70];
	v28 =	vadd.f32 v28, v30;
	vm0 =	veq.s32 v31, $0x0  }
0x1c9: {  	v31 =	vsel vm1, $0x3F800000, v5;
	v29 =	vld [tilespmem:s9+$0xFFFFFE80];
	v30 =	vsel vm0, $0x3F800000, v5  }
0x1ca: {  	v37 =	vld [tilespmem:s9+$0xFFFFFEC0];
	v27 =	vadd.f32 v27, v28;
	v28 =	vadd.f32 v31, v30;
	vm0 =	veq.s32 v34, $0x0  }
0x1cb: {  	v30 =	vld [tilespmem:s9+$0xFFFFFEE0];
	v31 =	vsel vm0, $0x3F800000, v5  }
0x1cc: {  	v34 =	vld [tilespmem:s9+$0xFFFFFF00];
	v26 =	vadd.f32 v26, v27;
	v27 =	vadd.f32 v31, v28;
	vm0 =	veq.s32 v32, $0x0  }
0x1cd: {  	v28 =	vld [tilespmem:s9+$0xFFFFFF20];
	v31 =	vnsel vm0, $0x0, v1  }
0x1ce: {  	v32 =	vld [tilespmem:s9+$0xFFFFFF40];
	v24 =	vadd.f32 v24, v26;
	v26 =	vadd.f32 v31, v27  }
0x1cf: {  	v27 =	vadd.f32 v35, v36;
	v29 =	vadd.f32 v37, v29;
	v31 =	vld [tilespmem:s9+$0xFFFFFF60]  }
0x1d0: {  	v30 =	vadd.f32 v30, v33;
	v33 =	vld [tilespmem:s9+$0xFFFFFF80];
	v22 =	vadd.f32 v22, v24;
	v24 =	vperm.xlane v26, v0  }
0x1d1: {  	v25 =	vadd.f32 v25, v27;
	v27 =	vadd.f32 v34, v29;
	v29 =	vld [tilespmem:s9+$0xFFFFFFA0]  }
0x1d2: {  	v28 =	vadd.f32 v28, v30;
	v30 =	vld [tilespmem:s9+$0xFFFFFFC0];
	v24 =	vadd.f32 v26, v24  }
0x1d3: {  	v23 =	vadd.f32 v23, v25;
	v25 =	vadd.f32 v32, v27;
	v26 =	vld [tilespmem:s9+$0xFFFFFFE0]  }
0x1d4: {  	v20 =	vadd.f32 v20, v22;
	v27 =	vadd.f32 v31, v28;
	v28 =	vld [tilespmem:s9+$0x0];
	v22 =	vperm.xlane v24, v2  }
0x1d5: {  	v21 =	vadd.f32 v21, v23;
	v23 =	vadd.f32 v33, v25;
	v25 =	vld [tilespmem:s9+$0x20]  }
0x1d6: {  	v27 =	vadd.f32 v29, v27;
	v29 =	vld [tilespmem:s9+$0x40];
	v22 =	vadd.f32 v24, v22  }
0x1d7: {  	v19 =	vadd.f32 v19, v21;
	v21 =	vadd.f32 v30, v23;
	v23 =	vld [tilespmem:s9+$0x60]  }
0x1d8: {  	v17 =	vadd.f32 v17, v20;
	v24 =	vadd.f32 v26, v27;
	v26 =	vld [tilespmem:s9+$0x80];
	v20 =	vperm.xlane v22, v4  }
0x1d9: {  	v18 =	vadd.f32 v18, v19;
	v19 =	vadd.f32 v28, v21;
	v21 =	vld [tilespmem:s9+$0xA0]  }
0x1da: {  	v24 =	vadd.f32 v25, v24;
	v25 =	vld [tilespmem:s9+$0xC0];
	v20 =	vadd.f32 v22, v20  }
0x1db: {  	v16 =	vadd.f32 v16, v18;
	v18 =	vadd.f32 v29, v19;
	v19 =	vld [tilespmem:s9+$0xE0]  }
0x1dc: {  	v14 =	vadd.f32 v14, v17;
	v22 =	vadd.f32 v23, v24;
	v17 =	vld [tilespmem:s9+$0x100];
	v23 =	vperm.xlane v20, v6  }
0x1dd: {  	v15 =	vadd.f32 v15, v16;
	v16 =	vadd.f32 v26, v18;
	v18 =	vld [tilespmem:s9+$0x120]  }
0x1de: {  	v21 =	vadd.f32 v21, v22;
	v22 =	vld [tilespmem:s9+$0x140];
	v20 =	vadd.f32 v20, v23  }
0x1df: {  	v13 =	vadd.f32 v13, v15;
	v15 =	vadd.f32 v25, v16;
	v16 =	vld [tilespmem:s9+$0x160]  }
0x1e0: {  	v19 =	vadd.f32 v19, v21;
	v21 =	vld [tilespmem:s9+$0x180];
	v23 =	vsub.f32 $5.000000000e+01, v20  }
0x1e1: {  	v12 =	vadd.f32 v12, v13;
	v13 =	vadd.f32 v17, v15  }
0x1e2: {  	v11 =	vadd.f32 v11, v14;
	v14 =	vadd.f32 v18, v19;
	v15 =	vmax.f32 v23, $9.999999710e-10  }
0x1e3: {  	v10 =	vadd.f32 v10, v12;
	v12 =	vadd.f32 v22, v13;
	(erf) = vrcp.f32 v15  }
0x1e4: {  	v9 =	vadd.f32 v9, v11;
	v11 =	vadd.f32 v16, v14  }
0x1e5: {  	v8 =	vadd.f32 v8, v10;
	v10 =	vadd.f32 v21, v12;
	_ =	sdelay $0x1  }
0x1e6: {  	v9 =	vadd.f32 v11, v9;
	v8 =	vadd.f32 v10, v8;
	_ =	sdelay $0x1  }
0x1e7: {  	v10 =	vmul.f32 v20, v7;
	v8 =	vadd.f32 v8, v9;
	_ =	sdelay $0x1  }
0x1e8: {  	v8 =	vsub.f32 v8, v10  }
0x1e9: {  	v9 =	vpop (erf)  }
0x1ea: {  	v8 =	vmul.f32 v9, v8  }
0x1eb: {  	s12 =	sshra.s32 s8, $0x2;
	s8 =	smov.u32 s11  }
0x1ec: {  	s9 =	sadd.s32 $0x320, s9;
	[tilespmem:s12+$0x1CF00] =	vst v8  }
0x1ed: {  	v8 =	vld [tilespmem:s9+$0x170]  }
0x1ee: {  	v9 =	vld [tilespmem:s9+$0x150]  }
0x1ef: {  	v10 =	vld [tilespmem:s9+$0x130]  }
0x1f0: {  	v11 =	vld [tilespmem:s9+$0x110]  }
0x1f1: {  	v12 =	vld [tilespmem:s9+$0xF0]  }
0x1f2: {  	v14 =	vld [tilespmem:s9+$0xD0]  }
0x1f3: {  	v13 =	vld [tilespmem:s9+$0xB0]  }
0x1f4: {  	v17 =	vld [tilespmem:s9+$0x90]  }
0x1f5: {  	v15 =	vld [tilespmem:s9+$0x70]  }
0x1f6: {  	v20 =	vld [tilespmem:s9+$0x50]  }
0x1f7: {  	v16 =	vld [tilespmem:s9+$0x30]  }
0x1f8: {  	v22 =	vld [tilespmem:s9+$0x10]  }
0x1f9: {  	v18 =	vld [tilespmem:s9+$0xFFFFFFF0]  }
0x1fa: {  	v24 =	vld [tilespmem:s9+$0xFFFFFFD0]  }
0x1fb: {  	v19 =	vld [tilespmem:s9+$0xFFFFFFB0]  }
0x1fc: {  	v26 =	vld [tilespmem:s9+$0xFFFFFF90]  }
0x1fd: {  	v21 =	vld [tilespmem:s9+$0xFFFFFF70]  }
0x1fe: {  	v27 =	vld [tilespmem:s9+$0xFFFFFF50]  }
0x1ff: {  	v23 =	vld [tilespmem:s9+$0xFFFFFF30]  }
0x200: {  	v28 =	vld [tilespmem:s9+$0xFFFFFF10]  }
.Ltmp2:
0x201: {  	v25 =	vld [tilespmem:s9+$0xFFFFFEF0];
	(pc) =	sbr.rel @p0 .LBB2_6-.Ltmp2, $4  }
0x202: {  	v30 =	vld [tilespmem:s9+$0xFFFFFE90]  }
0x203: {  	s10 =	sadd.s32 $0x38, s10;
	v32 =	vld [tilespmem:s9+$0xFFFFFED0]  }
0x204: {  	v29 =	vld [tilespmem:s10+$0xFFFFFFF0]  }
0x205: {  	s11 =	sadd.s32 $0x40, s11;
	v31 =	vld [tilespmem:s10+$0xFFFFFFE0]  }
0x206: {  	v33 =	vld [tilespmem:s9+$0xFFFFFEA0]  }
0x207: {  	v34 =	vld [tilespmem:s10+$0x0]  }
0x208: {  	v35 =	vld [tilespmem:s9+$0xFFFFFEB0];
	v30 =	vadd.f32 v32, v30  }
0x209: {  	v60 =	vld [tilespmem:s10+$0x2]  }
0x20a: {  	v36 =	vld [tilespmem:s9+$0xFFFFFE70];
	vm1 =	veq.s32 v29, $0x0;
	v28 =	vadd.f32 v28, v30;
	vm0 =	veq.s32 v31, $0x0  }
0x20b: {  	v37 =	vld [tilespmem:s9+$0xFFFFFEC0];
	v31 =	vsel vm1, $0x3F800000, v5;
	v30 =	vsel vm0, $0x3F800000, v5  }
0x20c: {  	v29 =	vld [tilespmem:s9+$0xFFFFFE80];
	vm14 =	veq.s32 v34, $0x0;
	v27 =	vadd.f32 v27, v28;
	v28 =	vadd.f32 v31, v30  }
0x20d: {  	v30 =	vld [tilespmem:s9+$0xFFFFFEE0];
	v31 =	vsel vm14, $0x3F800000, v5  }
0x20e: {  	v61 =	vld [tilespmem:s9+$0xFFFFFF00];
	vm15 =	veq.s32 v60, $0x0;
	v26 =	vadd.f32 v26, v27;
	v27 =	vadd.f32 v31, v28  }
0x20f: {  	v28 =	vld [tilespmem:s9+$0xFFFFFF20];
	v31 =	vnsel vm15, $0x0, v1  }
0x210: {  	v62 =	vld [tilespmem:s9+$0xFFFFFF40];
	v24 =	vadd.f32 v24, v26;
	v26 =	vadd.f32 v31, v27  }
0x211: {  	v29 =	vadd.f32 v37, v29;
	v27 =	vadd.f32 v35, v36;
	v31 =	vld [tilespmem:s9+$0xFFFFFF60]  }
0x212: {  	v63 =	vld [tilespmem:s9+$0xFFFFFF80];
	v30 =	vadd.f32 v30, v33;
	v22 =	vadd.f32 v22, v24;
	v24 =	vperm.xlane v26, v0  }
0x213: {  	v25 =	vadd.f32 v25, v27;
	v27 =	vadd.f32 v61, v29;
	v29 =	vld [tilespmem:s9+$0xFFFFFFA0]  }
0x214: {  	v28 =	vadd.f32 v28, v30;
	v30 =	vld [tilespmem:s9+$0xFFFFFFC0];
	v24 =	vadd.f32 v26, v24  }
0x215: {  	v23 =	vadd.f32 v23, v25;
	v25 =	vadd.f32 v62, v27;
	v26 =	vld [tilespmem:s9+$0xFFFFFFE0]  }
0x216: {  	v20 =	vadd.f32 v20, v22;
	v27 =	vadd.f32 v31, v28;
	v28 =	vld [tilespmem:s9+$0x0];
	v22 =	vperm.xlane v24, v2  }
0x217: {  	v21 =	vadd.f32 v21, v23;
	v23 =	vadd.f32 v63, v25;
	v25 =	vld [tilespmem:s9+$0x20]  }
0x218: {  	v27 =	vadd.f32 v29, v27;
	v29 =	vld [tilespmem:s9+$0x40];
	v22 =	vadd.f32 v24, v22  }
0x219: {  	v19 =	vadd.f32 v19, v21;
	v21 =	vadd.f32 v30, v23;
	v23 =	vld [tilespmem:s9+$0x60]  }
0x21a: {  	v17 =	vadd.f32 v17, v20;
	v24 =	vadd.f32 v26, v27;
	v26 =	vld [tilespmem:s9+$0x80];
	v20 =	vperm.xlane v22, v4  }
0x21b: {  	v18 =	vadd.f32 v18, v19;
	v19 =	vadd.f32 v28, v21;
	v21 =	vld [tilespmem:s9+$0xA0]  }
0x21c: {  	v24 =	vadd.f32 v25, v24;
	v25 =	vld [tilespmem:s9+$0xC0];
	v20 =	vadd.f32 v22, v20  }
0x21d: {  	v16 =	vadd.f32 v16, v18;
	v18 =	vadd.f32 v29, v19;
	v19 =	vld [tilespmem:s9+$0xE0]  }
0x21e: {  	v14 =	vadd.f32 v14, v17;
	v17 =	vld [tilespmem:s9+$0x100];
	v22 =	vadd.f32 v23, v24;
	v23 =	vperm.xlane v20, v6  }
0x21f: {  	v15 =	vadd.f32 v15, v16;
	v16 =	vadd.f32 v26, v18;
	v18 =	vld [tilespmem:s9+$0x120]  }
0x220: {  	v21 =	vadd.f32 v21, v22;
	v22 =	vld [tilespmem:s9+$0x140];
	v20 =	vadd.f32 v20, v23  }
0x221: {  	v13 =	vadd.f32 v13, v15;
	v15 =	vadd.f32 v25, v16;
	v16 =	vld [tilespmem:s9+$0x160]  }
0x222: {  	v19 =	vadd.f32 v19, v21;
	v21 =	vld [tilespmem:s9+$0x180];
	v23 =	vsub.f32 $5.000000000e+01, v20  }
0x223: {  	v12 =	vadd.f32 v12, v13;
	v13 =	vadd.f32 v17, v15  }
0x224: {  	v11 =	vadd.f32 v11, v14;
	v14 =	vadd.f32 v18, v19  }
0x225: {  	v15 =	vmax.f32 v23, $9.999999710e-10;
	v10 =	vadd.f32 v10, v12;
	v12 =	vadd.f32 v22, v13  }
0x226: {  	v9 =	vadd.f32 v9, v11;
	(erf) = vrcp.f32 v15;
	v11 =	vadd.f32 v16, v14  }
0x227: {  	v8 =	vadd.f32 v8, v10;
	v10 =	vadd.f32 v21, v12;
	_ =	sdelay $0x1  }
0x228: {  	v9 =	vadd.f32 v11, v9;
	v8 =	vadd.f32 v10, v8;
	_ =	sdelay $0x1  }
0x229: {  	v8 =	vadd.f32 v8, v9;
	v9 =	vmul.f32 v20, v7;
	_ =	sdelay $0x2  }
0x22a: {  	v8 =	vsub.f32 v8, v9  }
0x22b: {  	v9 =	vpop (erf)  }
0x22c: {  	v8 =	vmul.f32 v9, v8  }
0x22d: {  	s8 =	sshra.s32 s8, $0x2  }
0x22e: {  	s12 =	rddreg [dreg:$0x9];
	[tilespmem:s8+$0x1CF00] =	vst v8;
	s8 =	simm.s32 $0x0  }
0x22f: {  	[tilespmem:s8], [sflag:$0x3] =	stream.linear.gather [hbm4b:s12+s8], $0xC80, $0x38;
	[tilespmem:$0x1E710] =	vst v63  }
0x230: {  	_ =	swait.ge [sflag:s29], $0xC80  }
0x231: {  	[sflag:s29] =	ssyncset.done $0x0  }
0x232: {  	[sflag:s29] =	ssyncadd.s32 $0xFFFFF380  }
0x233: {  	[tilespmem:s0], [sflag:$0x1] =	stream.linear.gather [hbm4b:s15+s8], $0xE00, $0x38;
	[tilespmem:$0x1E710] =	vst v63  }
0x234: {  	_ = 	snop  }
0x235: {  	[tilespmem:s28], [sflag:$0x1] =	stream.indirect.gather [hbm4b:s23+s30], $0x10, s8, s30, $0xb8;
	[tilespmem:$0x1E710] =	vst v63  }
0x236: {  	_ =	swait.ge [sflag:s4], $0xE00  }
0x237: {  	[sflag:s4] =	ssyncset.done $0x0  }
0x238: {  	[sflag:s4] =	ssyncadd.s32 $0xFFFFF200  }
0x239: {  	_ =	swait.ge [sflag:s4], $0xC800  }
0x23a: {  	[sflag:s4] =	ssyncset.done $0x0  }
0x23b: {  	s9 =	simm.s32 $0xFE90;
	[sflag:s4] =	ssyncadd.s32 $0xFFFF3800  }
0x23c: {  	v8 =	vld [tilespmem:s9+$0x170]  }
0x23d: {  	v9 =	vld [tilespmem:s9+$0x150]  }
0x23e: {  	v10 =	vld [tilespmem:s9+$0x130]  }
0x23f: {  	v11 =	vld [tilespmem:s9+$0x110]  }
0x240: {  	v12 =	vld [tilespmem:s9+$0xF0]  }
0x241: {  	v14 =	vld [tilespmem:s9+$0xD0]  }
0x242: {  	v13 =	vld [tilespmem:s9+$0xB0]  }
0x243: {  	v17 =	vld [tilespmem:s9+$0x90]  }
0x244: {  	v15 =	vld [tilespmem:s9+$0x70]  }
0x245: {  	v20 =	vld [tilespmem:s9+$0x50]  }
0x246: {  	v16 =	vld [tilespmem:s9+$0x30]  }
0x247: {  	v22 =	vld [tilespmem:s9+$0x10]  }
0x248: {  	v18 =	vld [tilespmem:s9+$0xFFFFFFF0]  }
0x249: {  	v24 =	vld [tilespmem:s9+$0xFFFFFFD0]  }
0x24a: {  	v19 =	vld [tilespmem:s9+$0xFFFFFFB0]  }
0x24b: {  	v26 =	vld [tilespmem:s9+$0xFFFFFF90]  }
0x24c: {  	v21 =	vld [tilespmem:s9+$0xFFFFFF70]  }
0x24d: {  	v27 =	vld [tilespmem:s9+$0xFFFFFF50]  }
0x24e: {  	v23 =	vld [tilespmem:s9+$0xFFFFFF30]  }
0x24f: {  	v28 =	vld [tilespmem:s9+$0xFFFFFF10]  }
0x250: {  	v25 =	vld [tilespmem:s9+$0xFFFFFEF0]  }
0x251: {  	v30 =	vld [tilespmem:s9+$0xFFFFFE90]  }
0x252: {  	s10 =	simm.s32 $0x2720;
	v32 =	vld [tilespmem:s9+$0xFFFFFED0]  }
0x253: {  	v29 =	vld [tilespmem:s10+$0xFFFFFFF0]  }
0x254: {  	s11 =	simm.s32 $0x40;
	v31 =	vld [tilespmem:s10+$0xFFFFFFE0]  }
.LBB2_8:
0x255: {  	p0 =	sne.s32 s11, $0xFC0;
	v33 =	vld [tilespmem:s9+$0xFFFFFEA0]  }
0x256: {  	v34 =	vld [tilespmem:s10+$0x0]  }
0x257: {  	v35 =	vld [tilespmem:s9+$0xFFFFFEB0];
	v30 =	vadd.f32 v32, v30  }
0x258: {  	v32 =	vld [tilespmem:s10+$0x2]  }
0x259: {  	vm1 =	veq.s32 v29, $0x0;
	v36 =	vld [tilespmem:s9+$0xFFFFFE70];
	v28 =	vadd.f32 v28, v30;
	vm0 =	veq.s32 v31, $0x0  }
0x25a: {  	v31 =	vsel vm1, $0x3F800000, v5;
	v29 =	vld [tilespmem:s9+$0xFFFFFE80];
	v30 =	vsel vm0, $0x3F800000, v5  }
0x25b: {  	v37 =	vld [tilespmem:s9+$0xFFFFFEC0];
	v27 =	vadd.f32 v27, v28;
	v28 =	vadd.f32 v31, v30;
	vm0 =	veq.s32 v34, $0x0  }
0x25c: {  	v30 =	vld [tilespmem:s9+$0xFFFFFEE0];
	v31 =	vsel vm0, $0x3F800000, v5  }
0x25d: {  	v34 =	vld [tilespmem:s9+$0xFFFFFF00];
	v26 =	vadd.f32 v26, v27;
	v27 =	vadd.f32 v31, v28;
	vm0 =	veq.s32 v32, $0x0  }
0x25e: {  	v28 =	vld [tilespmem:s9+$0xFFFFFF20];
	v31 =	vnsel vm0, $0x0, v1  }
0x25f: {  	v32 =	vld [tilespmem:s9+$0xFFFFFF40];
	v24 =	vadd.f32 v24, v26;
	v26 =	vadd.f32 v31, v27  }
0x260: {  	v27 =	vadd.f32 v35, v36;
	v29 =	vadd.f32 v37, v29;
	v31 =	vld [tilespmem:s9+$0xFFFFFF60]  }
0x261: {  	v30 =	vadd.f32 v30, v33;
	v33 =	vld [tilespmem:s9+$0xFFFFFF80];
	v22 =	vadd.f32 v22, v24;
	v24 =	vperm.xlane v26, v0  }
0x262: {  	v25 =	vadd.f32 v25, v27;
	v27 =	vadd.f32 v34, v29;
	v29 =	vld [tilespmem:s9+$0xFFFFFFA0]  }
0x263: {  	v28 =	vadd.f32 v28, v30;
	v30 =	vld [tilespmem:s9+$0xFFFFFFC0];
	v24 =	vadd.f32 v26, v24  }
0x264: {  	v23 =	vadd.f32 v23, v25;
	v25 =	vadd.f32 v32, v27;
	v26 =	vld [tilespmem:s9+$0xFFFFFFE0]  }
0x265: {  	v20 =	vadd.f32 v20, v22;
	v27 =	vadd.f32 v31, v28;
	v28 =	vld [tilespmem:s9+$0x0];
	v22 =	vperm.xlane v24, v2  }
0x266: {  	v21 =	vadd.f32 v21, v23;
	v23 =	vadd.f32 v33, v25;
	v25 =	vld [tilespmem:s9+$0x20]  }
0x267: {  	v27 =	vadd.f32 v29, v27;
	v29 =	vld [tilespmem:s9+$0x40];
	v22 =	vadd.f32 v24, v22  }
0x268: {  	v19 =	vadd.f32 v19, v21;
	v21 =	vadd.f32 v30, v23;
	v23 =	vld [tilespmem:s9+$0x60]  }
0x269: {  	v17 =	vadd.f32 v17, v20;
	v24 =	vadd.f32 v26, v27;
	v26 =	vld [tilespmem:s9+$0x80];
	v20 =	vperm.xlane v22, v4  }
0x26a: {  	v18 =	vadd.f32 v18, v19;
	v19 =	vadd.f32 v28, v21;
	v21 =	vld [tilespmem:s9+$0xA0]  }
0x26b: {  	v24 =	vadd.f32 v25, v24;
	v25 =	vld [tilespmem:s9+$0xC0];
	v20 =	vadd.f32 v22, v20  }
0x26c: {  	v16 =	vadd.f32 v16, v18;
	v18 =	vadd.f32 v29, v19;
	v19 =	vld [tilespmem:s9+$0xE0]  }
0x26d: {  	v14 =	vadd.f32 v14, v17;
	v22 =	vadd.f32 v23, v24;
	v17 =	vld [tilespmem:s9+$0x100];
	v23 =	vperm.xlane v20, v6  }
0x26e: {  	v15 =	vadd.f32 v15, v16;
	v16 =	vadd.f32 v26, v18;
	v18 =	vld [tilespmem:s9+$0x120]  }
0x26f: {  	v21 =	vadd.f32 v21, v22;
	v22 =	vld [tilespmem:s9+$0x140];
	v20 =	vadd.f32 v20, v23  }
0x270: {  	v13 =	vadd.f32 v13, v15;
	v15 =	vadd.f32 v25, v16;
	v16 =	vld [tilespmem:s9+$0x160]  }
0x271: {  	v19 =	vadd.f32 v19, v21;
	v21 =	vld [tilespmem:s9+$0x180];
	v23 =	vsub.f32 $5.000000000e+01, v20  }
0x272: {  	v12 =	vadd.f32 v12, v13;
	v13 =	vadd.f32 v17, v15  }
0x273: {  	v11 =	vadd.f32 v11, v14;
	v14 =	vadd.f32 v18, v19;
	v15 =	vmax.f32 v23, $9.999999710e-10  }
0x274: {  	v10 =	vadd.f32 v10, v12;
	v12 =	vadd.f32 v22, v13;
	(erf) = vrcp.f32 v15  }
0x275: {  	v9 =	vadd.f32 v9, v11;
	v11 =	vadd.f32 v16, v14  }
0x276: {  	v8 =	vadd.f32 v8, v10;
	v10 =	vadd.f32 v21, v12;
	_ =	sdelay $0x1  }
0x277: {  	v9 =	vadd.f32 v11, v9;
	v8 =	vadd.f32 v10, v8;
	_ =	sdelay $0x1  }
0x278: {  	v10 =	vmul.f32 v20, v7;
	v8 =	vadd.f32 v8, v9;
	_ =	sdelay $0x1  }
0x279: {  	v8 =	vsub.f32 v8, v10  }
0x27a: {  	v9 =	vpop (erf)  }
0x27b: {  	v8 =	vmul.f32 v9, v8  }
0x27c: {  	s12 =	sshra.s32 s8, $0x2;
	s8 =	smov.u32 s11  }
0x27d: {  	s9 =	sadd.s32 $0x320, s9;
	[tilespmem:s12+$0x1D300] =	vst v8  }
0x27e: {  	v8 =	vld [tilespmem:s9+$0x170]  }
0x27f: {  	v9 =	vld [tilespmem:s9+$0x150]  }
0x280: {  	v10 =	vld [tilespmem:s9+$0x130]  }
0x281: {  	v11 =	vld [tilespmem:s9+$0x110]  }
0x282: {  	v12 =	vld [tilespmem:s9+$0xF0]  }
0x283: {  	v14 =	vld [tilespmem:s9+$0xD0]  }
0x284: {  	v13 =	vld [tilespmem:s9+$0xB0]  }
0x285: {  	v17 =	vld [tilespmem:s9+$0x90]  }
0x286: {  	v15 =	vld [tilespmem:s9+$0x70]  }
0x287: {  	v20 =	vld [tilespmem:s9+$0x50]  }
0x288: {  	v16 =	vld [tilespmem:s9+$0x30]  }
0x289: {  	v22 =	vld [tilespmem:s9+$0x10]  }
0x28a: {  	v18 =	vld [tilespmem:s9+$0xFFFFFFF0]  }
0x28b: {  	v24 =	vld [tilespmem:s9+$0xFFFFFFD0]  }
0x28c: {  	v19 =	vld [tilespmem:s9+$0xFFFFFFB0]  }
0x28d: {  	v26 =	vld [tilespmem:s9+$0xFFFFFF90]  }
0x28e: {  	v21 =	vld [tilespmem:s9+$0xFFFFFF70]  }
0x28f: {  	v27 =	vld [tilespmem:s9+$0xFFFFFF50]  }
0x290: {  	v23 =	vld [tilespmem:s9+$0xFFFFFF30]  }
0x291: {  	v28 =	vld [tilespmem:s9+$0xFFFFFF10]  }
.Ltmp3:
0x292: {  	v25 =	vld [tilespmem:s9+$0xFFFFFEF0];
	(pc) =	sbr.rel @p0 .LBB2_8-.Ltmp3, $4  }
0x293: {  	v30 =	vld [tilespmem:s9+$0xFFFFFE90]  }
0x294: {  	s10 =	sadd.s32 $0x38, s10;
	v32 =	vld [tilespmem:s9+$0xFFFFFED0]  }
0x295: {  	v29 =	vld [tilespmem:s10+$0xFFFFFFF0]  }
0x296: {  	s11 =	sadd.s32 $0x40, s11;
	v31 =	vld [tilespmem:s10+$0xFFFFFFE0]  }
0x297: {  	v33 =	vld [tilespmem:s9+$0xFFFFFEA0]  }
0x298: {  	v34 =	vld [tilespmem:s10+$0x0]  }
0x299: {  	v35 =	vld [tilespmem:s9+$0xFFFFFEB0];
	v30 =	vadd.f32 v32, v30  }
0x29a: {  	v60 =	vld [tilespmem:s10+$0x2]  }
0x29b: {  	v36 =	vld [tilespmem:s9+$0xFFFFFE70];
	vm1 =	veq.s32 v29, $0x0;
	v28 =	vadd.f32 v28, v30;
	vm0 =	veq.s32 v31, $0x0  }
0x29c: {  	v37 =	vld [tilespmem:s9+$0xFFFFFEC0];
	v31 =	vsel vm1, $0x3F800000, v5;
	v30 =	vsel vm0, $0x3F800000, v5  }
0x29d: {  	v29 =	vld [tilespmem:s9+$0xFFFFFE80];
	vm14 =	veq.s32 v34, $0x0;
	v27 =	vadd.f32 v27, v28;
	v28 =	vadd.f32 v31, v30  }
0x29e: {  	v30 =	vld [tilespmem:s9+$0xFFFFFEE0];
	v31 =	vsel vm14, $0x3F800000, v5  }
0x29f: {  	v61 =	vld [tilespmem:s9+$0xFFFFFF00];
	vm15 =	veq.s32 v60, $0x0;
	v26 =	vadd.f32 v26, v27;
	v27 =	vadd.f32 v31, v28  }
0x2a0: {  	v28 =	vld [tilespmem:s9+$0xFFFFFF20];
	v31 =	vnsel vm15, $0x0, v1  }
0x2a1: {  	v62 =	vld [tilespmem:s9+$0xFFFFFF40];
	v24 =	vadd.f32 v24, v26;
	v26 =	vadd.f32 v31, v27  }
0x2a2: {  	v29 =	vadd.f32 v37, v29;
	v27 =	vadd.f32 v35, v36;
	v31 =	vld [tilespmem:s9+$0xFFFFFF60]  }
0x2a3: {  	v63 =	vld [tilespmem:s9+$0xFFFFFF80];
	v30 =	vadd.f32 v30, v33;
	v22 =	vadd.f32 v22, v24;
	v24 =	vperm.xlane v26, v0  }
0x2a4: {  	v25 =	vadd.f32 v25, v27;
	v27 =	vadd.f32 v61, v29;
	v29 =	vld [tilespmem:s9+$0xFFFFFFA0]  }
0x2a5: {  	v28 =	vadd.f32 v28, v30;
	v30 =	vld [tilespmem:s9+$0xFFFFFFC0];
	v24 =	vadd.f32 v26, v24  }
0x2a6: {  	v23 =	vadd.f32 v23, v25;
	v25 =	vadd.f32 v62, v27;
	v26 =	vld [tilespmem:s9+$0xFFFFFFE0]  }
0x2a7: {  	v20 =	vadd.f32 v20, v22;
	v27 =	vadd.f32 v31, v28;
	v28 =	vld [tilespmem:s9+$0x0];
	v22 =	vperm.xlane v24, v2  }
0x2a8: {  	v21 =	vadd.f32 v21, v23;
	v23 =	vadd.f32 v63, v25;
	v25 =	vld [tilespmem:s9+$0x20]  }
0x2a9: {  	v27 =	vadd.f32 v29, v27;
	v29 =	vld [tilespmem:s9+$0x40];
	v22 =	vadd.f32 v24, v22  }
0x2aa: {  	v19 =	vadd.f32 v19, v21;
	v21 =	vadd.f32 v30, v23;
	v23 =	vld [tilespmem:s9+$0x60]  }
0x2ab: {  	v17 =	vadd.f32 v17, v20;
	v24 =	vadd.f32 v26, v27;
	v26 =	vld [tilespmem:s9+$0x80];
	v20 =	vperm.xlane v22, v4  }
0x2ac: {  	v18 =	vadd.f32 v18, v19;
	v19 =	vadd.f32 v28, v21;
	v21 =	vld [tilespmem:s9+$0xA0]  }
0x2ad: {  	v24 =	vadd.f32 v25, v24;
	v25 =	vld [tilespmem:s9+$0xC0];
	v20 =	vadd.f32 v22, v20  }
0x2ae: {  	v16 =	vadd.f32 v16, v18;
	v18 =	vadd.f32 v29, v19;
	v19 =	vld [tilespmem:s9+$0xE0]  }
0x2af: {  	v14 =	vadd.f32 v14, v17;
	v17 =	vld [tilespmem:s9+$0x100];
	v22 =	vadd.f32 v23, v24;
	v23 =	vperm.xlane v20, v6  }
0x2b0: {  	v15 =	vadd.f32 v15, v16;
	v16 =	vadd.f32 v26, v18;
	v18 =	vld [tilespmem:s9+$0x120]  }
0x2b1: {  	v21 =	vadd.f32 v21, v22;
	v22 =	vld [tilespmem:s9+$0x140];
	v20 =	vadd.f32 v20, v23  }
0x2b2: {  	v13 =	vadd.f32 v13, v15;
	v15 =	vadd.f32 v25, v16;
	v16 =	vld [tilespmem:s9+$0x160]  }
0x2b3: {  	v19 =	vadd.f32 v19, v21;
	v21 =	vld [tilespmem:s9+$0x180];
	v23 =	vsub.f32 $5.000000000e+01, v20  }
0x2b4: {  	v12 =	vadd.f32 v12, v13;
	v13 =	vadd.f32 v17, v15  }
0x2b5: {  	v11 =	vadd.f32 v11, v14;
	v14 =	vadd.f32 v18, v19  }
0x2b6: {  	v15 =	vmax.f32 v23, $9.999999710e-10;
	v10 =	vadd.f32 v10, v12;
	v12 =	vadd.f32 v22, v13  }
0x2b7: {  	v9 =	vadd.f32 v9, v11;
	(erf) = vrcp.f32 v15;
	v11 =	vadd.f32 v16, v14  }
0x2b8: {  	v8 =	vadd.f32 v8, v10;
	v10 =	vadd.f32 v21, v12;
	_ =	sdelay $0x1  }
0x2b9: {  	v9 =	vadd.f32 v11, v9;
	v8 =	vadd.f32 v10, v8;
	_ =	sdelay $0x1  }
0x2ba: {  	v8 =	vadd.f32 v8, v9;
	v9 =	vmul.f32 v20, v7;
	_ =	sdelay $0x2  }
0x2bb: {  	v8 =	vsub.f32 v8, v9  }
0x2bc: {  	v9 =	vpop (erf)  }
0x2bd: {  	v8 =	vmul.f32 v9, v8  }
0x2be: {  	s8 =	sshra.s32 s8, $0x2  }
0x2bf: {  	s12 =	rddreg [dreg:$0xa];
	[tilespmem:s8+$0x1D300] =	vst v8;
	s8 =	simm.s32 $0x0  }
0x2c0: {  	[tilespmem:s30], [sflag:$0x3] =	stream.linear.gather [hbm4b:s12+s8], $0xC80, $0x38;
	[tilespmem:$0x1E710] =	vst v63  }
0x2c1: {  	_ =	swait.ge [sflag:s29], $0xC80  }
0x2c2: {  	[sflag:s29] =	ssyncset.done $0x0  }
0x2c3: {  	[sflag:s29] =	ssyncadd.s32 $0xFFFFF380  }
0x2c4: {  	[tilespmem:s5], [sflag:$0x2] =	stream.linear.gather [hbm4b:s16+s8], $0xE00, $0x38;
	[tilespmem:$0x1E710] =	vst v63  }
0x2c5: {  	_ = 	snop  }
0x2c6: {  	[tilespmem:s1], [sflag:$0x2] =	stream.indirect.gather [hbm4b:s23+s30], $0x10, s30, s30, $0xb8;
	[tilespmem:$0x1E710] =	vst v63  }
0x2c7: {  	_ =	swait.ge [sflag:s6], $0xE00  }
0x2c8: {  	[sflag:s6] =	ssyncset.done $0x0  }
0x2c9: {  	[sflag:s6] =	ssyncadd.s32 $0xFFFFF200  }
0x2ca: {  	_ =	swait.ge [sflag:s6], $0xC800  }
0x2cb: {  	[sflag:s6] =	ssyncset.done $0x0  }
0x2cc: {  	s9 =	simm.s32 $0x3690;
	[sflag:s6] =	ssyncadd.s32 $0xFFFF3800  }
0x2cd: {  	v8 =	vld [tilespmem:s9+$0x170]  }
0x2ce: {  	v9 =	vld [tilespmem:s9+$0x150]  }
0x2cf: {  	v10 =	vld [tilespmem:s9+$0x130]  }
0x2d0: {  	v11 =	vld [tilespmem:s9+$0x110]  }
0x2d1: {  	v12 =	vld [tilespmem:s9+$0xF0]  }
0x2d2: {  	v14 =	vld [tilespmem:s9+$0xD0]  }
0x2d3: {  	v13 =	vld [tilespmem:s9+$0xB0]  }
0x2d4: {  	v17 =	vld [tilespmem:s9+$0x90]  }
0x2d5: {  	v15 =	vld [tilespmem:s9+$0x70]  }
0x2d6: {  	v20 =	vld [tilespmem:s9+$0x50]  }
0x2d7: {  	v16 =	vld [tilespmem:s9+$0x30]  }
0x2d8: {  	v22 =	vld [tilespmem:s9+$0x10]  }
0x2d9: {  	v18 =	vld [tilespmem:s9+$0xFFFFFFF0]  }
0x2da: {  	v24 =	vld [tilespmem:s9+$0xFFFFFFD0]  }
0x2db: {  	v19 =	vld [tilespmem:s9+$0xFFFFFFB0]  }
0x2dc: {  	v26 =	vld [tilespmem:s9+$0xFFFFFF90]  }
0x2dd: {  	v21 =	vld [tilespmem:s9+$0xFFFFFF70]  }
0x2de: {  	v27 =	vld [tilespmem:s9+$0xFFFFFF50]  }
0x2df: {  	v23 =	vld [tilespmem:s9+$0xFFFFFF30]  }
0x2e0: {  	v28 =	vld [tilespmem:s9+$0xFFFFFF10]  }
0x2e1: {  	v25 =	vld [tilespmem:s9+$0xFFFFFEF0]  }
0x2e2: {  	v30 =	vld [tilespmem:s9+$0xFFFFFE90]  }
0x2e3: {  	s10 =	simm.s32 $0x1920;
	v32 =	vld [tilespmem:s9+$0xFFFFFED0]  }
0x2e4: {  	v29 =	vld [tilespmem:s10+$0xFFFFFFF0]  }
0x2e5: {  	s11 =	simm.s32 $0x40;
	v31 =	vld [tilespmem:s10+$0xFFFFFFE0]  }
.LBB2_10:
0x2e6: {  	p0 =	sne.s32 s11, $0xFC0;
	v33 =	vld [tilespmem:s9+$0xFFFFFEA0]  }
0x2e7: {  	v34 =	vld [tilespmem:s10+$0x0]  }
0x2e8: {  	v35 =	vld [tilespmem:s9+$0xFFFFFEB0];
	v30 =	vadd.f32 v32, v30  }
0x2e9: {  	v32 =	vld [tilespmem:s10+$0x2]  }
0x2ea: {  	vm1 =	veq.s32 v29, $0x0;
	v36 =	vld [tilespmem:s9+$0xFFFFFE70];
	v28 =	vadd.f32 v28, v30;
	vm0 =	veq.s32 v31, $0x0  }
0x2eb: {  	v31 =	vsel vm1, $0x3F800000, v5;
	v29 =	vld [tilespmem:s9+$0xFFFFFE80];
	v30 =	vsel vm0, $0x3F800000, v5  }
0x2ec: {  	v37 =	vld [tilespmem:s9+$0xFFFFFEC0];
	v27 =	vadd.f32 v27, v28;
	v28 =	vadd.f32 v31, v30;
	vm0 =	veq.s32 v34, $0x0  }
0x2ed: {  	v30 =	vld [tilespmem:s9+$0xFFFFFEE0];
	v31 =	vsel vm0, $0x3F800000, v5  }
0x2ee: {  	v34 =	vld [tilespmem:s9+$0xFFFFFF00];
	v26 =	vadd.f32 v26, v27;
	v27 =	vadd.f32 v31, v28;
	vm0 =	veq.s32 v32, $0x0  }
0x2ef: {  	v28 =	vld [tilespmem:s9+$0xFFFFFF20];
	v31 =	vnsel vm0, $0x0, v1  }
0x2f0: {  	v32 =	vld [tilespmem:s9+$0xFFFFFF40];
	v24 =	vadd.f32 v24, v26;
	v26 =	vadd.f32 v31, v27  }
0x2f1: {  	v27 =	vadd.f32 v35, v36;
	v29 =	vadd.f32 v37, v29;
	v31 =	vld [tilespmem:s9+$0xFFFFFF60]  }
0x2f2: {  	v30 =	vadd.f32 v30, v33;
	v33 =	vld [tilespmem:s9+$0xFFFFFF80];
	v22 =	vadd.f32 v22, v24;
	v24 =	vperm.xlane v26, v0  }
0x2f3: {  	v25 =	vadd.f32 v25, v27;
	v27 =	vadd.f32 v34, v29;
	v29 =	vld [tilespmem:s9+$0xFFFFFFA0]  }
0x2f4: {  	v28 =	vadd.f32 v28, v30;
	v30 =	vld [tilespmem:s9+$0xFFFFFFC0];
	v24 =	vadd.f32 v26, v24  }
0x2f5: {  	v23 =	vadd.f32 v23, v25;
	v25 =	vadd.f32 v32, v27;
	v26 =	vld [tilespmem:s9+$0xFFFFFFE0]  }
0x2f6: {  	v20 =	vadd.f32 v20, v22;
	v27 =	vadd.f32 v31, v28;
	v28 =	vld [tilespmem:s9+$0x0];
	v22 =	vperm.xlane v24, v2  }
0x2f7: {  	v21 =	vadd.f32 v21, v23;
	v23 =	vadd.f32 v33, v25;
	v25 =	vld [tilespmem:s9+$0x20]  }
0x2f8: {  	v27 =	vadd.f32 v29, v27;
	v29 =	vld [tilespmem:s9+$0x40];
	v22 =	vadd.f32 v24, v22  }
0x2f9: {  	v19 =	vadd.f32 v19, v21;
	v21 =	vadd.f32 v30, v23;
	v23 =	vld [tilespmem:s9+$0x60]  }
0x2fa: {  	v17 =	vadd.f32 v17, v20;
	v24 =	vadd.f32 v26, v27;
	v26 =	vld [tilespmem:s9+$0x80];
	v20 =	vperm.xlane v22, v4  }
0x2fb: {  	v18 =	vadd.f32 v18, v19;
	v19 =	vadd.f32 v28, v21;
	v21 =	vld [tilespmem:s9+$0xA0]  }
0x2fc: {  	v24 =	vadd.f32 v25, v24;
	v25 =	vld [tilespmem:s9+$0xC0];
	v20 =	vadd.f32 v22, v20  }
0x2fd: {  	v16 =	vadd.f32 v16, v18;
	v18 =	vadd.f32 v29, v19;
	v19 =	vld [tilespmem:s9+$0xE0]  }
0x2fe: {  	v14 =	vadd.f32 v14, v17;
	v22 =	vadd.f32 v23, v24;
	v17 =	vld [tilespmem:s9+$0x100];
	v23 =	vperm.xlane v20, v6  }
0x2ff: {  	v15 =	vadd.f32 v15, v16;
	v16 =	vadd.f32 v26, v18;
	v18 =	vld [tilespmem:s9+$0x120]  }
0x300: {  	v21 =	vadd.f32 v21, v22;
	v22 =	vld [tilespmem:s9+$0x140];
	v20 =	vadd.f32 v20, v23  }
0x301: {  	v13 =	vadd.f32 v13, v15;
	v15 =	vadd.f32 v25, v16;
	v16 =	vld [tilespmem:s9+$0x160]  }
0x302: {  	v19 =	vadd.f32 v19, v21;
	v21 =	vld [tilespmem:s9+$0x180];
	v23 =	vsub.f32 $5.000000000e+01, v20  }
0x303: {  	v12 =	vadd.f32 v12, v13;
	v13 =	vadd.f32 v17, v15  }
0x304: {  	v11 =	vadd.f32 v11, v14;
	v14 =	vadd.f32 v18, v19;
	v15 =	vmax.f32 v23, $9.999999710e-10  }
0x305: {  	v10 =	vadd.f32 v10, v12;
	v12 =	vadd.f32 v22, v13;
	(erf) = vrcp.f32 v15  }
0x306: {  	v9 =	vadd.f32 v9, v11;
	v11 =	vadd.f32 v16, v14  }
0x307: {  	v8 =	vadd.f32 v8, v10;
	v10 =	vadd.f32 v21, v12;
	_ =	sdelay $0x1  }
0x308: {  	v9 =	vadd.f32 v11, v9;
	v8 =	vadd.f32 v10, v8;
	_ =	sdelay $0x1  }
0x309: {  	v10 =	vmul.f32 v20, v7;
	v8 =	vadd.f32 v8, v9;
	_ =	sdelay $0x1  }
0x30a: {  	v8 =	vsub.f32 v8, v10  }
0x30b: {  	v9 =	vpop (erf)  }
0x30c: {  	v8 =	vmul.f32 v9, v8  }
0x30d: {  	s12 =	sshra.s32 s8, $0x2;
	s8 =	smov.u32 s11  }
0x30e: {  	s9 =	sadd.s32 $0x320, s9;
	[tilespmem:s12+$0x1D700] =	vst v8  }
0x30f: {  	v8 =	vld [tilespmem:s9+$0x170]  }
0x310: {  	v9 =	vld [tilespmem:s9+$0x150]  }
0x311: {  	v10 =	vld [tilespmem:s9+$0x130]  }
0x312: {  	v11 =	vld [tilespmem:s9+$0x110]  }
0x313: {  	v12 =	vld [tilespmem:s9+$0xF0]  }
0x314: {  	v14 =	vld [tilespmem:s9+$0xD0]  }
0x315: {  	v13 =	vld [tilespmem:s9+$0xB0]  }
0x316: {  	v17 =	vld [tilespmem:s9+$0x90]  }
0x317: {  	v15 =	vld [tilespmem:s9+$0x70]  }
0x318: {  	v20 =	vld [tilespmem:s9+$0x50]  }
0x319: {  	v16 =	vld [tilespmem:s9+$0x30]  }
0x31a: {  	v22 =	vld [tilespmem:s9+$0x10]  }
0x31b: {  	v18 =	vld [tilespmem:s9+$0xFFFFFFF0]  }
0x31c: {  	v24 =	vld [tilespmem:s9+$0xFFFFFFD0]  }
0x31d: {  	v19 =	vld [tilespmem:s9+$0xFFFFFFB0]  }
0x31e: {  	v26 =	vld [tilespmem:s9+$0xFFFFFF90]  }
0x31f: {  	v21 =	vld [tilespmem:s9+$0xFFFFFF70]  }
0x320: {  	v27 =	vld [tilespmem:s9+$0xFFFFFF50]  }
0x321: {  	v23 =	vld [tilespmem:s9+$0xFFFFFF30]  }
0x322: {  	v28 =	vld [tilespmem:s9+$0xFFFFFF10]  }
.Ltmp4:
0x323: {  	v25 =	vld [tilespmem:s9+$0xFFFFFEF0];
	(pc) =	sbr.rel @p0 .LBB2_10-.Ltmp4, $4  }
0x324: {  	v30 =	vld [tilespmem:s9+$0xFFFFFE90]  }
0x325: {  	s10 =	sadd.s32 $0x38, s10;
	v32 =	vld [tilespmem:s9+$0xFFFFFED0]  }
0x326: {  	v29 =	vld [tilespmem:s10+$0xFFFFFFF0]  }
0x327: {  	s11 =	sadd.s32 $0x40, s11;
	v31 =	vld [tilespmem:s10+$0xFFFFFFE0]  }
0x328: {  	v33 =	vld [tilespmem:s9+$0xFFFFFEA0]  }
0x329: {  	v34 =	vld [tilespmem:s10+$0x0]  }
0x32a: {  	v35 =	vld [tilespmem:s9+$0xFFFFFEB0];
	v30 =	vadd.f32 v32, v30  }
0x32b: {  	v60 =	vld [tilespmem:s10+$0x2]  }
0x32c: {  	v36 =	vld [tilespmem:s9+$0xFFFFFE70];
	vm1 =	veq.s32 v29, $0x0;
	v28 =	vadd.f32 v28, v30;
	vm0 =	veq.s32 v31, $0x0  }
0x32d: {  	v37 =	vld [tilespmem:s9+$0xFFFFFEC0];
	v31 =	vsel vm1, $0x3F800000, v5;
	v30 =	vsel vm0, $0x3F800000, v5  }
0x32e: {  	v29 =	vld [tilespmem:s9+$0xFFFFFE80];
	vm14 =	veq.s32 v34, $0x0;
	v27 =	vadd.f32 v27, v28;
	v28 =	vadd.f32 v31, v30  }
0x32f: {  	v30 =	vld [tilespmem:s9+$0xFFFFFEE0];
	v31 =	vsel vm14, $0x3F800000, v5  }
0x330: {  	v61 =	vld [tilespmem:s9+$0xFFFFFF00];
	vm15 =	veq.s32 v60, $0x0;
	v26 =	vadd.f32 v26, v27;
	v27 =	vadd.f32 v31, v28  }
0x331: {  	v28 =	vld [tilespmem:s9+$0xFFFFFF20];
	v31 =	vnsel vm15, $0x0, v1  }
0x332: {  	v62 =	vld [tilespmem:s9+$0xFFFFFF40];
	v24 =	vadd.f32 v24, v26;
	v26 =	vadd.f32 v31, v27  }
0x333: {  	v29 =	vadd.f32 v37, v29;
	v27 =	vadd.f32 v35, v36;
	v31 =	vld [tilespmem:s9+$0xFFFFFF60]  }
0x334: {  	v63 =	vld [tilespmem:s9+$0xFFFFFF80];
	v30 =	vadd.f32 v30, v33;
	v22 =	vadd.f32 v22, v24;
	v24 =	vperm.xlane v26, v0  }
0x335: {  	v25 =	vadd.f32 v25, v27;
	v27 =	vadd.f32 v61, v29;
	v29 =	vld [tilespmem:s9+$0xFFFFFFA0]  }
0x336: {  	v28 =	vadd.f32 v28, v30;
	v30 =	vld [tilespmem:s9+$0xFFFFFFC0];
	v24 =	vadd.f32 v26, v24  }
0x337: {  	v23 =	vadd.f32 v23, v25;
	v25 =	vadd.f32 v62, v27;
	v26 =	vld [tilespmem:s9+$0xFFFFFFE0]  }
0x338: {  	v20 =	vadd.f32 v20, v22;
	v27 =	vadd.f32 v31, v28;
	v28 =	vld [tilespmem:s9+$0x0];
	v22 =	vperm.xlane v24, v2  }
0x339: {  	v21 =	vadd.f32 v21, v23;
	v23 =	vadd.f32 v63, v25;
	v25 =	vld [tilespmem:s9+$0x20]  }
0x33a: {  	v27 =	vadd.f32 v29, v27;
	v29 =	vld [tilespmem:s9+$0x40];
	v22 =	vadd.f32 v24, v22  }
0x33b: {  	v19 =	vadd.f32 v19, v21;
	v21 =	vadd.f32 v30, v23;
	v23 =	vld [tilespmem:s9+$0x60]  }
0x33c: {  	v17 =	vadd.f32 v17, v20;
	v24 =	vadd.f32 v26, v27;
	v26 =	vld [tilespmem:s9+$0x80];
	v20 =	vperm.xlane v22, v4  }
0x33d: {  	v18 =	vadd.f32 v18, v19;
	v19 =	vadd.f32 v28, v21;
	v21 =	vld [tilespmem:s9+$0xA0]  }
0x33e: {  	v24 =	vadd.f32 v25, v24;
	v25 =	vld [tilespmem:s9+$0xC0];
	v20 =	vadd.f32 v22, v20  }
0x33f: {  	v16 =	vadd.f32 v16, v18;
	v18 =	vadd.f32 v29, v19;
	v19 =	vld [tilespmem:s9+$0xE0]  }
0x340: {  	v14 =	vadd.f32 v14, v17;
	v17 =	vld [tilespmem:s9+$0x100];
	v22 =	vadd.f32 v23, v24;
	v23 =	vperm.xlane v20, v6  }
0x341: {  	v15 =	vadd.f32 v15, v16;
	v16 =	vadd.f32 v26, v18;
	v18 =	vld [tilespmem:s9+$0x120]  }
0x342: {  	v21 =	vadd.f32 v21, v22;
	v22 =	vld [tilespmem:s9+$0x140];
	v20 =	vadd.f32 v20, v23  }
0x343: {  	v13 =	vadd.f32 v13, v15;
	v15 =	vadd.f32 v25, v16;
	v16 =	vld [tilespmem:s9+$0x160]  }
0x344: {  	v19 =	vadd.f32 v19, v21;
	v21 =	vld [tilespmem:s9+$0x180];
	v23 =	vsub.f32 $5.000000000e+01, v20  }
0x345: {  	v12 =	vadd.f32 v12, v13;
	v13 =	vadd.f32 v17, v15  }
0x346: {  	v11 =	vadd.f32 v11, v14;
	v14 =	vadd.f32 v18, v19  }
0x347: {  	v15 =	vmax.f32 v23, $9.999999710e-10;
	v10 =	vadd.f32 v10, v12;
	v12 =	vadd.f32 v22, v13  }
0x348: {  	v9 =	vadd.f32 v9, v11;
	(erf) = vrcp.f32 v15;
	v11 =	vadd.f32 v16, v14  }
0x349: {  	v8 =	vadd.f32 v8, v10;
	v10 =	vadd.f32 v21, v12;
	_ =	sdelay $0x1  }
0x34a: {  	v9 =	vadd.f32 v11, v9;
	v8 =	vadd.f32 v10, v8;
	_ =	sdelay $0x1  }
0x34b: {  	v8 =	vadd.f32 v8, v9;
	v9 =	vmul.f32 v20, v7;
	_ =	sdelay $0x2  }
0x34c: {  	v8 =	vsub.f32 v8, v9  }
0x34d: {  	v9 =	vpop (erf)  }
0x34e: {  	v8 =	vmul.f32 v9, v8  }
0x34f: {  	s8 =	sshra.s32 s8, $0x2  }
0x350: {  	s12 =	rddreg [dreg:$0xb];
	[tilespmem:s8+$0x1D700] =	vst v8;
	s8 =	simm.s32 $0x0  }
0x351: {  	[tilespmem:s8], [sflag:$0x3] =	stream.linear.gather [hbm4b:s12+s8], $0xC80, $0x38;
	[tilespmem:$0x1E710] =	vst v63  }
0x352: {  	_ =	swait.ge [sflag:s29], $0xC80  }
0x353: {  	[sflag:s29] =	ssyncset.done $0x0  }
0x354: {  	[sflag:s29] =	ssyncadd.s32 $0xFFFFF380  }
0x355: {  	[tilespmem:s0], [sflag:$0x1] =	stream.linear.gather [hbm4b:s17+s8], $0xE00, $0x38;
	[tilespmem:$0x1E710] =	vst v63  }
0x356: {  	_ = 	snop  }
0x357: {  	[tilespmem:s28], [sflag:$0x1] =	stream.indirect.gather [hbm4b:s23+s30], $0x10, s8, s30, $0xb8;
	[tilespmem:$0x1E710] =	vst v63  }
0x358: {  	_ =	swait.ge [sflag:s4], $0xE00  }
0x359: {  	[sflag:s4] =	ssyncset.done $0x0  }
0x35a: {  	[sflag:s4] =	ssyncadd.s32 $0xFFFFF200  }
0x35b: {  	_ =	swait.ge [sflag:s4], $0xC800  }
0x35c: {  	[sflag:s4] =	ssyncset.done $0x0  }
0x35d: {  	s9 =	simm.s32 $0xFE90;
	[sflag:s4] =	ssyncadd.s32 $0xFFFF3800  }
0x35e: {  	v8 =	vld [tilespmem:s9+$0x170]  }
0x35f: {  	v9 =	vld [tilespmem:s9+$0x150]  }
0x360: {  	v10 =	vld [tilespmem:s9+$0x130]  }
0x361: {  	v11 =	vld [tilespmem:s9+$0x110]  }
0x362: {  	v12 =	vld [tilespmem:s9+$0xF0]  }
0x363: {  	v14 =	vld [tilespmem:s9+$0xD0]  }
0x364: {  	v13 =	vld [tilespmem:s9+$0xB0]  }
0x365: {  	v17 =	vld [tilespmem:s9+$0x90]  }
0x366: {  	v15 =	vld [tilespmem:s9+$0x70]  }
0x367: {  	v20 =	vld [tilespmem:s9+$0x50]  }
0x368: {  	v16 =	vld [tilespmem:s9+$0x30]  }
0x369: {  	v22 =	vld [tilespmem:s9+$0x10]  }
0x36a: {  	v18 =	vld [tilespmem:s9+$0xFFFFFFF0]  }
0x36b: {  	v24 =	vld [tilespmem:s9+$0xFFFFFFD0]  }
0x36c: {  	v19 =	vld [tilespmem:s9+$0xFFFFFFB0]  }
0x36d: {  	v26 =	vld [tilespmem:s9+$0xFFFFFF90]  }
0x36e: {  	v21 =	vld [tilespmem:s9+$0xFFFFFF70]  }
0x36f: {  	v27 =	vld [tilespmem:s9+$0xFFFFFF50]  }
0x370: {  	v23 =	vld [tilespmem:s9+$0xFFFFFF30]  }
0x371: {  	v28 =	vld [tilespmem:s9+$0xFFFFFF10]  }
0x372: {  	v25 =	vld [tilespmem:s9+$0xFFFFFEF0]  }
0x373: {  	v30 =	vld [tilespmem:s9+$0xFFFFFE90]  }
0x374: {  	s10 =	simm.s32 $0x2720;
	v32 =	vld [tilespmem:s9+$0xFFFFFED0]  }
0x375: {  	v29 =	vld [tilespmem:s10+$0xFFFFFFF0]  }
0x376: {  	s11 =	simm.s32 $0x40;
	v31 =	vld [tilespmem:s10+$0xFFFFFFE0]  }
.LBB2_12:
0x377: {  	p0 =	sne.s32 s11, $0xFC0;
	v33 =	vld [tilespmem:s9+$0xFFFFFEA0]  }
0x378: {  	v34 =	vld [tilespmem:s10+$0x0]  }
0x379: {  	v35 =	vld [tilespmem:s9+$0xFFFFFEB0];
	v30 =	vadd.f32 v32, v30  }
0x37a: {  	v32 =	vld [tilespmem:s10+$0x2]  }
0x37b: {  	vm1 =	veq.s32 v29, $0x0;
	v36 =	vld [tilespmem:s9+$0xFFFFFE70];
	v28 =	vadd.f32 v28, v30;
	vm0 =	veq.s32 v31, $0x0  }
0x37c: {  	v31 =	vsel vm1, $0x3F800000, v5;
	v29 =	vld [tilespmem:s9+$0xFFFFFE80];
	v30 =	vsel vm0, $0x3F800000, v5  }
0x37d: {  	v37 =	vld [tilespmem:s9+$0xFFFFFEC0];
	v27 =	vadd.f32 v27, v28;
	v28 =	vadd.f32 v31, v30;
	vm0 =	veq.s32 v34, $0x0  }
0x37e: {  	v30 =	vld [tilespmem:s9+$0xFFFFFEE0];
	v31 =	vsel vm0, $0x3F800000, v5  }
0x37f: {  	v34 =	vld [tilespmem:s9+$0xFFFFFF00];
	v26 =	vadd.f32 v26, v27;
	v27 =	vadd.f32 v31, v28;
	vm0 =	veq.s32 v32, $0x0  }
0x380: {  	v28 =	vld [tilespmem:s9+$0xFFFFFF20];
	v31 =	vnsel vm0, $0x0, v1  }
0x381: {  	v32 =	vld [tilespmem:s9+$0xFFFFFF40];
	v24 =	vadd.f32 v24, v26;
	v26 =	vadd.f32 v31, v27  }
0x382: {  	v27 =	vadd.f32 v35, v36;
	v29 =	vadd.f32 v37, v29;
	v31 =	vld [tilespmem:s9+$0xFFFFFF60]  }
0x383: {  	v30 =	vadd.f32 v30, v33;
	v33 =	vld [tilespmem:s9+$0xFFFFFF80];
	v22 =	vadd.f32 v22, v24;
	v24 =	vperm.xlane v26, v0  }
0x384: {  	v25 =	vadd.f32 v25, v27;
	v27 =	vadd.f32 v34, v29;
	v29 =	vld [tilespmem:s9+$0xFFFFFFA0]  }
0x385: {  	v28 =	vadd.f32 v28, v30;
	v30 =	vld [tilespmem:s9+$0xFFFFFFC0];
	v24 =	vadd.f32 v26, v24  }
0x386: {  	v23 =	vadd.f32 v23, v25;
	v25 =	vadd.f32 v32, v27;
	v26 =	vld [tilespmem:s9+$0xFFFFFFE0]  }
0x387: {  	v20 =	vadd.f32 v20, v22;
	v27 =	vadd.f32 v31, v28;
	v28 =	vld [tilespmem:s9+$0x0];
	v22 =	vperm.xlane v24, v2  }
0x388: {  	v21 =	vadd.f32 v21, v23;
	v23 =	vadd.f32 v33, v25;
	v25 =	vld [tilespmem:s9+$0x20]  }
0x389: {  	v27 =	vadd.f32 v29, v27;
	v29 =	vld [tilespmem:s9+$0x40];
	v22 =	vadd.f32 v24, v22  }
0x38a: {  	v19 =	vadd.f32 v19, v21;
	v21 =	vadd.f32 v30, v23;
	v23 =	vld [tilespmem:s9+$0x60]  }
0x38b: {  	v17 =	vadd.f32 v17, v20;
	v24 =	vadd.f32 v26, v27;
	v26 =	vld [tilespmem:s9+$0x80];
	v20 =	vperm.xlane v22, v4  }
0x38c: {  	v18 =	vadd.f32 v18, v19;
	v19 =	vadd.f32 v28, v21;
	v21 =	vld [tilespmem:s9+$0xA0]  }
0x38d: {  	v24 =	vadd.f32 v25, v24;
	v25 =	vld [tilespmem:s9+$0xC0];
	v20 =	vadd.f32 v22, v20  }
0x38e: {  	v16 =	vadd.f32 v16, v18;
	v18 =	vadd.f32 v29, v19;
	v19 =	vld [tilespmem:s9+$0xE0]  }
0x38f: {  	v14 =	vadd.f32 v14, v17;
	v22 =	vadd.f32 v23, v24;
	v17 =	vld [tilespmem:s9+$0x100];
	v23 =	vperm.xlane v20, v6  }
0x390: {  	v15 =	vadd.f32 v15, v16;
	v16 =	vadd.f32 v26, v18;
	v18 =	vld [tilespmem:s9+$0x120]  }
0x391: {  	v21 =	vadd.f32 v21, v22;
	v22 =	vld [tilespmem:s9+$0x140];
	v20 =	vadd.f32 v20, v23  }
0x392: {  	v13 =	vadd.f32 v13, v15;
	v15 =	vadd.f32 v25, v16;
	v16 =	vld [tilespmem:s9+$0x160]  }
0x393: {  	v19 =	vadd.f32 v19, v21;
	v21 =	vld [tilespmem:s9+$0x180];
	v23 =	vsub.f32 $5.000000000e+01, v20  }
0x394: {  	v12 =	vadd.f32 v12, v13;
	v13 =	vadd.f32 v17, v15  }
0x395: {  	v11 =	vadd.f32 v11, v14;
	v14 =	vadd.f32 v18, v19;
	v15 =	vmax.f32 v23, $9.999999710e-10  }
0x396: {  	v10 =	vadd.f32 v10, v12;
	v12 =	vadd.f32 v22, v13;
	(erf) = vrcp.f32 v15  }
0x397: {  	v9 =	vadd.f32 v9, v11;
	v11 =	vadd.f32 v16, v14  }
0x398: {  	v8 =	vadd.f32 v8, v10;
	v10 =	vadd.f32 v21, v12;
	_ =	sdelay $0x1  }
0x399: {  	v9 =	vadd.f32 v11, v9;
	v8 =	vadd.f32 v10, v8;
	_ =	sdelay $0x1  }
0x39a: {  	v10 =	vmul.f32 v20, v7;
	v8 =	vadd.f32 v8, v9;
	_ =	sdelay $0x1  }
0x39b: {  	v8 =	vsub.f32 v8, v10  }
0x39c: {  	v9 =	vpop (erf)  }
0x39d: {  	v8 =	vmul.f32 v9, v8  }
0x39e: {  	s12 =	sshra.s32 s8, $0x2;
	s8 =	smov.u32 s11  }
0x39f: {  	s9 =	sadd.s32 $0x320, s9;
	[tilespmem:s12+$0x1DB00] =	vst v8  }
0x3a0: {  	v8 =	vld [tilespmem:s9+$0x170]  }
0x3a1: {  	v9 =	vld [tilespmem:s9+$0x150]  }
0x3a2: {  	v10 =	vld [tilespmem:s9+$0x130]  }
0x3a3: {  	v11 =	vld [tilespmem:s9+$0x110]  }
0x3a4: {  	v12 =	vld [tilespmem:s9+$0xF0]  }
0x3a5: {  	v14 =	vld [tilespmem:s9+$0xD0]  }
0x3a6: {  	v13 =	vld [tilespmem:s9+$0xB0]  }
0x3a7: {  	v17 =	vld [tilespmem:s9+$0x90]  }
0x3a8: {  	v15 =	vld [tilespmem:s9+$0x70]  }
0x3a9: {  	v20 =	vld [tilespmem:s9+$0x50]  }
0x3aa: {  	v16 =	vld [tilespmem:s9+$0x30]  }
0x3ab: {  	v22 =	vld [tilespmem:s9+$0x10]  }
0x3ac: {  	v18 =	vld [tilespmem:s9+$0xFFFFFFF0]  }
0x3ad: {  	v24 =	vld [tilespmem:s9+$0xFFFFFFD0]  }
0x3ae: {  	v19 =	vld [tilespmem:s9+$0xFFFFFFB0]  }
0x3af: {  	v26 =	vld [tilespmem:s9+$0xFFFFFF90]  }
0x3b0: {  	v21 =	vld [tilespmem:s9+$0xFFFFFF70]  }
0x3b1: {  	v27 =	vld [tilespmem:s9+$0xFFFFFF50]  }
0x3b2: {  	v23 =	vld [tilespmem:s9+$0xFFFFFF30]  }
0x3b3: {  	v28 =	vld [tilespmem:s9+$0xFFFFFF10]  }
.Ltmp5:
0x3b4: {  	v25 =	vld [tilespmem:s9+$0xFFFFFEF0];
	(pc) =	sbr.rel @p0 .LBB2_12-.Ltmp5, $4  }
0x3b5: {  	v30 =	vld [tilespmem:s9+$0xFFFFFE90]  }
0x3b6: {  	s10 =	sadd.s32 $0x38, s10;
	v32 =	vld [tilespmem:s9+$0xFFFFFED0]  }
0x3b7: {  	v29 =	vld [tilespmem:s10+$0xFFFFFFF0]  }
0x3b8: {  	s11 =	sadd.s32 $0x40, s11;
	v31 =	vld [tilespmem:s10+$0xFFFFFFE0]  }
0x3b9: {  	v33 =	vld [tilespmem:s9+$0xFFFFFEA0]  }
0x3ba: {  	v34 =	vld [tilespmem:s10+$0x0]  }
0x3bb: {  	v35 =	vld [tilespmem:s9+$0xFFFFFEB0];
	v30 =	vadd.f32 v32, v30  }
0x3bc: {  	v60 =	vld [tilespmem:s10+$0x2]  }
0x3bd: {  	v36 =	vld [tilespmem:s9+$0xFFFFFE70];
	vm1 =	veq.s32 v29, $0x0;
	v28 =	vadd.f32 v28, v30;
	vm0 =	veq.s32 v31, $0x0  }
0x3be: {  	v37 =	vld [tilespmem:s9+$0xFFFFFEC0];
	v31 =	vsel vm1, $0x3F800000, v5;
	v30 =	vsel vm0, $0x3F800000, v5  }
0x3bf: {  	v29 =	vld [tilespmem:s9+$0xFFFFFE80];
	vm14 =	veq.s32 v34, $0x0;
	v27 =	vadd.f32 v27, v28;
	v28 =	vadd.f32 v31, v30  }
0x3c0: {  	v30 =	vld [tilespmem:s9+$0xFFFFFEE0];
	v31 =	vsel vm14, $0x3F800000, v5  }
0x3c1: {  	v61 =	vld [tilespmem:s9+$0xFFFFFF00];
	vm15 =	veq.s32 v60, $0x0;
	v26 =	vadd.f32 v26, v27;
	v27 =	vadd.f32 v31, v28  }
0x3c2: {  	v28 =	vld [tilespmem:s9+$0xFFFFFF20];
	v31 =	vnsel vm15, $0x0, v1  }
0x3c3: {  	v62 =	vld [tilespmem:s9+$0xFFFFFF40];
	v24 =	vadd.f32 v24, v26;
	v26 =	vadd.f32 v31, v27  }
0x3c4: {  	v29 =	vadd.f32 v37, v29;
	v27 =	vadd.f32 v35, v36;
	v31 =	vld [tilespmem:s9+$0xFFFFFF60]  }
0x3c5: {  	v63 =	vld [tilespmem:s9+$0xFFFFFF80];
	v30 =	vadd.f32 v30, v33;
	v22 =	vadd.f32 v22, v24;
	v24 =	vperm.xlane v26, v0  }
0x3c6: {  	v25 =	vadd.f32 v25, v27;
	v27 =	vadd.f32 v61, v29;
	v29 =	vld [tilespmem:s9+$0xFFFFFFA0]  }
0x3c7: {  	v28 =	vadd.f32 v28, v30;
	v30 =	vld [tilespmem:s9+$0xFFFFFFC0];
	v24 =	vadd.f32 v26, v24  }
0x3c8: {  	v23 =	vadd.f32 v23, v25;
	v25 =	vadd.f32 v62, v27;
	v26 =	vld [tilespmem:s9+$0xFFFFFFE0]  }
0x3c9: {  	v20 =	vadd.f32 v20, v22;
	v27 =	vadd.f32 v31, v28;
	v28 =	vld [tilespmem:s9+$0x0];
	v22 =	vperm.xlane v24, v2  }
0x3ca: {  	v21 =	vadd.f32 v21, v23;
	v23 =	vadd.f32 v63, v25;
	v25 =	vld [tilespmem:s9+$0x20]  }
0x3cb: {  	v27 =	vadd.f32 v29, v27;
	v29 =	vld [tilespmem:s9+$0x40];
	v22 =	vadd.f32 v24, v22  }
0x3cc: {  	v19 =	vadd.f32 v19, v21;
	v21 =	vadd.f32 v30, v23;
	v23 =	vld [tilespmem:s9+$0x60]  }
0x3cd: {  	v17 =	vadd.f32 v17, v20;
	v24 =	vadd.f32 v26, v27;
	v26 =	vld [tilespmem:s9+$0x80];
	v20 =	vperm.xlane v22, v4  }
0x3ce: {  	v18 =	vadd.f32 v18, v19;
	v19 =	vadd.f32 v28, v21;
	v21 =	vld [tilespmem:s9+$0xA0]  }
0x3cf: {  	v24 =	vadd.f32 v25, v24;
	v25 =	vld [tilespmem:s9+$0xC0];
	v20 =	vadd.f32 v22, v20  }
0x3d0: {  	v16 =	vadd.f32 v16, v18;
	v18 =	vadd.f32 v29, v19;
	v19 =	vld [tilespmem:s9+$0xE0]  }
0x3d1: {  	v14 =	vadd.f32 v14, v17;
	v17 =	vld [tilespmem:s9+$0x100];
	v22 =	vadd.f32 v23, v24;
	v23 =	vperm.xlane v20, v6  }
0x3d2: {  	v15 =	vadd.f32 v15, v16;
	v16 =	vadd.f32 v26, v18;
	v18 =	vld [tilespmem:s9+$0x120]  }
0x3d3: {  	v21 =	vadd.f32 v21, v22;
	v22 =	vld [tilespmem:s9+$0x140];
	v20 =	vadd.f32 v20, v23  }
0x3d4: {  	v13 =	vadd.f32 v13, v15;
	v15 =	vadd.f32 v25, v16;
	v16 =	vld [tilespmem:s9+$0x160]  }
0x3d5: {  	v19 =	vadd.f32 v19, v21;
	v21 =	vld [tilespmem:s9+$0x180];
	v23 =	vsub.f32 $5.000000000e+01, v20  }
0x3d6: {  	v12 =	vadd.f32 v12, v13;
	v13 =	vadd.f32 v17, v15  }
0x3d7: {  	v11 =	vadd.f32 v11, v14;
	v14 =	vadd.f32 v18, v19  }
0x3d8: {  	v15 =	vmax.f32 v23, $9.999999710e-10;
	v10 =	vadd.f32 v10, v12;
	v12 =	vadd.f32 v22, v13  }
0x3d9: {  	v9 =	vadd.f32 v9, v11;
	(erf) = vrcp.f32 v15;
	v11 =	vadd.f32 v16, v14  }
0x3da: {  	v8 =	vadd.f32 v8, v10;
	v10 =	vadd.f32 v21, v12;
	_ =	sdelay $0x1  }
0x3db: {  	v9 =	vadd.f32 v11, v9;
	v8 =	vadd.f32 v10, v8;
	_ =	sdelay $0x1  }
0x3dc: {  	v8 =	vadd.f32 v8, v9;
	v9 =	vmul.f32 v20, v7;
	_ =	sdelay $0x2  }
0x3dd: {  	v8 =	vsub.f32 v8, v9  }
0x3de: {  	v9 =	vpop (erf)  }
0x3df: {  	v8 =	vmul.f32 v9, v8  }
0x3e0: {  	s8 =	sshra.s32 s8, $0x2  }
0x3e1: {  	s12 =	rddreg [dreg:$0xc];
	[tilespmem:s8+$0x1DB00] =	vst v8;
	s8 =	simm.s32 $0x0  }
0x3e2: {  	[tilespmem:s30], [sflag:$0x3] =	stream.linear.gather [hbm4b:s12+s8], $0xC80, $0x38;
	[tilespmem:$0x1E710] =	vst v63  }
0x3e3: {  	_ =	swait.ge [sflag:s29], $0xC80  }
0x3e4: {  	[sflag:s29] =	ssyncset.done $0x0  }
0x3e5: {  	[sflag:s29] =	ssyncadd.s32 $0xFFFFF380  }
0x3e6: {  	[tilespmem:s5], [sflag:$0x2] =	stream.linear.gather [hbm4b:s18+s8], $0xE00, $0x38;
	[tilespmem:$0x1E710] =	vst v63  }
0x3e7: {  	_ = 	snop  }
0x3e8: {  	[tilespmem:s1], [sflag:$0x2] =	stream.indirect.gather [hbm4b:s23+s30], $0x10, s30, s30, $0xb8;
	[tilespmem:$0x1E710] =	vst v63  }
0x3e9: {  	_ =	swait.ge [sflag:s6], $0xE00  }
0x3ea: {  	[sflag:s6] =	ssyncset.done $0x0  }
0x3eb: {  	[sflag:s6] =	ssyncadd.s32 $0xFFFFF200  }
0x3ec: {  	_ =	swait.ge [sflag:s6], $0xC800  }
0x3ed: {  	[sflag:s6] =	ssyncset.done $0x0  }
0x3ee: {  	s9 =	simm.s32 $0x3690;
	[sflag:s6] =	ssyncadd.s32 $0xFFFF3800  }
0x3ef: {  	v8 =	vld [tilespmem:s9+$0x170]  }
0x3f0: {  	v9 =	vld [tilespmem:s9+$0x150]  }
0x3f1: {  	v10 =	vld [tilespmem:s9+$0x130]  }
0x3f2: {  	v11 =	vld [tilespmem:s9+$0x110]  }
0x3f3: {  	v12 =	vld [tilespmem:s9+$0xF0]  }
0x3f4: {  	v14 =	vld [tilespmem:s9+$0xD0]  }
0x3f5: {  	v13 =	vld [tilespmem:s9+$0xB0]  }
0x3f6: {  	v17 =	vld [tilespmem:s9+$0x90]  }
0x3f7: {  	v15 =	vld [tilespmem:s9+$0x70]  }
0x3f8: {  	v20 =	vld [tilespmem:s9+$0x50]  }
0x3f9: {  	v16 =	vld [tilespmem:s9+$0x30]  }
0x3fa: {  	v22 =	vld [tilespmem:s9+$0x10]  }
0x3fb: {  	v18 =	vld [tilespmem:s9+$0xFFFFFFF0]  }
0x3fc: {  	v24 =	vld [tilespmem:s9+$0xFFFFFFD0]  }
0x3fd: {  	v19 =	vld [tilespmem:s9+$0xFFFFFFB0]  }
0x3fe: {  	v26 =	vld [tilespmem:s9+$0xFFFFFF90]  }
0x3ff: {  	v21 =	vld [tilespmem:s9+$0xFFFFFF70]  }
0x400: {  	v27 =	vld [tilespmem:s9+$0xFFFFFF50]  }
0x401: {  	v23 =	vld [tilespmem:s9+$0xFFFFFF30]  }
0x402: {  	v28 =	vld [tilespmem:s9+$0xFFFFFF10]  }
0x403: {  	v25 =	vld [tilespmem:s9+$0xFFFFFEF0]  }
0x404: {  	v30 =	vld [tilespmem:s9+$0xFFFFFE90]  }
0x405: {  	s10 =	simm.s32 $0x1920;
	v32 =	vld [tilespmem:s9+$0xFFFFFED0]  }
0x406: {  	v29 =	vld [tilespmem:s10+$0xFFFFFFF0]  }
0x407: {  	s11 =	simm.s32 $0x40;
	v31 =	vld [tilespmem:s10+$0xFFFFFFE0]  }
.LBB2_14:
0x408: {  	p0 =	sne.s32 s11, $0xFC0;
	v33 =	vld [tilespmem:s9+$0xFFFFFEA0]  }
0x409: {  	v34 =	vld [tilespmem:s10+$0x0]  }
0x40a: {  	v35 =	vld [tilespmem:s9+$0xFFFFFEB0];
	v30 =	vadd.f32 v32, v30  }
0x40b: {  	v32 =	vld [tilespmem:s10+$0x2]  }
0x40c: {  	vm1 =	veq.s32 v29, $0x0;
	v36 =	vld [tilespmem:s9+$0xFFFFFE70];
	v28 =	vadd.f32 v28, v30;
	vm0 =	veq.s32 v31, $0x0  }
0x40d: {  	v31 =	vsel vm1, $0x3F800000, v5;
	v29 =	vld [tilespmem:s9+$0xFFFFFE80];
	v30 =	vsel vm0, $0x3F800000, v5  }
0x40e: {  	v37 =	vld [tilespmem:s9+$0xFFFFFEC0];
	v27 =	vadd.f32 v27, v28;
	v28 =	vadd.f32 v31, v30;
	vm0 =	veq.s32 v34, $0x0  }
0x40f: {  	v30 =	vld [tilespmem:s9+$0xFFFFFEE0];
	v31 =	vsel vm0, $0x3F800000, v5  }
0x410: {  	v34 =	vld [tilespmem:s9+$0xFFFFFF00];
	v26 =	vadd.f32 v26, v27;
	v27 =	vadd.f32 v31, v28;
	vm0 =	veq.s32 v32, $0x0  }
0x411: {  	v28 =	vld [tilespmem:s9+$0xFFFFFF20];
	v31 =	vnsel vm0, $0x0, v1  }
0x412: {  	v32 =	vld [tilespmem:s9+$0xFFFFFF40];
	v24 =	vadd.f32 v24, v26;
	v26 =	vadd.f32 v31, v27  }
0x413: {  	v27 =	vadd.f32 v35, v36;
	v29 =	vadd.f32 v37, v29;
	v31 =	vld [tilespmem:s9+$0xFFFFFF60]  }
0x414: {  	v30 =	vadd.f32 v30, v33;
	v33 =	vld [tilespmem:s9+$0xFFFFFF80];
	v22 =	vadd.f32 v22, v24;
	v24 =	vperm.xlane v26, v0  }
0x415: {  	v25 =	vadd.f32 v25, v27;
	v27 =	vadd.f32 v34, v29;
	v29 =	vld [tilespmem:s9+$0xFFFFFFA0]  }
0x416: {  	v28 =	vadd.f32 v28, v30;
	v30 =	vld [tilespmem:s9+$0xFFFFFFC0];
	v24 =	vadd.f32 v26, v24  }
0x417: {  	v23 =	vadd.f32 v23, v25;
	v25 =	vadd.f32 v32, v27;
	v26 =	vld [tilespmem:s9+$0xFFFFFFE0]  }
0x418: {  	v20 =	vadd.f32 v20, v22;
	v27 =	vadd.f32 v31, v28;
	v28 =	vld [tilespmem:s9+$0x0];
	v22 =	vperm.xlane v24, v2  }
0x419: {  	v21 =	vadd.f32 v21, v23;
	v23 =	vadd.f32 v33, v25;
	v25 =	vld [tilespmem:s9+$0x20]  }
0x41a: {  	v27 =	vadd.f32 v29, v27;
	v29 =	vld [tilespmem:s9+$0x40];
	v22 =	vadd.f32 v24, v22  }
0x41b: {  	v19 =	vadd.f32 v19, v21;
	v21 =	vadd.f32 v30, v23;
	v23 =	vld [tilespmem:s9+$0x60]  }
0x41c: {  	v17 =	vadd.f32 v17, v20;
	v24 =	vadd.f32 v26, v27;
	v26 =	vld [tilespmem:s9+$0x80];
	v20 =	vperm.xlane v22, v4  }
0x41d: {  	v18 =	vadd.f32 v18, v19;
	v19 =	vadd.f32 v28, v21;
	v21 =	vld [tilespmem:s9+$0xA0]  }
0x41e: {  	v24 =	vadd.f32 v25, v24;
	v25 =	vld [tilespmem:s9+$0xC0];
	v20 =	vadd.f32 v22, v20  }
0x41f: {  	v16 =	vadd.f32 v16, v18;
	v18 =	vadd.f32 v29, v19;
	v19 =	vld [tilespmem:s9+$0xE0]  }
0x420: {  	v14 =	vadd.f32 v14, v17;
	v22 =	vadd.f32 v23, v24;
	v17 =	vld [tilespmem:s9+$0x100];
	v23 =	vperm.xlane v20, v6  }
0x421: {  	v15 =	vadd.f32 v15, v16;
	v16 =	vadd.f32 v26, v18;
	v18 =	vld [tilespmem:s9+$0x120]  }
0x422: {  	v21 =	vadd.f32 v21, v22;
	v22 =	vld [tilespmem:s9+$0x140];
	v20 =	vadd.f32 v20, v23  }
0x423: {  	v13 =	vadd.f32 v13, v15;
	v15 =	vadd.f32 v25, v16;
	v16 =	vld [tilespmem:s9+$0x160]  }
0x424: {  	v19 =	vadd.f32 v19, v21;
	v21 =	vld [tilespmem:s9+$0x180];
	v23 =	vsub.f32 $5.000000000e+01, v20  }
0x425: {  	v12 =	vadd.f32 v12, v13;
	v13 =	vadd.f32 v17, v15  }
0x426: {  	v11 =	vadd.f32 v11, v14;
	v14 =	vadd.f32 v18, v19;
	v15 =	vmax.f32 v23, $9.999999710e-10  }
0x427: {  	v10 =	vadd.f32 v10, v12;
	v12 =	vadd.f32 v22, v13;
	(erf) = vrcp.f32 v15  }
0x428: {  	v9 =	vadd.f32 v9, v11;
	v11 =	vadd.f32 v16, v14  }
0x429: {  	v8 =	vadd.f32 v8, v10;
	v10 =	vadd.f32 v21, v12;
	_ =	sdelay $0x1  }
0x42a: {  	v9 =	vadd.f32 v11, v9;
	v8 =	vadd.f32 v10, v8;
	_ =	sdelay $0x1  }
0x42b: {  	v10 =	vmul.f32 v20, v7;
	v8 =	vadd.f32 v8, v9;
	_ =	sdelay $0x1  }
0x42c: {  	v8 =	vsub.f32 v8, v10  }
0x42d: {  	v9 =	vpop (erf)  }
0x42e: {  	v8 =	vmul.f32 v9, v8  }
0x42f: {  	s12 =	sshra.s32 s8, $0x2;
	s8 =	smov.u32 s11  }
0x430: {  	s9 =	sadd.s32 $0x320, s9;
	[tilespmem:s12+$0x1DF00] =	vst v8  }
0x431: {  	v8 =	vld [tilespmem:s9+$0x170]  }
0x432: {  	v9 =	vld [tilespmem:s9+$0x150]  }
0x433: {  	v10 =	vld [tilespmem:s9+$0x130]  }
0x434: {  	v11 =	vld [tilespmem:s9+$0x110]  }
0x435: {  	v12 =	vld [tilespmem:s9+$0xF0]  }
0x436: {  	v14 =	vld [tilespmem:s9+$0xD0]  }
0x437: {  	v13 =	vld [tilespmem:s9+$0xB0]  }
0x438: {  	v17 =	vld [tilespmem:s9+$0x90]  }
0x439: {  	v15 =	vld [tilespmem:s9+$0x70]  }
0x43a: {  	v20 =	vld [tilespmem:s9+$0x50]  }
0x43b: {  	v16 =	vld [tilespmem:s9+$0x30]  }
0x43c: {  	v22 =	vld [tilespmem:s9+$0x10]  }
0x43d: {  	v18 =	vld [tilespmem:s9+$0xFFFFFFF0]  }
0x43e: {  	v24 =	vld [tilespmem:s9+$0xFFFFFFD0]  }
0x43f: {  	v19 =	vld [tilespmem:s9+$0xFFFFFFB0]  }
0x440: {  	v26 =	vld [tilespmem:s9+$0xFFFFFF90]  }
0x441: {  	v21 =	vld [tilespmem:s9+$0xFFFFFF70]  }
0x442: {  	v27 =	vld [tilespmem:s9+$0xFFFFFF50]  }
0x443: {  	v23 =	vld [tilespmem:s9+$0xFFFFFF30]  }
0x444: {  	v28 =	vld [tilespmem:s9+$0xFFFFFF10]  }
.Ltmp6:
0x445: {  	v25 =	vld [tilespmem:s9+$0xFFFFFEF0];
	(pc) =	sbr.rel @p0 .LBB2_14-.Ltmp6, $4  }
0x446: {  	v30 =	vld [tilespmem:s9+$0xFFFFFE90]  }
0x447: {  	s10 =	sadd.s32 $0x38, s10;
	v32 =	vld [tilespmem:s9+$0xFFFFFED0]  }
0x448: {  	v29 =	vld [tilespmem:s10+$0xFFFFFFF0]  }
0x449: {  	s11 =	sadd.s32 $0x40, s11;
	v31 =	vld [tilespmem:s10+$0xFFFFFFE0]  }
0x44a: {  	v33 =	vld [tilespmem:s9+$0xFFFFFEA0]  }
0x44b: {  	v34 =	vld [tilespmem:s10+$0x0]  }
0x44c: {  	v35 =	vld [tilespmem:s9+$0xFFFFFEB0];
	v30 =	vadd.f32 v32, v30  }
0x44d: {  	v60 =	vld [tilespmem:s10+$0x2]  }
0x44e: {  	v36 =	vld [tilespmem:s9+$0xFFFFFE70];
	vm1 =	veq.s32 v29, $0x0;
	v28 =	vadd.f32 v28, v30;
	vm0 =	veq.s32 v31, $0x0  }
0x44f: {  	v37 =	vld [tilespmem:s9+$0xFFFFFEC0];
	v31 =	vsel vm1, $0x3F800000, v5;
	v30 =	vsel vm0, $0x3F800000, v5  }
0x450: {  	v29 =	vld [tilespmem:s9+$0xFFFFFE80];
	vm14 =	veq.s32 v34, $0x0;
	v27 =	vadd.f32 v27, v28;
	v28 =	vadd.f32 v31, v30  }
0x451: {  	v30 =	vld [tilespmem:s9+$0xFFFFFEE0];
	v31 =	vsel vm14, $0x3F800000, v5  }
0x452: {  	v61 =	vld [tilespmem:s9+$0xFFFFFF00];
	vm15 =	veq.s32 v60, $0x0;
	v26 =	vadd.f32 v26, v27;
	v27 =	vadd.f32 v31, v28  }
0x453: {  	v28 =	vld [tilespmem:s9+$0xFFFFFF20];
	v31 =	vnsel vm15, $0x0, v1  }
0x454: {  	v62 =	vld [tilespmem:s9+$0xFFFFFF40];
	v24 =	vadd.f32 v24, v26;
	v26 =	vadd.f32 v31, v27  }
0x455: {  	v29 =	vadd.f32 v37, v29;
	v27 =	vadd.f32 v35, v36;
	v31 =	vld [tilespmem:s9+$0xFFFFFF60]  }
0x456: {  	v63 =	vld [tilespmem:s9+$0xFFFFFF80];
	v30 =	vadd.f32 v30, v33;
	v22 =	vadd.f32 v22, v24;
	v24 =	vperm.xlane v26, v0  }
0x457: {  	v25 =	vadd.f32 v25, v27;
	v27 =	vadd.f32 v61, v29;
	v29 =	vld [tilespmem:s9+$0xFFFFFFA0]  }
0x458: {  	v28 =	vadd.f32 v28, v30;
	v30 =	vld [tilespmem:s9+$0xFFFFFFC0];
	v24 =	vadd.f32 v26, v24  }
0x459: {  	v23 =	vadd.f32 v23, v25;
	v25 =	vadd.f32 v62, v27;
	v26 =	vld [tilespmem:s9+$0xFFFFFFE0]  }
0x45a: {  	v20 =	vadd.f32 v20, v22;
	v27 =	vadd.f32 v31, v28;
	v28 =	vld [tilespmem:s9+$0x0];
	v22 =	vperm.xlane v24, v2  }
0x45b: {  	v21 =	vadd.f32 v21, v23;
	v23 =	vadd.f32 v63, v25;
	v25 =	vld [tilespmem:s9+$0x20]  }
0x45c: {  	v27 =	vadd.f32 v29, v27;
	v29 =	vld [tilespmem:s9+$0x40];
	v22 =	vadd.f32 v24, v22  }
0x45d: {  	v19 =	vadd.f32 v19, v21;
	v21 =	vadd.f32 v30, v23;
	v23 =	vld [tilespmem:s9+$0x60]  }
0x45e: {  	v17 =	vadd.f32 v17, v20;
	v24 =	vadd.f32 v26, v27;
	v26 =	vld [tilespmem:s9+$0x80];
	v20 =	vperm.xlane v22, v4  }
0x45f: {  	v18 =	vadd.f32 v18, v19;
	v19 =	vadd.f32 v28, v21;
	v21 =	vld [tilespmem:s9+$0xA0]  }
0x460: {  	v24 =	vadd.f32 v25, v24;
	v25 =	vld [tilespmem:s9+$0xC0];
	v20 =	vadd.f32 v22, v20  }
0x461: {  	v16 =	vadd.f32 v16, v18;
	v18 =	vadd.f32 v29, v19;
	v19 =	vld [tilespmem:s9+$0xE0]  }
0x462: {  	v14 =	vadd.f32 v14, v17;
	v17 =	vld [tilespmem:s9+$0x100];
	v22 =	vadd.f32 v23, v24;
	v23 =	vperm.xlane v20, v6  }
0x463: {  	v15 =	vadd.f32 v15, v16;
	v16 =	vadd.f32 v26, v18;
	v18 =	vld [tilespmem:s9+$0x120]  }
0x464: {  	v21 =	vadd.f32 v21, v22;
	v22 =	vld [tilespmem:s9+$0x140];
	v20 =	vadd.f32 v20, v23  }
0x465: {  	v13 =	vadd.f32 v13, v15;
	v15 =	vadd.f32 v25, v16;
	v16 =	vld [tilespmem:s9+$0x160]  }
0x466: {  	v19 =	vadd.f32 v19, v21;
	v21 =	vld [tilespmem:s9+$0x180];
	v23 =	vsub.f32 $5.000000000e+01, v20  }
0x467: {  	v12 =	vadd.f32 v12, v13;
	v13 =	vadd.f32 v17, v15  }
0x468: {  	v11 =	vadd.f32 v11, v14;
	v14 =	vadd.f32 v18, v19  }
0x469: {  	v15 =	vmax.f32 v23, $9.999999710e-10;
	v10 =	vadd.f32 v10, v12;
	v12 =	vadd.f32 v22, v13  }
0x46a: {  	v9 =	vadd.f32 v9, v11;
	(erf) = vrcp.f32 v15;
	v11 =	vadd.f32 v16, v14  }
0x46b: {  	v8 =	vadd.f32 v8, v10;
	v10 =	vadd.f32 v21, v12;
	_ =	sdelay $0x1  }
0x46c: {  	v9 =	vadd.f32 v11, v9;
	v8 =	vadd.f32 v10, v8;
	_ =	sdelay $0x1  }
0x46d: {  	v8 =	vadd.f32 v8, v9;
	v9 =	vmul.f32 v20, v7;
	_ =	sdelay $0x2  }
0x46e: {  	v8 =	vsub.f32 v8, v9  }
0x46f: {  	v9 =	vpop (erf)  }
0x470: {  	v8 =	vmul.f32 v9, v8  }
0x471: {  	s8 =	sshra.s32 s8, $0x2  }
0x472: {  	[tilespmem:s8+$0x1DF00] =	vst v8  }
0x473: {  	_ =	swait.ge [sflag:s4], $0xE00  }
0x474: {  	[sflag:s4] =	ssyncset.done $0x0  }
0x475: {  	[sflag:s4] =	ssyncadd.s32 $0xFFFFF200  }
0x476: {  	_ =	swait.ge [sflag:s4], $0xC800  }
0x477: {  	[sflag:s4] =	ssyncset.done $0x0  }
0x478: {  	s8 =	simm.s32 $0xFE90;
	[sflag:s4] =	ssyncadd.s32 $0xFFFF3800  }
0x479: {  	v8 =	vld [tilespmem:s8+$0x170]  }
0x47a: {  	v9 =	vld [tilespmem:s8+$0x150]  }
0x47b: {  	v10 =	vld [tilespmem:s8+$0x130]  }
0x47c: {  	v11 =	vld [tilespmem:s8+$0x110]  }
0x47d: {  	v12 =	vld [tilespmem:s8+$0xF0]  }
0x47e: {  	v14 =	vld [tilespmem:s8+$0xD0]  }
0x47f: {  	v13 =	vld [tilespmem:s8+$0xB0]  }
0x480: {  	v17 =	vld [tilespmem:s8+$0x90]  }
0x481: {  	v15 =	vld [tilespmem:s8+$0x70]  }
0x482: {  	v20 =	vld [tilespmem:s8+$0x50]  }
0x483: {  	v16 =	vld [tilespmem:s8+$0x30]  }
0x484: {  	v22 =	vld [tilespmem:s8+$0x10]  }
0x485: {  	v18 =	vld [tilespmem:s8+$0xFFFFFFF0]  }
0x486: {  	v24 =	vld [tilespmem:s8+$0xFFFFFFD0]  }
0x487: {  	v19 =	vld [tilespmem:s8+$0xFFFFFFB0]  }
0x488: {  	v26 =	vld [tilespmem:s8+$0xFFFFFF90]  }
0x489: {  	v21 =	vld [tilespmem:s8+$0xFFFFFF70]  }
0x48a: {  	v27 =	vld [tilespmem:s8+$0xFFFFFF50]  }
0x48b: {  	v23 =	vld [tilespmem:s8+$0xFFFFFF30]  }
0x48c: {  	v28 =	vld [tilespmem:s8+$0xFFFFFF10]  }
0x48d: {  	v25 =	vld [tilespmem:s8+$0xFFFFFEF0]  }
0x48e: {  	v30 =	vld [tilespmem:s8+$0xFFFFFE90]  }
0x48f: {  	s10 =	simm.s32 $0x2720;
	v32 =	vld [tilespmem:s8+$0xFFFFFED0]  }
0x490: {  	v29 =	vld [tilespmem:s10+$0xFFFFFFF0]  }
0x491: {  	s11 =	simm.s32 $0x40;
	s9 =	simm.s32 $0x0;
	v31 =	vld [tilespmem:s10+$0xFFFFFFE0]  }
.LBB2_16:
0x492: {  	p0 =	sne.s32 s11, $0xFC0;
	v33 =	vld [tilespmem:s8+$0xFFFFFEA0]  }
0x493: {  	v34 =	vld [tilespmem:s10+$0x0]  }
0x494: {  	v35 =	vld [tilespmem:s8+$0xFFFFFEB0];
	v30 =	vadd.f32 v32, v30  }
0x495: {  	v32 =	vld [tilespmem:s10+$0x2]  }
0x496: {  	vm1 =	veq.s32 v29, $0x0;
	v36 =	vld [tilespmem:s8+$0xFFFFFE70];
	v28 =	vadd.f32 v28, v30;
	vm0 =	veq.s32 v31, $0x0  }
0x497: {  	v31 =	vsel vm1, $0x3F800000, v5;
	v29 =	vld [tilespmem:s8+$0xFFFFFE80];
	v30 =	vsel vm0, $0x3F800000, v5  }
0x498: {  	v37 =	vld [tilespmem:s8+$0xFFFFFEC0];
	v27 =	vadd.f32 v27, v28;
	v28 =	vadd.f32 v31, v30;
	vm0 =	veq.s32 v34, $0x0  }
0x499: {  	v30 =	vld [tilespmem:s8+$0xFFFFFEE0];
	v31 =	vsel vm0, $0x3F800000, v5  }
0x49a: {  	v34 =	vld [tilespmem:s8+$0xFFFFFF00];
	v26 =	vadd.f32 v26, v27;
	v27 =	vadd.f32 v31, v28;
	vm0 =	veq.s32 v32, $0x0  }
0x49b: {  	v28 =	vld [tilespmem:s8+$0xFFFFFF20];
	v31 =	vnsel vm0, $0x0, v1  }
0x49c: {  	v32 =	vld [tilespmem:s8+$0xFFFFFF40];
	v24 =	vadd.f32 v24, v26;
	v26 =	vadd.f32 v31, v27  }
0x49d: {  	v27 =	vadd.f32 v35, v36;
	v29 =	vadd.f32 v37, v29;
	v31 =	vld [tilespmem:s8+$0xFFFFFF60]  }
0x49e: {  	v30 =	vadd.f32 v30, v33;
	v33 =	vld [tilespmem:s8+$0xFFFFFF80];
	v22 =	vadd.f32 v22, v24;
	v24 =	vperm.xlane v26, v0  }
0x49f: {  	v25 =	vadd.f32 v25, v27;
	v27 =	vadd.f32 v34, v29;
	v29 =	vld [tilespmem:s8+$0xFFFFFFA0]  }
0x4a0: {  	v28 =	vadd.f32 v28, v30;
	v30 =	vld [tilespmem:s8+$0xFFFFFFC0];
	v24 =	vadd.f32 v26, v24  }
0x4a1: {  	v23 =	vadd.f32 v23, v25;
	v25 =	vadd.f32 v32, v27;
	v26 =	vld [tilespmem:s8+$0xFFFFFFE0]  }
0x4a2: {  	v20 =	vadd.f32 v20, v22;
	v27 =	vadd.f32 v31, v28;
	v28 =	vld [tilespmem:s8+$0x0];
	v22 =	vperm.xlane v24, v2  }
0x4a3: {  	v21 =	vadd.f32 v21, v23;
	v23 =	vadd.f32 v33, v25;
	v25 =	vld [tilespmem:s8+$0x20]  }
0x4a4: {  	v27 =	vadd.f32 v29, v27;
	v29 =	vld [tilespmem:s8+$0x40];
	v22 =	vadd.f32 v24, v22  }
0x4a5: {  	v19 =	vadd.f32 v19, v21;
	v21 =	vadd.f32 v30, v23;
	v23 =	vld [tilespmem:s8+$0x60]  }
0x4a6: {  	v17 =	vadd.f32 v17, v20;
	v24 =	vadd.f32 v26, v27;
	v26 =	vld [tilespmem:s8+$0x80];
	v20 =	vperm.xlane v22, v4  }
0x4a7: {  	v18 =	vadd.f32 v18, v19;
	v19 =	vadd.f32 v28, v21;
	v21 =	vld [tilespmem:s8+$0xA0]  }
0x4a8: {  	v24 =	vadd.f32 v25, v24;
	v25 =	vld [tilespmem:s8+$0xC0];
	v20 =	vadd.f32 v22, v20  }
0x4a9: {  	v16 =	vadd.f32 v16, v18;
	v18 =	vadd.f32 v29, v19;
	v19 =	vld [tilespmem:s8+$0xE0]  }
0x4aa: {  	v14 =	vadd.f32 v14, v17;
	v22 =	vadd.f32 v23, v24;
	v17 =	vld [tilespmem:s8+$0x100];
	v23 =	vperm.xlane v20, v6  }
0x4ab: {  	v15 =	vadd.f32 v15, v16;
	v16 =	vadd.f32 v26, v18;
	v18 =	vld [tilespmem:s8+$0x120]  }
0x4ac: {  	v21 =	vadd.f32 v21, v22;
	v22 =	vld [tilespmem:s8+$0x140];
	v20 =	vadd.f32 v20, v23  }
0x4ad: {  	v13 =	vadd.f32 v13, v15;
	v15 =	vadd.f32 v25, v16;
	v16 =	vld [tilespmem:s8+$0x160]  }
0x4ae: {  	v19 =	vadd.f32 v19, v21;
	v21 =	vld [tilespmem:s8+$0x180];
	v23 =	vsub.f32 $5.000000000e+01, v20  }
0x4af: {  	v12 =	vadd.f32 v12, v13;
	v13 =	vadd.f32 v17, v15  }
0x4b0: {  	v11 =	vadd.f32 v11, v14;
	v14 =	vadd.f32 v18, v19;
	v15 =	vmax.f32 v23, $9.999999710e-10  }
0x4b1: {  	v10 =	vadd.f32 v10, v12;
	v12 =	vadd.f32 v22, v13;
	(erf) = vrcp.f32 v15  }
0x4b2: {  	v9 =	vadd.f32 v9, v11;
	v11 =	vadd.f32 v16, v14  }
0x4b3: {  	v8 =	vadd.f32 v8, v10;
	v10 =	vadd.f32 v21, v12;
	_ =	sdelay $0x1  }
0x4b4: {  	v9 =	vadd.f32 v11, v9;
	v8 =	vadd.f32 v10, v8;
	_ =	sdelay $0x1  }
0x4b5: {  	v10 =	vmul.f32 v20, v7;
	v8 =	vadd.f32 v8, v9;
	_ =	sdelay $0x1  }
0x4b6: {  	v8 =	vsub.f32 v8, v10  }
0x4b7: {  	v9 =	vpop (erf)  }
0x4b8: {  	v8 =	vmul.f32 v9, v8  }
0x4b9: {  	s12 =	sshra.s32 s9, $0x2;
	s9 =	smov.u32 s11  }
0x4ba: {  	s8 =	sadd.s32 $0x320, s8;
	[tilespmem:s12+$0x1E300] =	vst v8  }
0x4bb: {  	v8 =	vld [tilespmem:s8+$0x170]  }
0x4bc: {  	v9 =	vld [tilespmem:s8+$0x150]  }
0x4bd: {  	v10 =	vld [tilespmem:s8+$0x130]  }
0x4be: {  	v11 =	vld [tilespmem:s8+$0x110]  }
0x4bf: {  	v12 =	vld [tilespmem:s8+$0xF0]  }
0x4c0: {  	v14 =	vld [tilespmem:s8+$0xD0]  }
0x4c1: {  	v13 =	vld [tilespmem:s8+$0xB0]  }
0x4c2: {  	v17 =	vld [tilespmem:s8+$0x90]  }
0x4c3: {  	v15 =	vld [tilespmem:s8+$0x70]  }
0x4c4: {  	v20 =	vld [tilespmem:s8+$0x50]  }
0x4c5: {  	v16 =	vld [tilespmem:s8+$0x30]  }
0x4c6: {  	v22 =	vld [tilespmem:s8+$0x10]  }
0x4c7: {  	v18 =	vld [tilespmem:s8+$0xFFFFFFF0]  }
0x4c8: {  	v24 =	vld [tilespmem:s8+$0xFFFFFFD0]  }
0x4c9: {  	v19 =	vld [tilespmem:s8+$0xFFFFFFB0]  }
0x4ca: {  	v26 =	vld [tilespmem:s8+$0xFFFFFF90]  }
0x4cb: {  	v21 =	vld [tilespmem:s8+$0xFFFFFF70]  }
0x4cc: {  	v27 =	vld [tilespmem:s8+$0xFFFFFF50]  }
0x4cd: {  	v23 =	vld [tilespmem:s8+$0xFFFFFF30]  }
0x4ce: {  	v28 =	vld [tilespmem:s8+$0xFFFFFF10]  }
.Ltmp7:
0x4cf: {  	v25 =	vld [tilespmem:s8+$0xFFFFFEF0];
	(pc) =	sbr.rel @p0 .LBB2_16-.Ltmp7, $4  }
0x4d0: {  	v30 =	vld [tilespmem:s8+$0xFFFFFE90]  }
0x4d1: {  	s10 =	sadd.s32 $0x38, s10;
	v32 =	vld [tilespmem:s8+$0xFFFFFED0]  }
0x4d2: {  	v29 =	vld [tilespmem:s10+$0xFFFFFFF0]  }
0x4d3: {  	s11 =	sadd.s32 $0x40, s11;
	v31 =	vld [tilespmem:s10+$0xFFFFFFE0]  }
0x4d4: {  	v33 =	vld [tilespmem:s8+$0xFFFFFEA0]  }
0x4d5: {  	v34 =	vld [tilespmem:s10+$0x0]  }
0x4d6: {  	v35 =	vld [tilespmem:s8+$0xFFFFFEB0]  }
0x4d7: {  	v36 =	vld [tilespmem:s8+$0xFFFFFE70]  }
0x4d8: {  	v43 =	vld [tilespmem:s8+$0xFFFFFE80]  }
0x4d9: {  	v37 =	vld [tilespmem:s8+$0xFFFFFEC0]  }
0x4da: {  	v42 =	vld [tilespmem:s10+$0x2]  }
0x4db: {  	v47 =	vld [tilespmem:s8+$0xFFFFFEE0];
	v30 =	vadd.f32 v32, v30;
	vm1 =	veq.s32 v29, $0x0;
	vm0 =	veq.s32 v31, $0x0  }
0x4dc: {  	v49 =	vld [tilespmem:s8+$0xFFFFFF00];
	v45 =	vsel vm1, $0x3F800000, v5;
	v44 =	vsel vm0, $0x3F800000, v5  }
0x4dd: {  	v51 =	vld [tilespmem:s8+$0xFFFFFF20];
	v28 =	vadd.f32 v28, v30;
	vm14 =	veq.s32 v34, $0x0;
	v46 =	vadd.f32 v45, v44  }
0x4de: {  	v53 =	vld [tilespmem:s8+$0xFFFFFF40];
	v55 =	vadd.f32 v35, v36;
	v29 =	vadd.f32 v37, v43;
	v48 =	vsel vm14, $0x3F800000, v5  }
0x4df: {  	v56 =	vld [tilespmem:s8+$0xFFFFFF60];
	vm15 =	veq.s32 v42, $0x0;
	v27 =	vadd.f32 v27, v28;
	v50 =	vadd.f32 v48, v46  }
0x4e0: {  	v30 =	vadd.f32 v47, v33;
	v52 =	vnsel vm15, $0x0, v1;
	v25 =	vadd.f32 v25, v55  }
0x4e1: {  	v57 =	vld [tilespmem:s8+$0xFFFFFF80];
	v26 =	vadd.f32 v26, v27;
	v54 =	vadd.f32 v52, v50  }
0x4e2: {  	v60 =	vld [tilespmem:s8+$0xFFFFFFA0];
	v59 =	vadd.f32 v49, v29;
	v28 =	vadd.f32 v51, v30  }
0x4e3: {  	v61 =	vld [tilespmem:s8+$0xFFFFFFC0];
	v23 =	vadd.f32 v23, v25;
	v24 =	vadd.f32 v24, v26;
	v58 =	vperm.xlane v54, v0  }
0x4e4: {  	v62 =	vadd.f32 v53, v59;
	v32 =	vadd.f32 v56, v28  }
0x4e5: {  	v34 =	vld [tilespmem:s8+$0x0];
	v22 =	vadd.f32 v22, v24;
	v24 =	vadd.f32 v54, v58  }
0x4e6: {  	v63 =	vld [tilespmem:s8+$0xFFFFFFE0];
	v21 =	vadd.f32 v21, v23;
	v36 =	vadd.f32 v57, v62  }
0x4e7: {  	v38 =	vld [tilespmem:s8+$0x40];
	v27 =	vadd.f32 v60, v32;
	v35 =	vperm.xlane v24, v2  }
0x4e8: {  	v37 =	vld [tilespmem:s8+$0x20];
	v19 =	vadd.f32 v19, v21;
	v39 =	vadd.f32 v61, v36  }
0x4e9: {  	v42 =	vld [tilespmem:s8+$0x80];
	v20 =	vadd.f32 v20, v22;
	v22 =	vadd.f32 v24, v35  }
0x4ea: {  	v40 =	vld [tilespmem:s8+$0x60];
	v18 =	vadd.f32 v18, v19;
	v44 =	vadd.f32 v34, v39  }
0x4eb: {  	v46 =	vld [tilespmem:s8+$0xC0];
	v41 =	vadd.f32 v63, v27;
	v17 =	vadd.f32 v17, v20;
	v43 =	vperm.xlane v22, v4  }
0x4ec: {  	v45 =	vld [tilespmem:s8+$0xA0];
	v16 =	vadd.f32 v16, v18;
	v47 =	vadd.f32 v38, v44  }
0x4ed: {  	v50 =	vld [tilespmem:s8+$0x100];
	v24 =	vadd.f32 v37, v41;
	v20 =	vadd.f32 v22, v43  }
0x4ee: {  	v48 =	vld [tilespmem:s8+$0xE0];
	v15 =	vadd.f32 v15, v16;
	v52 =	vadd.f32 v42, v47  }
0x4ef: {  	v53 =	vld [tilespmem:s8+$0x120];
	v14 =	vadd.f32 v14, v17;
	v49 =	vadd.f32 v40, v24;
	v51 =	vperm.xlane v20, v6  }
0x4f0: {  	v54 =	vld [tilespmem:s8+$0x140];
	v13 =	vadd.f32 v13, v15;
	v55 =	vadd.f32 v46, v52  }
0x4f1: {  	v56 =	vld [tilespmem:s8+$0x160];
	v21 =	vadd.f32 v45, v49;
	v20 =	vadd.f32 v20, v51  }
0x4f2: {  	v57 =	vld [tilespmem:s8+$0x180];
	v12 =	vadd.f32 v12, v13;
	v58 =	vadd.f32 v50, v55  }
0x4f3: {  	v19 =	vadd.f32 v48, v21;
	v23 =	vsub.f32 $5.000000000e+01, v20  }
0x4f4: {  	v11 =	vadd.f32 v11, v14;
	v10 =	vadd.f32 v10, v12  }
0x4f5: {  	v61 =	vadd.f32 v54, v58;
	v59 =	vadd.f32 v53, v19;
	v60 =	vmax.f32 v23, $9.999999710e-10  }
0x4f6: {  	v9 =	vadd.f32 v9, v11;
	v8 =	vadd.f32 v8, v10;
	(erf) = vrcp.f32 v60  }
0x4f7: {  	v63 =	vadd.f32 v57, v61;
	v62 =	vadd.f32 v56, v59;
	_ =	sdelay $0x1  }
0x4f8: {  	v8 =	vadd.f32 v63, v8;
	v9 =	vadd.f32 v62, v9;
	_ =	sdelay $0x1  }
0x4f9: {  	v8 =	vadd.f32 v8, v9  }
0x4fa: {  	v7 =	vmul.f32 v20, v7;
	_ =	sdelay $0x1  }
0x4fb: {  	v7 =	vsub.f32 v8, v7  }
0x4fc: {  	v8 =	vpop (erf)  }
0x4fd: {  	s7 =	sadd.s32 $0x1, s7;
	v7 =	vmul.f32 v8, v7  }
0x4fe: {  	s11 =	sshra.s32 s9, $0x2;
	p0 =	sne.s32 s7, s26  }
.Ltmp8:
0x4ff: {  	s12 =	simm.s32 $0x1C700;
	[tilespmem:s11+$0x1E300] =	vst v7;
	(pc) =	sbr.rel @p0 .LBB2_1-.Ltmp8, $4  }
0x500: {  	[hbm4b:s25+s2] =	stream.linear.scatter [tilespmem:s12], [sflag:$0x3], $0x2000, $0x38;
	[tilespmem:$0x1E710] =	vst v63  }
0x501: {  	_ =	swait.ge [sflag:s29], $0x2000  }
0x502: {  	[sflag:s29] =	ssyncset.done $0x0  }
0x503: {  	[sflag:s29] =	ssyncadd.s32 $0xFFFFE000  }
0x504: {  	_ =	sfence.sel $0x180000  }
0x505: {  	[bflag:$0x0] =	sbarrier.arrive $0xFFFF  }
0x506: {  	_ =	strace $0x90000047  }
0x507: {  	s0 =	stileid.u32;
	[bflag:$0x2] =	sbarrier.arrive $0xFFFF  }
0x508: {  	p0 =	sne.s32 s0, $0x0;
	s0 =	rddreg [dreg:$0x4]  }
0x509: {  	s0 =	sadd.s32 @!p0 $0x100000, s0  }
0x50a: {  	[sflag:s0] =	ssyncadd.tile.s32 @!p0 $0x1;
	_ =	shalt  }
.Lfunc_end2:
_tile_overlayer_lowered:
.L_overlay_start_2:
0x50b: {  	(tag) =	ssettag $0x2  }
0x50c: {  	s0 =	rddreg [dreg:$0x0];
	s2 =	stileid.u32  }
0x50d: {  	s1 =	rddreg [dreg:$0x1];
	p0 =	sne.s32 s2, $0x0  }
0x50e: {  	s3 =	rddreg [dreg:$0x2];
	[bflag:$0x3] =	sbarrier.arrive $0xFFFF;
	s2 =	simm.s32 @!p0 $0x1C03  }
0x50f: {  	[timem:s3], [sflag:s2] =	dma.local @!p0 [hbm:s0], s1  }
0x510: {  	s0 =	simm.s32 @!p0 $0x3  }
0x511: {  	_ =	swait.ge @!p0 [sflag:s0], s1  }
0x512: {  	s1 =	ssub.s32 @!p0 $0x0, s1;
	[sflag:s0] =	ssyncset.done @!p0 $0x0  }
0x513: {  	[sflag:s0] =	ssyncadd.s32 @!p0 s1  }
0x514: {  	[bflag:$0x3] =	sbarrier.arrive $0xFFFF  }
0x515: {  	_ =	shalt  }

</sc_bundles>
